<compile_context>
chip_gen: v7x
topology: tpu7x:2x2x1
jax: 0.10.2.dev20260603
libtpu: 0.0.44.dev20260713+nightly
codegen_flags: <defaults>
</compile_context>

<pallas_src>
import functools

import jax
import jax.numpy as jnp
from jax import lax
from jax.experimental import pallas as pl
from jax.experimental.pallas import tpu as pltpu
from jax.experimental.pallas import tpu_sc as plsc

N = 10000
E = 320000
D = 128
H = 128
C = 64

NC = 2
NS = 16
NW = NC * NS

CH = 128
EW = 10240
EP = NW * EW
G = EW // CH
GC0 = 152
GC1 = 8
NP = 10112
RPT = NP // NS


def _stripe_copy(src_get, dst_get):
    nfull = RPT // CH
    tail = RPT % CH
    for k in range(nfull):
        off = k * CH
        _src = src_get(off, CH)
        _dst = dst_get(off, CH)
        pltpu.sync_copy(_src, _dst)
    pltpu.sync_copy(src_get(nfull * CH, tail), dst_get(nfull * CH, tail))


def _agg_body(table, sd2, psum, acc, *refs, W, core1_counts):
    srcb = refs[0:4]
    dstb = refs[4:8]
    rows = refs[8]
    semi = refs[9:13]
    semg = refs[13:15]
    c = lax.axis_index("c")
    s = lax.axis_index("s")
    G2 = 2 * G
    cbase = s * G2
    base = s * RPT

    def _zrow(i, carry):
        for j in range(W // 16):
            rows[0, i, pl.ds(j * 16, 16)] = jnp.zeros((16,), jnp.float32)
        return carry

    lax.fori_loop(0, CH, _zrow, 0)

    _stripe_copy(lambda o, n: rows.at[0, pl.ds(0, n)],
                 lambda o, n: acc.at[pl.ds(base + o, n)])

    if core1_counts:
        @pl.when(c == 1)
        def _():
            def _orow(i, carry):
                for j in range(W // 16):
                    rows[0, i, pl.ds(j * 16, 16)] = jnp.ones((16,), jnp.float32)
                return carry

            lax.fori_loop(0, CH, _orow, 0)

    plsc.subcore_barrier()

    def _issue_idx(g, i):
        pltpu.async_copy(sd2.at[cbase + g, 0], srcb[i], semi[i])
        pltpu.async_copy(sd2.at[cbase + g, 1], dstb[i], semi[i])

    def _wait_idx(g, i):
        pltpu.make_async_copy(sd2.at[cbase + g, 0], srcb[i], semi[i]).wait()
        pltpu.make_async_copy(sd2.at[cbase + g, 1], dstb[i], semi[i]).wait()

    def _issue_gather(i, b):
        pltpu.async_copy(table.at[srcb[i]], rows.at[b], semg[b])

    def _wait_gather(i, b):
        pltpu.make_async_copy(table.at[srcb[i]], rows.at[b], semg[b]).wait()

    def _scat(i, b):
        pltpu.sync_copy(rows.at[b], acc.at[dstb[i]], add=True)

    @pl.when(c == 0)
    def _():
        for g in range(4):
            _issue_idx(g, g)
        _wait_idx(0, 0)
        _issue_gather(0, 0)

        def _body(gg, carry):
            for k in range(4):
                cc = gg * 4 + k
                r = k % 2
                r1 = (k + 1) % 2
                i1 = (k + 1) % 4

                @pl.when(cc + 1 < G2)
                def _():
                    _wait_idx(cc + 1, i1)
                    _issue_gather(i1, r1)

                _wait_gather(k, r)
                _scat(k, r)

                @pl.when(cc + 4 < G2)
                def _():
                    _issue_idx(cc + 4, k)
            return carry

        lax.fori_loop(0, G2 // 4, _body, 0)

    if core1_counts:
        @pl.when(c == 1)
        def _():
            for g in range(4):
                _issue_idx(g, g)

            def _cbody(gg, carry):
                for k in range(4):
                    cc = gg * 4 + k
                    _wait_idx(cc, k)
                    pltpu.sync_copy(rows.at[0], acc.at[dstb[k]], add=True)

                    @pl.when(cc + 4 < G2)
                    def _():
                        _issue_idx(cc + 4, k)
                return carry

            lax.fori_loop(0, G2 // 4, _cbody, 0)

    plsc.subcore_barrier()

    if core1_counts:
        _stripe_copy(lambda o, n: acc.at[pl.ds(base + o, n)],
                     lambda o, n: psum.at[c, pl.ds(base + o, n)])
    else:
        @pl.when(c == 0)
        def _():
            _stripe_copy(lambda o, n: acc.at[pl.ds(base + o, n)],
                         lambda o, n: psum.at[0, pl.ds(base + o, n)])


def _sc_mesh():
    return plsc.VectorSubcoreMesh(core_axis_name="c", subcore_axis_name="s",
                                  num_cores=NC, num_subcores=NS)


def _make_agg(W, core1_counts):
    idx = [pltpu.VMEM((CH,), jnp.int32)] * 8
    sems = [pltpu.SemaphoreType.DMA] * 6
    np_out = NC if core1_counts else 1
    return pl.kernel(
        functools.partial(_agg_body, W=W, core1_counts=core1_counts),
        out_type=jax.ShapeDtypeStruct((np_out, NP, W), jnp.float32),
        mesh=_sc_mesh(),
        scratch_types=[pltpu.VMEM_SHARED((NP, W), jnp.float32)] + idx
        + [pltpu.VMEM((2, CH, W), jnp.float32)] + sems,
        name=f"sage_sc_agg{W}" + ("_cnt" if core1_counts else ""),
    )


RB = 400
GRID = N // RB


def _tc_body(x_r, p_r, c_r, ws_r, wn_r, b_r, o_r, *, relu):
    inv = 1.0 / jnp.maximum(c_r[0, :, 0:1], 1.0)
    neigh = p_r[0] * inv
    acc = jnp.dot(x_r[...], ws_r[...], preferred_element_type=jnp.float32)
    acc = acc + jnp.dot(neigh, wn_r[...], preferred_element_type=jnp.float32)
    acc = acc + b_r[...]
    o_r[...] = jnp.maximum(acc, 0.0) if relu else acc


def _node_spec(w):
    return pl.BlockSpec((RB, w), lambda i: (i, 0))


def _part_spec(w, part):
    return pl.BlockSpec((1, RB, w), lambda i, _p=part: (_p, i, 0))


def _full_spec(a, b):
    return pl.BlockSpec((a, b), lambda i: (0, 0))


def _make_tc(din, dout, relu, name):
    return pl.pallas_call(
        functools.partial(_tc_body, relu=relu),
        grid=(GRID,),
        in_specs=[_node_spec(din), _part_spec(din, 0), _part_spec(din, 1),
                  _full_spec(din, dout), _full_spec(din, dout),
                  _full_spec(1, dout)],
        out_specs=_node_spec(dout),
        out_shape=jax.ShapeDtypeStruct((N, dout), jnp.float32),
        name=name,
    )


_tc1 = _make_tc(D, H, True, "sage_tc1")
_tc2 = _make_tc(H, H, True, "sage_tc2")
_tc3 = _make_tc(H, C, False, "sage_tc3")


def kernel(feats, edge_index, Ws1, Wn1, b1, Ws2, Wn2, b2, Ws3, Wn3, b3):
    pad = EP - E
    src = jnp.concatenate([edge_index[0], jnp.zeros((pad,), jnp.int32)])
    dst = jnp.concatenate([edge_index[1], jnp.full((pad,), N, jnp.int32)])
    sd2 = jnp.stack([src.reshape(NW * G, CH), dst.reshape(NW * G, CH)], axis=1)
    b1r = b1.reshape(1, H)
    b2r = b2.reshape(1, H)
    b3r = b3.reshape(1, C)

    agg1 = _make_agg(H, True)
    agg = _make_agg(H, False)

    p1 = agg1(feats, sd2)
    h1 = _tc1(feats, p1, p1, Ws1, Wn1, b1r)
    p2 = agg(h1, sd2)
    h2 = _tc2(h1, p2, p1, Ws2, Wn2, b2r)
    p3 = agg(h2, sd2)
    return _tc3(h2, p3, p1, Ws3, Wn3, b3r)

# --- scband reference (transcript-rebuilt; emitter-appended) ---
"""Pipeline reference for scband-my-graph-sage-506806141469 (READ-ONLY COPY).

The authoritative reference and input builder live on the scoring server;
editing this copy changes nothing except your own understanding.
"""

import jax, jax.numpy as jnp
import numpy as np

N = 10000
E = 320000
D = 128
H = 128
C = 64


def setup_inputs(seed: int = 0) -> dict:
    key = jax.random.key(seed)
    ks = jax.random.split(key, 12)
    feats = jax.random.normal(ks[0], (N, D), dtype=jnp.float32)
    edge_index = jax.random.randint(ks[1], (2, E), 0, N, dtype=jnp.int32)
    s = 1.0 / np.sqrt(D)
    sh = 1.0 / np.sqrt(H)
    Ws1 = jax.random.normal(ks[2], (D, H), dtype=jnp.float32) * s
    Wn1 = jax.random.normal(ks[3], (D, H), dtype=jnp.float32) * s
    b1 = jnp.zeros((H,), dtype=jnp.float32)
    Ws2 = jax.random.normal(ks[4], (H, H), dtype=jnp.float32) * sh
    Wn2 = jax.random.normal(ks[5], (H, H), dtype=jnp.float32) * sh
    b2 = jnp.zeros((H,), dtype=jnp.float32)
    Ws3 = jax.random.normal(ks[6], (H, C), dtype=jnp.float32) * sh
    Wn3 = jax.random.normal(ks[7], (H, C), dtype=jnp.float32) * sh
    b3 = jnp.zeros((C,), dtype=jnp.float32)
    return {"feats": feats, "edge_index": edge_index,
            "Ws1": Ws1, "Wn1": Wn1, "b1": b1,
            "Ws2": Ws2, "Wn2": Wn2, "b2": b2,
            "Ws3": Ws3, "Wn3": Wn3, "b3": b3}


def _sage_layer(x, edge_index, Ws, Wn, b):
    # DGL SAGEConv with 'mean' aggregator: fc_self(h_dst) + fc_neigh(mean_neigh(h_src))
    src = edge_index[0]
    dst = edge_index[1]
    msgs = jnp.take(x, src, axis=0)
    sums = jnp.zeros((x.shape[0], msgs.shape[1]), dtype=x.dtype).at[dst].add(msgs)
    cnt = jnp.zeros((x.shape[0],), dtype=x.dtype).at[dst].add(1.0)
    h_neigh = sums / jnp.clip(cnt, 1.0)[:, None]
    return x @ Ws + h_neigh @ Wn + b


def reference(feats, edge_index, Ws1, Wn1, b1, Ws2, Wn2, b2, Ws3, Wn3, b3):
    # blocks are represented by the same full-graph edge_index at every layer
    h = _sage_layer(feats, edge_index, Ws1, Wn1, b1)
    h = jax.nn.relu(h)  # dropout p=0.0 is identity
    h = _sage_layer(h, edge_index, Ws2, Wn2, b2)
    h = jax.nn.relu(h)
    h = _sage_layer(h, edge_index, Ws3, Wn3, b3)
    return h

if __name__ == "__main__":
    import jax
    _d = setup_inputs()
    print(jax.jit(kernel)(*tuple(_d.values())))

</pallas_src>

<mosaic_0001>
#map = affine_map<(d0, d1) -> (0, 0)>
#map1 = affine_map<(d0, d1) -> (0, 0, 0)>
module attributes {stable_mosaic.version = 14 : i64} {
  func.func @sage_sc_agg128(%arg0: i32, %arg1: i32, %arg2: memref<10000x128xf32, #tpu.memory_space<hbm>>, %arg3: memref<2560x2x128xi32, #tpu.memory_space<hbm>>, %arg4: memref<1x10112x128xf32, #tpu.memory_space<hbm>>, %arg5: memref<10112x128xf32, #tpu.memory_space<vmem_shared>>, %arg6: memref<128xi32, #tpu.memory_space<vmem>>, %arg7: memref<128xi32, #tpu.memory_space<vmem>>, %arg8: memref<128xi32, #tpu.memory_space<vmem>>, %arg9: memref<128xi32, #tpu.memory_space<vmem>>, %arg10: memref<128xi32, #tpu.memory_space<vmem>>, %arg11: memref<128xi32, #tpu.memory_space<vmem>>, %arg12: memref<128xi32, #tpu.memory_space<vmem>>, %arg13: memref<128xi32, #tpu.memory_space<vmem>>, %arg14: memref<2x128x128xf32, #tpu.memory_space<vmem>>, %arg15: memref<!tpu.dma_semaphore, #tpu.memory_space<semaphore_mem>>, %arg16: memref<!tpu.dma_semaphore, #tpu.memory_space<semaphore_mem>>, %arg17: memref<!tpu.dma_semaphore, #tpu.memory_space<semaphore_mem>>, %arg18: memref<!tpu.dma_semaphore, #tpu.memory_space<semaphore_mem>>, %arg19: memref<!tpu.dma_semaphore, #tpu.memory_space<semaphore_mem>>, %arg20: memref<!tpu.dma_semaphore, #tpu.memory_space<semaphore_mem>>) attributes {dimension_semantics = [#tpu.dimension_semantics<core_parallel>, #tpu.dimension_semantics<subcore_parallel>], iteration_bounds = array<i64: 2, 16>, scalar_prefetch = 0 : i64, scratch_operands = 16 : i64, tpu.core_type = #tpu.core_type<sc_vector_subcore>, window_params = [{transform_indices = #map}, {transform_indices = #map1}, {transform_indices = #map1}]} {
    %mul3A = arith.constant 160 : i32
    %mul3A_0 = arith.muli %arg1, %mul3A : i32
    %mul3A_1 = arith.constant 632 : i32
    %mul3A_2 = arith.muli %arg1, %mul3A_1 : i32
    %scan3A = arith.constant 0 : i32
    %scan3A_3 = arith.constant 0 : i32
    %scan3A_4 = arith.constant 128 : i32
    %scan3A_5 = arith.addi %scan3A_3, %scan3A_4 : i32
    %scan3A_6 = arith.constant 1 : i32
    scf.for %scan3A_29 = %scan3A_3 to %scan3A_5 step %scan3A_6  : i32 {
      %broadcast_in_dim3A = arith.constant 0.000000e+00 : f32
      %broadcast_in_dim3A_30 = vector.broadcast %broadcast_in_dim3A : f32 to vector<16xf32>
      %swap3A = arith.constant 0 : i32
      %swap3A_31 = arith.index_cast %swap3A : i32 to index
      %swap3A_32 = arith.index_cast %scan3A_29 : i32 to index
      %swap3A_33 = arith.constant 0 : index
      %swap3A_34 = tpu.vector_load %arg14[%swap3A_31, %swap3A_32, %swap3A_33] {strides = array<i32>} : memref<2x128x128xf32, #tpu.memory_space<vmem>>, vector<1x1x16xf32>,
      %swap3A_35 = vector.shape_cast %swap3A_34 : vector<1x1x16xf32> to vector<16xf32>
      %swap3A_36 = vector.shape_cast %broadcast_in_dim3A_30 : vector<16xf32> to vector<1x1x16xf32>
      tpu.vector_store %arg14[%swap3A_31, %swap3A_32, %swap3A_33], %swap3A_36 {strides = array<i32>} : memref<2x128x128xf32, #tpu.memory_space<vmem>>, vector<1x1x16xf32>,
      %broadcast_in_dim3A_37 = arith.constant 0.000000e+00 : f32
      %broadcast_in_dim3A_38 = vector.broadcast %broadcast_in_dim3A_37 : f32 to vector<16xf32>
      %swap3A_39 = arith.constant 0 : i32
      %swap3A_40 = arith.index_cast %swap3A_39 : i32 to index
      %swap3A_41 = arith.index_cast %scan3A_29 : i32 to index
      %swap3A_42 = arith.constant 16 : index
      %swap3A_43 = tpu.vector_load %arg14[%swap3A_40, %swap3A_41, %swap3A_42] {strides = array<i32>} : memref<2x128x128xf32, #tpu.memory_space<vmem>>, vector<1x1x16xf32>,
      %swap3A_44 = vector.shape_cast %swap3A_43 : vector<1x1x16xf32> to vector<16xf32>
      %swap3A_45 = vector.shape_cast %broadcast_in_dim3A_38 : vector<16xf32> to vector<1x1x16xf32>
      tpu.vector_store %arg14[%swap3A_40, %swap3A_41, %swap3A_42], %swap3A_45 {strides = array<i32>} : memref<2x128x128xf32, #tpu.memory_space<vmem>>, vector<1x1x16xf32>,
      %broadcast_in_dim3A_46 = arith.constant 0.000000e+00 : f32
      %broadcast_in_dim3A_47 = vector.broadcast %broadcast_in_dim3A_46 : f32 to vector<16xf32>
      %swap3A_48 = arith.constant 0 : i32
      %swap3A_49 = arith.index_cast %swap3A_48 : i32 to index
      %swap3A_50 = arith.index_cast %scan3A_29 : i32 to index
      %swap3A_51 = arith.constant 32 : index
      %swap3A_52 = tpu.vector_load %arg14[%swap3A_49, %swap3A_50, %swap3A_51] {strides = array<i32>} : memref<2x128x128xf32, #tpu.memory_space<vmem>>, vector<1x1x16xf32>,
      %swap3A_53 = vector.shape_cast %swap3A_52 : vector<1x1x16xf32> to vector<16xf32>
      %swap3A_54 = vector.shape_cast %broadcast_in_dim3A_47 : vector<16xf32> to vector<1x1x16xf32>
      tpu.vector_store %arg14[%swap3A_49, %swap3A_50, %swap3A_51], %swap3A_54 {strides = array<i32>} : memref<2x128x128xf32, #tpu.memory_space<vmem>>, vector<1x1x16xf32>,
      %broadcast_in_dim3A_55 = arith.constant 0.000000e+00 : f32
      %broadcast_in_dim3A_56 = vector.broadcast %broadcast_in_dim3A_55 : f32 to vector<16xf32>
      %swap3A_57 = arith.constant 0 : i32
      %swap3A_58 = arith.index_cast %swap3A_57 : i32 to index
      %swap3A_59 = arith.index_cast %scan3A_29 : i32 to index
      %swap3A_60 = arith.constant 48 : index
      %swap3A_61 = tpu.vector_load %arg14[%swap3A_58, %swap3A_59, %swap3A_60] {strides = array<i32>} : memref<2x128x128xf32, #tpu.memory_space<vmem>>, vector<1x1x16xf32>,
      %swap3A_62 = vector.shape_cast %swap3A_61 : vector<1x1x16xf32> to vector<16xf32>
      %swap3A_63 = vector.shape_cast %broadcast_in_dim3A_56 : vector<16xf32> to vector<1x1x16xf32>
      tpu.vector_store %arg14[%swap3A_58, %swap3A_59, %swap3A_60], %swap3A_63 {strides = array<i32>} : memref<2x128x128xf32, #tpu.memory_space<vmem>>, vector<1x1x16xf32>,
      %broadcast_in_dim3A_64 = arith.constant 0.000000e+00 : f32
      %broadcast_in_dim3A_65 = vector.broadcast %broadcast_in_dim3A_64 : f32 to vector<16xf32>
      %swap3A_66 = arith.constant 0 : i32
      %swap3A_67 = arith.index_cast %swap3A_66 : i32 to index
      %swap3A_68 = arith.index_cast %scan3A_29 : i32 to index
      %swap3A_69 = arith.constant 64 : index
      %swap3A_70 = tpu.vector_load %arg14[%swap3A_67, %swap3A_68, %swap3A_69] {strides = array<i32>} : memref<2x128x128xf32, #tpu.memory_space<vmem>>, vector<1x1x16xf32>,
      %swap3A_71 = vector.shape_cast %swap3A_70 : vector<1x1x16xf32> to vector<16xf32>
      %swap3A_72 = vector.shape_cast %broadcast_in_dim3A_65 : vector<16xf32> to vector<1x1x16xf32>
      tpu.vector_store %arg14[%swap3A_67, %swap3A_68, %swap3A_69], %swap3A_72 {strides = array<i32>} : memref<2x128x128xf32, #tpu.memory_space<vmem>>, vector<1x1x16xf32>,
      %broadcast_in_dim3A_73 = arith.constant 0.000000e+00 : f32
      %broadcast_in_dim3A_74 = vector.broadcast %broadcast_in_dim3A_73 : f32 to vector<16xf32>
      %swap3A_75 = arith.constant 0 : i32
      %swap3A_76 = arith.index_cast %swap3A_75 : i32 to index
      %swap3A_77 = arith.index_cast %scan3A_29 : i32 to index
      %swap3A_78 = arith.constant 80 : index
      %swap3A_79 = tpu.vector_load %arg14[%swap3A_76, %swap3A_77, %swap3A_78] {strides = array<i32>} : memref<2x128x128xf32, #tpu.memory_space<vmem>>, vector<1x1x16xf32>,
      %swap3A_80 = vector.shape_cast %swap3A_79 : vector<1x1x16xf32> to vector<16xf32>
      %swap3A_81 = vector.shape_cast %broadcast_in_dim3A_74 : vector<16xf32> to vector<1x1x16xf32>
      tpu.vector_store %arg14[%swap3A_76, %swap3A_77, %swap3A_78], %swap3A_81 {strides = array<i32>} : memref<2x128x128xf32, #tpu.memory_space<vmem>>, vector<1x1x16xf32>,
      %broadcast_in_dim3A_82 = arith.constant 0.000000e+00 : f32
      %broadcast_in_dim3A_83 = vector.broadcast %broadcast_in_dim3A_82 : f32 to vector<16xf32>
      %swap3A_84 = arith.constant 0 : i32
      %swap3A_85 = arith.index_cast %swap3A_84 : i32 to index
      %swap3A_86 = arith.index_cast %scan3A_29 : i32 to index
      %swap3A_87 = arith.constant 96 : index
      %swap3A_88 = tpu.vector_load %arg14[%swap3A_85, %swap3A_86, %swap3A_87] {strides = array<i32>} : memref<2x128x128xf32, #tpu.memory_space<vmem>>, vector<1x1x16xf32>,
      %swap3A_89 = vector.shape_cast %swap3A_88 : vector<1x1x16xf32> to vector<16xf32>
      %swap3A_90 = vector.shape_cast %broadcast_in_dim3A_83 : vector<16xf32> to vector<1x1x16xf32>
      tpu.vector_store %arg14[%swap3A_85, %swap3A_86, %swap3A_87], %swap3A_90 {strides = array<i32>} : memref<2x128x128xf32, #tpu.memory_space<vmem>>, vector<1x1x16xf32>,
      %broadcast_in_dim3A_91 = arith.constant 0.000000e+00 : f32
      %broadcast_in_dim3A_92 = vector.broadcast %broadcast_in_dim3A_91 : f32 to vector<16xf32>
      %swap3A_93 = arith.constant 0 : i32
      %swap3A_94 = arith.index_cast %swap3A_93 : i32 to index
      %swap3A_95 = arith.index_cast %scan3A_29 : i32 to index
      %swap3A_96 = arith.constant 112 : index
      %swap3A_97 = tpu.vector_load %arg14[%swap3A_94, %swap3A_95, %swap3A_96] {strides = array<i32>} : memref<2x128x128xf32, #tpu.memory_space<vmem>>, vector<1x1x16xf32>,
      %swap3A_98 = vector.shape_cast %swap3A_97 : vector<1x1x16xf32> to vector<16xf32>
      %swap3A_99 = vector.shape_cast %broadcast_in_dim3A_92 : vector<16xf32> to vector<1x1x16xf32>
      tpu.vector_store %arg14[%swap3A_94, %swap3A_95, %swap3A_96], %swap3A_99 {strides = array<i32>} : memref<2x128x128xf32, #tpu.memory_space<vmem>>, vector<1x1x16xf32>,
    }
    %scan3A_7 = arith.constant 128 : i32
    %add3A = arith.constant 0 : i32
    %add3A_8 = arith.addi %mul3A_2, %add3A : i32
    %run_scoped3A = arith.constant 0 : i32
    "tpu.region"() ({
      %run_scoped3A_29 = tpu.sem_alloc : memref<!tpu.dma_semaphore, #tpu.memory_space<semaphore_mem>>
      %dma_start3A = arith.constant 0 : i32
      %dma_start3A_30 = arith.constant 0 : i32
      %dma_start3A_31 = tpu.memref_slice %arg14[%run_scoped3A, %dma_start3A, %dma_start3A_30] : memref<2x128x128xf32, #tpu.memory_space<vmem>> -> memref<1x128x128xf32, #tpu.memory_space<vmem>>
      %dma_start3A_32 = tpu.memref_squeeze %dma_start3A_31 : memref<1x128x128xf32, #tpu.memory_space<vmem>> -> memref<128x128xf32, #tpu.memory_space<vmem>>
      %dma_start3A_33 = arith.constant 0 : i32
      %dma_start3A_34 = tpu.memref_slice %arg5[%add3A_8, %dma_start3A_33] : memref<10112x128xf32, #tpu.memory_space<vmem_shared>> -> memref<128x128xf32, #tpu.memory_space<vmem_shared>>
      %dma_start3A_35 = arith.constant 0 : i32
      %dma_start3A_36 = tpu.memref_slice %arg5[%add3A_8, %dma_start3A_35] : memref<10112x128xf32, #tpu.memory_space<vmem_shared>> -> memref<128x128xf32, #tpu.memory_space<vmem_shared>>
      %dma_start3A_37 = arith.constant 0 : i32
      %dma_start3A_38 = arith.constant 0 : i32
      %dma_start3A_39 = tpu.memref_slice %arg14[%run_scoped3A, %dma_start3A_37, %dma_start3A_38] : memref<2x128x128xf32, #tpu.memory_space<vmem>> -> memref<1x128x128xf32, #tpu.memory_space<vmem>>
      %dma_start3A_40 = tpu.memref_squeeze %dma_start3A_39 : memref<1x128x128xf32, #tpu.memory_space<vmem>> -> memref<128x128xf32, #tpu.memory_space<vmem>>
      tpu.enqueue_dma source(%dma_start3A_40 : memref<128x128xf32, #tpu.memory_space<vmem>>) target(%dma_start3A_36 : memref<128x128xf32, #tpu.memory_space<vmem_shared>>) target_semaphore(%run_scoped3A_29 : memref<!tpu.dma_semaphore, #tpu.memory_space<semaphore_mem>>)
      %dma_wait3A = arith.constant 0 : i32
      %dma_wait3A_41 = arith.constant 0 : i32
      %dma_wait3A_42 = tpu.memref_slice %arg14[%run_scoped3A, %dma_wait3A, %dma_wait3A_41] : memref<2x128x128xf32, #tpu.memory_space<vmem>> -> memref<1x128x128xf32, #tpu.memory_space<vmem>>
      %dma_wait3A_43 = tpu.memref_squeeze %dma_wait3A_42 : memref<1x128x128xf32, #tpu.memory_space<vmem>> -> memref<128x128xf32, #tpu.memory_space<vmem>>
      %dma_wait3A_44 = arith.constant 0 : i32
      %dma_wait3A_45 = tpu.memref_slice %arg5[%add3A_8, %dma_wait3A_44] : memref<10112x128xf32, #tpu.memory_space<vmem_shared>> -> memref<128x128xf32, #tpu.memory_space<vmem_shared>>
      %dma_wait3A_46 = arith.constant 0 : i32
      %dma_wait3A_47 = tpu.memref_slice %arg5[%add3A_8, %dma_wait3A_46] : memref<10112x128xf32, #tpu.memory_space<vmem_shared>> -> memref<128x128xf32, #tpu.memory_space<vmem_shared>>
      %dma_wait3A_48 = arith.constant 0 : i32
      %dma_wait3A_49 = arith.constant 0 : i32
      %dma_wait3A_50 = tpu.memref_slice %arg14[%run_scoped3A, %dma_wait3A_48, %dma_wait3A_49] : memref<2x128x128xf32, #tpu.memory_space<vmem>> -> memref<1x128x128xf32, #tpu.memory_space<vmem>>
      %dma_wait3A_51 = tpu.memref_squeeze %dma_wait3A_50 : memref<1x128x128xf32, #tpu.memory_space<vmem>> -> memref<128x128xf32, #tpu.memory_space<vmem>>
      tpu.wait_dma2 semaphore(%run_scoped3A_29 : memref<!tpu.dma_semaphore, #tpu.memory_space<semaphore_mem>>) src(%dma_wait3A_51 : memref<128x128xf32, #tpu.memory_space<vmem>>) dst(%dma_wait3A_47 : memref<128x128xf32, #tpu.memory_space<vmem_shared>>)
      tpu.yield
    }) : () -> ()
    %add3A_9 = arith.constant 128 : i32
    %add3A_10 = arith.addi %mul3A_2, %add3A_9 : i32
    %run_scoped3A_11 = arith.constant 0 : i32
    "tpu.region"() ({
      %run_scoped3A_29 = tpu.sem_alloc : memref<!tpu.dma_semaphore, #tpu.memory_space<semaphore_mem>>
      %dma_start3A = arith.constant 0 : i32
      %dma_start3A_30 = arith.constant 0 : i32
      %dma_start3A_31 = tpu.memref_slice %arg14[%run_scoped3A_11, %dma_start3A, %dma_start3A_30] : memref<2x128x128xf32, #tpu.memory_space<vmem>> -> memref<1x128x128xf32, #tpu.memory_space<vmem>>
      %dma_start3A_32 = tpu.memref_squeeze %dma_start3A_31 : memref<1x128x128xf32, #tpu.memory_space<vmem>> -> memref<128x128xf32, #tpu.memory_space<vmem>>
      %dma_start3A_33 = arith.constant 0 : i32
      %dma_start3A_34 = tpu.memref_slice %arg5[%add3A_10, %dma_start3A_33] : memref<10112x128xf32, #tpu.memory_space<vmem_shared>> -> memref<128x128xf32, #tpu.memory_space<vmem_shared>>
      %dma_start3A_35 = arith.constant 0 : i32
      %dma_start3A_36 = tpu.memref_slice %arg5[%add3A_10, %dma_start3A_35] : memref<10112x128xf32, #tpu.memory_space<vmem_shared>> -> memref<128x128xf32, #tpu.memory_space<vmem_shared>>
      %dma_start3A_37 = arith.constant 0 : i32
      %dma_start3A_38 = arith.constant 0 : i32
      %dma_start3A_39 = tpu.memref_slice %arg14[%run_scoped3A_11, %dma_start3A_37, %dma_start3A_38] : memref<2x128x128xf32, #tpu.memory_space<vmem>> -> memref<1x128x128xf32, #tpu.memory_space<vmem>>
      %dma_start3A_40 = tpu.memref_squeeze %dma_start3A_39 : memref<1x128x128xf32, #tpu.memory_space<vmem>> -> memref<128x128xf32, #tpu.memory_space<vmem>>
      tpu.enqueue_dma source(%dma_start3A_40 : memref<128x128xf32, #tpu.memory_space<vmem>>) target(%dma_start3A_36 : memref<128x128xf32, #tpu.memory_space<vmem_shared>>) target_semaphore(%run_scoped3A_29 : memref<!tpu.dma_semaphore, #tpu.memory_space<semaphore_mem>>)
      %dma_wait3A = arith.constant 0 : i32
      %dma_wait3A_41 = arith.constant 0 : i32
      %dma_wait3A_42 = tpu.memref_slice %arg14[%run_scoped3A_11, %dma_wait3A, %dma_wait3A_41] : memref<2x128x128xf32, #tpu.memory_space<vmem>> -> memref<1x128x128xf32, #tpu.memory_space<vmem>>
      %dma_wait3A_43 = tpu.memref_squeeze %dma_wait3A_42 : memref<1x128x128xf32, #tpu.memory_space<vmem>> -> memref<128x128xf32, #tpu.memory_space<vmem>>
      %dma_wait3A_44 = arith.constant 0 : i32
      %dma_wait3A_45 = tpu.memref_slice %arg5[%add3A_10, %dma_wait3A_44] : memref<10112x128xf32, #tpu.memory_space<vmem_shared>> -> memref<128x128xf32, #tpu.memory_space<vmem_shared>>
      %dma_wait3A_46 = arith.constant 0 : i32
      %dma_wait3A_47 = tpu.memref_slice %arg5[%add3A_10, %dma_wait3A_46] : memref<10112x128xf32, #tpu.memory_space<vmem_shared>> -> memref<128x128xf32, #tpu.memory_space<vmem_shared>>
      %dma_wait3A_48 = arith.constant 0 : i32
      %dma_wait3A_49 = arith.constant 0 : i32
      %dma_wait3A_50 = tpu.memref_slice %arg14[%run_scoped3A_11, %dma_wait3A_48, %dma_wait3A_49] : memref<2x128x128xf32, #tpu.memory_space<vmem>> -> memref<1x128x128xf32, #tpu.memory_space<vmem>>
      %dma_wait3A_51 = tpu.memref_squeeze %dma_wait3A_50 : memref<1x128x128xf32, #tpu.memory_space<vmem>> -> memref<128x128xf32, #tpu.memory_space<vmem>>
      tpu.wait_dma2 semaphore(%run_scoped3A_29 : memref<!tpu.dma_semaphore, #tpu.memory_space<semaphore_mem>>) src(%dma_wait3A_51 : memref<128x128xf32, #tpu.memory_space<vmem>>) dst(%dma_wait3A_47 : memref<128x128xf32, #tpu.memory_space<vmem_shared>>)
      tpu.yield
    }) : () -> ()
    %add3A_12 = arith.constant 256 : i32
    %add3A_13 = arith.addi %mul3A_2, %add3A_12 : i32
    %run_scoped3A_14 = arith.constant 0 : i32
    "tpu.region"() ({
      %run_scoped3A_29 = tpu.sem_alloc : memref<!tpu.dma_semaphore, #tpu.memory_space<semaphore_mem>>
      %dma_start3A = arith.constant 0 : i32
      %dma_start3A_30 = arith.constant 0 : i32
      %dma_start3A_31 = tpu.memref_slice %arg14[%run_scoped3A_14, %dma_start3A, %dma_start3A_30] : memref<2x128x128xf32, #tpu.memory_space<vmem>> -> memref<1x128x128xf32, #tpu.memory_space<vmem>>
      %dma_start3A_32 = tpu.memref_squeeze %dma_start3A_31 : memref<1x128x128xf32, #tpu.memory_space<vmem>> -> memref<128x128xf32, #tpu.memory_space<vmem>>
      %dma_start3A_33 = arith.constant 0 : i32
      %dma_start3A_34 = tpu.memref_slice %arg5[%add3A_13, %dma_start3A_33] : memref<10112x128xf32, #tpu.memory_space<vmem_shared>> -> memref<128x128xf32, #tpu.memory_space<vmem_shared>>
      %dma_start3A_35 = arith.constant 0 : i32
      %dma_start3A_36 = tpu.memref_slice %arg5[%add3A_13, %dma_start3A_35] : memref<10112x128xf32, #tpu.memory_space<vmem_shared>> -> memref<128x128xf32, #tpu.memory_space<vmem_shared>>
      %dma_start3A_37 = arith.constant 0 : i32
      %dma_start3A_38 = arith.constant 0 : i32
      %dma_start3A_39 = tpu.memref_slice %arg14[%run_scoped3A_14, %dma_start3A_37, %dma_start3A_38] : memref<2x128x128xf32, #tpu.memory_space<vmem>> -> memref<1x128x128xf32, #tpu.memory_space<vmem>>
      %dma_start3A_40 = tpu.memref_squeeze %dma_start3A_39 : memref<1x128x128xf32, #tpu.memory_space<vmem>> -> memref<128x128xf32, #tpu.memory_space<vmem>>
      tpu.enqueue_dma source(%dma_start3A_40 : memref<128x128xf32, #tpu.memory_space<vmem>>) target(%dma_start3A_36 : memref<128x128xf32, #tpu.memory_space<vmem_shared>>) target_semaphore(%run_scoped3A_29 : memref<!tpu.dma_semaphore, #tpu.memory_space<semaphore_mem>>)
      %dma_wait3A = arith.constant 0 : i32
      %dma_wait3A_41 = arith.constant 0 : i32
      %dma_wait3A_42 = tpu.memref_slice %arg14[%run_scoped3A_14, %dma_wait3A, %dma_wait3A_41] : memref<2x128x128xf32, #tpu.memory_space<vmem>> -> memref<1x128x128xf32, #tpu.memory_space<vmem>>
      %dma_wait3A_43 = tpu.memref_squeeze %dma_wait3A_42 : memref<1x128x128xf32, #tpu.memory_space<vmem>> -> memref<128x128xf32, #tpu.memory_space<vmem>>
      %dma_wait3A_44 = arith.constant 0 : i32
      %dma_wait3A_45 = tpu.memref_slice %arg5[%add3A_13, %dma_wait3A_44] : memref<10112x128xf32, #tpu.memory_space<vmem_shared>> -> memref<128x128xf32, #tpu.memory_space<vmem_shared>>
      %dma_wait3A_46 = arith.constant 0 : i32
      %dma_wait3A_47 = tpu.memref_slice %arg5[%add3A_13, %dma_wait3A_46] : memref<10112x128xf32, #tpu.memory_space<vmem_shared>> -> memref<128x128xf32, #tpu.memory_space<vmem_shared>>
      %dma_wait3A_48 = arith.constant 0 : i32
      %dma_wait3A_49 = arith.constant 0 : i32
      %dma_wait3A_50 = tpu.memref_slice %arg14[%run_scoped3A_14, %dma_wait3A_48, %dma_wait3A_49] : memref<2x128x128xf32, #tpu.memory_space<vmem>> -> memref<1x128x128xf32, #tpu.memory_space<vmem>>
      %dma_wait3A_51 = tpu.memref_squeeze %dma_wait3A_50 : memref<1x128x128xf32, #tpu.memory_space<vmem>> -> memref<128x128xf32, #tpu.memory_space<vmem>>
      tpu.wait_dma2 semaphore(%run_scoped3A_29 : memref<!tpu.dma_semaphore, #tpu.memory_space<semaphore_mem>>) src(%dma_wait3A_51 : memref<128x128xf32, #tpu.memory_space<vmem>>) dst(%dma_wait3A_47 : memref<128x128xf32, #tpu.memory_space<vmem_shared>>)
      tpu.yield
    }) : () -> ()
    %add3A_15 = arith.constant 384 : i32
    %add3A_16 = arith.addi %mul3A_2, %add3A_15 : i32
    %run_scoped3A_17 = arith.constant 0 : i32
    "tpu.region"() ({
      %run_scoped3A_29 = tpu.sem_alloc : memref<!tpu.dma_semaphore, #tpu.memory_space<semaphore_mem>>
      %dma_start3A = arith.constant 0 : i32
      %dma_start3A_30 = arith.constant 0 : i32
      %dma_start3A_31 = tpu.memref_slice %arg14[%run_scoped3A_17, %dma_start3A, %dma_start3A_30] : memref<2x128x128xf32, #tpu.memory_space<vmem>> -> memref<1x128x128xf32, #tpu.memory_space<vmem>>
      %dma_start3A_32 = tpu.memref_squeeze %dma_start3A_31 : memref<1x128x128xf32, #tpu.memory_space<vmem>> -> memref<128x128xf32, #tpu.memory_space<vmem>>
      %dma_start3A_33 = arith.constant 0 : i32
      %dma_start3A_34 = tpu.memref_slice %arg5[%add3A_16, %dma_start3A_33] : memref<10112x128xf32, #tpu.memory_space<vmem_shared>> -> memref<128x128xf32, #tpu.memory_space<vmem_shared>>
      %dma_start3A_35 = arith.constant 0 : i32
      %dma_start3A_36 = tpu.memref_slice %arg5[%add3A_16, %dma_start3A_35] : memref<10112x128xf32, #tpu.memory_space<vmem_shared>> -> memref<128x128xf32, #tpu.memory_space<vmem_shared>>
      %dma_start3A_37 = arith.constant 0 : i32
      %dma_start3A_38 = arith.constant 0 : i32
      %dma_start3A_39 = tpu.memref_slice %arg14[%run_scoped3A_17, %dma_start3A_37, %dma_start3A_38] : memref<2x128x128xf32, #tpu.memory_space<vmem>> -> memref<1x128x128xf32, #tpu.memory_space<vmem>>
      %dma_start3A_40 = tpu.memref_squeeze %dma_start3A_39 : memref<1x128x128xf32, #tpu.memory_space<vmem>> -> memref<128x128xf32, #tpu.memory_space<vmem>>
      tpu.enqueue_dma source(%dma_start3A_40 : memref<128x128xf32, #tpu.memory_space<vmem>>) target(%dma_start3A_36 : memref<128x128xf32, #tpu.memory_space<vmem_shared>>) target_semaphore(%run_scoped3A_29 : memref<!tpu.dma_semaphore, #tpu.memory_space<semaphore_mem>>)
      %dma_wait3A = arith.constant 0 : i32
      %dma_wait3A_41 = arith.constant 0 : i32
      %dma_wait3A_42 = tpu.memref_slice %arg14[%run_scoped3A_17, %dma_wait3A, %dma_wait3A_41] : memref<2x128x128xf32, #tpu.memory_space<vmem>> -> memref<1x128x128xf32, #tpu.memory_space<vmem>>
      %dma_wait3A_43 = tpu.memref_squeeze %dma_wait3A_42 : memref<1x128x128xf32, #tpu.memory_space<vmem>> -> memref<128x128xf32, #tpu.memory_space<vmem>>
      %dma_wait3A_44 = arith.constant 0 : i32
      %dma_wait3A_45 = tpu.memref_slice %arg5[%add3A_16, %dma_wait3A_44] : memref<10112x128xf32, #tpu.memory_space<vmem_shared>> -> memref<128x128xf32, #tpu.memory_space<vmem_shared>>
      %dma_wait3A_46 = arith.constant 0 : i32
      %dma_wait3A_47 = tpu.memref_slice %arg5[%add3A_16, %dma_wait3A_46] : memref<10112x128xf32, #tpu.memory_space<vmem_shared>> -> memref<128x128xf32, #tpu.memory_space<vmem_shared>>
      %dma_wait3A_48 = arith.constant 0 : i32
      %dma_wait3A_49 = arith.constant 0 : i32
      %dma_wait3A_50 = tpu.memref_slice %arg14[%run_scoped3A_17, %dma_wait3A_48, %dma_wait3A_49] : memref<2x128x128xf32, #tpu.memory_space<vmem>> -> memref<1x128x128xf32, #tpu.memory_space<vmem>>
      %dma_wait3A_51 = tpu.memref_squeeze %dma_wait3A_50 : memref<1x128x128xf32, #tpu.memory_space<vmem>> -> memref<128x128xf32, #tpu.memory_space<vmem>>
      tpu.wait_dma2 semaphore(%run_scoped3A_29 : memref<!tpu.dma_semaphore, #tpu.memory_space<semaphore_mem>>) src(%dma_wait3A_51 : memref<128x128xf32, #tpu.memory_space<vmem>>) dst(%dma_wait3A_47 : memref<128x128xf32, #tpu.memory_space<vmem_shared>>)
      tpu.yield
    }) : () -> ()
    %add3A_18 = arith.constant 512 : i32
    %add3A_19 = arith.addi %mul3A_2, %add3A_18 : i32
    %run_scoped3A_20 = arith.constant 0 : i32
    "tpu.region"() ({
      %run_scoped3A_29 = tpu.sem_alloc : memref<!tpu.dma_semaphore, #tpu.memory_space<semaphore_mem>>
      %dma_start3A = arith.constant 0 : i32
      %dma_start3A_30 = arith.constant 0 : i32
      %dma_start3A_31 = tpu.memref_slice %arg14[%run_scoped3A_20, %dma_start3A, %dma_start3A_30] : memref<2x128x128xf32, #tpu.memory_space<vmem>> -> memref<1x120x128xf32, #tpu.memory_space<vmem>>
      %dma_start3A_32 = tpu.memref_squeeze %dma_start3A_31 : memref<1x120x128xf32, #tpu.memory_space<vmem>> -> memref<120x128xf32, #tpu.memory_space<vmem>>
      %dma_start3A_33 = arith.constant 0 : i32
      %dma_start3A_34 = tpu.memref_slice %arg5[%add3A_19, %dma_start3A_33] : memref<10112x128xf32, #tpu.memory_space<vmem_shared>> -> memref<120x128xf32, #tpu.memory_space<vmem_shared>>
      %dma_start3A_35 = arith.constant 0 : i32
      %dma_start3A_36 = tpu.memref_slice %arg5[%add3A_19, %dma_start3A_35] : memref<10112x128xf32, #tpu.memory_space<vmem_shared>> -> memref<120x128xf32, #tpu.memory_space<vmem_shared>>
      %dma_start3A_37 = arith.constant 0 : i32
      %dma_start3A_38 = arith.constant 0 : i32
      %dma_start3A_39 = tpu.memref_slice %arg14[%run_scoped3A_20, %dma_start3A_37, %dma_start3A_38] : memref<2x128x128xf32, #tpu.memory_space<vmem>> -> memref<1x120x128xf32, #tpu.memory_space<vmem>>
      %dma_start3A_40 = tpu.memref_squeeze %dma_start3A_39 : memref<1x120x128xf32, #tpu.memory_space<vmem>> -> memref<120x128xf32, #tpu.memory_space<vmem>>
      tpu.enqueue_dma source(%dma_start3A_40 : memref<120x128xf32, #tpu.memory_space<vmem>>) target(%dma_start3A_36 : memref<120x128xf32, #tpu.memory_space<vmem_shared>>) target_semaphore(%run_scoped3A_29 : memref<!tpu.dma_semaphore, #tpu.memory_space<semaphore_mem>>)
      %dma_wait3A = arith.constant 0 : i32
      %dma_wait3A_41 = arith.constant 0 : i32
      %dma_wait3A_42 = tpu.memref_slice %arg14[%run_scoped3A_20, %dma_wait3A, %dma_wait3A_41] : memref<2x128x128xf32, #tpu.memory_space<vmem>> -> memref<1x120x128xf32, #tpu.memory_space<vmem>>
      %dma_wait3A_43 = tpu.memref_squeeze %dma_wait3A_42 : memref<1x120x128xf32, #tpu.memory_space<vmem>> -> memref<120x128xf32, #tpu.memory_space<vmem>>
      %dma_wait3A_44 = arith.constant 0 : i32
      %dma_wait3A_45 = tpu.memref_slice %arg5[%add3A_19, %dma_wait3A_44] : memref<10112x128xf32, #tpu.memory_space<vmem_shared>> -> memref<120x128xf32, #tpu.memory_space<vmem_shared>>
      %dma_wait3A_46 = arith.constant 0 : i32
      %dma_wait3A_47 = tpu.memref_slice %arg5[%add3A_19, %dma_wait3A_46] : memref<10112x128xf32, #tpu.memory_space<vmem_shared>> -> memref<120x128xf32, #tpu.memory_space<vmem_shared>>
      %dma_wait3A_48 = arith.constant 0 : i32
      %dma_wait3A_49 = arith.constant 0 : i32
      %dma_wait3A_50 = tpu.memref_slice %arg14[%run_scoped3A_20, %dma_wait3A_48, %dma_wait3A_49] : memref<2x128x128xf32, #tpu.memory_space<vmem>> -> memref<1x120x128xf32, #tpu.memory_space<vmem>>
      %dma_wait3A_51 = tpu.memref_squeeze %dma_wait3A_50 : memref<1x120x128xf32, #tpu.memory_space<vmem>> -> memref<120x128xf32, #tpu.memory_space<vmem>>
      tpu.wait_dma2 semaphore(%run_scoped3A_29 : memref<!tpu.dma_semaphore, #tpu.memory_space<semaphore_mem>>) src(%dma_wait3A_51 : memref<120x128xf32, #tpu.memory_space<vmem>>) dst(%dma_wait3A_47 : memref<120x128xf32, #tpu.memory_space<vmem_shared>>)
      tpu.yield
    }) : () -> ()
    %barrier3A = arith.constant 0 : index
    tpu.barrier barrier_id(%barrier3A)
    %eq3A = arith.constant 0 : i32
    %eq3A_21 = arith.cmpi eq, %arg0, %eq3A : i32
    %convert_element_type3A = arith.extui %eq3A_21 : i1 to i32
    %cond3A = arith.constant 0 : i32
    %cond3A_22 = arith.cmpi ne, %convert_element_type3A, %cond3A : i32
    scf.if %cond3A_22 {
      %add3A_29 = arith.constant 0 : i32
      %add3A_30 = arith.addi %mul3A_0, %add3A_29 : i32
      %dma_start3A = arith.constant 0 : i32
      %dma_start3A_31 = arith.constant 0 : i32
      %dma_start3A_32 = tpu.memref_slice %arg3[%add3A_30, %dma_start3A, %dma_start3A_31] : memref<2560x2x128xi32, #tpu.memory_space<hbm>> -> memref<1x1x128xi32, #tpu.memory_space<hbm>>
      %dma_start3A_33 = tpu.memref_squeeze %dma_start3A_32 : memref<1x1x128xi32, #tpu.memory_space<hbm>> -> memref<128xi32, #tpu.memory_space<hbm>>
      %dma_start3A_34 = arith.constant 0 : i32
      %dma_start3A_35 = tpu.memref_slice %arg3[%add3A_30, %dma_start3A, %dma_start3A_34] : memref<2560x2x128xi32, #tpu.memory_space<hbm>> -> memref<1x1x128xi32, #tpu.memory_space<hbm>>
      %dma_start3A_36 = tpu.memref_squeeze %dma_start3A_35 : memref<1x1x128xi32, #tpu.memory_space<hbm>> -> memref<128xi32, #tpu.memory_space<hbm>>
      tpu.enqueue_dma source(%dma_start3A_36 : memref<128xi32, #tpu.memory_space<hbm>>) target(%arg6 : memref<128xi32, #tpu.memory_space<vmem>>) target_semaphore(%arg15 : memref<!tpu.dma_semaphore, #tpu.memory_space<semaphore_mem>>)
      %add3A_37 = arith.constant 0 : i32
      %add3A_38 = arith.addi %mul3A_0, %add3A_37 : i32
      %dma_start3A_39 = arith.constant 1 : i32
      %dma_start3A_40 = arith.constant 0 : i32
      %dma_start3A_41 = tpu.memref_slice %arg3[%add3A_38, %dma_start3A_39, %dma_start3A_40] : memref<2560x2x128xi32, #tpu.memory_space<hbm>> -> memref<1x1x128xi32, #tpu.memory_space<hbm>>
      %dma_start3A_42 = tpu.memref_squeeze %dma_start3A_41 : memref<1x1x128xi32, #tpu.memory_space<hbm>> -> memref<128xi32, #tpu.memory_space<hbm>>
      %dma_start3A_43 = arith.constant 0 : i32
      %dma_start3A_44 = tpu.memref_slice %arg3[%add3A_38, %dma_start3A_39, %dma_start3A_43] : memref<2560x2x128xi32, #tpu.memory_space<hbm>> -> memref<1x1x128xi32, #tpu.memory_space<hbm>>
      %dma_start3A_45 = tpu.memref_squeeze %dma_start3A_44 : memref<1x1x128xi32, #tpu.memory_space<hbm>> -> memref<128xi32, #tpu.memory_space<hbm>>
      tpu.enqueue_dma source(%dma_start3A_45 : memref<128xi32, #tpu.memory_space<hbm>>) target(%arg10 : memref<128xi32, #tpu.memory_space<vmem>>) target_semaphore(%arg15 : memref<!tpu.dma_semaphore, #tpu.memory_space<semaphore_mem>>)
      %add3A_46 = arith.constant 1 : i32
      %add3A_47 = arith.addi %mul3A_0, %add3A_46 : i32
      %dma_start3A_48 = arith.constant 0 : i32
      %dma_start3A_49 = arith.constant 0 : i32
      %dma_start3A_50 = tpu.memref_slice %arg3[%add3A_47, %dma_start3A_48, %dma_start3A_49] : memref<2560x2x128xi32, #tpu.memory_space<hbm>> -> memref<1x1x128xi32, #tpu.memory_space<hbm>>
      %dma_start3A_51 = tpu.memref_squeeze %dma_start3A_50 : memref<1x1x128xi32, #tpu.memory_space<hbm>> -> memref<128xi32, #tpu.memory_space<hbm>>
      %dma_start3A_52 = arith.constant 0 : i32
      %dma_start3A_53 = tpu.memref_slice %arg3[%add3A_47, %dma_start3A_48, %dma_start3A_52] : memref<2560x2x128xi32, #tpu.memory_space<hbm>> -> memref<1x1x128xi32, #tpu.memory_space<hbm>>
      %dma_start3A_54 = tpu.memref_squeeze %dma_start3A_53 : memref<1x1x128xi32, #tpu.memory_space<hbm>> -> memref<128xi32, #tpu.memory_space<hbm>>
      tpu.enqueue_dma source(%dma_start3A_54 : memref<128xi32, #tpu.memory_space<hbm>>) target(%arg7 : memref<128xi32, #tpu.memory_space<vmem>>) target_semaphore(%arg16 : memref<!tpu.dma_semaphore, #tpu.memory_space<semaphore_mem>>)
      %add3A_55 = arith.constant 1 : i32
      %add3A_56 = arith.addi %mul3A_0, %add3A_55 : i32
      %dma_start3A_57 = arith.constant 1 : i32
      %dma_start3A_58 = arith.constant 0 : i32
      %dma_start3A_59 = tpu.memref_slice %arg3[%add3A_56, %dma_start3A_57, %dma_start3A_58] : memref<2560x2x128xi32, #tpu.memory_space<hbm>> -> memref<1x1x128xi32, #tpu.memory_space<hbm>>
      %dma_start3A_60 = tpu.memref_squeeze %dma_start3A_59 : memref<1x1x128xi32, #tpu.memory_space<hbm>> -> memref<128xi32, #tpu.memory_space<hbm>>
      %dma_start3A_61 = arith.constant 0 : i32
      %dma_start3A_62 = tpu.memref_slice %arg3[%add3A_56, %dma_start3A_57, %dma_start3A_61] : memref<2560x2x128xi32, #tpu.memory_space<hbm>> -> memref<1x1x128xi32, #tpu.memory_space<hbm>>
      %dma_start3A_63 = tpu.memref_squeeze %dma_start3A_62 : memref<1x1x128xi32, #tpu.memory_space<hbm>> -> memref<128xi32, #tpu.memory_space<hbm>>
      tpu.enqueue_dma source(%dma_start3A_63 : memref<128xi32, #tpu.memory_space<hbm>>) target(%arg11 : memref<128xi32, #tpu.memory_space<vmem>>) target_semaphore(%arg16 : memref<!tpu.dma_semaphore, #tpu.memory_space<semaphore_mem>>)
      %add3A_64 = arith.constant 2 : i32
      %add3A_65 = arith.addi %mul3A_0, %add3A_64 : i32
      %dma_start3A_66 = arith.constant 0 : i32
      %dma_start3A_67 = arith.constant 0 : i32
      %dma_start3A_68 = tpu.memref_slice %arg3[%add3A_65, %dma_start3A_66, %dma_start3A_67] : memref<2560x2x128xi32, #tpu.memory_space<hbm>> -> memref<1x1x128xi32, #tpu.memory_space<hbm>>
      %dma_start3A_69 = tpu.memref_squeeze %dma_start3A_68 : memref<1x1x128xi32, #tpu.memory_space<hbm>> -> memref<128xi32, #tpu.memory_space<hbm>>
      %dma_start3A_70 = arith.constant 0 : i32
      %dma_start3A_71 = tpu.memref_slice %arg3[%add3A_65, %dma_start3A_66, %dma_start3A_70] : memref<2560x2x128xi32, #tpu.memory_space<hbm>> -> memref<1x1x128xi32, #tpu.memory_space<hbm>>
      %dma_start3A_72 = tpu.memref_squeeze %dma_start3A_71 : memref<1x1x128xi32, #tpu.memory_space<hbm>> -> memref<128xi32, #tpu.memory_space<hbm>>
      tpu.enqueue_dma source(%dma_start3A_72 : memref<128xi32, #tpu.memory_space<hbm>>) target(%arg8 : memref<128xi32, #tpu.memory_space<vmem>>) target_semaphore(%arg17 : memref<!tpu.dma_semaphore, #tpu.memory_space<semaphore_mem>>)
      %add3A_73 = arith.constant 2 : i32
      %add3A_74 = arith.addi %mul3A_0, %add3A_73 : i32
      %dma_start3A_75 = arith.constant 1 : i32
      %dma_start3A_76 = arith.constant 0 : i32
      %dma_start3A_77 = tpu.memref_slice %arg3[%add3A_74, %dma_start3A_75, %dma_start3A_76] : memref<2560x2x128xi32, #tpu.memory_space<hbm>> -> memref<1x1x128xi32, #tpu.memory_space<hbm>>
      %dma_start3A_78 = tpu.memref_squeeze %dma_start3A_77 : memref<1x1x128xi32, #tpu.memory_space<hbm>> -> memref<128xi32, #tpu.memory_space<hbm>>
      %dma_start3A_79 = arith.constant 0 : i32
      %dma_start3A_80 = tpu.memref_slice %arg3[%add3A_74, %dma_start3A_75, %dma_start3A_79] : memref<2560x2x128xi32, #tpu.memory_space<hbm>> -> memref<1x1x128xi32, #tpu.memory_space<hbm>>
      %dma_start3A_81 = tpu.memref_squeeze %dma_start3A_80 : memref<1x1x128xi32, #tpu.memory_space<hbm>> -> memref<128xi32, #tpu.memory_space<hbm>>
      tpu.enqueue_dma source(%dma_start3A_81 : memref<128xi32, #tpu.memory_space<hbm>>) target(%arg12 : memref<128xi32, #tpu.memory_space<vmem>>) target_semaphore(%arg17 : memref<!tpu.dma_semaphore, #tpu.memory_space<semaphore_mem>>)
      %add3A_82 = arith.constant 3 : i32
      %add3A_83 = arith.addi %mul3A_0, %add3A_82 : i32
      %dma_start3A_84 = arith.constant 0 : i32
      %dma_start3A_85 = arith.constant 0 : i32
      %dma_start3A_86 = tpu.memref_slice %arg3[%add3A_83, %dma_start3A_84, %dma_start3A_85] : memref<2560x2x128xi32, #tpu.memory_space<hbm>> -> memref<1x1x128xi32, #tpu.memory_space<hbm>>
      %dma_start3A_87 = tpu.memref_squeeze %dma_start3A_86 : memref<1x1x128xi32, #tpu.memory_space<hbm>> -> memref<128xi32, #tpu.memory_space<hbm>>
      %dma_start3A_88 = arith.constant 0 : i32
      %dma_start3A_89 = tpu.memref_slice %arg3[%add3A_83, %dma_start3A_84, %dma_start3A_88] : memref<2560x2x128xi32, #tpu.memory_space<hbm>> -> memref<1x1x128xi32, #tpu.memory_space<hbm>>
      %dma_start3A_90 = tpu.memref_squeeze %dma_start3A_89 : memref<1x1x128xi32, #tpu.memory_space<hbm>> -> memref<128xi32, #tpu.memory_space<hbm>>
      tpu.enqueue_dma source(%dma_start3A_90 : memref<128xi32, #tpu.memory_space<hbm>>) target(%arg9 : memref<128xi32, #tpu.memory_space<vmem>>) target_semaphore(%arg18 : memref<!tpu.dma_semaphore, #tpu.memory_space<semaphore_mem>>)
      %add3A_91 = arith.constant 3 : i32
      %add3A_92 = arith.addi %mul3A_0, %add3A_91 : i32
      %dma_start3A_93 = arith.constant 1 : i32
      %dma_start3A_94 = arith.constant 0 : i32
      %dma_start3A_95 = tpu.memref_slice %arg3[%add3A_92, %dma_start3A_93, %dma_start3A_94] : memref<2560x2x128xi32, #tpu.memory_space<hbm>> -> memref<1x1x128xi32, #tpu.memory_space<hbm>>
      %dma_start3A_96 = tpu.memref_squeeze %dma_start3A_95 : memref<1x1x128xi32, #tpu.memory_space<hbm>> -> memref<128xi32, #tpu.memory_space<hbm>>
      %dma_start3A_97 = arith.constant 0 : i32
      %dma_start3A_98 = tpu.memref_slice %arg3[%add3A_92, %dma_start3A_93, %dma_start3A_97] : memref<2560x2x128xi32, #tpu.memory_space<hbm>> -> memref<1x1x128xi32, #tpu.memory_space<hbm>>
      %dma_start3A_99 = tpu.memref_squeeze %dma_start3A_98 : memref<1x1x128xi32, #tpu.memory_space<hbm>> -> memref<128xi32, #tpu.memory_space<hbm>>
      tpu.enqueue_dma source(%dma_start3A_99 : memref<128xi32, #tpu.memory_space<hbm>>) target(%arg13 : memref<128xi32, #tpu.memory_space<vmem>>) target_semaphore(%arg18 : memref<!tpu.dma_semaphore, #tpu.memory_space<semaphore_mem>>)
      %add3A_100 = arith.constant 0 : i32
      %add3A_101 = arith.addi %mul3A_0, %add3A_100 : i32
      %dma_wait3A = arith.constant 0 : i32
      %dma_wait3A_102 = arith.constant 0 : i32
      %dma_wait3A_103 = tpu.memref_slice %arg3[%add3A_101, %dma_wait3A, %dma_wait3A_102] : memref<2560x2x128xi32, #tpu.memory_space<hbm>> -> memref<1x1x128xi32, #tpu.memory_space<hbm>>
      %dma_wait3A_104 = tpu.memref_squeeze %dma_wait3A_103 : memref<1x1x128xi32, #tpu.memory_space<hbm>> -> memref<128xi32, #tpu.memory_space<hbm>>
      %dma_wait3A_105 = arith.constant 0 : i32
      %dma_wait3A_106 = tpu.memref_slice %arg3[%add3A_101, %dma_wait3A, %dma_wait3A_105] : memref<2560x2x128xi32, #tpu.memory_space<hbm>> -> memref<1x1x128xi32, #tpu.memory_space<hbm>>
      %dma_wait3A_107 = tpu.memref_squeeze %dma_wait3A_106 : memref<1x1x128xi32, #tpu.memory_space<hbm>> -> memref<128xi32, #tpu.memory_space<hbm>>
      tpu.wait_dma2 semaphore(%arg15 : memref<!tpu.dma_semaphore, #tpu.memory_space<semaphore_mem>>) src(%dma_wait3A_107 : memref<128xi32, #tpu.memory_space<hbm>>) dst(%arg6 : memref<128xi32, #tpu.memory_space<vmem>>)
      %add3A_108 = arith.constant 0 : i32
      %add3A_109 = arith.addi %mul3A_0, %add3A_108 : i32
      %dma_wait3A_110 = arith.constant 1 : i32
      %dma_wait3A_111 = arith.constant 0 : i32
      %dma_wait3A_112 = tpu.memref_slice %arg3[%add3A_109, %dma_wait3A_110, %dma_wait3A_111] : memref<2560x2x128xi32, #tpu.memory_space<hbm>> -> memref<1x1x128xi32, #tpu.memory_space<hbm>>
      %dma_wait3A_113 = tpu.memref_squeeze %dma_wait3A_112 : memref<1x1x128xi32, #tpu.memory_space<hbm>> -> memref<128xi32, #tpu.memory_space<hbm>>
      %dma_wait3A_114 = arith.constant 0 : i32
      %dma_wait3A_115 = tpu.memref_slice %arg3[%add3A_109, %dma_wait3A_110, %dma_wait3A_114] : memref<2560x2x128xi32, #tpu.memory_space<hbm>> -> memref<1x1x128xi32, #tpu.memory_space<hbm>>
      %dma_wait3A_116 = tpu.memref_squeeze %dma_wait3A_115 : memref<1x1x128xi32, #tpu.memory_space<hbm>> -> memref<128xi32, #tpu.memory_space<hbm>>
      tpu.wait_dma2 semaphore(%arg15 : memref<!tpu.dma_semaphore, #tpu.memory_space<semaphore_mem>>) src(%dma_wait3A_116 : memref<128xi32, #tpu.memory_space<hbm>>) dst(%arg10 : memref<128xi32, #tpu.memory_space<vmem>>)
      %dma_start3A_117 = arith.constant 0 : i32
      %dma_start3A_118 = arith.constant 0 : i32
      %dma_start3A_119 = arith.constant 0 : i32
      %dma_start3A_120 = tpu.memref_slice %arg14[%dma_start3A_117, %dma_start3A_118, %dma_start3A_119] : memref<2x128x128xf32, #tpu.memory_space<vmem>> -> memref<1x128x128xf32, #tpu.memory_space<vmem>>
      %dma_start3A_121 = tpu.memref_squeeze %dma_start3A_120 : memref<1x128x128xf32, #tpu.memory_space<vmem>> -> memref<128x128xf32, #tpu.memory_space<vmem>>
      %dma_start3A_122 = arith.constant 0 : i32
      %dma_start3A_123 = arith.constant 0 : i32
      %dma_start3A_124 = tpu.memref_slice %arg2[%dma_start3A_122, %dma_start3A_123] : memref<10000x128xf32, #tpu.memory_space<hbm>> -> memref<10000x128xf32, #tpu.memory_space<hbm>>
      tpu.enqueue_indirect_dma source(%dma_start3A_124 : memref<10000x128xf32, #tpu.memory_space<hbm>>) target(%dma_start3A_121 : memref<128x128xf32, #tpu.memory_space<vmem>>) offsets(%arg6 : memref<128xi32, #tpu.memory_space<vmem>>) semaphore(%arg19 : memref<!tpu.dma_semaphore, #tpu.memory_space<semaphore_mem>>)
      %scan3A_125 = arith.constant 0 : i32
      %scan3A_126 = arith.constant 0 : i32
      %scan3A_127 = arith.constant 40 : i32
      %scan3A_128 = arith.addi %scan3A_126, %scan3A_127 : i32
      %scan3A_129 = arith.constant 1 : i32
      scf.for %scan3A_131 = %scan3A_126 to %scan3A_128 step %scan3A_129  : i32 {
        %mul3A_132 = arith.constant 4 : i32
        %mul3A_133 = arith.muli %scan3A_131, %mul3A_132 : i32
        %add3A_134 = arith.constant 0 : i32
        %add3A_135 = arith.addi %mul3A_133, %add3A_134 : i32
        %add3A_136 = arith.constant 1 : i32
        %add3A_137 = arith.addi %add3A_135, %add3A_136 : i32
        %lt3A = arith.constant 160 : i32
        %lt3A_138 = arith.cmpi slt, %add3A_137, %lt3A : i32
        %convert_element_type3A_139 = arith.extui %lt3A_138 : i1 to i32
        %cond3A_140 = arith.constant 0 : i32
        %cond3A_141 = arith.cmpi ne, %convert_element_type3A_139, %cond3A_140 : i32
        scf.if %cond3A_141 {
          %add3A_239 = arith.constant 1 : i32
          %add3A_240 = arith.addi %add3A_135, %add3A_239 : i32
          %add3A_241 = arith.addi %mul3A_0, %add3A_240 : i32
          %dma_wait3A_242 = arith.constant 0 : i32
          %dma_wait3A_243 = arith.constant 0 : i32
          %dma_wait3A_244 = tpu.memref_slice %arg3[%add3A_241, %dma_wait3A_242, %dma_wait3A_243] : memref<2560x2x128xi32, #tpu.memory_space<hbm>> -> memref<1x1x128xi32, #tpu.memory_space<hbm>>
          %dma_wait3A_245 = tpu.memref_squeeze %dma_wait3A_244 : memref<1x1x128xi32, #tpu.memory_space<hbm>> -> memref<128xi32, #tpu.memory_space<hbm>>
          %dma_wait3A_246 = arith.constant 0 : i32
          %dma_wait3A_247 = tpu.memref_slice %arg3[%add3A_241, %dma_wait3A_242, %dma_wait3A_246] : memref<2560x2x128xi32, #tpu.memory_space<hbm>> -> memref<1x1x128xi32, #tpu.memory_space<hbm>>
          %dma_wait3A_248 = tpu.memref_squeeze %dma_wait3A_247 : memref<1x1x128xi32, #tpu.memory_space<hbm>> -> memref<128xi32, #tpu.memory_space<hbm>>
          tpu.wait_dma2 semaphore(%arg16 : memref<!tpu.dma_semaphore, #tpu.memory_space<semaphore_mem>>) src(%dma_wait3A_248 : memref<128xi32, #tpu.memory_space<hbm>>) dst(%arg7 : memref<128xi32, #tpu.memory_space<vmem>>)
          %add3A_249 = arith.addi %mul3A_0, %add3A_240 : i32
          %dma_wait3A_250 = arith.constant 1 : i32
          %dma_wait3A_251 = arith.constant 0 : i32
          %dma_wait3A_252 = tpu.memref_slice %arg3[%add3A_249, %dma_wait3A_250, %dma_wait3A_251] : memref<2560x2x128xi32, #tpu.memory_space<hbm>> -> memref<1x1x128xi32, #tpu.memory_space<hbm>>
          %dma_wait3A_253 = tpu.memref_squeeze %dma_wait3A_252 : memref<1x1x128xi32, #tpu.memory_space<hbm>> -> memref<128xi32, #tpu.memory_space<hbm>>
          %dma_wait3A_254 = arith.constant 0 : i32
          %dma_wait3A_255 = tpu.memref_slice %arg3[%add3A_249, %dma_wait3A_250, %dma_wait3A_254] : memref<2560x2x128xi32, #tpu.memory_space<hbm>> -> memref<1x1x128xi32, #tpu.memory_space<hbm>>
          %dma_wait3A_256 = tpu.memref_squeeze %dma_wait3A_255 : memref<1x1x128xi32, #tpu.memory_space<hbm>> -> memref<128xi32, #tpu.memory_space<hbm>>
          tpu.wait_dma2 semaphore(%arg16 : memref<!tpu.dma_semaphore, #tpu.memory_space<semaphore_mem>>) src(%dma_wait3A_256 : memref<128xi32, #tpu.memory_space<hbm>>) dst(%arg11 : memref<128xi32, #tpu.memory_space<vmem>>)
          %dma_start3A_257 = arith.constant 1 : i32
          %dma_start3A_258 = arith.constant 0 : i32
          %dma_start3A_259 = arith.constant 0 : i32
          %dma_start3A_260 = tpu.memref_slice %arg14[%dma_start3A_257, %dma_start3A_258, %dma_start3A_259] : memref<2x128x128xf32, #tpu.memory_space<vmem>> -> memref<1x128x128xf32, #tpu.memory_space<vmem>>
          %dma_start3A_261 = tpu.memref_squeeze %dma_start3A_260 : memref<1x128x128xf32, #tpu.memory_space<vmem>> -> memref<128x128xf32, #tpu.memory_space<vmem>>
          %dma_start3A_262 = arith.constant 0 : i32
          %dma_start3A_263 = arith.constant 0 : i32
          %dma_start3A_264 = tpu.memref_slice %arg2[%dma_start3A_262, %dma_start3A_263] : memref<10000x128xf32, #tpu.memory_space<hbm>> -> memref<10000x128xf32, #tpu.memory_space<hbm>>
          tpu.enqueue_indirect_dma source(%dma_start3A_264 : memref<10000x128xf32, #tpu.memory_space<hbm>>) target(%dma_start3A_261 : memref<128x128xf32, #tpu.memory_space<vmem>>) offsets(%arg7 : memref<128xi32, #tpu.memory_space<vmem>>) semaphore(%arg20 : memref<!tpu.dma_semaphore, #tpu.memory_space<semaphore_mem>>)
        } else {
        }
        %dma_wait3A_142 = arith.constant 0 : i32
        %dma_wait3A_143 = arith.constant 0 : i32
        %dma_wait3A_144 = arith.constant 0 : i32
        %dma_wait3A_145 = tpu.memref_slice %arg14[%dma_wait3A_142, %dma_wait3A_143, %dma_wait3A_144] : memref<2x128x128xf32, #tpu.memory_space<vmem>> -> memref<1x128x128xf32, #tpu.memory_space<vmem>>
        %dma_wait3A_146 = tpu.memref_squeeze %dma_wait3A_145 : memref<1x128x128xf32, #tpu.memory_space<vmem>> -> memref<128x128xf32, #tpu.memory_space<vmem>>
        %dma_wait3A_147 = arith.constant 0 : i32
        %dma_wait3A_148 = arith.constant 0 : i32
        %dma_wait3A_149 = tpu.memref_slice %arg2[%dma_wait3A_147, %dma_wait3A_148] : memref<10000x128xf32, #tpu.memory_space<hbm>> -> memref<10000x128xf32, #tpu.memory_space<hbm>>
        tpu.wait_indirect_dma semaphore(%arg19 : memref<!tpu.dma_semaphore, #tpu.memory_space<semaphore_mem>>) src(%dma_wait3A_149 : memref<10000x128xf32, #tpu.memory_space<hbm>>) dst(%dma_wait3A_146 : memref<128x128xf32, #tpu.memory_space<vmem>>)
        %run_scoped3A_150 = arith.constant 0 : i32
        "tpu.region"() ({
          %run_scoped3A_239 = tpu.sem_alloc : memref<!tpu.dma_semaphore, #tpu.memory_space<semaphore_mem>>
          %dma_start3A_240 = arith.constant 0 : i32
          %dma_start3A_241 = arith.constant 0 : i32
          %dma_start3A_242 = tpu.memref_slice %arg14[%run_scoped3A_150, %dma_start3A_240, %dma_start3A_241] : memref<2x128x128xf32, #tpu.memory_space<vmem>> -> memref<1x128x128xf32, #tpu.memory_space<vmem>>
          %dma_start3A_243 = tpu.memref_squeeze %dma_start3A_242 : memref<1x128x128xf32, #tpu.memory_space<vmem>> -> memref<128x128xf32, #tpu.memory_space<vmem>>
          %dma_start3A_244 = arith.constant 0 : i32
          %dma_start3A_245 = arith.constant 0 : i32
          %dma_start3A_246 = tpu.memref_slice %arg5[%dma_start3A_244, %dma_start3A_245] : memref<10112x128xf32, #tpu.memory_space<vmem_shared>> -> memref<10112x128xf32, #tpu.memory_space<vmem_shared>>
          tpu.enqueue_indirect_dma source(%dma_start3A_243 : memref<128x128xf32, #tpu.memory_space<vmem>>) target(%dma_start3A_246 : memref<10112x128xf32, #tpu.memory_space<vmem_shared>>) offsets(%arg10 : memref<128xi32, #tpu.memory_space<vmem>>) semaphore(%run_scoped3A_239 : memref<!tpu.dma_semaphore, #tpu.memory_space<semaphore_mem>>) {add = true}
          %dma_wait3A_247 = arith.constant 0 : i32
          %dma_wait3A_248 = arith.constant 0 : i32
          %dma_wait3A_249 = tpu.memref_slice %arg14[%run_scoped3A_150, %dma_wait3A_247, %dma_wait3A_248] : memref<2x128x128xf32, #tpu.memory_space<vmem>> -> memref<1x128x128xf32, #tpu.memory_space<vmem>>
          %dma_wait3A_250 = tpu.memref_squeeze %dma_wait3A_249 : memref<1x128x128xf32, #tpu.memory_space<vmem>> -> memref<128x128xf32, #tpu.memory_space<vmem>>
          %dma_wait3A_251 = arith.constant 0 : i32
          %dma_wait3A_252 = arith.constant 0 : i32
          %dma_wait3A_253 = tpu.memref_slice %arg5[%dma_wait3A_251, %dma_wait3A_252] : memref<10112x128xf32, #tpu.memory_space<vmem_shared>> -> memref<10112x128xf32, #tpu.memory_space<vmem_shared>>
          tpu.wait_indirect_dma semaphore(%run_scoped3A_239 : memref<!tpu.dma_semaphore, #tpu.memory_space<semaphore_mem>>) src(%dma_wait3A_250 : memref<128x128xf32, #tpu.memory_space<vmem>>) dst(%dma_wait3A_253 : memref<10112x128xf32, #tpu.memory_space<vmem_shared>>)
          tpu.yield
        }) : () -> ()
        %add3A_151 = arith.constant 4 : i32
        %add3A_152 = arith.addi %add3A_135, %add3A_151 : i32
        %lt3A_153 = arith.constant 160 : i32
        %lt3A_154 = arith.cmpi slt, %add3A_152, %lt3A_153 : i32
        %convert_element_type3A_155 = arith.extui %lt3A_154 : i1 to i32
        %cond3A_156 = arith.constant 0 : i32
        %cond3A_157 = arith.cmpi ne, %convert_element_type3A_155, %cond3A_156 : i32
        scf.if %cond3A_157 {
          %add3A_239 = arith.constant 4 : i32
          %add3A_240 = arith.addi %add3A_135, %add3A_239 : i32
          %add3A_241 = arith.addi %mul3A_0, %add3A_240 : i32
          %dma_start3A_242 = arith.constant 0 : i32
          %dma_start3A_243 = arith.constant 0 : i32
          %dma_start3A_244 = tpu.memref_slice %arg3[%add3A_241, %dma_start3A_242, %dma_start3A_243] : memref<2560x2x128xi32, #tpu.memory_space<hbm>> -> memref<1x1x128xi32, #tpu.memory_space<hbm>>
          %dma_start3A_245 = tpu.memref_squeeze %dma_start3A_244 : memref<1x1x128xi32, #tpu.memory_space<hbm>> -> memref<128xi32, #tpu.memory_space<hbm>>
          %dma_start3A_246 = arith.constant 0 : i32
          %dma_start3A_247 = tpu.memref_slice %arg3[%add3A_241, %dma_start3A_242, %dma_start3A_246] : memref<2560x2x128xi32, #tpu.memory_space<hbm>> -> memref<1x1x128xi32, #tpu.memory_space<hbm>>
          %dma_start3A_248 = tpu.memref_squeeze %dma_start3A_247 : memref<1x1x128xi32, #tpu.memory_space<hbm>> -> memref<128xi32, #tpu.memory_space<hbm>>
          tpu.enqueue_dma source(%dma_start3A_248 : memref<128xi32, #tpu.memory_space<hbm>>) target(%arg6 : memref<128xi32, #tpu.memory_space<vmem>>) target_semaphore(%arg15 : memref<!tpu.dma_semaphore, #tpu.memory_space<semaphore_mem>>)
          %add3A_249 = arith.addi %mul3A_0, %add3A_240 : i32
          %dma_start3A_250 = arith.constant 1 : i32
          %dma_start3A_251 = arith.constant 0 : i32
          %dma_start3A_252 = tpu.memref_slice %arg3[%add3A_249, %dma_start3A_250, %dma_start3A_251] : memref<2560x2x128xi32, #tpu.memory_space<hbm>> -> memref<1x1x128xi32, #tpu.memory_space<hbm>>
          %dma_start3A_253 = tpu.memref_squeeze %dma_start3A_252 : memref<1x1x128xi32, #tpu.memory_space<hbm>> -> memref<128xi32, #tpu.memory_space<hbm>>
          %dma_start3A_254 = arith.constant 0 : i32
          %dma_start3A_255 = tpu.memref_slice %arg3[%add3A_249, %dma_start3A_250, %dma_start3A_254] : memref<2560x2x128xi32, #tpu.memory_space<hbm>> -> memref<1x1x128xi32, #tpu.memory_space<hbm>>
          %dma_start3A_256 = tpu.memref_squeeze %dma_start3A_255 : memref<1x1x128xi32, #tpu.memory_space<hbm>> -> memref<128xi32, #tpu.memory_space<hbm>>
          tpu.enqueue_dma source(%dma_start3A_256 : memref<128xi32, #tpu.memory_space<hbm>>) target(%arg10 : memref<128xi32, #tpu.memory_space<vmem>>) target_semaphore(%arg15 : memref<!tpu.dma_semaphore, #tpu.memory_space<semaphore_mem>>)
        } else {
        }
        %mul3A_158 = arith.constant 4 : i32
        %mul3A_159 = arith.muli %scan3A_131, %mul3A_158 : i32
        %add3A_160 = arith.constant 1 : i32
        %add3A_161 = arith.addi %mul3A_159, %add3A_160 : i32
        %add3A_162 = arith.constant 1 : i32
        %add3A_163 = arith.addi %add3A_161, %add3A_162 : i32
        %lt3A_164 = arith.constant 160 : i32
        %lt3A_165 = arith.cmpi slt, %add3A_163, %lt3A_164 : i32
        %convert_element_type3A_166 = arith.extui %lt3A_165 : i1 to i32
        %cond3A_167 = arith.constant 0 : i32
        %cond3A_168 = arith.cmpi ne, %convert_element_type3A_166, %cond3A_167 : i32
        scf.if %cond3A_168 {
          %add3A_239 = arith.constant 1 : i32
          %add3A_240 = arith.addi %add3A_161, %add3A_239 : i32
          %add3A_241 = arith.addi %mul3A_0, %add3A_240 : i32
          %dma_wait3A_242 = arith.constant 0 : i32
          %dma_wait3A_243 = arith.constant 0 : i32
          %dma_wait3A_244 = tpu.memref_slice %arg3[%add3A_241, %dma_wait3A_242, %dma_wait3A_243] : memref<2560x2x128xi32, #tpu.memory_space<hbm>> -> memref<1x1x128xi32, #tpu.memory_space<hbm>>
          %dma_wait3A_245 = tpu.memref_squeeze %dma_wait3A_244 : memref<1x1x128xi32, #tpu.memory_space<hbm>> -> memref<128xi32, #tpu.memory_space<hbm>>
          %dma_wait3A_246 = arith.constant 0 : i32
          %dma_wait3A_247 = tpu.memref_slice %arg3[%add3A_241, %dma_wait3A_242, %dma_wait3A_246] : memref<2560x2x128xi32, #tpu.memory_space<hbm>> -> memref<1x1x128xi32, #tpu.memory_space<hbm>>
          %dma_wait3A_248 = tpu.memref_squeeze %dma_wait3A_247 : memref<1x1x128xi32, #tpu.memory_space<hbm>> -> memref<128xi32, #tpu.memory_space<hbm>>
          tpu.wait_dma2 semaphore(%arg17 : memref<!tpu.dma_semaphore, #tpu.memory_space<semaphore_mem>>) src(%dma_wait3A_248 : memref<128xi32, #tpu.memory_space<hbm>>) dst(%arg8 : memref<128xi32, #tpu.memory_space<vmem>>)
          %add3A_249 = arith.addi %mul3A_0, %add3A_240 : i32
          %dma_wait3A_250 = arith.constant 1 : i32
          %dma_wait3A_251 = arith.constant 0 : i32
          %dma_wait3A_252 = tpu.memref_slice %arg3[%add3A_249, %dma_wait3A_250, %dma_wait3A_251] : memref<2560x2x128xi32, #tpu.memory_space<hbm>> -> memref<1x1x128xi32, #tpu.memory_space<hbm>>
          %dma_wait3A_253 = tpu.memref_squeeze %dma_wait3A_252 : memref<1x1x128xi32, #tpu.memory_space<hbm>> -> memref<128xi32, #tpu.memory_space<hbm>>
          %dma_wait3A_254 = arith.constant 0 : i32
          %dma_wait3A_255 = tpu.memref_slice %arg3[%add3A_249, %dma_wait3A_250, %dma_wait3A_254] : memref<2560x2x128xi32, #tpu.memory_space<hbm>> -> memref<1x1x128xi32, #tpu.memory_space<hbm>>
          %dma_wait3A_256 = tpu.memref_squeeze %dma_wait3A_255 : memref<1x1x128xi32, #tpu.memory_space<hbm>> -> memref<128xi32, #tpu.memory_space<hbm>>
          tpu.wait_dma2 semaphore(%arg17 : memref<!tpu.dma_semaphore, #tpu.memory_space<semaphore_mem>>) src(%dma_wait3A_256 : memref<128xi32, #tpu.memory_space<hbm>>) dst(%arg12 : memref<128xi32, #tpu.memory_space<vmem>>)
          %dma_start3A_257 = arith.constant 0 : i32
          %dma_start3A_258 = arith.constant 0 : i32
          %dma_start3A_259 = arith.constant 0 : i32
          %dma_start3A_260 = tpu.memref_slice %arg14[%dma_start3A_257, %dma_start3A_258, %dma_start3A_259] : memref<2x128x128xf32, #tpu.memory_space<vmem>> -> memref<1x128x128xf32, #tpu.memory_space<vmem>>
          %dma_start3A_261 = tpu.memref_squeeze %dma_start3A_260 : memref<1x128x128xf32, #tpu.memory_space<vmem>> -> memref<128x128xf32, #tpu.memory_space<vmem>>
          %dma_start3A_262 = arith.constant 0 : i32
          %dma_start3A_263 = arith.constant 0 : i32
          %dma_start3A_264 = tpu.memref_slice %arg2[%dma_start3A_262, %dma_start3A_263] : memref<10000x128xf32, #tpu.memory_space<hbm>> -> memref<10000x128xf32, #tpu.memory_space<hbm>>
          tpu.enqueue_indirect_dma source(%dma_start3A_264 : memref<10000x128xf32, #tpu.memory_space<hbm>>) target(%dma_start3A_261 : memref<128x128xf32, #tpu.memory_space<vmem>>) offsets(%arg8 : memref<128xi32, #tpu.memory_space<vmem>>) semaphore(%arg19 : memref<!tpu.dma_semaphore, #tpu.memory_space<semaphore_mem>>)
        } else {
        }
        %dma_wait3A_169 = arith.constant 1 : i32
        %dma_wait3A_170 = arith.constant 0 : i32
        %dma_wait3A_171 = arith.constant 0 : i32
        %dma_wait3A_172 = tpu.memref_slice %arg14[%dma_wait3A_169, %dma_wait3A_170, %dma_wait3A_171] : memref<2x128x128xf32, #tpu.memory_space<vmem>> -> memref<1x128x128xf32, #tpu.memory_space<vmem>>
        %dma_wait3A_173 = tpu.memref_squeeze %dma_wait3A_172 : memref<1x128x128xf32, #tpu.memory_space<vmem>> -> memref<128x128xf32, #tpu.memory_space<vmem>>
        %dma_wait3A_174 = arith.constant 0 : i32
        %dma_wait3A_175 = arith.constant 0 : i32
        %dma_wait3A_176 = tpu.memref_slice %arg2[%dma_wait3A_174, %dma_wait3A_175] : memref<10000x128xf32, #tpu.memory_space<hbm>> -> memref<10000x128xf32, #tpu.memory_space<hbm>>
        tpu.wait_indirect_dma semaphore(%arg20 : memref<!tpu.dma_semaphore, #tpu.memory_space<semaphore_mem>>) src(%dma_wait3A_176 : memref<10000x128xf32, #tpu.memory_space<hbm>>) dst(%dma_wait3A_173 : memref<128x128xf32, #tpu.memory_space<vmem>>)
        %run_scoped3A_177 = arith.constant 1 : i32
        "tpu.region"() ({
          %run_scoped3A_239 = tpu.sem_alloc : memref<!tpu.dma_semaphore, #tpu.memory_space<semaphore_mem>>
          %dma_start3A_240 = arith.constant 0 : i32
          %dma_start3A_241 = arith.constant 0 : i32
          %dma_start3A_242 = tpu.memref_slice %arg14[%run_scoped3A_177, %dma_start3A_240, %dma_start3A_241] : memref<2x128x128xf32, #tpu.memory_space<vmem>> -> memref<1x128x128xf32, #tpu.memory_space<vmem>>
          %dma_start3A_243 = tpu.memref_squeeze %dma_start3A_242 : memref<1x128x128xf32, #tpu.memory_space<vmem>> -> memref<128x128xf32, #tpu.memory_space<vmem>>
          %dma_start3A_244 = arith.constant 0 : i32
          %dma_start3A_245 = arith.constant 0 : i32
          %dma_start3A_246 = tpu.memref_slice %arg5[%dma_start3A_244, %dma_start3A_245] : memref<10112x128xf32, #tpu.memory_space<vmem_shared>> -> memref<10112x128xf32, #tpu.memory_space<vmem_shared>>
          tpu.enqueue_indirect_dma source(%dma_start3A_243 : memref<128x128xf32, #tpu.memory_space<vmem>>) target(%dma_start3A_246 : memref<10112x128xf32, #tpu.memory_space<vmem_shared>>) offsets(%arg11 : memref<128xi32, #tpu.memory_space<vmem>>) semaphore(%run_scoped3A_239 : memref<!tpu.dma_semaphore, #tpu.memory_space<semaphore_mem>>) {add = true}
          %dma_wait3A_247 = arith.constant 0 : i32
          %dma_wait3A_248 = arith.constant 0 : i32
          %dma_wait3A_249 = tpu.memref_slice %arg14[%run_scoped3A_177, %dma_wait3A_247, %dma_wait3A_248] : memref<2x128x128xf32, #tpu.memory_space<vmem>> -> memref<1x128x128xf32, #tpu.memory_space<vmem>>
          %dma_wait3A_250 = tpu.memref_squeeze %dma_wait3A_249 : memref<1x128x128xf32, #tpu.memory_space<vmem>> -> memref<128x128xf32, #tpu.memory_space<vmem>>
          %dma_wait3A_251 = arith.constant 0 : i32
          %dma_wait3A_252 = arith.constant 0 : i32
          %dma_wait3A_253 = tpu.memref_slice %arg5[%dma_wait3A_251, %dma_wait3A_252] : memref<10112x128xf32, #tpu.memory_space<vmem_shared>> -> memref<10112x128xf32, #tpu.memory_space<vmem_shared>>
          tpu.wait_indirect_dma semaphore(%run_scoped3A_239 : memref<!tpu.dma_semaphore, #tpu.memory_space<semaphore_mem>>) src(%dma_wait3A_250 : memref<128x128xf32, #tpu.memory_space<vmem>>) dst(%dma_wait3A_253 : memref<10112x128xf32, #tpu.memory_space<vmem_shared>>)
          tpu.yield
        }) : () -> ()
        %add3A_178 = arith.constant 4 : i32
        %add3A_179 = arith.addi %add3A_161, %add3A_178 : i32
        %lt3A_180 = arith.constant 160 : i32
        %lt3A_181 = arith.cmpi slt, %add3A_179, %lt3A_180 : i32
        %convert_element_type3A_182 = arith.extui %lt3A_181 : i1 to i32
        %cond3A_183 = arith.constant 0 : i32
        %cond3A_184 = arith.cmpi ne, %convert_element_type3A_182, %cond3A_183 : i32
        scf.if %cond3A_184 {
          %add3A_239 = arith.constant 4 : i32
          %add3A_240 = arith.addi %add3A_161, %add3A_239 : i32
          %add3A_241 = arith.addi %mul3A_0, %add3A_240 : i32
          %dma_start3A_242 = arith.constant 0 : i32
          %dma_start3A_243 = arith.constant 0 : i32
          %dma_start3A_244 = tpu.memref_slice %arg3[%add3A_241, %dma_start3A_242, %dma_start3A_243] : memref<2560x2x128xi32, #tpu.memory_space<hbm>> -> memref<1x1x128xi32, #tpu.memory_space<hbm>>
          %dma_start3A_245 = tpu.memref_squeeze %dma_start3A_244 : memref<1x1x128xi32, #tpu.memory_space<hbm>> -> memref<128xi32, #tpu.memory_space<hbm>>
          %dma_start3A_246 = arith.constant 0 : i32
          %dma_start3A_247 = tpu.memref_slice %arg3[%add3A_241, %dma_start3A_242, %dma_start3A_246] : memref<2560x2x128xi32, #tpu.memory_space<hbm>> -> memref<1x1x128xi32, #tpu.memory_space<hbm>>
          %dma_start3A_248 = tpu.memref_squeeze %dma_start3A_247 : memref<1x1x128xi32, #tpu.memory_space<hbm>> -> memref<128xi32, #tpu.memory_space<hbm>>
          tpu.enqueue_dma source(%dma_start3A_248 : memref<128xi32, #tpu.memory_space<hbm>>) target(%arg7 : memref<128xi32, #tpu.memory_space<vmem>>) target_semaphore(%arg16 : memref<!tpu.dma_semaphore, #tpu.memory_space<semaphore_mem>>)
          %add3A_249 = arith.addi %mul3A_0, %add3A_240 : i32
          %dma_start3A_250 = arith.constant 1 : i32
          %dma_start3A_251 = arith.constant 0 : i32
          %dma_start3A_252 = tpu.memref_slice %arg3[%add3A_249, %dma_start3A_250, %dma_start3A_251] : memref<2560x2x128xi32, #tpu.memory_space<hbm>> -> memref<1x1x128xi32, #tpu.memory_space<hbm>>
          %dma_start3A_253 = tpu.memref_squeeze %dma_start3A_252 : memref<1x1x128xi32, #tpu.memory_space<hbm>> -> memref<128xi32, #tpu.memory_space<hbm>>
          %dma_start3A_254 = arith.constant 0 : i32
          %dma_start3A_255 = tpu.memref_slice %arg3[%add3A_249, %dma_start3A_250, %dma_start3A_254] : memref<2560x2x128xi32, #tpu.memory_space<hbm>> -> memref<1x1x128xi32, #tpu.memory_space<hbm>>
          %dma_start3A_256 = tpu.memref_squeeze %dma_start3A_255 : memref<1x1x128xi32, #tpu.memory_space<hbm>> -> memref<128xi32, #tpu.memory_space<hbm>>
          tpu.enqueue_dma source(%dma_start3A_256 : memref<128xi32, #tpu.memory_space<hbm>>) target(%arg11 : memref<128xi32, #tpu.memory_space<vmem>>) target_semaphore(%arg16 : memref<!tpu.dma_semaphore, #tpu.memory_space<semaphore_mem>>)
        } else {
        }
        %mul3A_185 = arith.constant 4 : i32
        %mul3A_186 = arith.muli %scan3A_131, %mul3A_185 : i32
        %add3A_187 = arith.constant 2 : i32
        %add3A_188 = arith.addi %mul3A_186, %add3A_187 : i32
        %add3A_189 = arith.constant 1 : i32
        %add3A_190 = arith.addi %add3A_188, %add3A_189 : i32
        %lt3A_191 = arith.constant 160 : i32
        %lt3A_192 = arith.cmpi slt, %add3A_190, %lt3A_191 : i32
        %convert_element_type3A_193 = arith.extui %lt3A_192 : i1 to i32
        %cond3A_194 = arith.constant 0 : i32
        %cond3A_195 = arith.cmpi ne, %convert_element_type3A_193, %cond3A_194 : i32
        scf.if %cond3A_195 {
          %add3A_239 = arith.constant 1 : i32
          %add3A_240 = arith.addi %add3A_188, %add3A_239 : i32
          %add3A_241 = arith.addi %mul3A_0, %add3A_240 : i32
          %dma_wait3A_242 = arith.constant 0 : i32
          %dma_wait3A_243 = arith.constant 0 : i32
          %dma_wait3A_244 = tpu.memref_slice %arg3[%add3A_241, %dma_wait3A_242, %dma_wait3A_243] : memref<2560x2x128xi32, #tpu.memory_space<hbm>> -> memref<1x1x128xi32, #tpu.memory_space<hbm>>
          %dma_wait3A_245 = tpu.memref_squeeze %dma_wait3A_244 : memref<1x1x128xi32, #tpu.memory_space<hbm>> -> memref<128xi32, #tpu.memory_space<hbm>>
          %dma_wait3A_246 = arith.constant 0 : i32
          %dma_wait3A_247 = tpu.memref_slice %arg3[%add3A_241, %dma_wait3A_242, %dma_wait3A_246] : memref<2560x2x128xi32, #tpu.memory_space<hbm>> -> memref<1x1x128xi32, #tpu.memory_space<hbm>>
          %dma_wait3A_248 = tpu.memref_squeeze %dma_wait3A_247 : memref<1x1x128xi32, #tpu.memory_space<hbm>> -> memref<128xi32, #tpu.memory_space<hbm>>
          tpu.wait_dma2 semaphore(%arg18 : memref<!tpu.dma_semaphore, #tpu.memory_space<semaphore_mem>>) src(%dma_wait3A_248 : memref<128xi32, #tpu.memory_space<hbm>>) dst(%arg9 : memref<128xi32, #tpu.memory_space<vmem>>)
          %add3A_249 = arith.addi %mul3A_0, %add3A_240 : i32
          %dma_wait3A_250 = arith.constant 1 : i32
          %dma_wait3A_251 = arith.constant 0 : i32
          %dma_wait3A_252 = tpu.memref_slice %arg3[%add3A_249, %dma_wait3A_250, %dma_wait3A_251] : memref<2560x2x128xi32, #tpu.memory_space<hbm>> -> memref<1x1x128xi32, #tpu.memory_space<hbm>>
          %dma_wait3A_253 = tpu.memref_squeeze %dma_wait3A_252 : memref<1x1x128xi32, #tpu.memory_space<hbm>> -> memref<128xi32, #tpu.memory_space<hbm>>
          %dma_wait3A_254 = arith.constant 0 : i32
          %dma_wait3A_255 = tpu.memref_slice %arg3[%add3A_249, %dma_wait3A_250, %dma_wait3A_254] : memref<2560x2x128xi32, #tpu.memory_space<hbm>> -> memref<1x1x128xi32, #tpu.memory_space<hbm>>
          %dma_wait3A_256 = tpu.memref_squeeze %dma_wait3A_255 : memref<1x1x128xi32, #tpu.memory_space<hbm>> -> memref<128xi32, #tpu.memory_space<hbm>>
          tpu.wait_dma2 semaphore(%arg18 : memref<!tpu.dma_semaphore, #tpu.memory_space<semaphore_mem>>) src(%dma_wait3A_256 : memref<128xi32, #tpu.memory_space<hbm>>) dst(%arg13 : memref<128xi32, #tpu.memory_space<vmem>>)
          %dma_start3A_257 = arith.constant 1 : i32
          %dma_start3A_258 = arith.constant 0 : i32
          %dma_start3A_259 = arith.constant 0 : i32
          %dma_start3A_260 = tpu.memref_slice %arg14[%dma_start3A_257, %dma_start3A_258, %dma_start3A_259] : memref<2x128x128xf32, #tpu.memory_space<vmem>> -> memref<1x128x128xf32, #tpu.memory_space<vmem>>
          %dma_start3A_261 = tpu.memref_squeeze %dma_start3A_260 : memref<1x128x128xf32, #tpu.memory_space<vmem>> -> memref<128x128xf32, #tpu.memory_space<vmem>>
          %dma_start3A_262 = arith.constant 0 : i32
          %dma_start3A_263 = arith.constant 0 : i32
          %dma_start3A_264 = tpu.memref_slice %arg2[%dma_start3A_262, %dma_start3A_263] : memref<10000x128xf32, #tpu.memory_space<hbm>> -> memref<10000x128xf32, #tpu.memory_space<hbm>>
          tpu.enqueue_indirect_dma source(%dma_start3A_264 : memref<10000x128xf32, #tpu.memory_space<hbm>>) target(%dma_start3A_261 : memref<128x128xf32, #tpu.memory_space<vmem>>) offsets(%arg9 : memref<128xi32, #tpu.memory_space<vmem>>) semaphore(%arg20 : memref<!tpu.dma_semaphore, #tpu.memory_space<semaphore_mem>>)
        } else {
        }
        %dma_wait3A_196 = arith.constant 0 : i32
        %dma_wait3A_197 = arith.constant 0 : i32
        %dma_wait3A_198 = arith.constant 0 : i32
        %dma_wait3A_199 = tpu.memref_slice %arg14[%dma_wait3A_196, %dma_wait3A_197, %dma_wait3A_198] : memref<2x128x128xf32, #tpu.memory_space<vmem>> -> memref<1x128x128xf32, #tpu.memory_space<vmem>>
        %dma_wait3A_200 = tpu.memref_squeeze %dma_wait3A_199 : memref<1x128x128xf32, #tpu.memory_space<vmem>> -> memref<128x128xf32, #tpu.memory_space<vmem>>
        %dma_wait3A_201 = arith.constant 0 : i32
        %dma_wait3A_202 = arith.constant 0 : i32
        %dma_wait3A_203 = tpu.memref_slice %arg2[%dma_wait3A_201, %dma_wait3A_202] : memref<10000x128xf32, #tpu.memory_space<hbm>> -> memref<10000x128xf32, #tpu.memory_space<hbm>>
        tpu.wait_indirect_dma semaphore(%arg19 : memref<!tpu.dma_semaphore, #tpu.memory_space<semaphore_mem>>) src(%dma_wait3A_203 : memref<10000x128xf32, #tpu.memory_space<hbm>>) dst(%dma_wait3A_200 : memref<128x128xf32, #tpu.memory_space<vmem>>)
        %run_scoped3A_204 = arith.constant 0 : i32
        "tpu.region"() ({
          %run_scoped3A_239 = tpu.sem_alloc : memref<!tpu.dma_semaphore, #tpu.memory_space<semaphore_mem>>
          %dma_start3A_240 = arith.constant 0 : i32
          %dma_start3A_241 = arith.constant 0 : i32
          %dma_start3A_242 = tpu.memref_slice %arg14[%run_scoped3A_204, %dma_start3A_240, %dma_start3A_241] : memref<2x128x128xf32, #tpu.memory_space<vmem>> -> memref<1x128x128xf32, #tpu.memory_space<vmem>>
          %dma_start3A_243 = tpu.memref_squeeze %dma_start3A_242 : memref<1x128x128xf32, #tpu.memory_space<vmem>> -> memref<128x128xf32, #tpu.memory_space<vmem>>
          %dma_start3A_244 = arith.constant 0 : i32
          %dma_start3A_245 = arith.constant 0 : i32
          %dma_start3A_246 = tpu.memref_slice %arg5[%dma_start3A_244, %dma_start3A_245] : memref<10112x128xf32, #tpu.memory_space<vmem_shared>> -> memref<10112x128xf32, #tpu.memory_space<vmem_shared>>
          tpu.enqueue_indirect_dma source(%dma_start3A_243 : memref<128x128xf32, #tpu.memory_space<vmem>>) target(%dma_start3A_246 : memref<10112x128xf32, #tpu.memory_space<vmem_shared>>) offsets(%arg12 : memref<128xi32, #tpu.memory_space<vmem>>) semaphore(%run_scoped3A_239 : memref<!tpu.dma_semaphore, #tpu.memory_space<semaphore_mem>>) {add = true}
          %dma_wait3A_247 = arith.constant 0 : i32
          %dma_wait3A_248 = arith.constant 0 : i32
          %dma_wait3A_249 = tpu.memref_slice %arg14[%run_scoped3A_204, %dma_wait3A_247, %dma_wait3A_248] : memref<2x128x128xf32, #tpu.memory_space<vmem>> -> memref<1x128x128xf32, #tpu.memory_space<vmem>>
          %dma_wait3A_250 = tpu.memref_squeeze %dma_wait3A_249 : memref<1x128x128xf32, #tpu.memory_space<vmem>> -> memref<128x128xf32, #tpu.memory_space<vmem>>
          %dma_wait3A_251 = arith.constant 0 : i32
          %dma_wait3A_252 = arith.constant 0 : i32
          %dma_wait3A_253 = tpu.memref_slice %arg5[%dma_wait3A_251, %dma_wait3A_252] : memref<10112x128xf32, #tpu.memory_space<vmem_shared>> -> memref<10112x128xf32, #tpu.memory_space<vmem_shared>>
          tpu.wait_indirect_dma semaphore(%run_scoped3A_239 : memref<!tpu.dma_semaphore, #tpu.memory_space<semaphore_mem>>) src(%dma_wait3A_250 : memref<128x128xf32, #tpu.memory_space<vmem>>) dst(%dma_wait3A_253 : memref<10112x128xf32, #tpu.memory_space<vmem_shared>>)
          tpu.yield
        }) : () -> ()
        %add3A_205 = arith.constant 4 : i32
        %add3A_206 = arith.addi %add3A_188, %add3A_205 : i32
        %lt3A_207 = arith.constant 160 : i32
        %lt3A_208 = arith.cmpi slt, %add3A_206, %lt3A_207 : i32
        %convert_element_type3A_209 = arith.extui %lt3A_208 : i1 to i32
        %cond3A_210 = arith.constant 0 : i32
        %cond3A_211 = arith.cmpi ne, %convert_element_type3A_209, %cond3A_210 : i32
        scf.if %cond3A_211 {
          %add3A_239 = arith.constant 4 : i32
          %add3A_240 = arith.addi %add3A_188, %add3A_239 : i32
          %add3A_241 = arith.addi %mul3A_0, %add3A_240 : i32
          %dma_start3A_242 = arith.constant 0 : i32
          %dma_start3A_243 = arith.constant 0 : i32
          %dma_start3A_244 = tpu.memref_slice %arg3[%add3A_241, %dma_start3A_242, %dma_start3A_243] : memref<2560x2x128xi32, #tpu.memory_space<hbm>> -> memref<1x1x128xi32, #tpu.memory_space<hbm>>
          %dma_start3A_245 = tpu.memref_squeeze %dma_start3A_244 : memref<1x1x128xi32, #tpu.memory_space<hbm>> -> memref<128xi32, #tpu.memory_space<hbm>>
          %dma_start3A_246 = arith.constant 0 : i32
          %dma_start3A_247 = tpu.memref_slice %arg3[%add3A_241, %dma_start3A_242, %dma_start3A_246] : memref<2560x2x128xi32, #tpu.memory_space<hbm>> -> memref<1x1x128xi32, #tpu.memory_space<hbm>>
          %dma_start3A_248 = tpu.memref_squeeze %dma_start3A_247 : memref<1x1x128xi32, #tpu.memory_space<hbm>> -> memref<128xi32, #tpu.memory_space<hbm>>
          tpu.enqueue_dma source(%dma_start3A_248 : memref<128xi32, #tpu.memory_space<hbm>>) target(%arg8 : memref<128xi32, #tpu.memory_space<vmem>>) target_semaphore(%arg17 : memref<!tpu.dma_semaphore, #tpu.memory_space<semaphore_mem>>)
          %add3A_249 = arith.addi %mul3A_0, %add3A_240 : i32
          %dma_start3A_250 = arith.constant 1 : i32
          %dma_start3A_251 = arith.constant 0 : i32
          %dma_start3A_252 = tpu.memref_slice %arg3[%add3A_249, %dma_start3A_250, %dma_start3A_251] : memref<2560x2x128xi32, #tpu.memory_space<hbm>> -> memref<1x1x128xi32, #tpu.memory_space<hbm>>
          %dma_start3A_253 = tpu.memref_squeeze %dma_start3A_252 : memref<1x1x128xi32, #tpu.memory_space<hbm>> -> memref<128xi32, #tpu.memory_space<hbm>>
          %dma_start3A_254 = arith.constant 0 : i32
          %dma_start3A_255 = tpu.memref_slice %arg3[%add3A_249, %dma_start3A_250, %dma_start3A_254] : memref<2560x2x128xi32, #tpu.memory_space<hbm>> -> memref<1x1x128xi32, #tpu.memory_space<hbm>>
          %dma_start3A_256 = tpu.memref_squeeze %dma_start3A_255 : memref<1x1x128xi32, #tpu.memory_space<hbm>> -> memref<128xi32, #tpu.memory_space<hbm>>
          tpu.enqueue_dma source(%dma_start3A_256 : memref<128xi32, #tpu.memory_space<hbm>>) target(%arg12 : memref<128xi32, #tpu.memory_space<vmem>>) target_semaphore(%arg17 : memref<!tpu.dma_semaphore, #tpu.memory_space<semaphore_mem>>)
        } else {
        }
        %mul3A_212 = arith.constant 4 : i32
        %mul3A_213 = arith.muli %scan3A_131, %mul3A_212 : i32
        %add3A_214 = arith.constant 3 : i32
        %add3A_215 = arith.addi %mul3A_213, %add3A_214 : i32
        %add3A_216 = arith.constant 1 : i32
        %add3A_217 = arith.addi %add3A_215, %add3A_216 : i32
        %lt3A_218 = arith.constant 160 : i32
        %lt3A_219 = arith.cmpi slt, %add3A_217, %lt3A_218 : i32
        %convert_element_type3A_220 = arith.extui %lt3A_219 : i1 to i32
        %cond3A_221 = arith.constant 0 : i32
        %cond3A_222 = arith.cmpi ne, %convert_element_type3A_220, %cond3A_221 : i32
        scf.if %cond3A_222 {
          %add3A_239 = arith.constant 1 : i32
          %add3A_240 = arith.addi %add3A_215, %add3A_239 : i32
          %add3A_241 = arith.addi %mul3A_0, %add3A_240 : i32
          %dma_wait3A_242 = arith.constant 0 : i32
          %dma_wait3A_243 = arith.constant 0 : i32
          %dma_wait3A_244 = tpu.memref_slice %arg3[%add3A_241, %dma_wait3A_242, %dma_wait3A_243] : memref<2560x2x128xi32, #tpu.memory_space<hbm>> -> memref<1x1x128xi32, #tpu.memory_space<hbm>>
          %dma_wait3A_245 = tpu.memref_squeeze %dma_wait3A_244 : memref<1x1x128xi32, #tpu.memory_space<hbm>> -> memref<128xi32, #tpu.memory_space<hbm>>
          %dma_wait3A_246 = arith.constant 0 : i32
          %dma_wait3A_247 = tpu.memref_slice %arg3[%add3A_241, %dma_wait3A_242, %dma_wait3A_246] : memref<2560x2x128xi32, #tpu.memory_space<hbm>> -> memref<1x1x128xi32, #tpu.memory_space<hbm>>
          %dma_wait3A_248 = tpu.memref_squeeze %dma_wait3A_247 : memref<1x1x128xi32, #tpu.memory_space<hbm>> -> memref<128xi32, #tpu.memory_space<hbm>>
          tpu.wait_dma2 semaphore(%arg15 : memref<!tpu.dma_semaphore, #tpu.memory_space<semaphore_mem>>) src(%dma_wait3A_248 : memref<128xi32, #tpu.memory_space<hbm>>) dst(%arg6 : memref<128xi32, #tpu.memory_space<vmem>>)
          %add3A_249 = arith.addi %mul3A_0, %add3A_240 : i32
          %dma_wait3A_250 = arith.constant 1 : i32
          %dma_wait3A_251 = arith.constant 0 : i32
          %dma_wait3A_252 = tpu.memref_slice %arg3[%add3A_249, %dma_wait3A_250, %dma_wait3A_251] : memref<2560x2x128xi32, #tpu.memory_space<hbm>> -> memref<1x1x128xi32, #tpu.memory_space<hbm>>
          %dma_wait3A_253 = tpu.memref_squeeze %dma_wait3A_252 : memref<1x1x128xi32, #tpu.memory_space<hbm>> -> memref<128xi32, #tpu.memory_space<hbm>>
          %dma_wait3A_254 = arith.constant 0 : i32
          %dma_wait3A_255 = tpu.memref_slice %arg3[%add3A_249, %dma_wait3A_250, %dma_wait3A_254] : memref<2560x2x128xi32, #tpu.memory_space<hbm>> -> memref<1x1x128xi32, #tpu.memory_space<hbm>>
          %dma_wait3A_256 = tpu.memref_squeeze %dma_wait3A_255 : memref<1x1x128xi32, #tpu.memory_space<hbm>> -> memref<128xi32, #tpu.memory_space<hbm>>
          tpu.wait_dma2 semaphore(%arg15 : memref<!tpu.dma_semaphore, #tpu.memory_space<semaphore_mem>>) src(%dma_wait3A_256 : memref<128xi32, #tpu.memory_space<hbm>>) dst(%arg10 : memref<128xi32, #tpu.memory_space<vmem>>)
          %dma_start3A_257 = arith.constant 0 : i32
          %dma_start3A_258 = arith.constant 0 : i32
          %dma_start3A_259 = arith.constant 0 : i32
          %dma_start3A_260 = tpu.memref_slice %arg14[%dma_start3A_257, %dma_start3A_258, %dma_start3A_259] : memref<2x128x128xf32, #tpu.memory_space<vmem>> -> memref<1x128x128xf32, #tpu.memory_space<vmem>>
          %dma_start3A_261 = tpu.memref_squeeze %dma_start3A_260 : memref<1x128x128xf32, #tpu.memory_space<vmem>> -> memref<128x128xf32, #tpu.memory_space<vmem>>
          %dma_start3A_262 = arith.constant 0 : i32
          %dma_start3A_263 = arith.constant 0 : i32
          %dma_start3A_264 = tpu.memref_slice %arg2[%dma_start3A_262, %dma_start3A_263] : memref<10000x128xf32, #tpu.memory_space<hbm>> -> memref<10000x128xf32, #tpu.memory_space<hbm>>
          tpu.enqueue_indirect_dma source(%dma_start3A_264 : memref<10000x128xf32, #tpu.memory_space<hbm>>) target(%dma_start3A_261 : memref<128x128xf32, #tpu.memory_space<vmem>>) offsets(%arg6 : memref<128xi32, #tpu.memory_space<vmem>>) semaphore(%arg19 : memref<!tpu.dma_semaphore, #tpu.memory_space<semaphore_mem>>)
        } else {
        }
        %dma_wait3A_223 = arith.constant 1 : i32
        %dma_wait3A_224 = arith.constant 0 : i32
        %dma_wait3A_225 = arith.constant 0 : i32
        %dma_wait3A_226 = tpu.memref_slice %arg14[%dma_wait3A_223, %dma_wait3A_224, %dma_wait3A_225] : memref<2x128x128xf32, #tpu.memory_space<vmem>> -> memref<1x128x128xf32, #tpu.memory_space<vmem>>
        %dma_wait3A_227 = tpu.memref_squeeze %dma_wait3A_226 : memref<1x128x128xf32, #tpu.memory_space<vmem>> -> memref<128x128xf32, #tpu.memory_space<vmem>>
        %dma_wait3A_228 = arith.constant 0 : i32
        %dma_wait3A_229 = arith.constant 0 : i32
        %dma_wait3A_230 = tpu.memref_slice %arg2[%dma_wait3A_228, %dma_wait3A_229] : memref<10000x128xf32, #tpu.memory_space<hbm>> -> memref<10000x128xf32, #tpu.memory_space<hbm>>
        tpu.wait_indirect_dma semaphore(%arg20 : memref<!tpu.dma_semaphore, #tpu.memory_space<semaphore_mem>>) src(%dma_wait3A_230 : memref<10000x128xf32, #tpu.memory_space<hbm>>) dst(%dma_wait3A_227 : memref<128x128xf32, #tpu.memory_space<vmem>>)
        %run_scoped3A_231 = arith.constant 1 : i32
        "tpu.region"() ({
          %run_scoped3A_239 = tpu.sem_alloc : memref<!tpu.dma_semaphore, #tpu.memory_space<semaphore_mem>>
          %dma_start3A_240 = arith.constant 0 : i32
          %dma_start3A_241 = arith.constant 0 : i32
          %dma_start3A_242 = tpu.memref_slice %arg14[%run_scoped3A_231, %dma_start3A_240, %dma_start3A_241] : memref<2x128x128xf32, #tpu.memory_space<vmem>> -> memref<1x128x128xf32, #tpu.memory_space<vmem>>
          %dma_start3A_243 = tpu.memref_squeeze %dma_start3A_242 : memref<1x128x128xf32, #tpu.memory_space<vmem>> -> memref<128x128xf32, #tpu.memory_space<vmem>>
          %dma_start3A_244 = arith.constant 0 : i32
          %dma_start3A_245 = arith.constant 0 : i32
          %dma_start3A_246 = tpu.memref_slice %arg5[%dma_start3A_244, %dma_start3A_245] : memref<10112x128xf32, #tpu.memory_space<vmem_shared>> -> memref<10112x128xf32, #tpu.memory_space<vmem_shared>>
          tpu.enqueue_indirect_dma source(%dma_start3A_243 : memref<128x128xf32, #tpu.memory_space<vmem>>) target(%dma_start3A_246 : memref<10112x128xf32, #tpu.memory_space<vmem_shared>>) offsets(%arg13 : memref<128xi32, #tpu.memory_space<vmem>>) semaphore(%run_scoped3A_239 : memref<!tpu.dma_semaphore, #tpu.memory_space<semaphore_mem>>) {add = true}
          %dma_wait3A_247 = arith.constant 0 : i32
          %dma_wait3A_248 = arith.constant 0 : i32
          %dma_wait3A_249 = tpu.memref_slice %arg14[%run_scoped3A_231, %dma_wait3A_247, %dma_wait3A_248] : memref<2x128x128xf32, #tpu.memory_space<vmem>> -> memref<1x128x128xf32, #tpu.memory_space<vmem>>
          %dma_wait3A_250 = tpu.memref_squeeze %dma_wait3A_249 : memref<1x128x128xf32, #tpu.memory_space<vmem>> -> memref<128x128xf32, #tpu.memory_space<vmem>>
          %dma_wait3A_251 = arith.constant 0 : i32
          %dma_wait3A_252 = arith.constant 0 : i32
          %dma_wait3A_253 = tpu.memref_slice %arg5[%dma_wait3A_251, %dma_wait3A_252] : memref<10112x128xf32, #tpu.memory_space<vmem_shared>> -> memref<10112x128xf32, #tpu.memory_space<vmem_shared>>
          tpu.wait_indirect_dma semaphore(%run_scoped3A_239 : memref<!tpu.dma_semaphore, #tpu.memory_space<semaphore_mem>>) src(%dma_wait3A_250 : memref<128x128xf32, #tpu.memory_space<vmem>>) dst(%dma_wait3A_253 : memref<10112x128xf32, #tpu.memory_space<vmem_shared>>)
          tpu.yield
        }) : () -> ()
        %add3A_232 = arith.constant 4 : i32
        %add3A_233 = arith.addi %add3A_215, %add3A_232 : i32
        %lt3A_234 = arith.constant 160 : i32
        %lt3A_235 = arith.cmpi slt, %add3A_233, %lt3A_234 : i32
        %convert_element_type3A_236 = arith.extui %lt3A_235 : i1 to i32
        %cond3A_237 = arith.constant 0 : i32
        %cond3A_238 = arith.cmpi ne, %convert_element_type3A_236, %cond3A_237 : i32
        scf.if %cond3A_238 {
          %add3A_239 = arith.constant 4 : i32
          %add3A_240 = arith.addi %add3A_215, %add3A_239 : i32
          %add3A_241 = arith.addi %mul3A_0, %add3A_240 : i32
          %dma_start3A_242 = arith.constant 0 : i32
          %dma_start3A_243 = arith.constant 0 : i32
          %dma_start3A_244 = tpu.memref_slice %arg3[%add3A_241, %dma_start3A_242, %dma_start3A_243] : memref<2560x2x128xi32, #tpu.memory_space<hbm>> -> memref<1x1x128xi32, #tpu.memory_space<hbm>>
          %dma_start3A_245 = tpu.memref_squeeze %dma_start3A_244 : memref<1x1x128xi32, #tpu.memory_space<hbm>> -> memref<128xi32, #tpu.memory_space<hbm>>
          %dma_start3A_246 = arith.constant 0 : i32
          %dma_start3A_247 = tpu.memref_slice %arg3[%add3A_241, %dma_start3A_242, %dma_start3A_246] : memref<2560x2x128xi32, #tpu.memory_space<hbm>> -> memref<1x1x128xi32, #tpu.memory_space<hbm>>
          %dma_start3A_248 = tpu.memref_squeeze %dma_start3A_247 : memref<1x1x128xi32, #tpu.memory_space<hbm>> -> memref<128xi32, #tpu.memory_space<hbm>>
          tpu.enqueue_dma source(%dma_start3A_248 : memref<128xi32, #tpu.memory_space<hbm>>) target(%arg9 : memref<128xi32, #tpu.memory_space<vmem>>) target_semaphore(%arg18 : memref<!tpu.dma_semaphore, #tpu.memory_space<semaphore_mem>>)
          %add3A_249 = arith.addi %mul3A_0, %add3A_240 : i32
          %dma_start3A_250 = arith.constant 1 : i32
          %dma_start3A_251 = arith.constant 0 : i32
          %dma_start3A_252 = tpu.memref_slice %arg3[%add3A_249, %dma_start3A_250, %dma_start3A_251] : memref<2560x2x128xi32, #tpu.memory_space<hbm>> -> memref<1x1x128xi32, #tpu.memory_space<hbm>>
          %dma_start3A_253 = tpu.memref_squeeze %dma_start3A_252 : memref<1x1x128xi32, #tpu.memory_space<hbm>> -> memref<128xi32, #tpu.memory_space<hbm>>
          %dma_start3A_254 = arith.constant 0 : i32
          %dma_start3A_255 = tpu.memref_slice %arg3[%add3A_249, %dma_start3A_250, %dma_start3A_254] : memref<2560x2x128xi32, #tpu.memory_space<hbm>> -> memref<1x1x128xi32, #tpu.memory_space<hbm>>
          %dma_start3A_256 = tpu.memref_squeeze %dma_start3A_255 : memref<1x1x128xi32, #tpu.memory_space<hbm>> -> memref<128xi32, #tpu.memory_space<hbm>>
          tpu.enqueue_dma source(%dma_start3A_256 : memref<128xi32, #tpu.memory_space<hbm>>) target(%arg13 : memref<128xi32, #tpu.memory_space<vmem>>) target_semaphore(%arg18 : memref<!tpu.dma_semaphore, #tpu.memory_space<semaphore_mem>>)
        } else {
        }
      }
      %scan3A_130 = arith.constant 40 : i32
    } else {
    }
    %barrier3A_23 = arith.constant 0 : index
    tpu.barrier barrier_id(%barrier3A_23)
    %eq3A_24 = arith.constant 0 : i32
    %eq3A_25 = arith.cmpi eq, %arg0, %eq3A_24 : i32
    %convert_element_type3A_26 = arith.extui %eq3A_25 : i1 to i32
    %cond3A_27 = arith.constant 0 : i32
    %cond3A_28 = arith.cmpi ne, %convert_element_type3A_26, %cond3A_27 : i32
    scf.if %cond3A_28 {
      %add3A_29 = arith.constant 0 : i32
      %add3A_30 = arith.addi %mul3A_2, %add3A_29 : i32
      %add3A_31 = arith.constant 0 : i32
      %add3A_32 = arith.addi %mul3A_2, %add3A_31 : i32
      %run_scoped3A_33 = arith.constant 0 : i32
      "tpu.region"() ({
        %run_scoped3A_54 = tpu.sem_alloc : memref<!tpu.dma_semaphore, #tpu.memory_space<semaphore_mem>>
        %dma_start3A = arith.constant 0 : i32
        %dma_start3A_55 = tpu.memref_slice %arg4[%run_scoped3A_33, %add3A_32, %dma_start3A] : memref<1x10112x128xf32, #tpu.memory_space<hbm>> -> memref<1x128x128xf32, #tpu.memory_space<hbm>>
        %dma_start3A_56 = tpu.memref_squeeze %dma_start3A_55 : memref<1x128x128xf32, #tpu.memory_space<hbm>> -> memref<128x128xf32, #tpu.memory_space<hbm>>
        %dma_start3A_57 = arith.constant 0 : i32
        %dma_start3A_58 = tpu.memref_slice %arg5[%add3A_30, %dma_start3A_57] : memref<10112x128xf32, #tpu.memory_space<vmem_shared>> -> memref<128x128xf32, #tpu.memory_space<vmem_shared>>
        tpu.enqueue_dma source(%dma_start3A_58 : memref<128x128xf32, #tpu.memory_space<vmem_shared>>) target(%dma_start3A_56 : memref<128x128xf32, #tpu.memory_space<hbm>>) target_semaphore(%run_scoped3A_54 : memref<!tpu.dma_semaphore, #tpu.memory_space<semaphore_mem>>)
        %dma_wait3A = arith.constant 0 : i32
        %dma_wait3A_59 = tpu.memref_slice %arg4[%run_scoped3A_33, %add3A_32, %dma_wait3A] : memref<1x10112x128xf32, #tpu.memory_space<hbm>> -> memref<1x128x128xf32, #tpu.memory_space<hbm>>
        %dma_wait3A_60 = tpu.memref_squeeze %dma_wait3A_59 : memref<1x128x128xf32, #tpu.memory_space<hbm>> -> memref<128x128xf32, #tpu.memory_space<hbm>>
        %dma_wait3A_61 = arith.constant 0 : i32
        %dma_wait3A_62 = tpu.memref_slice %arg5[%add3A_30, %dma_wait3A_61] : memref<10112x128xf32, #tpu.memory_space<vmem_shared>> -> memref<128x128xf32, #tpu.memory_space<vmem_shared>>
        tpu.wait_dma2 semaphore(%run_scoped3A_54 : memref<!tpu.dma_semaphore, #tpu.memory_space<semaphore_mem>>) src(%dma_wait3A_62 : memref<128x128xf32, #tpu.memory_space<vmem_shared>>) dst(%dma_wait3A_60 : memref<128x128xf32, #tpu.memory_space<hbm>>)
        tpu.yield
      }) : () -> ()
      %add3A_34 = arith.constant 128 : i32
      %add3A_35 = arith.addi %mul3A_2, %add3A_34 : i32
      %add3A_36 = arith.constant 128 : i32
      %add3A_37 = arith.addi %mul3A_2, %add3A_36 : i32
      %run_scoped3A_38 = arith.constant 0 : i32
      "tpu.region"() ({
        %run_scoped3A_54 = tpu.sem_alloc : memref<!tpu.dma_semaphore, #tpu.memory_space<semaphore_mem>>
        %dma_start3A = arith.constant 0 : i32
        %dma_start3A_55 = tpu.memref_slice %arg4[%run_scoped3A_38, %add3A_37, %dma_start3A] : memref<1x10112x128xf32, #tpu.memory_space<hbm>> -> memref<1x128x128xf32, #tpu.memory_space<hbm>>
        %dma_start3A_56 = tpu.memref_squeeze %dma_start3A_55 : memref<1x128x128xf32, #tpu.memory_space<hbm>> -> memref<128x128xf32, #tpu.memory_space<hbm>>
        %dma_start3A_57 = arith.constant 0 : i32
        %dma_start3A_58 = tpu.memref_slice %arg5[%add3A_35, %dma_start3A_57] : memref<10112x128xf32, #tpu.memory_space<vmem_shared>> -> memref<128x128xf32, #tpu.memory_space<vmem_shared>>
        tpu.enqueue_dma source(%dma_start3A_58 : memref<128x128xf32, #tpu.memory_space<vmem_shared>>) target(%dma_start3A_56 : memref<128x128xf32, #tpu.memory_space<hbm>>) target_semaphore(%run_scoped3A_54 : memref<!tpu.dma_semaphore, #tpu.memory_space<semaphore_mem>>)
        %dma_wait3A = arith.constant 0 : i32
        %dma_wait3A_59 = tpu.memref_slice %arg4[%run_scoped3A_38, %add3A_37, %dma_wait3A] : memref<1x10112x128xf32, #tpu.memory_space<hbm>> -> memref<1x128x128xf32, #tpu.memory_space<hbm>>
        %dma_wait3A_60 = tpu.memref_squeeze %dma_wait3A_59 : memref<1x128x128xf32, #tpu.memory_space<hbm>> -> memref<128x128xf32, #tpu.memory_space<hbm>>
        %dma_wait3A_61 = arith.constant 0 : i32
        %dma_wait3A_62 = tpu.memref_slice %arg5[%add3A_35, %dma_wait3A_61] : memref<10112x128xf32, #tpu.memory_space<vmem_shared>> -> memref<128x128xf32, #tpu.memory_space<vmem_shared>>
        tpu.wait_dma2 semaphore(%run_scoped3A_54 : memref<!tpu.dma_semaphore, #tpu.memory_space<semaphore_mem>>) src(%dma_wait3A_62 : memref<128x128xf32, #tpu.memory_space<vmem_shared>>) dst(%dma_wait3A_60 : memref<128x128xf32, #tpu.memory_space<hbm>>)
        tpu.yield
      }) : () -> ()
      %add3A_39 = arith.constant 256 : i32
      %add3A_40 = arith.addi %mul3A_2, %add3A_39 : i32
      %add3A_41 = arith.constant 256 : i32
      %add3A_42 = arith.addi %mul3A_2, %add3A_41 : i32
      %run_scoped3A_43 = arith.constant 0 : i32
      "tpu.region"() ({
        %run_scoped3A_54 = tpu.sem_alloc : memref<!tpu.dma_semaphore, #tpu.memory_space<semaphore_mem>>
        %dma_start3A = arith.constant 0 : i32
        %dma_start3A_55 = tpu.memref_slice %arg4[%run_scoped3A_43, %add3A_42, %dma_start3A] : memref<1x10112x128xf32, #tpu.memory_space<hbm>> -> memref<1x128x128xf32, #tpu.memory_space<hbm>>
        %dma_start3A_56 = tpu.memref_squeeze %dma_start3A_55 : memref<1x128x128xf32, #tpu.memory_space<hbm>> -> memref<128x128xf32, #tpu.memory_space<hbm>>
        %dma_start3A_57 = arith.constant 0 : i32
        %dma_start3A_58 = tpu.memref_slice %arg5[%add3A_40, %dma_start3A_57] : memref<10112x128xf32, #tpu.memory_space<vmem_shared>> -> memref<128x128xf32, #tpu.memory_space<vmem_shared>>
        tpu.enqueue_dma source(%dma_start3A_58 : memref<128x128xf32, #tpu.memory_space<vmem_shared>>) target(%dma_start3A_56 : memref<128x128xf32, #tpu.memory_space<hbm>>) target_semaphore(%run_scoped3A_54 : memref<!tpu.dma_semaphore, #tpu.memory_space<semaphore_mem>>)
        %dma_wait3A = arith.constant 0 : i32
        %dma_wait3A_59 = tpu.memref_slice %arg4[%run_scoped3A_43, %add3A_42, %dma_wait3A] : memref<1x10112x128xf32, #tpu.memory_space<hbm>> -> memref<1x128x128xf32, #tpu.memory_space<hbm>>
        %dma_wait3A_60 = tpu.memref_squeeze %dma_wait3A_59 : memref<1x128x128xf32, #tpu.memory_space<hbm>> -> memref<128x128xf32, #tpu.memory_space<hbm>>
        %dma_wait3A_61 = arith.constant 0 : i32
        %dma_wait3A_62 = tpu.memref_slice %arg5[%add3A_40, %dma_wait3A_61] : memref<10112x128xf32, #tpu.memory_space<vmem_shared>> -> memref<128x128xf32, #tpu.memory_space<vmem_shared>>
        tpu.wait_dma2 semaphore(%run_scoped3A_54 : memref<!tpu.dma_semaphore, #tpu.memory_space<semaphore_mem>>) src(%dma_wait3A_62 : memref<128x128xf32, #tpu.memory_space<vmem_shared>>) dst(%dma_wait3A_60 : memref<128x128xf32, #tpu.memory_space<hbm>>)
        tpu.yield
      }) : () -> ()
      %add3A_44 = arith.constant 384 : i32
      %add3A_45 = arith.addi %mul3A_2, %add3A_44 : i32
      %add3A_46 = arith.constant 384 : i32
      %add3A_47 = arith.addi %mul3A_2, %add3A_46 : i32
      %run_scoped3A_48 = arith.constant 0 : i32
      "tpu.region"() ({
        %run_scoped3A_54 = tpu.sem_alloc : memref<!tpu.dma_semaphore, #tpu.memory_space<semaphore_mem>>
        %dma_start3A = arith.constant 0 : i32
        %dma_start3A_55 = tpu.memref_slice %arg4[%run_scoped3A_48, %add3A_47, %dma_start3A] : memref<1x10112x128xf32, #tpu.memory_space<hbm>> -> memref<1x128x128xf32, #tpu.memory_space<hbm>>
        %dma_start3A_56 = tpu.memref_squeeze %dma_start3A_55 : memref<1x128x128xf32, #tpu.memory_space<hbm>> -> memref<128x128xf32, #tpu.memory_space<hbm>>
        %dma_start3A_57 = arith.constant 0 : i32
        %dma_start3A_58 = tpu.memref_slice %arg5[%add3A_45, %dma_start3A_57] : memref<10112x128xf32, #tpu.memory_space<vmem_shared>> -> memref<128x128xf32, #tpu.memory_space<vmem_shared>>
        tpu.enqueue_dma source(%dma_start3A_58 : memref<128x128xf32, #tpu.memory_space<vmem_shared>>) target(%dma_start3A_56 : memref<128x128xf32, #tpu.memory_space<hbm>>) target_semaphore(%run_scoped3A_54 : memref<!tpu.dma_semaphore, #tpu.memory_space<semaphore_mem>>)
        %dma_wait3A = arith.constant 0 : i32
        %dma_wait3A_59 = tpu.memref_slice %arg4[%run_scoped3A_48, %add3A_47, %dma_wait3A] : memref<1x10112x128xf32, #tpu.memory_space<hbm>> -> memref<1x128x128xf32, #tpu.memory_space<hbm>>
        %dma_wait3A_60 = tpu.memref_squeeze %dma_wait3A_59 : memref<1x128x128xf32, #tpu.memory_space<hbm>> -> memref<128x128xf32, #tpu.memory_space<hbm>>
        %dma_wait3A_61 = arith.constant 0 : i32
        %dma_wait3A_62 = tpu.memref_slice %arg5[%add3A_45, %dma_wait3A_61] : memref<10112x128xf32, #tpu.memory_space<vmem_shared>> -> memref<128x128xf32, #tpu.memory_space<vmem_shared>>
        tpu.wait_dma2 semaphore(%run_scoped3A_54 : memref<!tpu.dma_semaphore, #tpu.memory_space<semaphore_mem>>) src(%dma_wait3A_62 : memref<128x128xf32, #tpu.memory_space<vmem_shared>>) dst(%dma_wait3A_60 : memref<128x128xf32, #tpu.memory_space<hbm>>)
        tpu.yield
      }) : () -> ()
      %add3A_49 = arith.constant 512 : i32
      %add3A_50 = arith.addi %mul3A_2, %add3A_49 : i32
      %add3A_51 = arith.constant 512 : i32
      %add3A_52 = arith.addi %mul3A_2, %add3A_51 : i32
      %run_scoped3A_53 = arith.constant 0 : i32
      "tpu.region"() ({
        %run_scoped3A_54 = tpu.sem_alloc : memref<!tpu.dma_semaphore, #tpu.memory_space<semaphore_mem>>
        %dma_start3A = arith.constant 0 : i32
        %dma_start3A_55 = tpu.memref_slice %arg4[%run_scoped3A_53, %add3A_52, %dma_start3A] : memref<1x10112x128xf32, #tpu.memory_space<hbm>> -> memref<1x120x128xf32, #tpu.memory_space<hbm>>
        %dma_start3A_56 = tpu.memref_squeeze %dma_start3A_55 : memref<1x120x128xf32, #tpu.memory_space<hbm>> -> memref<120x128xf32, #tpu.memory_space<hbm>>
        %dma_start3A_57 = arith.constant 0 : i32
        %dma_start3A_58 = tpu.memref_slice %arg5[%add3A_50, %dma_start3A_57] : memref<10112x128xf32, #tpu.memory_space<vmem_shared>> -> memref<120x128xf32, #tpu.memory_space<vmem_shared>>
        tpu.enqueue_dma source(%dma_start3A_58 : memref<120x128xf32, #tpu.memory_space<vmem_shared>>) target(%dma_start3A_56 : memref<120x128xf32, #tpu.memory_space<hbm>>) target_semaphore(%run_scoped3A_54 : memref<!tpu.dma_semaphore, #tpu.memory_space<semaphore_mem>>)
        %dma_wait3A = arith.constant 0 : i32
        %dma_wait3A_59 = tpu.memref_slice %arg4[%run_scoped3A_53, %add3A_52, %dma_wait3A] : memref<1x10112x128xf32, #tpu.memory_space<hbm>> -> memref<1x120x128xf32, #tpu.memory_space<hbm>>
        %dma_wait3A_60 = tpu.memref_squeeze %dma_wait3A_59 : memref<1x120x128xf32, #tpu.memory_space<hbm>> -> memref<120x128xf32, #tpu.memory_space<hbm>>
        %dma_wait3A_61 = arith.constant 0 : i32
        %dma_wait3A_62 = tpu.memref_slice %arg5[%add3A_50, %dma_wait3A_61] : memref<10112x128xf32, #tpu.memory_space<vmem_shared>> -> memref<120x128xf32, #tpu.memory_space<vmem_shared>>
        tpu.wait_dma2 semaphore(%run_scoped3A_54 : memref<!tpu.dma_semaphore, #tpu.memory_space<semaphore_mem>>) src(%dma_wait3A_62 : memref<120x128xf32, #tpu.memory_space<vmem_shared>>) dst(%dma_wait3A_60 : memref<120x128xf32, #tpu.memory_space<hbm>>)
        tpu.yield
      }) : () -> ()
    } else {
    }
    return
  }
}

#map = affine_map<(d0, d1) -> (0, 0)>
#map1 = affine_map<(d0, d1) -> (0, 0, 0)>
module attributes {stable_mosaic.version = 14 : i64} {
  func.func @sage_sc_agg128_cnt(%arg0: i32, %arg1: i32, %arg2: memref<10000x128xf32, #tpu.memory_space<hbm>>, %arg3: memref<2560x2x128xi32, #tpu.memory_space<hbm>>, %arg4: memref<2x10112x128xf32, #tpu.memory_space<hbm>>, %arg5: memref<10112x128xf32, #tpu.memory_space<vmem_shared>>, %arg6: memref<128xi32, #tpu.memory_space<vmem>>, %arg7: memref<128xi32, #tpu.memory_space<vmem>>, %arg8: memref<128xi32, #tpu.memory_space<vmem>>, %arg9: memref<128xi32, #tpu.memory_space<vmem>>, %arg10: memref<128xi32, #tpu.memory_space<vmem>>, %arg11: memref<128xi32, #tpu.memory_space<vmem>>, %arg12: memref<128xi32, #tpu.memory_space<vmem>>, %arg13: memref<128xi32, #tpu.memory_space<vmem>>, %arg14: memref<2x128x128xf32, #tpu.memory_space<vmem>>, %arg15: memref<!tpu.dma_semaphore, #tpu.memory_space<semaphore_mem>>, %arg16: memref<!tpu.dma_semaphore, #tpu.memory_space<semaphore_mem>>, %arg17: memref<!tpu.dma_semaphore, #tpu.memory_space<semaphore_mem>>, %arg18: memref<!tpu.dma_semaphore, #tpu.memory_space<semaphore_mem>>, %arg19: memref<!tpu.dma_semaphore, #tpu.memory_space<semaphore_mem>>, %arg20: memref<!tpu.dma_semaphore, #tpu.memory_space<semaphore_mem>>) attributes {dimension_semantics = [#tpu.dimension_semantics<core_parallel>, #tpu.dimension_semantics<subcore_parallel>], iteration_bounds = array<i64: 2, 16>, scalar_prefetch = 0 : i64, scratch_operands = 16 : i64, tpu.core_type = #tpu.core_type<sc_vector_subcore>, window_params = [{transform_indices = #map}, {transform_indices = #map1}, {transform_indices = #map1}]} {
    %mul3A = arith.constant 160 : i32
    %mul3A_0 = arith.muli %arg1, %mul3A : i32
    %mul3A_1 = arith.constant 632 : i32
    %mul3A_2 = arith.muli %arg1, %mul3A_1 : i32
    %scan3A = arith.constant 0 : i32
    %scan3A_3 = arith.constant 0 : i32
    %scan3A_4 = arith.constant 128 : i32
    %scan3A_5 = arith.addi %scan3A_3, %scan3A_4 : i32
    %scan3A_6 = arith.constant 1 : i32
    scf.for %scan3A_54 = %scan3A_3 to %scan3A_5 step %scan3A_6  : i32 {
      %broadcast_in_dim3A = arith.constant 0.000000e+00 : f32
      %broadcast_in_dim3A_55 = vector.broadcast %broadcast_in_dim3A : f32 to vector<16xf32>
      %swap3A = arith.constant 0 : i32
      %swap3A_56 = arith.index_cast %swap3A : i32 to index
      %swap3A_57 = arith.index_cast %scan3A_54 : i32 to index
      %swap3A_58 = arith.constant 0 : index
      %swap3A_59 = tpu.vector_load %arg14[%swap3A_56, %swap3A_57, %swap3A_58] {strides = array<i32>} : memref<2x128x128xf32, #tpu.memory_space<vmem>>, vector<1x1x16xf32>,
      %swap3A_60 = vector.shape_cast %swap3A_59 : vector<1x1x16xf32> to vector<16xf32>
      %swap3A_61 = vector.shape_cast %broadcast_in_dim3A_55 : vector<16xf32> to vector<1x1x16xf32>
      tpu.vector_store %arg14[%swap3A_56, %swap3A_57, %swap3A_58], %swap3A_61 {strides = array<i32>} : memref<2x128x128xf32, #tpu.memory_space<vmem>>, vector<1x1x16xf32>,
      %broadcast_in_dim3A_62 = arith.constant 0.000000e+00 : f32
      %broadcast_in_dim3A_63 = vector.broadcast %broadcast_in_dim3A_62 : f32 to vector<16xf32>
      %swap3A_64 = arith.constant 0 : i32
      %swap3A_65 = arith.index_cast %swap3A_64 : i32 to index
      %swap3A_66 = arith.index_cast %scan3A_54 : i32 to index
      %swap3A_67 = arith.constant 16 : index
      %swap3A_68 = tpu.vector_load %arg14[%swap3A_65, %swap3A_66, %swap3A_67] {strides = array<i32>} : memref<2x128x128xf32, #tpu.memory_space<vmem>>, vector<1x1x16xf32>,
      %swap3A_69 = vector.shape_cast %swap3A_68 : vector<1x1x16xf32> to vector<16xf32>
      %swap3A_70 = vector.shape_cast %broadcast_in_dim3A_63 : vector<16xf32> to vector<1x1x16xf32>
      tpu.vector_store %arg14[%swap3A_65, %swap3A_66, %swap3A_67], %swap3A_70 {strides = array<i32>} : memref<2x128x128xf32, #tpu.memory_space<vmem>>, vector<1x1x16xf32>,
      %broadcast_in_dim3A_71 = arith.constant 0.000000e+00 : f32
      %broadcast_in_dim3A_72 = vector.broadcast %broadcast_in_dim3A_71 : f32 to vector<16xf32>
      %swap3A_73 = arith.constant 0 : i32
      %swap3A_74 = arith.index_cast %swap3A_73 : i32 to index
      %swap3A_75 = arith.index_cast %scan3A_54 : i32 to index
      %swap3A_76 = arith.constant 32 : index
      %swap3A_77 = tpu.vector_load %arg14[%swap3A_74, %swap3A_75, %swap3A_76] {strides = array<i32>} : memref<2x128x128xf32, #tpu.memory_space<vmem>>, vector<1x1x16xf32>,
      %swap3A_78 = vector.shape_cast %swap3A_77 : vector<1x1x16xf32> to vector<16xf32>
      %swap3A_79 = vector.shape_cast %broadcast_in_dim3A_72 : vector<16xf32> to vector<1x1x16xf32>
      tpu.vector_store %arg14[%swap3A_74, %swap3A_75, %swap3A_76], %swap3A_79 {strides = array<i32>} : memref<2x128x128xf32, #tpu.memory_space<vmem>>, vector<1x1x16xf32>,
      %broadcast_in_dim3A_80 = arith.constant 0.000000e+00 : f32
      %broadcast_in_dim3A_81 = vector.broadcast %broadcast_in_dim3A_80 : f32 to vector<16xf32>
      %swap3A_82 = arith.constant 0 : i32
      %swap3A_83 = arith.index_cast %swap3A_82 : i32 to index
      %swap3A_84 = arith.index_cast %scan3A_54 : i32 to index
      %swap3A_85 = arith.constant 48 : index
      %swap3A_86 = tpu.vector_load %arg14[%swap3A_83, %swap3A_84, %swap3A_85] {strides = array<i32>} : memref<2x128x128xf32, #tpu.memory_space<vmem>>, vector<1x1x16xf32>,
      %swap3A_87 = vector.shape_cast %swap3A_86 : vector<1x1x16xf32> to vector<16xf32>
      %swap3A_88 = vector.shape_cast %broadcast_in_dim3A_81 : vector<16xf32> to vector<1x1x16xf32>
      tpu.vector_store %arg14[%swap3A_83, %swap3A_84, %swap3A_85], %swap3A_88 {strides = array<i32>} : memref<2x128x128xf32, #tpu.memory_space<vmem>>, vector<1x1x16xf32>,
      %broadcast_in_dim3A_89 = arith.constant 0.000000e+00 : f32
      %broadcast_in_dim3A_90 = vector.broadcast %broadcast_in_dim3A_89 : f32 to vector<16xf32>
      %swap3A_91 = arith.constant 0 : i32
      %swap3A_92 = arith.index_cast %swap3A_91 : i32 to index
      %swap3A_93 = arith.index_cast %scan3A_54 : i32 to index
      %swap3A_94 = arith.constant 64 : index
      %swap3A_95 = tpu.vector_load %arg14[%swap3A_92, %swap3A_93, %swap3A_94] {strides = array<i32>} : memref<2x128x128xf32, #tpu.memory_space<vmem>>, vector<1x1x16xf32>,
      %swap3A_96 = vector.shape_cast %swap3A_95 : vector<1x1x16xf32> to vector<16xf32>
      %swap3A_97 = vector.shape_cast %broadcast_in_dim3A_90 : vector<16xf32> to vector<1x1x16xf32>
      tpu.vector_store %arg14[%swap3A_92, %swap3A_93, %swap3A_94], %swap3A_97 {strides = array<i32>} : memref<2x128x128xf32, #tpu.memory_space<vmem>>, vector<1x1x16xf32>,
      %broadcast_in_dim3A_98 = arith.constant 0.000000e+00 : f32
      %broadcast_in_dim3A_99 = vector.broadcast %broadcast_in_dim3A_98 : f32 to vector<16xf32>
      %swap3A_100 = arith.constant 0 : i32
      %swap3A_101 = arith.index_cast %swap3A_100 : i32 to index
      %swap3A_102 = arith.index_cast %scan3A_54 : i32 to index
      %swap3A_103 = arith.constant 80 : index
      %swap3A_104 = tpu.vector_load %arg14[%swap3A_101, %swap3A_102, %swap3A_103] {strides = array<i32>} : memref<2x128x128xf32, #tpu.memory_space<vmem>>, vector<1x1x16xf32>,
      %swap3A_105 = vector.shape_cast %swap3A_104 : vector<1x1x16xf32> to vector<16xf32>
      %swap3A_106 = vector.shape_cast %broadcast_in_dim3A_99 : vector<16xf32> to vector<1x1x16xf32>
      tpu.vector_store %arg14[%swap3A_101, %swap3A_102, %swap3A_103], %swap3A_106 {strides = array<i32>} : memref<2x128x128xf32, #tpu.memory_space<vmem>>, vector<1x1x16xf32>,
      %broadcast_in_dim3A_107 = arith.constant 0.000000e+00 : f32
      %broadcast_in_dim3A_108 = vector.broadcast %broadcast_in_dim3A_107 : f32 to vector<16xf32>
      %swap3A_109 = arith.constant 0 : i32
      %swap3A_110 = arith.index_cast %swap3A_109 : i32 to index
      %swap3A_111 = arith.index_cast %scan3A_54 : i32 to index
      %swap3A_112 = arith.constant 96 : index
      %swap3A_113 = tpu.vector_load %arg14[%swap3A_110, %swap3A_111, %swap3A_112] {strides = array<i32>} : memref<2x128x128xf32, #tpu.memory_space<vmem>>, vector<1x1x16xf32>,
      %swap3A_114 = vector.shape_cast %swap3A_113 : vector<1x1x16xf32> to vector<16xf32>
      %swap3A_115 = vector.shape_cast %broadcast_in_dim3A_108 : vector<16xf32> to vector<1x1x16xf32>
      tpu.vector_store %arg14[%swap3A_110, %swap3A_111, %swap3A_112], %swap3A_115 {strides = array<i32>} : memref<2x128x128xf32, #tpu.memory_space<vmem>>, vector<1x1x16xf32>,
      %broadcast_in_dim3A_116 = arith.constant 0.000000e+00 : f32
      %broadcast_in_dim3A_117 = vector.broadcast %broadcast_in_dim3A_116 : f32 to vector<16xf32>
      %swap3A_118 = arith.constant 0 : i32
      %swap3A_119 = arith.index_cast %swap3A_118 : i32 to index
      %swap3A_120 = arith.index_cast %scan3A_54 : i32 to index
      %swap3A_121 = arith.constant 112 : index
      %swap3A_122 = tpu.vector_load %arg14[%swap3A_119, %swap3A_120, %swap3A_121] {strides = array<i32>} : memref<2x128x128xf32, #tpu.memory_space<vmem>>, vector<1x1x16xf32>,
      %swap3A_123 = vector.shape_cast %swap3A_122 : vector<1x1x16xf32> to vector<16xf32>
      %swap3A_124 = vector.shape_cast %broadcast_in_dim3A_117 : vector<16xf32> to vector<1x1x16xf32>
      tpu.vector_store %arg14[%swap3A_119, %swap3A_120, %swap3A_121], %swap3A_124 {strides = array<i32>} : memref<2x128x128xf32, #tpu.memory_space<vmem>>, vector<1x1x16xf32>,
    }
    %scan3A_7 = arith.constant 128 : i32
    %add3A = arith.constant 0 : i32
    %add3A_8 = arith.addi %mul3A_2, %add3A : i32
    %run_scoped3A = arith.constant 0 : i32
    "tpu.region"() ({
      %run_scoped3A_54 = tpu.sem_alloc : memref<!tpu.dma_semaphore, #tpu.memory_space<semaphore_mem>>
      %dma_start3A = arith.constant 0 : i32
      %dma_start3A_55 = arith.constant 0 : i32
      %dma_start3A_56 = tpu.memref_slice %arg14[%run_scoped3A, %dma_start3A, %dma_start3A_55] : memref<2x128x128xf32, #tpu.memory_space<vmem>> -> memref<1x128x128xf32, #tpu.memory_space<vmem>>
      %dma_start3A_57 = tpu.memref_squeeze %dma_start3A_56 : memref<1x128x128xf32, #tpu.memory_space<vmem>> -> memref<128x128xf32, #tpu.memory_space<vmem>>
      %dma_start3A_58 = arith.constant 0 : i32
      %dma_start3A_59 = tpu.memref_slice %arg5[%add3A_8, %dma_start3A_58] : memref<10112x128xf32, #tpu.memory_space<vmem_shared>> -> memref<128x128xf32, #tpu.memory_space<vmem_shared>>
      %dma_start3A_60 = arith.constant 0 : i32
      %dma_start3A_61 = tpu.memref_slice %arg5[%add3A_8, %dma_start3A_60] : memref<10112x128xf32, #tpu.memory_space<vmem_shared>> -> memref<128x128xf32, #tpu.memory_space<vmem_shared>>
      %dma_start3A_62 = arith.constant 0 : i32
      %dma_start3A_63 = arith.constant 0 : i32
      %dma_start3A_64 = tpu.memref_slice %arg14[%run_scoped3A, %dma_start3A_62, %dma_start3A_63] : memref<2x128x128xf32, #tpu.memory_space<vmem>> -> memref<1x128x128xf32, #tpu.memory_space<vmem>>
      %dma_start3A_65 = tpu.memref_squeeze %dma_start3A_64 : memref<1x128x128xf32, #tpu.memory_space<vmem>> -> memref<128x128xf32, #tpu.memory_space<vmem>>
      tpu.enqueue_dma source(%dma_start3A_65 : memref<128x128xf32, #tpu.memory_space<vmem>>) target(%dma_start3A_61 : memref<128x128xf32, #tpu.memory_space<vmem_shared>>) target_semaphore(%run_scoped3A_54 : memref<!tpu.dma_semaphore, #tpu.memory_space<semaphore_mem>>)
      %dma_wait3A = arith.constant 0 : i32
      %dma_wait3A_66 = arith.constant 0 : i32
      %dma_wait3A_67 = tpu.memref_slice %arg14[%run_scoped3A, %dma_wait3A, %dma_wait3A_66] : memref<2x128x128xf32, #tpu.memory_space<vmem>> -> memref<1x128x128xf32, #tpu.memory_space<vmem>>
      %dma_wait3A_68 = tpu.memref_squeeze %dma_wait3A_67 : memref<1x128x128xf32, #tpu.memory_space<vmem>> -> memref<128x128xf32, #tpu.memory_space<vmem>>
      %dma_wait3A_69 = arith.constant 0 : i32
      %dma_wait3A_70 = tpu.memref_slice %arg5[%add3A_8, %dma_wait3A_69] : memref<10112x128xf32, #tpu.memory_space<vmem_shared>> -> memref<128x128xf32, #tpu.memory_space<vmem_shared>>
      %dma_wait3A_71 = arith.constant 0 : i32
      %dma_wait3A_72 = tpu.memref_slice %arg5[%add3A_8, %dma_wait3A_71] : memref<10112x128xf32, #tpu.memory_space<vmem_shared>> -> memref<128x128xf32, #tpu.memory_space<vmem_shared>>
      %dma_wait3A_73 = arith.constant 0 : i32
      %dma_wait3A_74 = arith.constant 0 : i32
      %dma_wait3A_75 = tpu.memref_slice %arg14[%run_scoped3A, %dma_wait3A_73, %dma_wait3A_74] : memref<2x128x128xf32, #tpu.memory_space<vmem>> -> memref<1x128x128xf32, #tpu.memory_space<vmem>>
      %dma_wait3A_76 = tpu.memref_squeeze %dma_wait3A_75 : memref<1x128x128xf32, #tpu.memory_space<vmem>> -> memref<128x128xf32, #tpu.memory_space<vmem>>
      tpu.wait_dma2 semaphore(%run_scoped3A_54 : memref<!tpu.dma_semaphore, #tpu.memory_space<semaphore_mem>>) src(%dma_wait3A_76 : memref<128x128xf32, #tpu.memory_space<vmem>>) dst(%dma_wait3A_72 : memref<128x128xf32, #tpu.memory_space<vmem_shared>>)
      tpu.yield
    }) : () -> ()
    %add3A_9 = arith.constant 128 : i32
    %add3A_10 = arith.addi %mul3A_2, %add3A_9 : i32
    %run_scoped3A_11 = arith.constant 0 : i32
    "tpu.region"() ({
      %run_scoped3A_54 = tpu.sem_alloc : memref<!tpu.dma_semaphore, #tpu.memory_space<semaphore_mem>>
      %dma_start3A = arith.constant 0 : i32
      %dma_start3A_55 = arith.constant 0 : i32
      %dma_start3A_56 = tpu.memref_slice %arg14[%run_scoped3A_11, %dma_start3A, %dma_start3A_55] : memref<2x128x128xf32, #tpu.memory_space<vmem>> -> memref<1x128x128xf32, #tpu.memory_space<vmem>>
      %dma_start3A_57 = tpu.memref_squeeze %dma_start3A_56 : memref<1x128x128xf32, #tpu.memory_space<vmem>> -> memref<128x128xf32, #tpu.memory_space<vmem>>
      %dma_start3A_58 = arith.constant 0 : i32
      %dma_start3A_59 = tpu.memref_slice %arg5[%add3A_10, %dma_start3A_58] : memref<10112x128xf32, #tpu.memory_space<vmem_shared>> -> memref<128x128xf32, #tpu.memory_space<vmem_shared>>
      %dma_start3A_60 = arith.constant 0 : i32
      %dma_start3A_61 = tpu.memref_slice %arg5[%add3A_10, %dma_start3A_60] : memref<10112x128xf32, #tpu.memory_space<vmem_shared>> -> memref<128x128xf32, #tpu.memory_space<vmem_shared>>
      %dma_start3A_62 = arith.constant 0 : i32
      %dma_start3A_63 = arith.constant 0 : i32
      %dma_start3A_64 = tpu.memref_slice %arg14[%run_scoped3A_11, %dma_start3A_62, %dma_start3A_63] : memref<2x128x128xf32, #tpu.memory_space<vmem>> -> memref<1x128x128xf32, #tpu.memory_space<vmem>>
      %dma_start3A_65 = tpu.memref_squeeze %dma_start3A_64 : memref<1x128x128xf32, #tpu.memory_space<vmem>> -> memref<128x128xf32, #tpu.memory_space<vmem>>
      tpu.enqueue_dma source(%dma_start3A_65 : memref<128x128xf32, #tpu.memory_space<vmem>>) target(%dma_start3A_61 : memref<128x128xf32, #tpu.memory_space<vmem_shared>>) target_semaphore(%run_scoped3A_54 : memref<!tpu.dma_semaphore, #tpu.memory_space<semaphore_mem>>)
      %dma_wait3A = arith.constant 0 : i32
      %dma_wait3A_66 = arith.constant 0 : i32
      %dma_wait3A_67 = tpu.memref_slice %arg14[%run_scoped3A_11, %dma_wait3A, %dma_wait3A_66] : memref<2x128x128xf32, #tpu.memory_space<vmem>> -> memref<1x128x128xf32, #tpu.memory_space<vmem>>
      %dma_wait3A_68 = tpu.memref_squeeze %dma_wait3A_67 : memref<1x128x128xf32, #tpu.memory_space<vmem>> -> memref<128x128xf32, #tpu.memory_space<vmem>>
      %dma_wait3A_69 = arith.constant 0 : i32
      %dma_wait3A_70 = tpu.memref_slice %arg5[%add3A_10, %dma_wait3A_69] : memref<10112x128xf32, #tpu.memory_space<vmem_shared>> -> memref<128x128xf32, #tpu.memory_space<vmem_shared>>
      %dma_wait3A_71 = arith.constant 0 : i32
      %dma_wait3A_72 = tpu.memref_slice %arg5[%add3A_10, %dma_wait3A_71] : memref<10112x128xf32, #tpu.memory_space<vmem_shared>> -> memref<128x128xf32, #tpu.memory_space<vmem_shared>>
      %dma_wait3A_73 = arith.constant 0 : i32
      %dma_wait3A_74 = arith.constant 0 : i32
      %dma_wait3A_75 = tpu.memref_slice %arg14[%run_scoped3A_11, %dma_wait3A_73, %dma_wait3A_74] : memref<2x128x128xf32, #tpu.memory_space<vmem>> -> memref<1x128x128xf32, #tpu.memory_space<vmem>>
      %dma_wait3A_76 = tpu.memref_squeeze %dma_wait3A_75 : memref<1x128x128xf32, #tpu.memory_space<vmem>> -> memref<128x128xf32, #tpu.memory_space<vmem>>
      tpu.wait_dma2 semaphore(%run_scoped3A_54 : memref<!tpu.dma_semaphore, #tpu.memory_space<semaphore_mem>>) src(%dma_wait3A_76 : memref<128x128xf32, #tpu.memory_space<vmem>>) dst(%dma_wait3A_72 : memref<128x128xf32, #tpu.memory_space<vmem_shared>>)
      tpu.yield
    }) : () -> ()
    %add3A_12 = arith.constant 256 : i32
    %add3A_13 = arith.addi %mul3A_2, %add3A_12 : i32
    %run_scoped3A_14 = arith.constant 0 : i32
    "tpu.region"() ({
      %run_scoped3A_54 = tpu.sem_alloc : memref<!tpu.dma_semaphore, #tpu.memory_space<semaphore_mem>>
      %dma_start3A = arith.constant 0 : i32
      %dma_start3A_55 = arith.constant 0 : i32
      %dma_start3A_56 = tpu.memref_slice %arg14[%run_scoped3A_14, %dma_start3A, %dma_start3A_55] : memref<2x128x128xf32, #tpu.memory_space<vmem>> -> memref<1x128x128xf32, #tpu.memory_space<vmem>>
      %dma_start3A_57 = tpu.memref_squeeze %dma_start3A_56 : memref<1x128x128xf32, #tpu.memory_space<vmem>> -> memref<128x128xf32, #tpu.memory_space<vmem>>
      %dma_start3A_58 = arith.constant 0 : i32
      %dma_start3A_59 = tpu.memref_slice %arg5[%add3A_13, %dma_start3A_58] : memref<10112x128xf32, #tpu.memory_space<vmem_shared>> -> memref<128x128xf32, #tpu.memory_space<vmem_shared>>
      %dma_start3A_60 = arith.constant 0 : i32
      %dma_start3A_61 = tpu.memref_slice %arg5[%add3A_13, %dma_start3A_60] : memref<10112x128xf32, #tpu.memory_space<vmem_shared>> -> memref<128x128xf32, #tpu.memory_space<vmem_shared>>
      %dma_start3A_62 = arith.constant 0 : i32
      %dma_start3A_63 = arith.constant 0 : i32
      %dma_start3A_64 = tpu.memref_slice %arg14[%run_scoped3A_14, %dma_start3A_62, %dma_start3A_63] : memref<2x128x128xf32, #tpu.memory_space<vmem>> -> memref<1x128x128xf32, #tpu.memory_space<vmem>>
      %dma_start3A_65 = tpu.memref_squeeze %dma_start3A_64 : memref<1x128x128xf32, #tpu.memory_space<vmem>> -> memref<128x128xf32, #tpu.memory_space<vmem>>
      tpu.enqueue_dma source(%dma_start3A_65 : memref<128x128xf32, #tpu.memory_space<vmem>>) target(%dma_start3A_61 : memref<128x128xf32, #tpu.memory_space<vmem_shared>>) target_semaphore(%run_scoped3A_54 : memref<!tpu.dma_semaphore, #tpu.memory_space<semaphore_mem>>)
      %dma_wait3A = arith.constant 0 : i32
      %dma_wait3A_66 = arith.constant 0 : i32
      %dma_wait3A_67 = tpu.memref_slice %arg14[%run_scoped3A_14, %dma_wait3A, %dma_wait3A_66] : memref<2x128x128xf32, #tpu.memory_space<vmem>> -> memref<1x128x128xf32, #tpu.memory_space<vmem>>
      %dma_wait3A_68 = tpu.memref_squeeze %dma_wait3A_67 : memref<1x128x128xf32, #tpu.memory_space<vmem>> -> memref<128x128xf32, #tpu.memory_space<vmem>>
      %dma_wait3A_69 = arith.constant 0 : i32
      %dma_wait3A_70 = tpu.memref_slice %arg5[%add3A_13, %dma_wait3A_69] : memref<10112x128xf32, #tpu.memory_space<vmem_shared>> -> memref<128x128xf32, #tpu.memory_space<vmem_shared>>
      %dma_wait3A_71 = arith.constant 0 : i32
      %dma_wait3A_72 = tpu.memref_slice %arg5[%add3A_13, %dma_wait3A_71] : memref<10112x128xf32, #tpu.memory_space<vmem_shared>> -> memref<128x128xf32, #tpu.memory_space<vmem_shared>>
      %dma_wait3A_73 = arith.constant 0 : i32
      %dma_wait3A_74 = arith.constant 0 : i32
      %dma_wait3A_75 = tpu.memref_slice %arg14[%run_scoped3A_14, %dma_wait3A_73, %dma_wait3A_74] : memref<2x128x128xf32, #tpu.memory_space<vmem>> -> memref<1x128x128xf32, #tpu.memory_space<vmem>>
      %dma_wait3A_76 = tpu.memref_squeeze %dma_wait3A_75 : memref<1x128x128xf32, #tpu.memory_space<vmem>> -> memref<128x128xf32, #tpu.memory_space<vmem>>
      tpu.wait_dma2 semaphore(%run_scoped3A_54 : memref<!tpu.dma_semaphore, #tpu.memory_space<semaphore_mem>>) src(%dma_wait3A_76 : memref<128x128xf32, #tpu.memory_space<vmem>>) dst(%dma_wait3A_72 : memref<128x128xf32, #tpu.memory_space<vmem_shared>>)
      tpu.yield
    }) : () -> ()
    %add3A_15 = arith.constant 384 : i32
    %add3A_16 = arith.addi %mul3A_2, %add3A_15 : i32
    %run_scoped3A_17 = arith.constant 0 : i32
    "tpu.region"() ({
      %run_scoped3A_54 = tpu.sem_alloc : memref<!tpu.dma_semaphore, #tpu.memory_space<semaphore_mem>>
      %dma_start3A = arith.constant 0 : i32
      %dma_start3A_55 = arith.constant 0 : i32
      %dma_start3A_56 = tpu.memref_slice %arg14[%run_scoped3A_17, %dma_start3A, %dma_start3A_55] : memref<2x128x128xf32, #tpu.memory_space<vmem>> -> memref<1x128x128xf32, #tpu.memory_space<vmem>>
      %dma_start3A_57 = tpu.memref_squeeze %dma_start3A_56 : memref<1x128x128xf32, #tpu.memory_space<vmem>> -> memref<128x128xf32, #tpu.memory_space<vmem>>
      %dma_start3A_58 = arith.constant 0 : i32
      %dma_start3A_59 = tpu.memref_slice %arg5[%add3A_16, %dma_start3A_58] : memref<10112x128xf32, #tpu.memory_space<vmem_shared>> -> memref<128x128xf32, #tpu.memory_space<vmem_shared>>
      %dma_start3A_60 = arith.constant 0 : i32
      %dma_start3A_61 = tpu.memref_slice %arg5[%add3A_16, %dma_start3A_60] : memref<10112x128xf32, #tpu.memory_space<vmem_shared>> -> memref<128x128xf32, #tpu.memory_space<vmem_shared>>
      %dma_start3A_62 = arith.constant 0 : i32
      %dma_start3A_63 = arith.constant 0 : i32
      %dma_start3A_64 = tpu.memref_slice %arg14[%run_scoped3A_17, %dma_start3A_62, %dma_start3A_63] : memref<2x128x128xf32, #tpu.memory_space<vmem>> -> memref<1x128x128xf32, #tpu.memory_space<vmem>>
      %dma_start3A_65 = tpu.memref_squeeze %dma_start3A_64 : memref<1x128x128xf32, #tpu.memory_space<vmem>> -> memref<128x128xf32, #tpu.memory_space<vmem>>
      tpu.enqueue_dma source(%dma_start3A_65 : memref<128x128xf32, #tpu.memory_space<vmem>>) target(%dma_start3A_61 : memref<128x128xf32, #tpu.memory_space<vmem_shared>>) target_semaphore(%run_scoped3A_54 : memref<!tpu.dma_semaphore, #tpu.memory_space<semaphore_mem>>)
      %dma_wait3A = arith.constant 0 : i32
      %dma_wait3A_66 = arith.constant 0 : i32
      %dma_wait3A_67 = tpu.memref_slice %arg14[%run_scoped3A_17, %dma_wait3A, %dma_wait3A_66] : memref<2x128x128xf32, #tpu.memory_space<vmem>> -> memref<1x128x128xf32, #tpu.memory_space<vmem>>
      %dma_wait3A_68 = tpu.memref_squeeze %dma_wait3A_67 : memref<1x128x128xf32, #tpu.memory_space<vmem>> -> memref<128x128xf32, #tpu.memory_space<vmem>>
      %dma_wait3A_69 = arith.constant 0 : i32
      %dma_wait3A_70 = tpu.memref_slice %arg5[%add3A_16, %dma_wait3A_69] : memref<10112x128xf32, #tpu.memory_space<vmem_shared>> -> memref<128x128xf32, #tpu.memory_space<vmem_shared>>
      %dma_wait3A_71 = arith.constant 0 : i32
      %dma_wait3A_72 = tpu.memref_slice %arg5[%add3A_16, %dma_wait3A_71] : memref<10112x128xf32, #tpu.memory_space<vmem_shared>> -> memref<128x128xf32, #tpu.memory_space<vmem_shared>>
      %dma_wait3A_73 = arith.constant 0 : i32
      %dma_wait3A_74 = arith.constant 0 : i32
      %dma_wait3A_75 = tpu.memref_slice %arg14[%run_scoped3A_17, %dma_wait3A_73, %dma_wait3A_74] : memref<2x128x128xf32, #tpu.memory_space<vmem>> -> memref<1x128x128xf32, #tpu.memory_space<vmem>>
      %dma_wait3A_76 = tpu.memref_squeeze %dma_wait3A_75 : memref<1x128x128xf32, #tpu.memory_space<vmem>> -> memref<128x128xf32, #tpu.memory_space<vmem>>
      tpu.wait_dma2 semaphore(%run_scoped3A_54 : memref<!tpu.dma_semaphore, #tpu.memory_space<semaphore_mem>>) src(%dma_wait3A_76 : memref<128x128xf32, #tpu.memory_space<vmem>>) dst(%dma_wait3A_72 : memref<128x128xf32, #tpu.memory_space<vmem_shared>>)
      tpu.yield
    }) : () -> ()
    %add3A_18 = arith.constant 512 : i32
    %add3A_19 = arith.addi %mul3A_2, %add3A_18 : i32
    %run_scoped3A_20 = arith.constant 0 : i32
    "tpu.region"() ({
      %run_scoped3A_54 = tpu.sem_alloc : memref<!tpu.dma_semaphore, #tpu.memory_space<semaphore_mem>>
      %dma_start3A = arith.constant 0 : i32
      %dma_start3A_55 = arith.constant 0 : i32
      %dma_start3A_56 = tpu.memref_slice %arg14[%run_scoped3A_20, %dma_start3A, %dma_start3A_55] : memref<2x128x128xf32, #tpu.memory_space<vmem>> -> memref<1x120x128xf32, #tpu.memory_space<vmem>>
      %dma_start3A_57 = tpu.memref_squeeze %dma_start3A_56 : memref<1x120x128xf32, #tpu.memory_space<vmem>> -> memref<120x128xf32, #tpu.memory_space<vmem>>
      %dma_start3A_58 = arith.constant 0 : i32
      %dma_start3A_59 = tpu.memref_slice %arg5[%add3A_19, %dma_start3A_58] : memref<10112x128xf32, #tpu.memory_space<vmem_shared>> -> memref<120x128xf32, #tpu.memory_space<vmem_shared>>
      %dma_start3A_60 = arith.constant 0 : i32
      %dma_start3A_61 = tpu.memref_slice %arg5[%add3A_19, %dma_start3A_60] : memref<10112x128xf32, #tpu.memory_space<vmem_shared>> -> memref<120x128xf32, #tpu.memory_space<vmem_shared>>
      %dma_start3A_62 = arith.constant 0 : i32
      %dma_start3A_63 = arith.constant 0 : i32
      %dma_start3A_64 = tpu.memref_slice %arg14[%run_scoped3A_20, %dma_start3A_62, %dma_start3A_63] : memref<2x128x128xf32, #tpu.memory_space<vmem>> -> memref<1x120x128xf32, #tpu.memory_space<vmem>>
      %dma_start3A_65 = tpu.memref_squeeze %dma_start3A_64 : memref<1x120x128xf32, #tpu.memory_space<vmem>> -> memref<120x128xf32, #tpu.memory_space<vmem>>
      tpu.enqueue_dma source(%dma_start3A_65 : memref<120x128xf32, #tpu.memory_space<vmem>>) target(%dma_start3A_61 : memref<120x128xf32, #tpu.memory_space<vmem_shared>>) target_semaphore(%run_scoped3A_54 : memref<!tpu.dma_semaphore, #tpu.memory_space<semaphore_mem>>)
      %dma_wait3A = arith.constant 0 : i32
      %dma_wait3A_66 = arith.constant 0 : i32
      %dma_wait3A_67 = tpu.memref_slice %arg14[%run_scoped3A_20, %dma_wait3A, %dma_wait3A_66] : memref<2x128x128xf32, #tpu.memory_space<vmem>> -> memref<1x120x128xf32, #tpu.memory_space<vmem>>
      %dma_wait3A_68 = tpu.memref_squeeze %dma_wait3A_67 : memref<1x120x128xf32, #tpu.memory_space<vmem>> -> memref<120x128xf32, #tpu.memory_space<vmem>>
      %dma_wait3A_69 = arith.constant 0 : i32
      %dma_wait3A_70 = tpu.memref_slice %arg5[%add3A_19, %dma_wait3A_69] : memref<10112x128xf32, #tpu.memory_space<vmem_shared>> -> memref<120x128xf32, #tpu.memory_space<vmem_shared>>
      %dma_wait3A_71 = arith.constant 0 : i32
      %dma_wait3A_72 = tpu.memref_slice %arg5[%add3A_19, %dma_wait3A_71] : memref<10112x128xf32, #tpu.memory_space<vmem_shared>> -> memref<120x128xf32, #tpu.memory_space<vmem_shared>>
      %dma_wait3A_73 = arith.constant 0 : i32
      %dma_wait3A_74 = arith.constant 0 : i32
      %dma_wait3A_75 = tpu.memref_slice %arg14[%run_scoped3A_20, %dma_wait3A_73, %dma_wait3A_74] : memref<2x128x128xf32, #tpu.memory_space<vmem>> -> memref<1x120x128xf32, #tpu.memory_space<vmem>>
      %dma_wait3A_76 = tpu.memref_squeeze %dma_wait3A_75 : memref<1x120x128xf32, #tpu.memory_space<vmem>> -> memref<120x128xf32, #tpu.memory_space<vmem>>
      tpu.wait_dma2 semaphore(%run_scoped3A_54 : memref<!tpu.dma_semaphore, #tpu.memory_space<semaphore_mem>>) src(%dma_wait3A_76 : memref<120x128xf32, #tpu.memory_space<vmem>>) dst(%dma_wait3A_72 : memref<120x128xf32, #tpu.memory_space<vmem_shared>>)
      tpu.yield
    }) : () -> ()
    %eq3A = arith.constant 1 : i32
    %eq3A_21 = arith.cmpi eq, %arg0, %eq3A : i32
    %convert_element_type3A = arith.extui %eq3A_21 : i1 to i32
    %cond3A = arith.constant 0 : i32
    %cond3A_22 = arith.cmpi ne, %convert_element_type3A, %cond3A : i32
    scf.if %cond3A_22 {
      %scan3A_54 = arith.constant 0 : i32
      %scan3A_55 = arith.constant 0 : i32
      %scan3A_56 = arith.constant 128 : i32
      %scan3A_57 = arith.addi %scan3A_55, %scan3A_56 : i32
      %scan3A_58 = arith.constant 1 : i32
      scf.for %scan3A_60 = %scan3A_55 to %scan3A_57 step %scan3A_58  : i32 {
        %broadcast_in_dim3A = arith.constant 1.000000e+00 : f32
        %broadcast_in_dim3A_61 = vector.broadcast %broadcast_in_dim3A : f32 to vector<16xf32>
        %swap3A = arith.constant 0 : i32
        %swap3A_62 = arith.index_cast %swap3A : i32 to index
        %swap3A_63 = arith.index_cast %scan3A_60 : i32 to index
        %swap3A_64 = arith.constant 0 : index
        %swap3A_65 = tpu.vector_load %arg14[%swap3A_62, %swap3A_63, %swap3A_64] {strides = array<i32>} : memref<2x128x128xf32, #tpu.memory_space<vmem>>, vector<1x1x16xf32>,
        %swap3A_66 = vector.shape_cast %swap3A_65 : vector<1x1x16xf32> to vector<16xf32>
        %swap3A_67 = vector.shape_cast %broadcast_in_dim3A_61 : vector<16xf32> to vector<1x1x16xf32>
        tpu.vector_store %arg14[%swap3A_62, %swap3A_63, %swap3A_64], %swap3A_67 {strides = array<i32>} : memref<2x128x128xf32, #tpu.memory_space<vmem>>, vector<1x1x16xf32>,
        %broadcast_in_dim3A_68 = arith.constant 1.000000e+00 : f32
        %broadcast_in_dim3A_69 = vector.broadcast %broadcast_in_dim3A_68 : f32 to vector<16xf32>
        %swap3A_70 = arith.constant 0 : i32
        %swap3A_71 = arith.index_cast %swap3A_70 : i32 to index
        %swap3A_72 = arith.index_cast %scan3A_60 : i32 to index
        %swap3A_73 = arith.constant 16 : index
        %swap3A_74 = tpu.vector_load %arg14[%swap3A_71, %swap3A_72, %swap3A_73] {strides = array<i32>} : memref<2x128x128xf32, #tpu.memory_space<vmem>>, vector<1x1x16xf32>,
        %swap3A_75 = vector.shape_cast %swap3A_74 : vector<1x1x16xf32> to vector<16xf32>
        %swap3A_76 = vector.shape_cast %broadcast_in_dim3A_69 : vector<16xf32> to vector<1x1x16xf32>
        tpu.vector_store %arg14[%swap3A_71, %swap3A_72, %swap3A_73], %swap3A_76 {strides = array<i32>} : memref<2x128x128xf32, #tpu.memory_space<vmem>>, vector<1x1x16xf32>,
        %broadcast_in_dim3A_77 = arith.constant 1.000000e+00 : f32
        %broadcast_in_dim3A_78 = vector.broadcast %broadcast_in_dim3A_77 : f32 to vector<16xf32>
        %swap3A_79 = arith.constant 0 : i32
        %swap3A_80 = arith.index_cast %swap3A_79 : i32 to index
        %swap3A_81 = arith.index_cast %scan3A_60 : i32 to index
        %swap3A_82 = arith.constant 32 : index
        %swap3A_83 = tpu.vector_load %arg14[%swap3A_80, %swap3A_81, %swap3A_82] {strides = array<i32>} : memref<2x128x128xf32, #tpu.memory_space<vmem>>, vector<1x1x16xf32>,
        %swap3A_84 = vector.shape_cast %swap3A_83 : vector<1x1x16xf32> to vector<16xf32>
        %swap3A_85 = vector.shape_cast %broadcast_in_dim3A_78 : vector<16xf32> to vector<1x1x16xf32>
        tpu.vector_store %arg14[%swap3A_80, %swap3A_81, %swap3A_82], %swap3A_85 {strides = array<i32>} : memref<2x128x128xf32, #tpu.memory_space<vmem>>, vector<1x1x16xf32>,
        %broadcast_in_dim3A_86 = arith.constant 1.000000e+00 : f32
        %broadcast_in_dim3A_87 = vector.broadcast %broadcast_in_dim3A_86 : f32 to vector<16xf32>
        %swap3A_88 = arith.constant 0 : i32
        %swap3A_89 = arith.index_cast %swap3A_88 : i32 to index
        %swap3A_90 = arith.index_cast %scan3A_60 : i32 to index
        %swap3A_91 = arith.constant 48 : index
        %swap3A_92 = tpu.vector_load %arg14[%swap3A_89, %swap3A_90, %swap3A_91] {strides = array<i32>} : memref<2x128x128xf32, #tpu.memory_space<vmem>>, vector<1x1x16xf32>,
        %swap3A_93 = vector.shape_cast %swap3A_92 : vector<1x1x16xf32> to vector<16xf32>
        %swap3A_94 = vector.shape_cast %broadcast_in_dim3A_87 : vector<16xf32> to vector<1x1x16xf32>
        tpu.vector_store %arg14[%swap3A_89, %swap3A_90, %swap3A_91], %swap3A_94 {strides = array<i32>} : memref<2x128x128xf32, #tpu.memory_space<vmem>>, vector<1x1x16xf32>,
        %broadcast_in_dim3A_95 = arith.constant 1.000000e+00 : f32
        %broadcast_in_dim3A_96 = vector.broadcast %broadcast_in_dim3A_95 : f32 to vector<16xf32>
        %swap3A_97 = arith.constant 0 : i32
        %swap3A_98 = arith.index_cast %swap3A_97 : i32 to index
        %swap3A_99 = arith.index_cast %scan3A_60 : i32 to index
        %swap3A_100 = arith.constant 64 : index
        %swap3A_101 = tpu.vector_load %arg14[%swap3A_98, %swap3A_99, %swap3A_100] {strides = array<i32>} : memref<2x128x128xf32, #tpu.memory_space<vmem>>, vector<1x1x16xf32>,
        %swap3A_102 = vector.shape_cast %swap3A_101 : vector<1x1x16xf32> to vector<16xf32>
        %swap3A_103 = vector.shape_cast %broadcast_in_dim3A_96 : vector<16xf32> to vector<1x1x16xf32>
        tpu.vector_store %arg14[%swap3A_98, %swap3A_99, %swap3A_100], %swap3A_103 {strides = array<i32>} : memref<2x128x128xf32, #tpu.memory_space<vmem>>, vector<1x1x16xf32>,
        %broadcast_in_dim3A_104 = arith.constant 1.000000e+00 : f32
        %broadcast_in_dim3A_105 = vector.broadcast %broadcast_in_dim3A_104 : f32 to vector<16xf32>
        %swap3A_106 = arith.constant 0 : i32
        %swap3A_107 = arith.index_cast %swap3A_106 : i32 to index
        %swap3A_108 = arith.index_cast %scan3A_60 : i32 to index
        %swap3A_109 = arith.constant 80 : index
        %swap3A_110 = tpu.vector_load %arg14[%swap3A_107, %swap3A_108, %swap3A_109] {strides = array<i32>} : memref<2x128x128xf32, #tpu.memory_space<vmem>>, vector<1x1x16xf32>,
        %swap3A_111 = vector.shape_cast %swap3A_110 : vector<1x1x16xf32> to vector<16xf32>
        %swap3A_112 = vector.shape_cast %broadcast_in_dim3A_105 : vector<16xf32> to vector<1x1x16xf32>
        tpu.vector_store %arg14[%swap3A_107, %swap3A_108, %swap3A_109], %swap3A_112 {strides = array<i32>} : memref<2x128x128xf32, #tpu.memory_space<vmem>>, vector<1x1x16xf32>,
        %broadcast_in_dim3A_113 = arith.constant 1.000000e+00 : f32
        %broadcast_in_dim3A_114 = vector.broadcast %broadcast_in_dim3A_113 : f32 to vector<16xf32>
        %swap3A_115 = arith.constant 0 : i32
        %swap3A_116 = arith.index_cast %swap3A_115 : i32 to index
        %swap3A_117 = arith.index_cast %scan3A_60 : i32 to index
        %swap3A_118 = arith.constant 96 : index
        %swap3A_119 = tpu.vector_load %arg14[%swap3A_116, %swap3A_117, %swap3A_118] {strides = array<i32>} : memref<2x128x128xf32, #tpu.memory_space<vmem>>, vector<1x1x16xf32>,
        %swap3A_120 = vector.shape_cast %swap3A_119 : vector<1x1x16xf32> to vector<16xf32>
        %swap3A_121 = vector.shape_cast %broadcast_in_dim3A_114 : vector<16xf32> to vector<1x1x16xf32>
        tpu.vector_store %arg14[%swap3A_116, %swap3A_117, %swap3A_118], %swap3A_121 {strides = array<i32>} : memref<2x128x128xf32, #tpu.memory_space<vmem>>, vector<1x1x16xf32>,
        %broadcast_in_dim3A_122 = arith.constant 1.000000e+00 : f32
        %broadcast_in_dim3A_123 = vector.broadcast %broadcast_in_dim3A_122 : f32 to vector<16xf32>
        %swap3A_124 = arith.constant 0 : i32
        %swap3A_125 = arith.index_cast %swap3A_124 : i32 to index
        %swap3A_126 = arith.index_cast %scan3A_60 : i32 to index
        %swap3A_127 = arith.constant 112 : index
        %swap3A_128 = tpu.vector_load %arg14[%swap3A_125, %swap3A_126, %swap3A_127] {strides = array<i32>} : memref<2x128x128xf32, #tpu.memory_space<vmem>>, vector<1x1x16xf32>,
        %swap3A_129 = vector.shape_cast %swap3A_128 : vector<1x1x16xf32> to vector<16xf32>
        %swap3A_130 = vector.shape_cast %broadcast_in_dim3A_123 : vector<16xf32> to vector<1x1x16xf32>
        tpu.vector_store %arg14[%swap3A_125, %swap3A_126, %swap3A_127], %swap3A_130 {strides = array<i32>} : memref<2x128x128xf32, #tpu.memory_space<vmem>>, vector<1x1x16xf32>,
      }
      %scan3A_59 = arith.constant 128 : i32
    } else {
    }
    %barrier3A = arith.constant 0 : index
    tpu.barrier barrier_id(%barrier3A)
    %eq3A_23 = arith.constant 0 : i32
    %eq3A_24 = arith.cmpi eq, %arg0, %eq3A_23 : i32
    %convert_element_type3A_25 = arith.extui %eq3A_24 : i1 to i32
    %cond3A_26 = arith.constant 0 : i32
    %cond3A_27 = arith.cmpi ne, %convert_element_type3A_25, %cond3A_26 : i32
    scf.if %cond3A_27 {
      %add3A_54 = arith.constant 0 : i32
      %add3A_55 = arith.addi %mul3A_0, %add3A_54 : i32
      %dma_start3A = arith.constant 0 : i32
      %dma_start3A_56 = arith.constant 0 : i32
      %dma_start3A_57 = tpu.memref_slice %arg3[%add3A_55, %dma_start3A, %dma_start3A_56] : memref<2560x2x128xi32, #tpu.memory_space<hbm>> -> memref<1x1x128xi32, #tpu.memory_space<hbm>>
      %dma_start3A_58 = tpu.memref_squeeze %dma_start3A_57 : memref<1x1x128xi32, #tpu.memory_space<hbm>> -> memref<128xi32, #tpu.memory_space<hbm>>
      %dma_start3A_59 = arith.constant 0 : i32
      %dma_start3A_60 = tpu.memref_slice %arg3[%add3A_55, %dma_start3A, %dma_start3A_59] : memref<2560x2x128xi32, #tpu.memory_space<hbm>> -> memref<1x1x128xi32, #tpu.memory_space<hbm>>
      %dma_start3A_61 = tpu.memref_squeeze %dma_start3A_60 : memref<1x1x128xi32, #tpu.memory_space<hbm>> -> memref<128xi32, #tpu.memory_space<hbm>>
      tpu.enqueue_dma source(%dma_start3A_61 : memref<128xi32, #tpu.memory_space<hbm>>) target(%arg6 : memref<128xi32, #tpu.memory_space<vmem>>) target_semaphore(%arg15 : memref<!tpu.dma_semaphore, #tpu.memory_space<semaphore_mem>>)
      %add3A_62 = arith.constant 0 : i32
      %add3A_63 = arith.addi %mul3A_0, %add3A_62 : i32
      %dma_start3A_64 = arith.constant 1 : i32
      %dma_start3A_65 = arith.constant 0 : i32
      %dma_start3A_66 = tpu.memref_slice %arg3[%add3A_63, %dma_start3A_64, %dma_start3A_65] : memref<2560x2x128xi32, #tpu.memory_space<hbm>> -> memref<1x1x128xi32, #tpu.memory_space<hbm>>
      %dma_start3A_67 = tpu.memref_squeeze %dma_start3A_66 : memref<1x1x128xi32, #tpu.memory_space<hbm>> -> memref<128xi32, #tpu.memory_space<hbm>>
      %dma_start3A_68 = arith.constant 0 : i32
      %dma_start3A_69 = tpu.memref_slice %arg3[%add3A_63, %dma_start3A_64, %dma_start3A_68] : memref<2560x2x128xi32, #tpu.memory_space<hbm>> -> memref<1x1x128xi32, #tpu.memory_space<hbm>>
      %dma_start3A_70 = tpu.memref_squeeze %dma_start3A_69 : memref<1x1x128xi32, #tpu.memory_space<hbm>> -> memref<128xi32, #tpu.memory_space<hbm>>
      tpu.enqueue_dma source(%dma_start3A_70 : memref<128xi32, #tpu.memory_space<hbm>>) target(%arg10 : memref<128xi32, #tpu.memory_space<vmem>>) target_semaphore(%arg15 : memref<!tpu.dma_semaphore, #tpu.memory_space<semaphore_mem>>)
      %add3A_71 = arith.constant 1 : i32
      %add3A_72 = arith.addi %mul3A_0, %add3A_71 : i32
      %dma_start3A_73 = arith.constant 0 : i32
      %dma_start3A_74 = arith.constant 0 : i32
      %dma_start3A_75 = tpu.memref_slice %arg3[%add3A_72, %dma_start3A_73, %dma_start3A_74] : memref<2560x2x128xi32, #tpu.memory_space<hbm>> -> memref<1x1x128xi32, #tpu.memory_space<hbm>>
      %dma_start3A_76 = tpu.memref_squeeze %dma_start3A_75 : memref<1x1x128xi32, #tpu.memory_space<hbm>> -> memref<128xi32, #tpu.memory_space<hbm>>
      %dma_start3A_77 = arith.constant 0 : i32
      %dma_start3A_78 = tpu.memref_slice %arg3[%add3A_72, %dma_start3A_73, %dma_start3A_77] : memref<2560x2x128xi32, #tpu.memory_space<hbm>> -> memref<1x1x128xi32, #tpu.memory_space<hbm>>
      %dma_start3A_79 = tpu.memref_squeeze %dma_start3A_78 : memref<1x1x128xi32, #tpu.memory_space<hbm>> -> memref<128xi32, #tpu.memory_space<hbm>>
      tpu.enqueue_dma source(%dma_start3A_79 : memref<128xi32, #tpu.memory_space<hbm>>) target(%arg7 : memref<128xi32, #tpu.memory_space<vmem>>) target_semaphore(%arg16 : memref<!tpu.dma_semaphore, #tpu.memory_space<semaphore_mem>>)
      %add3A_80 = arith.constant 1 : i32
      %add3A_81 = arith.addi %mul3A_0, %add3A_80 : i32
      %dma_start3A_82 = arith.constant 1 : i32
      %dma_start3A_83 = arith.constant 0 : i32
      %dma_start3A_84 = tpu.memref_slice %arg3[%add3A_81, %dma_start3A_82, %dma_start3A_83] : memref<2560x2x128xi32, #tpu.memory_space<hbm>> -> memref<1x1x128xi32, #tpu.memory_space<hbm>>
      %dma_start3A_85 = tpu.memref_squeeze %dma_start3A_84 : memref<1x1x128xi32, #tpu.memory_space<hbm>> -> memref<128xi32, #tpu.memory_space<hbm>>
      %dma_start3A_86 = arith.constant 0 : i32
      %dma_start3A_87 = tpu.memref_slice %arg3[%add3A_81, %dma_start3A_82, %dma_start3A_86] : memref<2560x2x128xi32, #tpu.memory_space<hbm>> -> memref<1x1x128xi32, #tpu.memory_space<hbm>>
      %dma_start3A_88 = tpu.memref_squeeze %dma_start3A_87 : memref<1x1x128xi32, #tpu.memory_space<hbm>> -> memref<128xi32, #tpu.memory_space<hbm>>
      tpu.enqueue_dma source(%dma_start3A_88 : memref<128xi32, #tpu.memory_space<hbm>>) target(%arg11 : memref<128xi32, #tpu.memory_space<vmem>>) target_semaphore(%arg16 : memref<!tpu.dma_semaphore, #tpu.memory_space<semaphore_mem>>)
      %add3A_89 = arith.constant 2 : i32
      %add3A_90 = arith.addi %mul3A_0, %add3A_89 : i32
      %dma_start3A_91 = arith.constant 0 : i32
      %dma_start3A_92 = arith.constant 0 : i32
      %dma_start3A_93 = tpu.memref_slice %arg3[%add3A_90, %dma_start3A_91, %dma_start3A_92] : memref<2560x2x128xi32, #tpu.memory_space<hbm>> -> memref<1x1x128xi32, #tpu.memory_space<hbm>>
      %dma_start3A_94 = tpu.memref_squeeze %dma_start3A_93 : memref<1x1x128xi32, #tpu.memory_space<hbm>> -> memref<128xi32, #tpu.memory_space<hbm>>
      %dma_start3A_95 = arith.constant 0 : i32
      %dma_start3A_96 = tpu.memref_slice %arg3[%add3A_90, %dma_start3A_91, %dma_start3A_95] : memref<2560x2x128xi32, #tpu.memory_space<hbm>> -> memref<1x1x128xi32, #tpu.memory_space<hbm>>
      %dma_start3A_97 = tpu.memref_squeeze %dma_start3A_96 : memref<1x1x128xi32, #tpu.memory_space<hbm>> -> memref<128xi32, #tpu.memory_space<hbm>>
      tpu.enqueue_dma source(%dma_start3A_97 : memref<128xi32, #tpu.memory_space<hbm>>) target(%arg8 : memref<128xi32, #tpu.memory_space<vmem>>) target_semaphore(%arg17 : memref<!tpu.dma_semaphore, #tpu.memory_space<semaphore_mem>>)
      %add3A_98 = arith.constant 2 : i32
      %add3A_99 = arith.addi %mul3A_0, %add3A_98 : i32
      %dma_start3A_100 = arith.constant 1 : i32
      %dma_start3A_101 = arith.constant 0 : i32
      %dma_start3A_102 = tpu.memref_slice %arg3[%add3A_99, %dma_start3A_100, %dma_start3A_101] : memref<2560x2x128xi32, #tpu.memory_space<hbm>> -> memref<1x1x128xi32, #tpu.memory_space<hbm>>
      %dma_start3A_103 = tpu.memref_squeeze %dma_start3A_102 : memref<1x1x128xi32, #tpu.memory_space<hbm>> -> memref<128xi32, #tpu.memory_space<hbm>>
      %dma_start3A_104 = arith.constant 0 : i32
      %dma_start3A_105 = tpu.memref_slice %arg3[%add3A_99, %dma_start3A_100, %dma_start3A_104] : memref<2560x2x128xi32, #tpu.memory_space<hbm>> -> memref<1x1x128xi32, #tpu.memory_space<hbm>>
      %dma_start3A_106 = tpu.memref_squeeze %dma_start3A_105 : memref<1x1x128xi32, #tpu.memory_space<hbm>> -> memref<128xi32, #tpu.memory_space<hbm>>
      tpu.enqueue_dma source(%dma_start3A_106 : memref<128xi32, #tpu.memory_space<hbm>>) target(%arg12 : memref<128xi32, #tpu.memory_space<vmem>>) target_semaphore(%arg17 : memref<!tpu.dma_semaphore, #tpu.memory_space<semaphore_mem>>)
      %add3A_107 = arith.constant 3 : i32
      %add3A_108 = arith.addi %mul3A_0, %add3A_107 : i32
      %dma_start3A_109 = arith.constant 0 : i32
      %dma_start3A_110 = arith.constant 0 : i32
      %dma_start3A_111 = tpu.memref_slice %arg3[%add3A_108, %dma_start3A_109, %dma_start3A_110] : memref<2560x2x128xi32, #tpu.memory_space<hbm>> -> memref<1x1x128xi32, #tpu.memory_space<hbm>>
      %dma_start3A_112 = tpu.memref_squeeze %dma_start3A_111 : memref<1x1x128xi32, #tpu.memory_space<hbm>> -> memref<128xi32, #tpu.memory_space<hbm>>
      %dma_start3A_113 = arith.constant 0 : i32
      %dma_start3A_114 = tpu.memref_slice %arg3[%add3A_108, %dma_start3A_109, %dma_start3A_113] : memref<2560x2x128xi32, #tpu.memory_space<hbm>> -> memref<1x1x128xi32, #tpu.memory_space<hbm>>
      %dma_start3A_115 = tpu.memref_squeeze %dma_start3A_114 : memref<1x1x128xi32, #tpu.memory_space<hbm>> -> memref<128xi32, #tpu.memory_space<hbm>>
      tpu.enqueue_dma source(%dma_start3A_115 : memref<128xi32, #tpu.memory_space<hbm>>) target(%arg9 : memref<128xi32, #tpu.memory_space<vmem>>) target_semaphore(%arg18 : memref<!tpu.dma_semaphore, #tpu.memory_space<semaphore_mem>>)
      %add3A_116 = arith.constant 3 : i32
      %add3A_117 = arith.addi %mul3A_0, %add3A_116 : i32
      %dma_start3A_118 = arith.constant 1 : i32
      %dma_start3A_119 = arith.constant 0 : i32
      %dma_start3A_120 = tpu.memref_slice %arg3[%add3A_117, %dma_start3A_118, %dma_start3A_119] : memref<2560x2x128xi32, #tpu.memory_space<hbm>> -> memref<1x1x128xi32, #tpu.memory_space<hbm>>
      %dma_start3A_121 = tpu.memref_squeeze %dma_start3A_120 : memref<1x1x128xi32, #tpu.memory_space<hbm>> -> memref<128xi32, #tpu.memory_space<hbm>>
      %dma_start3A_122 = arith.constant 0 : i32
      %dma_start3A_123 = tpu.memref_slice %arg3[%add3A_117, %dma_start3A_118, %dma_start3A_122] : memref<2560x2x128xi32, #tpu.memory_space<hbm>> -> memref<1x1x128xi32, #tpu.memory_space<hbm>>
      %dma_start3A_124 = tpu.memref_squeeze %dma_start3A_123 : memref<1x1x128xi32, #tpu.memory_space<hbm>> -> memref<128xi32, #tpu.memory_space<hbm>>
      tpu.enqueue_dma source(%dma_start3A_124 : memref<128xi32, #tpu.memory_space<hbm>>) target(%arg13 : memref<128xi32, #tpu.memory_space<vmem>>) target_semaphore(%arg18 : memref<!tpu.dma_semaphore, #tpu.memory_space<semaphore_mem>>)
      %add3A_125 = arith.constant 0 : i32
      %add3A_126 = arith.addi %mul3A_0, %add3A_125 : i32
      %dma_wait3A = arith.constant 0 : i32
      %dma_wait3A_127 = arith.constant 0 : i32
      %dma_wait3A_128 = tpu.memref_slice %arg3[%add3A_126, %dma_wait3A, %dma_wait3A_127] : memref<2560x2x128xi32, #tpu.memory_space<hbm>> -> memref<1x1x128xi32, #tpu.memory_space<hbm>>
      %dma_wait3A_129 = tpu.memref_squeeze %dma_wait3A_128 : memref<1x1x128xi32, #tpu.memory_space<hbm>> -> memref<128xi32, #tpu.memory_space<hbm>>
      %dma_wait3A_130 = arith.constant 0 : i32
      %dma_wait3A_131 = tpu.memref_slice %arg3[%add3A_126, %dma_wait3A, %dma_wait3A_130] : memref<2560x2x128xi32, #tpu.memory_space<hbm>> -> memref<1x1x128xi32, #tpu.memory_space<hbm>>
      %dma_wait3A_132 = tpu.memref_squeeze %dma_wait3A_131 : memref<1x1x128xi32, #tpu.memory_space<hbm>> -> memref<128xi32, #tpu.memory_space<hbm>>
      tpu.wait_dma2 semaphore(%arg15 : memref<!tpu.dma_semaphore, #tpu.memory_space<semaphore_mem>>) src(%dma_wait3A_132 : memref<128xi32, #tpu.memory_space<hbm>>) dst(%arg6 : memref<128xi32, #tpu.memory_space<vmem>>)
      %add3A_133 = arith.constant 0 : i32
      %add3A_134 = arith.addi %mul3A_0, %add3A_133 : i32
      %dma_wait3A_135 = arith.constant 1 : i32
      %dma_wait3A_136 = arith.constant 0 : i32
      %dma_wait3A_137 = tpu.memref_slice %arg3[%add3A_134, %dma_wait3A_135, %dma_wait3A_136] : memref<2560x2x128xi32, #tpu.memory_space<hbm>> -> memref<1x1x128xi32, #tpu.memory_space<hbm>>
      %dma_wait3A_138 = tpu.memref_squeeze %dma_wait3A_137 : memref<1x1x128xi32, #tpu.memory_space<hbm>> -> memref<128xi32, #tpu.memory_space<hbm>>
      %dma_wait3A_139 = arith.constant 0 : i32
      %dma_wait3A_140 = tpu.memref_slice %arg3[%add3A_134, %dma_wait3A_135, %dma_wait3A_139] : memref<2560x2x128xi32, #tpu.memory_space<hbm>> -> memref<1x1x128xi32, #tpu.memory_space<hbm>>
      %dma_wait3A_141 = tpu.memref_squeeze %dma_wait3A_140 : memref<1x1x128xi32, #tpu.memory_space<hbm>> -> memref<128xi32, #tpu.memory_space<hbm>>
      tpu.wait_dma2 semaphore(%arg15 : memref<!tpu.dma_semaphore, #tpu.memory_space<semaphore_mem>>) src(%dma_wait3A_141 : memref<128xi32, #tpu.memory_space<hbm>>) dst(%arg10 : memref<128xi32, #tpu.memory_space<vmem>>)
      %dma_start3A_142 = arith.constant 0 : i32
      %dma_start3A_143 = arith.constant 0 : i32
      %dma_start3A_144 = arith.constant 0 : i32
      %dma_start3A_145 = tpu.memref_slice %arg14[%dma_start3A_142, %dma_start3A_143, %dma_start3A_144] : memref<2x128x128xf32, #tpu.memory_space<vmem>> -> memref<1x128x128xf32, #tpu.memory_space<vmem>>
      %dma_start3A_146 = tpu.memref_squeeze %dma_start3A_145 : memref<1x128x128xf32, #tpu.memory_space<vmem>> -> memref<128x128xf32, #tpu.memory_space<vmem>>
      %dma_start3A_147 = arith.constant 0 : i32
      %dma_start3A_148 = arith.constant 0 : i32
      %dma_start3A_149 = tpu.memref_slice %arg2[%dma_start3A_147, %dma_start3A_148] : memref<10000x128xf32, #tpu.memory_space<hbm>> -> memref<10000x128xf32, #tpu.memory_space<hbm>>
      tpu.enqueue_indirect_dma source(%dma_start3A_149 : memref<10000x128xf32, #tpu.memory_space<hbm>>) target(%dma_start3A_146 : memref<128x128xf32, #tpu.memory_space<vmem>>) offsets(%arg6 : memref<128xi32, #tpu.memory_space<vmem>>) semaphore(%arg19 : memref<!tpu.dma_semaphore, #tpu.memory_space<semaphore_mem>>)
      %scan3A_150 = arith.constant 0 : i32
      %scan3A_151 = arith.constant 0 : i32
      %scan3A_152 = arith.constant 40 : i32
      %scan3A_153 = arith.addi %scan3A_151, %scan3A_152 : i32
      %scan3A_154 = arith.constant 1 : i32
      scf.for %scan3A_156 = %scan3A_151 to %scan3A_153 step %scan3A_154  : i32 {
        %mul3A_157 = arith.constant 4 : i32
        %mul3A_158 = arith.muli %scan3A_156, %mul3A_157 : i32
        %add3A_159 = arith.constant 0 : i32
        %add3A_160 = arith.addi %mul3A_158, %add3A_159 : i32
        %add3A_161 = arith.constant 1 : i32
        %add3A_162 = arith.addi %add3A_160, %add3A_161 : i32
        %lt3A = arith.constant 160 : i32
        %lt3A_163 = arith.cmpi slt, %add3A_162, %lt3A : i32
        %convert_element_type3A_164 = arith.extui %lt3A_163 : i1 to i32
        %cond3A_165 = arith.constant 0 : i32
        %cond3A_166 = arith.cmpi ne, %convert_element_type3A_164, %cond3A_165 : i32
        scf.if %cond3A_166 {
          %add3A_264 = arith.constant 1 : i32
          %add3A_265 = arith.addi %add3A_160, %add3A_264 : i32
          %add3A_266 = arith.addi %mul3A_0, %add3A_265 : i32
          %dma_wait3A_267 = arith.constant 0 : i32
          %dma_wait3A_268 = arith.constant 0 : i32
          %dma_wait3A_269 = tpu.memref_slice %arg3[%add3A_266, %dma_wait3A_267, %dma_wait3A_268] : memref<2560x2x128xi32, #tpu.memory_space<hbm>> -> memref<1x1x128xi32, #tpu.memory_space<hbm>>
          %dma_wait3A_270 = tpu.memref_squeeze %dma_wait3A_269 : memref<1x1x128xi32, #tpu.memory_space<hbm>> -> memref<128xi32, #tpu.memory_space<hbm>>
          %dma_wait3A_271 = arith.constant 0 : i32
          %dma_wait3A_272 = tpu.memref_slice %arg3[%add3A_266, %dma_wait3A_267, %dma_wait3A_271] : memref<2560x2x128xi32, #tpu.memory_space<hbm>> -> memref<1x1x128xi32, #tpu.memory_space<hbm>>
          %dma_wait3A_273 = tpu.memref_squeeze %dma_wait3A_272 : memref<1x1x128xi32, #tpu.memory_space<hbm>> -> memref<128xi32, #tpu.memory_space<hbm>>
          tpu.wait_dma2 semaphore(%arg16 : memref<!tpu.dma_semaphore, #tpu.memory_space<semaphore_mem>>) src(%dma_wait3A_273 : memref<128xi32, #tpu.memory_space<hbm>>) dst(%arg7 : memref<128xi32, #tpu.memory_space<vmem>>)
          %add3A_274 = arith.addi %mul3A_0, %add3A_265 : i32
          %dma_wait3A_275 = arith.constant 1 : i32
          %dma_wait3A_276 = arith.constant 0 : i32
          %dma_wait3A_277 = tpu.memref_slice %arg3[%add3A_274, %dma_wait3A_275, %dma_wait3A_276] : memref<2560x2x128xi32, #tpu.memory_space<hbm>> -> memref<1x1x128xi32, #tpu.memory_space<hbm>>
          %dma_wait3A_278 = tpu.memref_squeeze %dma_wait3A_277 : memref<1x1x128xi32, #tpu.memory_space<hbm>> -> memref<128xi32, #tpu.memory_space<hbm>>
          %dma_wait3A_279 = arith.constant 0 : i32
          %dma_wait3A_280 = tpu.memref_slice %arg3[%add3A_274, %dma_wait3A_275, %dma_wait3A_279] : memref<2560x2x128xi32, #tpu.memory_space<hbm>> -> memref<1x1x128xi32, #tpu.memory_space<hbm>>
          %dma_wait3A_281 = tpu.memref_squeeze %dma_wait3A_280 : memref<1x1x128xi32, #tpu.memory_space<hbm>> -> memref<128xi32, #tpu.memory_space<hbm>>
          tpu.wait_dma2 semaphore(%arg16 : memref<!tpu.dma_semaphore, #tpu.memory_space<semaphore_mem>>) src(%dma_wait3A_281 : memref<128xi32, #tpu.memory_space<hbm>>) dst(%arg11 : memref<128xi32, #tpu.memory_space<vmem>>)
          %dma_start3A_282 = arith.constant 1 : i32
          %dma_start3A_283 = arith.constant 0 : i32
          %dma_start3A_284 = arith.constant 0 : i32
          %dma_start3A_285 = tpu.memref_slice %arg14[%dma_start3A_282, %dma_start3A_283, %dma_start3A_284] : memref<2x128x128xf32, #tpu.memory_space<vmem>> -> memref<1x128x128xf32, #tpu.memory_space<vmem>>
          %dma_start3A_286 = tpu.memref_squeeze %dma_start3A_285 : memref<1x128x128xf32, #tpu.memory_space<vmem>> -> memref<128x128xf32, #tpu.memory_space<vmem>>
          %dma_start3A_287 = arith.constant 0 : i32
          %dma_start3A_288 = arith.constant 0 : i32
          %dma_start3A_289 = tpu.memref_slice %arg2[%dma_start3A_287, %dma_start3A_288] : memref<10000x128xf32, #tpu.memory_space<hbm>> -> memref<10000x128xf32, #tpu.memory_space<hbm>>
          tpu.enqueue_indirect_dma source(%dma_start3A_289 : memref<10000x128xf32, #tpu.memory_space<hbm>>) target(%dma_start3A_286 : memref<128x128xf32, #tpu.memory_space<vmem>>) offsets(%arg7 : memref<128xi32, #tpu.memory_space<vmem>>) semaphore(%arg20 : memref<!tpu.dma_semaphore, #tpu.memory_space<semaphore_mem>>)
        } else {
        }
        %dma_wait3A_167 = arith.constant 0 : i32
        %dma_wait3A_168 = arith.constant 0 : i32
        %dma_wait3A_169 = arith.constant 0 : i32
        %dma_wait3A_170 = tpu.memref_slice %arg14[%dma_wait3A_167, %dma_wait3A_168, %dma_wait3A_169] : memref<2x128x128xf32, #tpu.memory_space<vmem>> -> memref<1x128x128xf32, #tpu.memory_space<vmem>>
        %dma_wait3A_171 = tpu.memref_squeeze %dma_wait3A_170 : memref<1x128x128xf32, #tpu.memory_space<vmem>> -> memref<128x128xf32, #tpu.memory_space<vmem>>
        %dma_wait3A_172 = arith.constant 0 : i32
        %dma_wait3A_173 = arith.constant 0 : i32
        %dma_wait3A_174 = tpu.memref_slice %arg2[%dma_wait3A_172, %dma_wait3A_173] : memref<10000x128xf32, #tpu.memory_space<hbm>> -> memref<10000x128xf32, #tpu.memory_space<hbm>>
        tpu.wait_indirect_dma semaphore(%arg19 : memref<!tpu.dma_semaphore, #tpu.memory_space<semaphore_mem>>) src(%dma_wait3A_174 : memref<10000x128xf32, #tpu.memory_space<hbm>>) dst(%dma_wait3A_171 : memref<128x128xf32, #tpu.memory_space<vmem>>)
        %run_scoped3A_175 = arith.constant 0 : i32
        "tpu.region"() ({
          %run_scoped3A_264 = tpu.sem_alloc : memref<!tpu.dma_semaphore, #tpu.memory_space<semaphore_mem>>
          %dma_start3A_265 = arith.constant 0 : i32
          %dma_start3A_266 = arith.constant 0 : i32
          %dma_start3A_267 = tpu.memref_slice %arg14[%run_scoped3A_175, %dma_start3A_265, %dma_start3A_266] : memref<2x128x128xf32, #tpu.memory_space<vmem>> -> memref<1x128x128xf32, #tpu.memory_space<vmem>>
          %dma_start3A_268 = tpu.memref_squeeze %dma_start3A_267 : memref<1x128x128xf32, #tpu.memory_space<vmem>> -> memref<128x128xf32, #tpu.memory_space<vmem>>
          %dma_start3A_269 = arith.constant 0 : i32
          %dma_start3A_270 = arith.constant 0 : i32
          %dma_start3A_271 = tpu.memref_slice %arg5[%dma_start3A_269, %dma_start3A_270] : memref<10112x128xf32, #tpu.memory_space<vmem_shared>> -> memref<10112x128xf32, #tpu.memory_space<vmem_shared>>
          tpu.enqueue_indirect_dma source(%dma_start3A_268 : memref<128x128xf32, #tpu.memory_space<vmem>>) target(%dma_start3A_271 : memref<10112x128xf32, #tpu.memory_space<vmem_shared>>) offsets(%arg10 : memref<128xi32, #tpu.memory_space<vmem>>) semaphore(%run_scoped3A_264 : memref<!tpu.dma_semaphore, #tpu.memory_space<semaphore_mem>>) {add = true}
          %dma_wait3A_272 = arith.constant 0 : i32
          %dma_wait3A_273 = arith.constant 0 : i32
          %dma_wait3A_274 = tpu.memref_slice %arg14[%run_scoped3A_175, %dma_wait3A_272, %dma_wait3A_273] : memref<2x128x128xf32, #tpu.memory_space<vmem>> -> memref<1x128x128xf32, #tpu.memory_space<vmem>>
          %dma_wait3A_275 = tpu.memref_squeeze %dma_wait3A_274 : memref<1x128x128xf32, #tpu.memory_space<vmem>> -> memref<128x128xf32, #tpu.memory_space<vmem>>
          %dma_wait3A_276 = arith.constant 0 : i32
          %dma_wait3A_277 = arith.constant 0 : i32
          %dma_wait3A_278 = tpu.memref_slice %arg5[%dma_wait3A_276, %dma_wait3A_277] : memref<10112x128xf32, #tpu.memory_space<vmem_shared>> -> memref<10112x128xf32, #tpu.memory_space<vmem_shared>>
          tpu.wait_indirect_dma semaphore(%run_scoped3A_264 : memref<!tpu.dma_semaphore, #tpu.memory_space<semaphore_mem>>) src(%dma_wait3A_275 : memref<128x128xf32, #tpu.memory_space<vmem>>) dst(%dma_wait3A_278 : memref<10112x128xf32, #tpu.memory_space<vmem_shared>>)
          tpu.yield
        }) : () -> ()
        %add3A_176 = arith.constant 4 : i32
        %add3A_177 = arith.addi %add3A_160, %add3A_176 : i32
        %lt3A_178 = arith.constant 160 : i32
        %lt3A_179 = arith.cmpi slt, %add3A_177, %lt3A_178 : i32
        %convert_element_type3A_180 = arith.extui %lt3A_179 : i1 to i32
        %cond3A_181 = arith.constant 0 : i32
        %cond3A_182 = arith.cmpi ne, %convert_element_type3A_180, %cond3A_181 : i32
        scf.if %cond3A_182 {
          %add3A_264 = arith.constant 4 : i32
          %add3A_265 = arith.addi %add3A_160, %add3A_264 : i32
          %add3A_266 = arith.addi %mul3A_0, %add3A_265 : i32
          %dma_start3A_267 = arith.constant 0 : i32
          %dma_start3A_268 = arith.constant 0 : i32
          %dma_start3A_269 = tpu.memref_slice %arg3[%add3A_266, %dma_start3A_267, %dma_start3A_268] : memref<2560x2x128xi32, #tpu.memory_space<hbm>> -> memref<1x1x128xi32, #tpu.memory_space<hbm>>
          %dma_start3A_270 = tpu.memref_squeeze %dma_start3A_269 : memref<1x1x128xi32, #tpu.memory_space<hbm>> -> memref<128xi32, #tpu.memory_space<hbm>>
          %dma_start3A_271 = arith.constant 0 : i32
          %dma_start3A_272 = tpu.memref_slice %arg3[%add3A_266, %dma_start3A_267, %dma_start3A_271] : memref<2560x2x128xi32, #tpu.memory_space<hbm>> -> memref<1x1x128xi32, #tpu.memory_space<hbm>>
          %dma_start3A_273 = tpu.memref_squeeze %dma_start3A_272 : memref<1x1x128xi32, #tpu.memory_space<hbm>> -> memref<128xi32, #tpu.memory_space<hbm>>
          tpu.enqueue_dma source(%dma_start3A_273 : memref<128xi32, #tpu.memory_space<hbm>>) target(%arg6 : memref<128xi32, #tpu.memory_space<vmem>>) target_semaphore(%arg15 : memref<!tpu.dma_semaphore, #tpu.memory_space<semaphore_mem>>)
          %add3A_274 = arith.addi %mul3A_0, %add3A_265 : i32
          %dma_start3A_275 = arith.constant 1 : i32
          %dma_start3A_276 = arith.constant 0 : i32
          %dma_start3A_277 = tpu.memref_slice %arg3[%add3A_274, %dma_start3A_275, %dma_start3A_276] : memref<2560x2x128xi32, #tpu.memory_space<hbm>> -> memref<1x1x128xi32, #tpu.memory_space<hbm>>
          %dma_start3A_278 = tpu.memref_squeeze %dma_start3A_277 : memref<1x1x128xi32, #tpu.memory_space<hbm>> -> memref<128xi32, #tpu.memory_space<hbm>>
          %dma_start3A_279 = arith.constant 0 : i32
          %dma_start3A_280 = tpu.memref_slice %arg3[%add3A_274, %dma_start3A_275, %dma_start3A_279] : memref<2560x2x128xi32, #tpu.memory_space<hbm>> -> memref<1x1x128xi32, #tpu.memory_space<hbm>>
          %dma_start3A_281 = tpu.memref_squeeze %dma_start3A_280 : memref<1x1x128xi32, #tpu.memory_space<hbm>> -> memref<128xi32, #tpu.memory_space<hbm>>
          tpu.enqueue_dma source(%dma_start3A_281 : memref<128xi32, #tpu.memory_space<hbm>>) target(%arg10 : memref<128xi32, #tpu.memory_space<vmem>>) target_semaphore(%arg15 : memref<!tpu.dma_semaphore, #tpu.memory_space<semaphore_mem>>)
        } else {
        }
        %mul3A_183 = arith.constant 4 : i32
        %mul3A_184 = arith.muli %scan3A_156, %mul3A_183 : i32
        %add3A_185 = arith.constant 1 : i32
        %add3A_186 = arith.addi %mul3A_184, %add3A_185 : i32
        %add3A_187 = arith.constant 1 : i32
        %add3A_188 = arith.addi %add3A_186, %add3A_187 : i32
        %lt3A_189 = arith.constant 160 : i32
        %lt3A_190 = arith.cmpi slt, %add3A_188, %lt3A_189 : i32
        %convert_element_type3A_191 = arith.extui %lt3A_190 : i1 to i32
        %cond3A_192 = arith.constant 0 : i32
        %cond3A_193 = arith.cmpi ne, %convert_element_type3A_191, %cond3A_192 : i32
        scf.if %cond3A_193 {
          %add3A_264 = arith.constant 1 : i32
          %add3A_265 = arith.addi %add3A_186, %add3A_264 : i32
          %add3A_266 = arith.addi %mul3A_0, %add3A_265 : i32
          %dma_wait3A_267 = arith.constant 0 : i32
          %dma_wait3A_268 = arith.constant 0 : i32
          %dma_wait3A_269 = tpu.memref_slice %arg3[%add3A_266, %dma_wait3A_267, %dma_wait3A_268] : memref<2560x2x128xi32, #tpu.memory_space<hbm>> -> memref<1x1x128xi32, #tpu.memory_space<hbm>>
          %dma_wait3A_270 = tpu.memref_squeeze %dma_wait3A_269 : memref<1x1x128xi32, #tpu.memory_space<hbm>> -> memref<128xi32, #tpu.memory_space<hbm>>
          %dma_wait3A_271 = arith.constant 0 : i32
          %dma_wait3A_272 = tpu.memref_slice %arg3[%add3A_266, %dma_wait3A_267, %dma_wait3A_271] : memref<2560x2x128xi32, #tpu.memory_space<hbm>> -> memref<1x1x128xi32, #tpu.memory_space<hbm>>
          %dma_wait3A_273 = tpu.memref_squeeze %dma_wait3A_272 : memref<1x1x128xi32, #tpu.memory_space<hbm>> -> memref<128xi32, #tpu.memory_space<hbm>>
          tpu.wait_dma2 semaphore(%arg17 : memref<!tpu.dma_semaphore, #tpu.memory_space<semaphore_mem>>) src(%dma_wait3A_273 : memref<128xi32, #tpu.memory_space<hbm>>) dst(%arg8 : memref<128xi32, #tpu.memory_space<vmem>>)
          %add3A_274 = arith.addi %mul3A_0, %add3A_265 : i32
          %dma_wait3A_275 = arith.constant 1 : i32
          %dma_wait3A_276 = arith.constant 0 : i32
          %dma_wait3A_277 = tpu.memref_slice %arg3[%add3A_274, %dma_wait3A_275, %dma_wait3A_276] : memref<2560x2x128xi32, #tpu.memory_space<hbm>> -> memref<1x1x128xi32, #tpu.memory_space<hbm>>
          %dma_wait3A_278 = tpu.memref_squeeze %dma_wait3A_277 : memref<1x1x128xi32, #tpu.memory_space<hbm>> -> memref<128xi32, #tpu.memory_space<hbm>>
          %dma_wait3A_279 = arith.constant 0 : i32
          %dma_wait3A_280 = tpu.memref_slice %arg3[%add3A_274, %dma_wait3A_275, %dma_wait3A_279] : memref<2560x2x128xi32, #tpu.memory_space<hbm>> -> memref<1x1x128xi32, #tpu.memory_space<hbm>>
          %dma_wait3A_281 = tpu.memref_squeeze %dma_wait3A_280 : memref<1x1x128xi32, #tpu.memory_space<hbm>> -> memref<128xi32, #tpu.memory_space<hbm>>
          tpu.wait_dma2 semaphore(%arg17 : memref<!tpu.dma_semaphore, #tpu.memory_space<semaphore_mem>>) src(%dma_wait3A_281 : memref<128xi32, #tpu.memory_space<hbm>>) dst(%arg12 : memref<128xi32, #tpu.memory_space<vmem>>)
          %dma_start3A_282 = arith.constant 0 : i32
          %dma_start3A_283 = arith.constant 0 : i32
          %dma_start3A_284 = arith.constant 0 : i32
          %dma_start3A_285 = tpu.memref_slice %arg14[%dma_start3A_282, %dma_start3A_283, %dma_start3A_284] : memref<2x128x128xf32, #tpu.memory_space<vmem>> -> memref<1x128x128xf32, #tpu.memory_space<vmem>>
          %dma_start3A_286 = tpu.memref_squeeze %dma_start3A_285 : memref<1x128x128xf32, #tpu.memory_space<vmem>> -> memref<128x128xf32, #tpu.memory_space<vmem>>
          %dma_start3A_287 = arith.constant 0 : i32
          %dma_start3A_288 = arith.constant 0 : i32
          %dma_start3A_289 = tpu.memref_slice %arg2[%dma_start3A_287, %dma_start3A_288] : memref<10000x128xf32, #tpu.memory_space<hbm>> -> memref<10000x128xf32, #tpu.memory_space<hbm>>
          tpu.enqueue_indirect_dma source(%dma_start3A_289 : memref<10000x128xf32, #tpu.memory_space<hbm>>) target(%dma_start3A_286 : memref<128x128xf32, #tpu.memory_space<vmem>>) offsets(%arg8 : memref<128xi32, #tpu.memory_space<vmem>>) semaphore(%arg19 : memref<!tpu.dma_semaphore, #tpu.memory_space<semaphore_mem>>)
        } else {
        }
        %dma_wait3A_194 = arith.constant 1 : i32
        %dma_wait3A_195 = arith.constant 0 : i32
        %dma_wait3A_196 = arith.constant 0 : i32
        %dma_wait3A_197 = tpu.memref_slice %arg14[%dma_wait3A_194, %dma_wait3A_195, %dma_wait3A_196] : memref<2x128x128xf32, #tpu.memory_space<vmem>> -> memref<1x128x128xf32, #tpu.memory_space<vmem>>
        %dma_wait3A_198 = tpu.memref_squeeze %dma_wait3A_197 : memref<1x128x128xf32, #tpu.memory_space<vmem>> -> memref<128x128xf32, #tpu.memory_space<vmem>>
        %dma_wait3A_199 = arith.constant 0 : i32
        %dma_wait3A_200 = arith.constant 0 : i32
        %dma_wait3A_201 = tpu.memref_slice %arg2[%dma_wait3A_199, %dma_wait3A_200] : memref<10000x128xf32, #tpu.memory_space<hbm>> -> memref<10000x128xf32, #tpu.memory_space<hbm>>
        tpu.wait_indirect_dma semaphore(%arg20 : memref<!tpu.dma_semaphore, #tpu.memory_space<semaphore_mem>>) src(%dma_wait3A_201 : memref<10000x128xf32, #tpu.memory_space<hbm>>) dst(%dma_wait3A_198 : memref<128x128xf32, #tpu.memory_space<vmem>>)
        %run_scoped3A_202 = arith.constant 1 : i32
        "tpu.region"() ({
          %run_scoped3A_264 = tpu.sem_alloc : memref<!tpu.dma_semaphore, #tpu.memory_space<semaphore_mem>>
          %dma_start3A_265 = arith.constant 0 : i32
          %dma_start3A_266 = arith.constant 0 : i32
          %dma_start3A_267 = tpu.memref_slice %arg14[%run_scoped3A_202, %dma_start3A_265, %dma_start3A_266] : memref<2x128x128xf32, #tpu.memory_space<vmem>> -> memref<1x128x128xf32, #tpu.memory_space<vmem>>
          %dma_start3A_268 = tpu.memref_squeeze %dma_start3A_267 : memref<1x128x128xf32, #tpu.memory_space<vmem>> -> memref<128x128xf32, #tpu.memory_space<vmem>>
          %dma_start3A_269 = arith.constant 0 : i32
          %dma_start3A_270 = arith.constant 0 : i32
          %dma_start3A_271 = tpu.memref_slice %arg5[%dma_start3A_269, %dma_start3A_270] : memref<10112x128xf32, #tpu.memory_space<vmem_shared>> -> memref<10112x128xf32, #tpu.memory_space<vmem_shared>>
          tpu.enqueue_indirect_dma source(%dma_start3A_268 : memref<128x128xf32, #tpu.memory_space<vmem>>) target(%dma_start3A_271 : memref<10112x128xf32, #tpu.memory_space<vmem_shared>>) offsets(%arg11 : memref<128xi32, #tpu.memory_space<vmem>>) semaphore(%run_scoped3A_264 : memref<!tpu.dma_semaphore, #tpu.memory_space<semaphore_mem>>) {add = true}
          %dma_wait3A_272 = arith.constant 0 : i32
          %dma_wait3A_273 = arith.constant 0 : i32
          %dma_wait3A_274 = tpu.memref_slice %arg14[%run_scoped3A_202, %dma_wait3A_272, %dma_wait3A_273] : memref<2x128x128xf32, #tpu.memory_space<vmem>> -> memref<1x128x128xf32, #tpu.memory_space<vmem>>
          %dma_wait3A_275 = tpu.memref_squeeze %dma_wait3A_274 : memref<1x128x128xf32, #tpu.memory_space<vmem>> -> memref<128x128xf32, #tpu.memory_space<vmem>>
          %dma_wait3A_276 = arith.constant 0 : i32
          %dma_wait3A_277 = arith.constant 0 : i32
          %dma_wait3A_278 = tpu.memref_slice %arg5[%dma_wait3A_276, %dma_wait3A_277] : memref<10112x128xf32, #tpu.memory_space<vmem_shared>> -> memref<10112x128xf32, #tpu.memory_space<vmem_shared>>
          tpu.wait_indirect_dma semaphore(%run_scoped3A_264 : memref<!tpu.dma_semaphore, #tpu.memory_space<semaphore_mem>>) src(%dma_wait3A_275 : memref<128x128xf32, #tpu.memory_space<vmem>>) dst(%dma_wait3A_278 : memref<10112x128xf32, #tpu.memory_space<vmem_shared>>)
          tpu.yield
        }) : () -> ()
        %add3A_203 = arith.constant 4 : i32
        %add3A_204 = arith.addi %add3A_186, %add3A_203 : i32
        %lt3A_205 = arith.constant 160 : i32
        %lt3A_206 = arith.cmpi slt, %add3A_204, %lt3A_205 : i32
        %convert_element_type3A_207 = arith.extui %lt3A_206 : i1 to i32
        %cond3A_208 = arith.constant 0 : i32
        %cond3A_209 = arith.cmpi ne, %convert_element_type3A_207, %cond3A_208 : i32
        scf.if %cond3A_209 {
          %add3A_264 = arith.constant 4 : i32
          %add3A_265 = arith.addi %add3A_186, %add3A_264 : i32
          %add3A_266 = arith.addi %mul3A_0, %add3A_265 : i32
          %dma_start3A_267 = arith.constant 0 : i32
          %dma_start3A_268 = arith.constant 0 : i32
          %dma_start3A_269 = tpu.memref_slice %arg3[%add3A_266, %dma_start3A_267, %dma_start3A_268] : memref<2560x2x128xi32, #tpu.memory_space<hbm>> -> memref<1x1x128xi32, #tpu.memory_space<hbm>>
          %dma_start3A_270 = tpu.memref_squeeze %dma_start3A_269 : memref<1x1x128xi32, #tpu.memory_space<hbm>> -> memref<128xi32, #tpu.memory_space<hbm>>
          %dma_start3A_271 = arith.constant 0 : i32
          %dma_start3A_272 = tpu.memref_slice %arg3[%add3A_266, %dma_start3A_267, %dma_start3A_271] : memref<2560x2x128xi32, #tpu.memory_space<hbm>> -> memref<1x1x128xi32, #tpu.memory_space<hbm>>
          %dma_start3A_273 = tpu.memref_squeeze %dma_start3A_272 : memref<1x1x128xi32, #tpu.memory_space<hbm>> -> memref<128xi32, #tpu.memory_space<hbm>>
          tpu.enqueue_dma source(%dma_start3A_273 : memref<128xi32, #tpu.memory_space<hbm>>) target(%arg7 : memref<128xi32, #tpu.memory_space<vmem>>) target_semaphore(%arg16 : memref<!tpu.dma_semaphore, #tpu.memory_space<semaphore_mem>>)
          %add3A_274 = arith.addi %mul3A_0, %add3A_265 : i32
          %dma_start3A_275 = arith.constant 1 : i32
          %dma_start3A_276 = arith.constant 0 : i32
          %dma_start3A_277 = tpu.memref_slice %arg3[%add3A_274, %dma_start3A_275, %dma_start3A_276] : memref<2560x2x128xi32, #tpu.memory_space<hbm>> -> memref<1x1x128xi32, #tpu.memory_space<hbm>>
          %dma_start3A_278 = tpu.memref_squeeze %dma_start3A_277 : memref<1x1x128xi32, #tpu.memory_space<hbm>> -> memref<128xi32, #tpu.memory_space<hbm>>
          %dma_start3A_279 = arith.constant 0 : i32
          %dma_start3A_280 = tpu.memref_slice %arg3[%add3A_274, %dma_start3A_275, %dma_start3A_279] : memref<2560x2x128xi32, #tpu.memory_space<hbm>> -> memref<1x1x128xi32, #tpu.memory_space<hbm>>
          %dma_start3A_281 = tpu.memref_squeeze %dma_start3A_280 : memref<1x1x128xi32, #tpu.memory_space<hbm>> -> memref<128xi32, #tpu.memory_space<hbm>>
          tpu.enqueue_dma source(%dma_start3A_281 : memref<128xi32, #tpu.memory_space<hbm>>) target(%arg11 : memref<128xi32, #tpu.memory_space<vmem>>) target_semaphore(%arg16 : memref<!tpu.dma_semaphore, #tpu.memory_space<semaphore_mem>>)
        } else {
        }
        %mul3A_210 = arith.constant 4 : i32
        %mul3A_211 = arith.muli %scan3A_156, %mul3A_210 : i32
        %add3A_212 = arith.constant 2 : i32
        %add3A_213 = arith.addi %mul3A_211, %add3A_212 : i32
        %add3A_214 = arith.constant 1 : i32
        %add3A_215 = arith.addi %add3A_213, %add3A_214 : i32
        %lt3A_216 = arith.constant 160 : i32
        %lt3A_217 = arith.cmpi slt, %add3A_215, %lt3A_216 : i32
        %convert_element_type3A_218 = arith.extui %lt3A_217 : i1 to i32
        %cond3A_219 = arith.constant 0 : i32
        %cond3A_220 = arith.cmpi ne, %convert_element_type3A_218, %cond3A_219 : i32
        scf.if %cond3A_220 {
          %add3A_264 = arith.constant 1 : i32
          %add3A_265 = arith.addi %add3A_213, %add3A_264 : i32
          %add3A_266 = arith.addi %mul3A_0, %add3A_265 : i32
          %dma_wait3A_267 = arith.constant 0 : i32
          %dma_wait3A_268 = arith.constant 0 : i32
          %dma_wait3A_269 = tpu.memref_slice %arg3[%add3A_266, %dma_wait3A_267, %dma_wait3A_268] : memref<2560x2x128xi32, #tpu.memory_space<hbm>> -> memref<1x1x128xi32, #tpu.memory_space<hbm>>
          %dma_wait3A_270 = tpu.memref_squeeze %dma_wait3A_269 : memref<1x1x128xi32, #tpu.memory_space<hbm>> -> memref<128xi32, #tpu.memory_space<hbm>>
          %dma_wait3A_271 = arith.constant 0 : i32
          %dma_wait3A_272 = tpu.memref_slice %arg3[%add3A_266, %dma_wait3A_267, %dma_wait3A_271] : memref<2560x2x128xi32, #tpu.memory_space<hbm>> -> memref<1x1x128xi32, #tpu.memory_space<hbm>>
          %dma_wait3A_273 = tpu.memref_squeeze %dma_wait3A_272 : memref<1x1x128xi32, #tpu.memory_space<hbm>> -> memref<128xi32, #tpu.memory_space<hbm>>
          tpu.wait_dma2 semaphore(%arg18 : memref<!tpu.dma_semaphore, #tpu.memory_space<semaphore_mem>>) src(%dma_wait3A_273 : memref<128xi32, #tpu.memory_space<hbm>>) dst(%arg9 : memref<128xi32, #tpu.memory_space<vmem>>)
          %add3A_274 = arith.addi %mul3A_0, %add3A_265 : i32
          %dma_wait3A_275 = arith.constant 1 : i32
          %dma_wait3A_276 = arith.constant 0 : i32
          %dma_wait3A_277 = tpu.memref_slice %arg3[%add3A_274, %dma_wait3A_275, %dma_wait3A_276] : memref<2560x2x128xi32, #tpu.memory_space<hbm>> -> memref<1x1x128xi32, #tpu.memory_space<hbm>>
          %dma_wait3A_278 = tpu.memref_squeeze %dma_wait3A_277 : memref<1x1x128xi32, #tpu.memory_space<hbm>> -> memref<128xi32, #tpu.memory_space<hbm>>
          %dma_wait3A_279 = arith.constant 0 : i32
          %dma_wait3A_280 = tpu.memref_slice %arg3[%add3A_274, %dma_wait3A_275, %dma_wait3A_279] : memref<2560x2x128xi32, #tpu.memory_space<hbm>> -> memref<1x1x128xi32, #tpu.memory_space<hbm>>
          %dma_wait3A_281 = tpu.memref_squeeze %dma_wait3A_280 : memref<1x1x128xi32, #tpu.memory_space<hbm>> -> memref<128xi32, #tpu.memory_space<hbm>>
          tpu.wait_dma2 semaphore(%arg18 : memref<!tpu.dma_semaphore, #tpu.memory_space<semaphore_mem>>) src(%dma_wait3A_281 : memref<128xi32, #tpu.memory_space<hbm>>) dst(%arg13 : memref<128xi32, #tpu.memory_space<vmem>>)
          %dma_start3A_282 = arith.constant 1 : i32
          %dma_start3A_283 = arith.constant 0 : i32
          %dma_start3A_284 = arith.constant 0 : i32
          %dma_start3A_285 = tpu.memref_slice %arg14[%dma_start3A_282, %dma_start3A_283, %dma_start3A_284] : memref<2x128x128xf32, #tpu.memory_space<vmem>> -> memref<1x128x128xf32, #tpu.memory_space<vmem>>
          %dma_start3A_286 = tpu.memref_squeeze %dma_start3A_285 : memref<1x128x128xf32, #tpu.memory_space<vmem>> -> memref<128x128xf32, #tpu.memory_space<vmem>>
          %dma_start3A_287 = arith.constant 0 : i32
          %dma_start3A_288 = arith.constant 0 : i32
          %dma_start3A_289 = tpu.memref_slice %arg2[%dma_start3A_287, %dma_start3A_288] : memref<10000x128xf32, #tpu.memory_space<hbm>> -> memref<10000x128xf32, #tpu.memory_space<hbm>>
          tpu.enqueue_indirect_dma source(%dma_start3A_289 : memref<10000x128xf32, #tpu.memory_space<hbm>>) target(%dma_start3A_286 : memref<128x128xf32, #tpu.memory_space<vmem>>) offsets(%arg9 : memref<128xi32, #tpu.memory_space<vmem>>) semaphore(%arg20 : memref<!tpu.dma_semaphore, #tpu.memory_space<semaphore_mem>>)
        } else {
        }
        %dma_wait3A_221 = arith.constant 0 : i32
        %dma_wait3A_222 = arith.constant 0 : i32
        %dma_wait3A_223 = arith.constant 0 : i32
        %dma_wait3A_224 = tpu.memref_slice %arg14[%dma_wait3A_221, %dma_wait3A_222, %dma_wait3A_223] : memref<2x128x128xf32, #tpu.memory_space<vmem>> -> memref<1x128x128xf32, #tpu.memory_space<vmem>>
        %dma_wait3A_225 = tpu.memref_squeeze %dma_wait3A_224 : memref<1x128x128xf32, #tpu.memory_space<vmem>> -> memref<128x128xf32, #tpu.memory_space<vmem>>
        %dma_wait3A_226 = arith.constant 0 : i32
        %dma_wait3A_227 = arith.constant 0 : i32
        %dma_wait3A_228 = tpu.memref_slice %arg2[%dma_wait3A_226, %dma_wait3A_227] : memref<10000x128xf32, #tpu.memory_space<hbm>> -> memref<10000x128xf32, #tpu.memory_space<hbm>>
        tpu.wait_indirect_dma semaphore(%arg19 : memref<!tpu.dma_semaphore, #tpu.memory_space<semaphore_mem>>) src(%dma_wait3A_228 : memref<10000x128xf32, #tpu.memory_space<hbm>>) dst(%dma_wait3A_225 : memref<128x128xf32, #tpu.memory_space<vmem>>)
        %run_scoped3A_229 = arith.constant 0 : i32
        "tpu.region"() ({
          %run_scoped3A_264 = tpu.sem_alloc : memref<!tpu.dma_semaphore, #tpu.memory_space<semaphore_mem>>
          %dma_start3A_265 = arith.constant 0 : i32
          %dma_start3A_266 = arith.constant 0 : i32
          %dma_start3A_267 = tpu.memref_slice %arg14[%run_scoped3A_229, %dma_start3A_265, %dma_start3A_266] : memref<2x128x128xf32, #tpu.memory_space<vmem>> -> memref<1x128x128xf32, #tpu.memory_space<vmem>>
          %dma_start3A_268 = tpu.memref_squeeze %dma_start3A_267 : memref<1x128x128xf32, #tpu.memory_space<vmem>> -> memref<128x128xf32, #tpu.memory_space<vmem>>
          %dma_start3A_269 = arith.constant 0 : i32
          %dma_start3A_270 = arith.constant 0 : i32
          %dma_start3A_271 = tpu.memref_slice %arg5[%dma_start3A_269, %dma_start3A_270] : memref<10112x128xf32, #tpu.memory_space<vmem_shared>> -> memref<10112x128xf32, #tpu.memory_space<vmem_shared>>
          tpu.enqueue_indirect_dma source(%dma_start3A_268 : memref<128x128xf32, #tpu.memory_space<vmem>>) target(%dma_start3A_271 : memref<10112x128xf32, #tpu.memory_space<vmem_shared>>) offsets(%arg12 : memref<128xi32, #tpu.memory_space<vmem>>) semaphore(%run_scoped3A_264 : memref<!tpu.dma_semaphore, #tpu.memory_space<semaphore_mem>>) {add = true}
          %dma_wait3A_272 = arith.constant 0 : i32
          %dma_wait3A_273 = arith.constant 0 : i32
          %dma_wait3A_274 = tpu.memref_slice %arg14[%run_scoped3A_229, %dma_wait3A_272, %dma_wait3A_273] : memref<2x128x128xf32, #tpu.memory_space<vmem>> -> memref<1x128x128xf32, #tpu.memory_space<vmem>>
          %dma_wait3A_275 = tpu.memref_squeeze %dma_wait3A_274 : memref<1x128x128xf32, #tpu.memory_space<vmem>> -> memref<128x128xf32, #tpu.memory_space<vmem>>
          %dma_wait3A_276 = arith.constant 0 : i32
          %dma_wait3A_277 = arith.constant 0 : i32
          %dma_wait3A_278 = tpu.memref_slice %arg5[%dma_wait3A_276, %dma_wait3A_277] : memref<10112x128xf32, #tpu.memory_space<vmem_shared>> -> memref<10112x128xf32, #tpu.memory_space<vmem_shared>>
          tpu.wait_indirect_dma semaphore(%run_scoped3A_264 : memref<!tpu.dma_semaphore, #tpu.memory_space<semaphore_mem>>) src(%dma_wait3A_275 : memref<128x128xf32, #tpu.memory_space<vmem>>) dst(%dma_wait3A_278 : memref<10112x128xf32, #tpu.memory_space<vmem_shared>>)
          tpu.yield
        }) : () -> ()
        %add3A_230 = arith.constant 4 : i32
        %add3A_231 = arith.addi %add3A_213, %add3A_230 : i32
        %lt3A_232 = arith.constant 160 : i32
        %lt3A_233 = arith.cmpi slt, %add3A_231, %lt3A_232 : i32
        %convert_element_type3A_234 = arith.extui %lt3A_233 : i1 to i32
        %cond3A_235 = arith.constant 0 : i32
        %cond3A_236 = arith.cmpi ne, %convert_element_type3A_234, %cond3A_235 : i32
        scf.if %cond3A_236 {
          %add3A_264 = arith.constant 4 : i32
          %add3A_265 = arith.addi %add3A_213, %add3A_264 : i32
          %add3A_266 = arith.addi %mul3A_0, %add3A_265 : i32
          %dma_start3A_267 = arith.constant 0 : i32
          %dma_start3A_268 = arith.constant 0 : i32
          %dma_start3A_269 = tpu.memref_slice %arg3[%add3A_266, %dma_start3A_267, %dma_start3A_268] : memref<2560x2x128xi32, #tpu.memory_space<hbm>> -> memref<1x1x128xi32, #tpu.memory_space<hbm>>
          %dma_start3A_270 = tpu.memref_squeeze %dma_start3A_269 : memref<1x1x128xi32, #tpu.memory_space<hbm>> -> memref<128xi32, #tpu.memory_space<hbm>>
          %dma_start3A_271 = arith.constant 0 : i32
          %dma_start3A_272 = tpu.memref_slice %arg3[%add3A_266, %dma_start3A_267, %dma_start3A_271] : memref<2560x2x128xi32, #tpu.memory_space<hbm>> -> memref<1x1x128xi32, #tpu.memory_space<hbm>>
          %dma_start3A_273 = tpu.memref_squeeze %dma_start3A_272 : memref<1x1x128xi32, #tpu.memory_space<hbm>> -> memref<128xi32, #tpu.memory_space<hbm>>
          tpu.enqueue_dma source(%dma_start3A_273 : memref<128xi32, #tpu.memory_space<hbm>>) target(%arg8 : memref<128xi32, #tpu.memory_space<vmem>>) target_semaphore(%arg17 : memref<!tpu.dma_semaphore, #tpu.memory_space<semaphore_mem>>)
          %add3A_274 = arith.addi %mul3A_0, %add3A_265 : i32
          %dma_start3A_275 = arith.constant 1 : i32
          %dma_start3A_276 = arith.constant 0 : i32
          %dma_start3A_277 = tpu.memref_slice %arg3[%add3A_274, %dma_start3A_275, %dma_start3A_276] : memref<2560x2x128xi32, #tpu.memory_space<hbm>> -> memref<1x1x128xi32, #tpu.memory_space<hbm>>
          %dma_start3A_278 = tpu.memref_squeeze %dma_start3A_277 : memref<1x1x128xi32, #tpu.memory_space<hbm>> -> memref<128xi32, #tpu.memory_space<hbm>>
          %dma_start3A_279 = arith.constant 0 : i32
          %dma_start3A_280 = tpu.memref_slice %arg3[%add3A_274, %dma_start3A_275, %dma_start3A_279] : memref<2560x2x128xi32, #tpu.memory_space<hbm>> -> memref<1x1x128xi32, #tpu.memory_space<hbm>>
          %dma_start3A_281 = tpu.memref_squeeze %dma_start3A_280 : memref<1x1x128xi32, #tpu.memory_space<hbm>> -> memref<128xi32, #tpu.memory_space<hbm>>
          tpu.enqueue_dma source(%dma_start3A_281 : memref<128xi32, #tpu.memory_space<hbm>>) target(%arg12 : memref<128xi32, #tpu.memory_space<vmem>>) target_semaphore(%arg17 : memref<!tpu.dma_semaphore, #tpu.memory_space<semaphore_mem>>)
        } else {
        }
        %mul3A_237 = arith.constant 4 : i32
        %mul3A_238 = arith.muli %scan3A_156, %mul3A_237 : i32
        %add3A_239 = arith.constant 3 : i32
        %add3A_240 = arith.addi %mul3A_238, %add3A_239 : i32
        %add3A_241 = arith.constant 1 : i32
        %add3A_242 = arith.addi %add3A_240, %add3A_241 : i32
        %lt3A_243 = arith.constant 160 : i32
        %lt3A_244 = arith.cmpi slt, %add3A_242, %lt3A_243 : i32
        %convert_element_type3A_245 = arith.extui %lt3A_244 : i1 to i32
        %cond3A_246 = arith.constant 0 : i32
        %cond3A_247 = arith.cmpi ne, %convert_element_type3A_245, %cond3A_246 : i32
        scf.if %cond3A_247 {
          %add3A_264 = arith.constant 1 : i32
          %add3A_265 = arith.addi %add3A_240, %add3A_264 : i32
          %add3A_266 = arith.addi %mul3A_0, %add3A_265 : i32
          %dma_wait3A_267 = arith.constant 0 : i32
          %dma_wait3A_268 = arith.constant 0 : i32
          %dma_wait3A_269 = tpu.memref_slice %arg3[%add3A_266, %dma_wait3A_267, %dma_wait3A_268] : memref<2560x2x128xi32, #tpu.memory_space<hbm>> -> memref<1x1x128xi32, #tpu.memory_space<hbm>>
          %dma_wait3A_270 = tpu.memref_squeeze %dma_wait3A_269 : memref<1x1x128xi32, #tpu.memory_space<hbm>> -> memref<128xi32, #tpu.memory_space<hbm>>
          %dma_wait3A_271 = arith.constant 0 : i32
          %dma_wait3A_272 = tpu.memref_slice %arg3[%add3A_266, %dma_wait3A_267, %dma_wait3A_271] : memref<2560x2x128xi32, #tpu.memory_space<hbm>> -> memref<1x1x128xi32, #tpu.memory_space<hbm>>
          %dma_wait3A_273 = tpu.memref_squeeze %dma_wait3A_272 : memref<1x1x128xi32, #tpu.memory_space<hbm>> -> memref<128xi32, #tpu.memory_space<hbm>>
          tpu.wait_dma2 semaphore(%arg15 : memref<!tpu.dma_semaphore, #tpu.memory_space<semaphore_mem>>) src(%dma_wait3A_273 : memref<128xi32, #tpu.memory_space<hbm>>) dst(%arg6 : memref<128xi32, #tpu.memory_space<vmem>>)
          %add3A_274 = arith.addi %mul3A_0, %add3A_265 : i32
          %dma_wait3A_275 = arith.constant 1 : i32
          %dma_wait3A_276 = arith.constant 0 : i32
          %dma_wait3A_277 = tpu.memref_slice %arg3[%add3A_274, %dma_wait3A_275, %dma_wait3A_276] : memref<2560x2x128xi32, #tpu.memory_space<hbm>> -> memref<1x1x128xi32, #tpu.memory_space<hbm>>
          %dma_wait3A_278 = tpu.memref_squeeze %dma_wait3A_277 : memref<1x1x128xi32, #tpu.memory_space<hbm>> -> memref<128xi32, #tpu.memory_space<hbm>>
          %dma_wait3A_279 = arith.constant 0 : i32
          %dma_wait3A_280 = tpu.memref_slice %arg3[%add3A_274, %dma_wait3A_275, %dma_wait3A_279] : memref<2560x2x128xi32, #tpu.memory_space<hbm>> -> memref<1x1x128xi32, #tpu.memory_space<hbm>>
          %dma_wait3A_281 = tpu.memref_squeeze %dma_wait3A_280 : memref<1x1x128xi32, #tpu.memory_space<hbm>> -> memref<128xi32, #tpu.memory_space<hbm>>
          tpu.wait_dma2 semaphore(%arg15 : memref<!tpu.dma_semaphore, #tpu.memory_space<semaphore_mem>>) src(%dma_wait3A_281 : memref<128xi32, #tpu.memory_space<hbm>>) dst(%arg10 : memref<128xi32, #tpu.memory_space<vmem>>)
          %dma_start3A_282 = arith.constant 0 : i32
          %dma_start3A_283 = arith.constant 0 : i32
          %dma_start3A_284 = arith.constant 0 : i32
          %dma_start3A_285 = tpu.memref_slice %arg14[%dma_start3A_282, %dma_start3A_283, %dma_start3A_284] : memref<2x128x128xf32, #tpu.memory_space<vmem>> -> memref<1x128x128xf32, #tpu.memory_space<vmem>>
          %dma_start3A_286 = tpu.memref_squeeze %dma_start3A_285 : memref<1x128x128xf32, #tpu.memory_space<vmem>> -> memref<128x128xf32, #tpu.memory_space<vmem>>
          %dma_start3A_287 = arith.constant 0 : i32
          %dma_start3A_288 = arith.constant 0 : i32
          %dma_start3A_289 = tpu.memref_slice %arg2[%dma_start3A_287, %dma_start3A_288] : memref<10000x128xf32, #tpu.memory_space<hbm>> -> memref<10000x128xf32, #tpu.memory_space<hbm>>
          tpu.enqueue_indirect_dma source(%dma_start3A_289 : memref<10000x128xf32, #tpu.memory_space<hbm>>) target(%dma_start3A_286 : memref<128x128xf32, #tpu.memory_space<vmem>>) offsets(%arg6 : memref<128xi32, #tpu.memory_space<vmem>>) semaphore(%arg19 : memref<!tpu.dma_semaphore, #tpu.memory_space<semaphore_mem>>)
        } else {
        }
        %dma_wait3A_248 = arith.constant 1 : i32
        %dma_wait3A_249 = arith.constant 0 : i32
        %dma_wait3A_250 = arith.constant 0 : i32
        %dma_wait3A_251 = tpu.memref_slice %arg14[%dma_wait3A_248, %dma_wait3A_249, %dma_wait3A_250] : memref<2x128x128xf32, #tpu.memory_space<vmem>> -> memref<1x128x128xf32, #tpu.memory_space<vmem>>
        %dma_wait3A_252 = tpu.memref_squeeze %dma_wait3A_251 : memref<1x128x128xf32, #tpu.memory_space<vmem>> -> memref<128x128xf32, #tpu.memory_space<vmem>>
        %dma_wait3A_253 = arith.constant 0 : i32
        %dma_wait3A_254 = arith.constant 0 : i32
        %dma_wait3A_255 = tpu.memref_slice %arg2[%dma_wait3A_253, %dma_wait3A_254] : memref<10000x128xf32, #tpu.memory_space<hbm>> -> memref<10000x128xf32, #tpu.memory_space<hbm>>
        tpu.wait_indirect_dma semaphore(%arg20 : memref<!tpu.dma_semaphore, #tpu.memory_space<semaphore_mem>>) src(%dma_wait3A_255 : memref<10000x128xf32, #tpu.memory_space<hbm>>) dst(%dma_wait3A_252 : memref<128x128xf32, #tpu.memory_space<vmem>>)
        %run_scoped3A_256 = arith.constant 1 : i32
        "tpu.region"() ({
          %run_scoped3A_264 = tpu.sem_alloc : memref<!tpu.dma_semaphore, #tpu.memory_space<semaphore_mem>>
          %dma_start3A_265 = arith.constant 0 : i32
          %dma_start3A_266 = arith.constant 0 : i32
          %dma_start3A_267 = tpu.memref_slice %arg14[%run_scoped3A_256, %dma_start3A_265, %dma_start3A_266] : memref<2x128x128xf32, #tpu.memory_space<vmem>> -> memref<1x128x128xf32, #tpu.memory_space<vmem>>
          %dma_start3A_268 = tpu.memref_squeeze %dma_start3A_267 : memref<1x128x128xf32, #tpu.memory_space<vmem>> -> memref<128x128xf32, #tpu.memory_space<vmem>>
          %dma_start3A_269 = arith.constant 0 : i32
          %dma_start3A_270 = arith.constant 0 : i32
          %dma_start3A_271 = tpu.memref_slice %arg5[%dma_start3A_269, %dma_start3A_270] : memref<10112x128xf32, #tpu.memory_space<vmem_shared>> -> memref<10112x128xf32, #tpu.memory_space<vmem_shared>>
          tpu.enqueue_indirect_dma source(%dma_start3A_268 : memref<128x128xf32, #tpu.memory_space<vmem>>) target(%dma_start3A_271 : memref<10112x128xf32, #tpu.memory_space<vmem_shared>>) offsets(%arg13 : memref<128xi32, #tpu.memory_space<vmem>>) semaphore(%run_scoped3A_264 : memref<!tpu.dma_semaphore, #tpu.memory_space<semaphore_mem>>) {add = true}
          %dma_wait3A_272 = arith.constant 0 : i32
          %dma_wait3A_273 = arith.constant 0 : i32
          %dma_wait3A_274 = tpu.memref_slice %arg14[%run_scoped3A_256, %dma_wait3A_272, %dma_wait3A_273] : memref<2x128x128xf32, #tpu.memory_space<vmem>> -> memref<1x128x128xf32, #tpu.memory_space<vmem>>
          %dma_wait3A_275 = tpu.memref_squeeze %dma_wait3A_274 : memref<1x128x128xf32, #tpu.memory_space<vmem>> -> memref<128x128xf32, #tpu.memory_space<vmem>>
          %dma_wait3A_276 = arith.constant 0 : i32
          %dma_wait3A_277 = arith.constant 0 : i32
          %dma_wait3A_278 = tpu.memref_slice %arg5[%dma_wait3A_276, %dma_wait3A_277] : memref<10112x128xf32, #tpu.memory_space<vmem_shared>> -> memref<10112x128xf32, #tpu.memory_space<vmem_shared>>
          tpu.wait_indirect_dma semaphore(%run_scoped3A_264 : memref<!tpu.dma_semaphore, #tpu.memory_space<semaphore_mem>>) src(%dma_wait3A_275 : memref<128x128xf32, #tpu.memory_space<vmem>>) dst(%dma_wait3A_278 : memref<10112x128xf32, #tpu.memory_space<vmem_shared>>)
          tpu.yield
        }) : () -> ()
        %add3A_257 = arith.constant 4 : i32
        %add3A_258 = arith.addi %add3A_240, %add3A_257 : i32
        %lt3A_259 = arith.constant 160 : i32
        %lt3A_260 = arith.cmpi slt, %add3A_258, %lt3A_259 : i32
        %convert_element_type3A_261 = arith.extui %lt3A_260 : i1 to i32
        %cond3A_262 = arith.constant 0 : i32
        %cond3A_263 = arith.cmpi ne, %convert_element_type3A_261, %cond3A_262 : i32
        scf.if %cond3A_263 {
          %add3A_264 = arith.constant 4 : i32
          %add3A_265 = arith.addi %add3A_240, %add3A_264 : i32
          %add3A_266 = arith.addi %mul3A_0, %add3A_265 : i32
          %dma_start3A_267 = arith.constant 0 : i32
          %dma_start3A_268 = arith.constant 0 : i32
          %dma_start3A_269 = tpu.memref_slice %arg3[%add3A_266, %dma_start3A_267, %dma_start3A_268] : memref<2560x2x128xi32, #tpu.memory_space<hbm>> -> memref<1x1x128xi32, #tpu.memory_space<hbm>>
          %dma_start3A_270 = tpu.memref_squeeze %dma_start3A_269 : memref<1x1x128xi32, #tpu.memory_space<hbm>> -> memref<128xi32, #tpu.memory_space<hbm>>
          %dma_start3A_271 = arith.constant 0 : i32
          %dma_start3A_272 = tpu.memref_slice %arg3[%add3A_266, %dma_start3A_267, %dma_start3A_271] : memref<2560x2x128xi32, #tpu.memory_space<hbm>> -> memref<1x1x128xi32, #tpu.memory_space<hbm>>
          %dma_start3A_273 = tpu.memref_squeeze %dma_start3A_272 : memref<1x1x128xi32, #tpu.memory_space<hbm>> -> memref<128xi32, #tpu.memory_space<hbm>>
          tpu.enqueue_dma source(%dma_start3A_273 : memref<128xi32, #tpu.memory_space<hbm>>) target(%arg9 : memref<128xi32, #tpu.memory_space<vmem>>) target_semaphore(%arg18 : memref<!tpu.dma_semaphore, #tpu.memory_space<semaphore_mem>>)
          %add3A_274 = arith.addi %mul3A_0, %add3A_265 : i32
          %dma_start3A_275 = arith.constant 1 : i32
          %dma_start3A_276 = arith.constant 0 : i32
          %dma_start3A_277 = tpu.memref_slice %arg3[%add3A_274, %dma_start3A_275, %dma_start3A_276] : memref<2560x2x128xi32, #tpu.memory_space<hbm>> -> memref<1x1x128xi32, #tpu.memory_space<hbm>>
          %dma_start3A_278 = tpu.memref_squeeze %dma_start3A_277 : memref<1x1x128xi32, #tpu.memory_space<hbm>> -> memref<128xi32, #tpu.memory_space<hbm>>
          %dma_start3A_279 = arith.constant 0 : i32
          %dma_start3A_280 = tpu.memref_slice %arg3[%add3A_274, %dma_start3A_275, %dma_start3A_279] : memref<2560x2x128xi32, #tpu.memory_space<hbm>> -> memref<1x1x128xi32, #tpu.memory_space<hbm>>
          %dma_start3A_281 = tpu.memref_squeeze %dma_start3A_280 : memref<1x1x128xi32, #tpu.memory_space<hbm>> -> memref<128xi32, #tpu.memory_space<hbm>>
          tpu.enqueue_dma source(%dma_start3A_281 : memref<128xi32, #tpu.memory_space<hbm>>) target(%arg13 : memref<128xi32, #tpu.memory_space<vmem>>) target_semaphore(%arg18 : memref<!tpu.dma_semaphore, #tpu.memory_space<semaphore_mem>>)
        } else {
        }
      }
      %scan3A_155 = arith.constant 40 : i32
    } else {
    }
    %eq3A_28 = arith.constant 1 : i32
    %eq3A_29 = arith.cmpi eq, %arg0, %eq3A_28 : i32
    %convert_element_type3A_30 = arith.extui %eq3A_29 : i1 to i32
    %cond3A_31 = arith.constant 0 : i32
    %cond3A_32 = arith.cmpi ne, %convert_element_type3A_30, %cond3A_31 : i32
    scf.if %cond3A_32 {
      %add3A_54 = arith.constant 0 : i32
      %add3A_55 = arith.addi %mul3A_0, %add3A_54 : i32
      %dma_start3A = arith.constant 0 : i32
      %dma_start3A_56 = arith.constant 0 : i32
      %dma_start3A_57 = tpu.memref_slice %arg3[%add3A_55, %dma_start3A, %dma_start3A_56] : memref<2560x2x128xi32, #tpu.memory_space<hbm>> -> memref<1x1x128xi32, #tpu.memory_space<hbm>>
      %dma_start3A_58 = tpu.memref_squeeze %dma_start3A_57 : memref<1x1x128xi32, #tpu.memory_space<hbm>> -> memref<128xi32, #tpu.memory_space<hbm>>
      %dma_start3A_59 = arith.constant 0 : i32
      %dma_start3A_60 = tpu.memref_slice %arg3[%add3A_55, %dma_start3A, %dma_start3A_59] : memref<2560x2x128xi32, #tpu.memory_space<hbm>> -> memref<1x1x128xi32, #tpu.memory_space<hbm>>
      %dma_start3A_61 = tpu.memref_squeeze %dma_start3A_60 : memref<1x1x128xi32, #tpu.memory_space<hbm>> -> memref<128xi32, #tpu.memory_space<hbm>>
      tpu.enqueue_dma source(%dma_start3A_61 : memref<128xi32, #tpu.memory_space<hbm>>) target(%arg6 : memref<128xi32, #tpu.memory_space<vmem>>) target_semaphore(%arg15 : memref<!tpu.dma_semaphore, #tpu.memory_space<semaphore_mem>>)
      %add3A_62 = arith.constant 0 : i32
      %add3A_63 = arith.addi %mul3A_0, %add3A_62 : i32
      %dma_start3A_64 = arith.constant 1 : i32
      %dma_start3A_65 = arith.constant 0 : i32
      %dma_start3A_66 = tpu.memref_slice %arg3[%add3A_63, %dma_start3A_64, %dma_start3A_65] : memref<2560x2x128xi32, #tpu.memory_space<hbm>> -> memref<1x1x128xi32, #tpu.memory_space<hbm>>
      %dma_start3A_67 = tpu.memref_squeeze %dma_start3A_66 : memref<1x1x128xi32, #tpu.memory_space<hbm>> -> memref<128xi32, #tpu.memory_space<hbm>>
      %dma_start3A_68 = arith.constant 0 : i32
      %dma_start3A_69 = tpu.memref_slice %arg3[%add3A_63, %dma_start3A_64, %dma_start3A_68] : memref<2560x2x128xi32, #tpu.memory_space<hbm>> -> memref<1x1x128xi32, #tpu.memory_space<hbm>>
      %dma_start3A_70 = tpu.memref_squeeze %dma_start3A_69 : memref<1x1x128xi32, #tpu.memory_space<hbm>> -> memref<128xi32, #tpu.memory_space<hbm>>
      tpu.enqueue_dma source(%dma_start3A_70 : memref<128xi32, #tpu.memory_space<hbm>>) target(%arg10 : memref<128xi32, #tpu.memory_space<vmem>>) target_semaphore(%arg15 : memref<!tpu.dma_semaphore, #tpu.memory_space<semaphore_mem>>)
      %add3A_71 = arith.constant 1 : i32
      %add3A_72 = arith.addi %mul3A_0, %add3A_71 : i32
      %dma_start3A_73 = arith.constant 0 : i32
      %dma_start3A_74 = arith.constant 0 : i32
      %dma_start3A_75 = tpu.memref_slice %arg3[%add3A_72, %dma_start3A_73, %dma_start3A_74] : memref<2560x2x128xi32, #tpu.memory_space<hbm>> -> memref<1x1x128xi32, #tpu.memory_space<hbm>>
      %dma_start3A_76 = tpu.memref_squeeze %dma_start3A_75 : memref<1x1x128xi32, #tpu.memory_space<hbm>> -> memref<128xi32, #tpu.memory_space<hbm>>
      %dma_start3A_77 = arith.constant 0 : i32
      %dma_start3A_78 = tpu.memref_slice %arg3[%add3A_72, %dma_start3A_73, %dma_start3A_77] : memref<2560x2x128xi32, #tpu.memory_space<hbm>> -> memref<1x1x128xi32, #tpu.memory_space<hbm>>
      %dma_start3A_79 = tpu.memref_squeeze %dma_start3A_78 : memref<1x1x128xi32, #tpu.memory_space<hbm>> -> memref<128xi32, #tpu.memory_space<hbm>>
      tpu.enqueue_dma source(%dma_start3A_79 : memref<128xi32, #tpu.memory_space<hbm>>) target(%arg7 : memref<128xi32, #tpu.memory_space<vmem>>) target_semaphore(%arg16 : memref<!tpu.dma_semaphore, #tpu.memory_space<semaphore_mem>>)
      %add3A_80 = arith.constant 1 : i32
      %add3A_81 = arith.addi %mul3A_0, %add3A_80 : i32
      %dma_start3A_82 = arith.constant 1 : i32
      %dma_start3A_83 = arith.constant 0 : i32
      %dma_start3A_84 = tpu.memref_slice %arg3[%add3A_81, %dma_start3A_82, %dma_start3A_83] : memref<2560x2x128xi32, #tpu.memory_space<hbm>> -> memref<1x1x128xi32, #tpu.memory_space<hbm>>
      %dma_start3A_85 = tpu.memref_squeeze %dma_start3A_84 : memref<1x1x128xi32, #tpu.memory_space<hbm>> -> memref<128xi32, #tpu.memory_space<hbm>>
      %dma_start3A_86 = arith.constant 0 : i32
      %dma_start3A_87 = tpu.memref_slice %arg3[%add3A_81, %dma_start3A_82, %dma_start3A_86] : memref<2560x2x128xi32, #tpu.memory_space<hbm>> -> memref<1x1x128xi32, #tpu.memory_space<hbm>>
      %dma_start3A_88 = tpu.memref_squeeze %dma_start3A_87 : memref<1x1x128xi32, #tpu.memory_space<hbm>> -> memref<128xi32, #tpu.memory_space<hbm>>
      tpu.enqueue_dma source(%dma_start3A_88 : memref<128xi32, #tpu.memory_space<hbm>>) target(%arg11 : memref<128xi32, #tpu.memory_space<vmem>>) target_semaphore(%arg16 : memref<!tpu.dma_semaphore, #tpu.memory_space<semaphore_mem>>)
      %add3A_89 = arith.constant 2 : i32
      %add3A_90 = arith.addi %mul3A_0, %add3A_89 : i32
      %dma_start3A_91 = arith.constant 0 : i32
      %dma_start3A_92 = arith.constant 0 : i32
      %dma_start3A_93 = tpu.memref_slice %arg3[%add3A_90, %dma_start3A_91, %dma_start3A_92] : memref<2560x2x128xi32, #tpu.memory_space<hbm>> -> memref<1x1x128xi32, #tpu.memory_space<hbm>>
      %dma_start3A_94 = tpu.memref_squeeze %dma_start3A_93 : memref<1x1x128xi32, #tpu.memory_space<hbm>> -> memref<128xi32, #tpu.memory_space<hbm>>
      %dma_start3A_95 = arith.constant 0 : i32
      %dma_start3A_96 = tpu.memref_slice %arg3[%add3A_90, %dma_start3A_91, %dma_start3A_95] : memref<2560x2x128xi32, #tpu.memory_space<hbm>> -> memref<1x1x128xi32, #tpu.memory_space<hbm>>
      %dma_start3A_97 = tpu.memref_squeeze %dma_start3A_96 : memref<1x1x128xi32, #tpu.memory_space<hbm>> -> memref<128xi32, #tpu.memory_space<hbm>>
      tpu.enqueue_dma source(%dma_start3A_97 : memref<128xi32, #tpu.memory_space<hbm>>) target(%arg8 : memref<128xi32, #tpu.memory_space<vmem>>) target_semaphore(%arg17 : memref<!tpu.dma_semaphore, #tpu.memory_space<semaphore_mem>>)
      %add3A_98 = arith.constant 2 : i32
      %add3A_99 = arith.addi %mul3A_0, %add3A_98 : i32
      %dma_start3A_100 = arith.constant 1 : i32
      %dma_start3A_101 = arith.constant 0 : i32
      %dma_start3A_102 = tpu.memref_slice %arg3[%add3A_99, %dma_start3A_100, %dma_start3A_101] : memref<2560x2x128xi32, #tpu.memory_space<hbm>> -> memref<1x1x128xi32, #tpu.memory_space<hbm>>
      %dma_start3A_103 = tpu.memref_squeeze %dma_start3A_102 : memref<1x1x128xi32, #tpu.memory_space<hbm>> -> memref<128xi32, #tpu.memory_space<hbm>>
      %dma_start3A_104 = arith.constant 0 : i32
      %dma_start3A_105 = tpu.memref_slice %arg3[%add3A_99, %dma_start3A_100, %dma_start3A_104] : memref<2560x2x128xi32, #tpu.memory_space<hbm>> -> memref<1x1x128xi32, #tpu.memory_space<hbm>>
      %dma_start3A_106 = tpu.memref_squeeze %dma_start3A_105 : memref<1x1x128xi32, #tpu.memory_space<hbm>> -> memref<128xi32, #tpu.memory_space<hbm>>
      tpu.enqueue_dma source(%dma_start3A_106 : memref<128xi32, #tpu.memory_space<hbm>>) target(%arg12 : memref<128xi32, #tpu.memory_space<vmem>>) target_semaphore(%arg17 : memref<!tpu.dma_semaphore, #tpu.memory_space<semaphore_mem>>)
      %add3A_107 = arith.constant 3 : i32
      %add3A_108 = arith.addi %mul3A_0, %add3A_107 : i32
      %dma_start3A_109 = arith.constant 0 : i32
      %dma_start3A_110 = arith.constant 0 : i32
      %dma_start3A_111 = tpu.memref_slice %arg3[%add3A_108, %dma_start3A_109, %dma_start3A_110] : memref<2560x2x128xi32, #tpu.memory_space<hbm>> -> memref<1x1x128xi32, #tpu.memory_space<hbm>>
      %dma_start3A_112 = tpu.memref_squeeze %dma_start3A_111 : memref<1x1x128xi32, #tpu.memory_space<hbm>> -> memref<128xi32, #tpu.memory_space<hbm>>
      %dma_start3A_113 = arith.constant 0 : i32
      %dma_start3A_114 = tpu.memref_slice %arg3[%add3A_108, %dma_start3A_109, %dma_start3A_113] : memref<2560x2x128xi32, #tpu.memory_space<hbm>> -> memref<1x1x128xi32, #tpu.memory_space<hbm>>
      %dma_start3A_115 = tpu.memref_squeeze %dma_start3A_114 : memref<1x1x128xi32, #tpu.memory_space<hbm>> -> memref<128xi32, #tpu.memory_space<hbm>>
      tpu.enqueue_dma source(%dma_start3A_115 : memref<128xi32, #tpu.memory_space<hbm>>) target(%arg9 : memref<128xi32, #tpu.memory_space<vmem>>) target_semaphore(%arg18 : memref<!tpu.dma_semaphore, #tpu.memory_space<semaphore_mem>>)
      %add3A_116 = arith.constant 3 : i32
      %add3A_117 = arith.addi %mul3A_0, %add3A_116 : i32
      %dma_start3A_118 = arith.constant 1 : i32
      %dma_start3A_119 = arith.constant 0 : i32
      %dma_start3A_120 = tpu.memref_slice %arg3[%add3A_117, %dma_start3A_118, %dma_start3A_119] : memref<2560x2x128xi32, #tpu.memory_space<hbm>> -> memref<1x1x128xi32, #tpu.memory_space<hbm>>
      %dma_start3A_121 = tpu.memref_squeeze %dma_start3A_120 : memref<1x1x128xi32, #tpu.memory_space<hbm>> -> memref<128xi32, #tpu.memory_space<hbm>>
      %dma_start3A_122 = arith.constant 0 : i32
      %dma_start3A_123 = tpu.memref_slice %arg3[%add3A_117, %dma_start3A_118, %dma_start3A_122] : memref<2560x2x128xi32, #tpu.memory_space<hbm>> -> memref<1x1x128xi32, #tpu.memory_space<hbm>>
      %dma_start3A_124 = tpu.memref_squeeze %dma_start3A_123 : memref<1x1x128xi32, #tpu.memory_space<hbm>> -> memref<128xi32, #tpu.memory_space<hbm>>
      tpu.enqueue_dma source(%dma_start3A_124 : memref<128xi32, #tpu.memory_space<hbm>>) target(%arg13 : memref<128xi32, #tpu.memory_space<vmem>>) target_semaphore(%arg18 : memref<!tpu.dma_semaphore, #tpu.memory_space<semaphore_mem>>)
      %scan3A_125 = arith.constant 0 : i32
      %scan3A_126 = arith.constant 0 : i32
      %scan3A_127 = arith.constant 40 : i32
      %scan3A_128 = arith.addi %scan3A_126, %scan3A_127 : i32
      %scan3A_129 = arith.constant 1 : i32
      scf.for %scan3A_131 = %scan3A_126 to %scan3A_128 step %scan3A_129  : i32 {
        %mul3A_132 = arith.constant 4 : i32
        %mul3A_133 = arith.muli %scan3A_131, %mul3A_132 : i32
        %add3A_134 = arith.constant 0 : i32
        %add3A_135 = arith.addi %mul3A_133, %add3A_134 : i32
        %add3A_136 = arith.addi %mul3A_0, %add3A_135 : i32
        %dma_wait3A = arith.constant 0 : i32
        %dma_wait3A_137 = arith.constant 0 : i32
        %dma_wait3A_138 = tpu.memref_slice %arg3[%add3A_136, %dma_wait3A, %dma_wait3A_137] : memref<2560x2x128xi32, #tpu.memory_space<hbm>> -> memref<1x1x128xi32, #tpu.memory_space<hbm>>
        %dma_wait3A_139 = tpu.memref_squeeze %dma_wait3A_138 : memref<1x1x128xi32, #tpu.memory_space<hbm>> -> memref<128xi32, #tpu.memory_space<hbm>>
        %dma_wait3A_140 = arith.constant 0 : i32
        %dma_wait3A_141 = tpu.memref_slice %arg3[%add3A_136, %dma_wait3A, %dma_wait3A_140] : memref<2560x2x128xi32, #tpu.memory_space<hbm>> -> memref<1x1x128xi32, #tpu.memory_space<hbm>>
        %dma_wait3A_142 = tpu.memref_squeeze %dma_wait3A_141 : memref<1x1x128xi32, #tpu.memory_space<hbm>> -> memref<128xi32, #tpu.memory_space<hbm>>
        tpu.wait_dma2 semaphore(%arg15 : memref<!tpu.dma_semaphore, #tpu.memory_space<semaphore_mem>>) src(%dma_wait3A_142 : memref<128xi32, #tpu.memory_space<hbm>>) dst(%arg6 : memref<128xi32, #tpu.memory_space<vmem>>)
        %add3A_143 = arith.addi %mul3A_0, %add3A_135 : i32
        %dma_wait3A_144 = arith.constant 1 : i32
        %dma_wait3A_145 = arith.constant 0 : i32
        %dma_wait3A_146 = tpu.memref_slice %arg3[%add3A_143, %dma_wait3A_144, %dma_wait3A_145] : memref<2560x2x128xi32, #tpu.memory_space<hbm>> -> memref<1x1x128xi32, #tpu.memory_space<hbm>>
        %dma_wait3A_147 = tpu.memref_squeeze %dma_wait3A_146 : memref<1x1x128xi32, #tpu.memory_space<hbm>> -> memref<128xi32, #tpu.memory_space<hbm>>
        %dma_wait3A_148 = arith.constant 0 : i32
        %dma_wait3A_149 = tpu.memref_slice %arg3[%add3A_143, %dma_wait3A_144, %dma_wait3A_148] : memref<2560x2x128xi32, #tpu.memory_space<hbm>> -> memref<1x1x128xi32, #tpu.memory_space<hbm>>
        %dma_wait3A_150 = tpu.memref_squeeze %dma_wait3A_149 : memref<1x1x128xi32, #tpu.memory_space<hbm>> -> memref<128xi32, #tpu.memory_space<hbm>>
        tpu.wait_dma2 semaphore(%arg15 : memref<!tpu.dma_semaphore, #tpu.memory_space<semaphore_mem>>) src(%dma_wait3A_150 : memref<128xi32, #tpu.memory_space<hbm>>) dst(%arg10 : memref<128xi32, #tpu.memory_space<vmem>>)
        %run_scoped3A_151 = arith.constant 0 : i32
        "tpu.region"() ({
          %run_scoped3A_242 = tpu.sem_alloc : memref<!tpu.dma_semaphore, #tpu.memory_space<semaphore_mem>>
          %dma_start3A_243 = arith.constant 0 : i32
          %dma_start3A_244 = arith.constant 0 : i32
          %dma_start3A_245 = tpu.memref_slice %arg14[%run_scoped3A_151, %dma_start3A_243, %dma_start3A_244] : memref<2x128x128xf32, #tpu.memory_space<vmem>> -> memref<1x128x128xf32, #tpu.memory_space<vmem>>
          %dma_start3A_246 = tpu.memref_squeeze %dma_start3A_245 : memref<1x128x128xf32, #tpu.memory_space<vmem>> -> memref<128x128xf32, #tpu.memory_space<vmem>>
          %dma_start3A_247 = arith.constant 0 : i32
          %dma_start3A_248 = arith.constant 0 : i32
          %dma_start3A_249 = tpu.memref_slice %arg5[%dma_start3A_247, %dma_start3A_248] : memref<10112x128xf32, #tpu.memory_space<vmem_shared>> -> memref<10112x128xf32, #tpu.memory_space<vmem_shared>>
          tpu.enqueue_indirect_dma source(%dma_start3A_246 : memref<128x128xf32, #tpu.memory_space<vmem>>) target(%dma_start3A_249 : memref<10112x128xf32, #tpu.memory_space<vmem_shared>>) offsets(%arg10 : memref<128xi32, #tpu.memory_space<vmem>>) semaphore(%run_scoped3A_242 : memref<!tpu.dma_semaphore, #tpu.memory_space<semaphore_mem>>) {add = true}
          %dma_wait3A_250 = arith.constant 0 : i32
          %dma_wait3A_251 = arith.constant 0 : i32
          %dma_wait3A_252 = tpu.memref_slice %arg14[%run_scoped3A_151, %dma_wait3A_250, %dma_wait3A_251] : memref<2x128x128xf32, #tpu.memory_space<vmem>> -> memref<1x128x128xf32, #tpu.memory_space<vmem>>
          %dma_wait3A_253 = tpu.memref_squeeze %dma_wait3A_252 : memref<1x128x128xf32, #tpu.memory_space<vmem>> -> memref<128x128xf32, #tpu.memory_space<vmem>>
          %dma_wait3A_254 = arith.constant 0 : i32
          %dma_wait3A_255 = arith.constant 0 : i32
          %dma_wait3A_256 = tpu.memref_slice %arg5[%dma_wait3A_254, %dma_wait3A_255] : memref<10112x128xf32, #tpu.memory_space<vmem_shared>> -> memref<10112x128xf32, #tpu.memory_space<vmem_shared>>
          tpu.wait_indirect_dma semaphore(%run_scoped3A_242 : memref<!tpu.dma_semaphore, #tpu.memory_space<semaphore_mem>>) src(%dma_wait3A_253 : memref<128x128xf32, #tpu.memory_space<vmem>>) dst(%dma_wait3A_256 : memref<10112x128xf32, #tpu.memory_space<vmem_shared>>)
          tpu.yield
        }) : () -> ()
        %add3A_152 = arith.constant 4 : i32
        %add3A_153 = arith.addi %add3A_135, %add3A_152 : i32
        %lt3A = arith.constant 160 : i32
        %lt3A_154 = arith.cmpi slt, %add3A_153, %lt3A : i32
        %convert_element_type3A_155 = arith.extui %lt3A_154 : i1 to i32
        %cond3A_156 = arith.constant 0 : i32
        %cond3A_157 = arith.cmpi ne, %convert_element_type3A_155, %cond3A_156 : i32
        scf.if %cond3A_157 {
          %add3A_242 = arith.constant 4 : i32
          %add3A_243 = arith.addi %add3A_135, %add3A_242 : i32
          %add3A_244 = arith.addi %mul3A_0, %add3A_243 : i32
          %dma_start3A_245 = arith.constant 0 : i32
          %dma_start3A_246 = arith.constant 0 : i32
          %dma_start3A_247 = tpu.memref_slice %arg3[%add3A_244, %dma_start3A_245, %dma_start3A_246] : memref<2560x2x128xi32, #tpu.memory_space<hbm>> -> memref<1x1x128xi32, #tpu.memory_space<hbm>>
          %dma_start3A_248 = tpu.memref_squeeze %dma_start3A_247 : memref<1x1x128xi32, #tpu.memory_space<hbm>> -> memref<128xi32, #tpu.memory_space<hbm>>
          %dma_start3A_249 = arith.constant 0 : i32
          %dma_start3A_250 = tpu.memref_slice %arg3[%add3A_244, %dma_start3A_245, %dma_start3A_249] : memref<2560x2x128xi32, #tpu.memory_space<hbm>> -> memref<1x1x128xi32, #tpu.memory_space<hbm>>
          %dma_start3A_251 = tpu.memref_squeeze %dma_start3A_250 : memref<1x1x128xi32, #tpu.memory_space<hbm>> -> memref<128xi32, #tpu.memory_space<hbm>>
          tpu.enqueue_dma source(%dma_start3A_251 : memref<128xi32, #tpu.memory_space<hbm>>) target(%arg6 : memref<128xi32, #tpu.memory_space<vmem>>) target_semaphore(%arg15 : memref<!tpu.dma_semaphore, #tpu.memory_space<semaphore_mem>>)
          %add3A_252 = arith.addi %mul3A_0, %add3A_243 : i32
          %dma_start3A_253 = arith.constant 1 : i32
          %dma_start3A_254 = arith.constant 0 : i32
          %dma_start3A_255 = tpu.memref_slice %arg3[%add3A_252, %dma_start3A_253, %dma_start3A_254] : memref<2560x2x128xi32, #tpu.memory_space<hbm>> -> memref<1x1x128xi32, #tpu.memory_space<hbm>>
          %dma_start3A_256 = tpu.memref_squeeze %dma_start3A_255 : memref<1x1x128xi32, #tpu.memory_space<hbm>> -> memref<128xi32, #tpu.memory_space<hbm>>
          %dma_start3A_257 = arith.constant 0 : i32
          %dma_start3A_258 = tpu.memref_slice %arg3[%add3A_252, %dma_start3A_253, %dma_start3A_257] : memref<2560x2x128xi32, #tpu.memory_space<hbm>> -> memref<1x1x128xi32, #tpu.memory_space<hbm>>
          %dma_start3A_259 = tpu.memref_squeeze %dma_start3A_258 : memref<1x1x128xi32, #tpu.memory_space<hbm>> -> memref<128xi32, #tpu.memory_space<hbm>>
          tpu.enqueue_dma source(%dma_start3A_259 : memref<128xi32, #tpu.memory_space<hbm>>) target(%arg10 : memref<128xi32, #tpu.memory_space<vmem>>) target_semaphore(%arg15 : memref<!tpu.dma_semaphore, #tpu.memory_space<semaphore_mem>>)
        } else {
        }
        %mul3A_158 = arith.constant 4 : i32
        %mul3A_159 = arith.muli %scan3A_131, %mul3A_158 : i32
        %add3A_160 = arith.constant 1 : i32
        %add3A_161 = arith.addi %mul3A_159, %add3A_160 : i32
        %add3A_162 = arith.addi %mul3A_0, %add3A_161 : i32
        %dma_wait3A_163 = arith.constant 0 : i32
        %dma_wait3A_164 = arith.constant 0 : i32
        %dma_wait3A_165 = tpu.memref_slice %arg3[%add3A_162, %dma_wait3A_163, %dma_wait3A_164] : memref<2560x2x128xi32, #tpu.memory_space<hbm>> -> memref<1x1x128xi32, #tpu.memory_space<hbm>>
        %dma_wait3A_166 = tpu.memref_squeeze %dma_wait3A_165 : memref<1x1x128xi32, #tpu.memory_space<hbm>> -> memref<128xi32, #tpu.memory_space<hbm>>
        %dma_wait3A_167 = arith.constant 0 : i32
        %dma_wait3A_168 = tpu.memref_slice %arg3[%add3A_162, %dma_wait3A_163, %dma_wait3A_167] : memref<2560x2x128xi32, #tpu.memory_space<hbm>> -> memref<1x1x128xi32, #tpu.memory_space<hbm>>
        %dma_wait3A_169 = tpu.memref_squeeze %dma_wait3A_168 : memref<1x1x128xi32, #tpu.memory_space<hbm>> -> memref<128xi32, #tpu.memory_space<hbm>>
        tpu.wait_dma2 semaphore(%arg16 : memref<!tpu.dma_semaphore, #tpu.memory_space<semaphore_mem>>) src(%dma_wait3A_169 : memref<128xi32, #tpu.memory_space<hbm>>) dst(%arg7 : memref<128xi32, #tpu.memory_space<vmem>>)
        %add3A_170 = arith.addi %mul3A_0, %add3A_161 : i32
        %dma_wait3A_171 = arith.constant 1 : i32
        %dma_wait3A_172 = arith.constant 0 : i32
        %dma_wait3A_173 = tpu.memref_slice %arg3[%add3A_170, %dma_wait3A_171, %dma_wait3A_172] : memref<2560x2x128xi32, #tpu.memory_space<hbm>> -> memref<1x1x128xi32, #tpu.memory_space<hbm>>
        %dma_wait3A_174 = tpu.memref_squeeze %dma_wait3A_173 : memref<1x1x128xi32, #tpu.memory_space<hbm>> -> memref<128xi32, #tpu.memory_space<hbm>>
        %dma_wait3A_175 = arith.constant 0 : i32
        %dma_wait3A_176 = tpu.memref_slice %arg3[%add3A_170, %dma_wait3A_171, %dma_wait3A_175] : memref<2560x2x128xi32, #tpu.memory_space<hbm>> -> memref<1x1x128xi32, #tpu.memory_space<hbm>>
        %dma_wait3A_177 = tpu.memref_squeeze %dma_wait3A_176 : memref<1x1x128xi32, #tpu.memory_space<hbm>> -> memref<128xi32, #tpu.memory_space<hbm>>
        tpu.wait_dma2 semaphore(%arg16 : memref<!tpu.dma_semaphore, #tpu.memory_space<semaphore_mem>>) src(%dma_wait3A_177 : memref<128xi32, #tpu.memory_space<hbm>>) dst(%arg11 : memref<128xi32, #tpu.memory_space<vmem>>)
        %run_scoped3A_178 = arith.constant 0 : i32
        "tpu.region"() ({
          %run_scoped3A_242 = tpu.sem_alloc : memref<!tpu.dma_semaphore, #tpu.memory_space<semaphore_mem>>
          %dma_start3A_243 = arith.constant 0 : i32
          %dma_start3A_244 = arith.constant 0 : i32
          %dma_start3A_245 = tpu.memref_slice %arg14[%run_scoped3A_178, %dma_start3A_243, %dma_start3A_244] : memref<2x128x128xf32, #tpu.memory_space<vmem>> -> memref<1x128x128xf32, #tpu.memory_space<vmem>>
          %dma_start3A_246 = tpu.memref_squeeze %dma_start3A_245 : memref<1x128x128xf32, #tpu.memory_space<vmem>> -> memref<128x128xf32, #tpu.memory_space<vmem>>
          %dma_start3A_247 = arith.constant 0 : i32
          %dma_start3A_248 = arith.constant 0 : i32
          %dma_start3A_249 = tpu.memref_slice %arg5[%dma_start3A_247, %dma_start3A_248] : memref<10112x128xf32, #tpu.memory_space<vmem_shared>> -> memref<10112x128xf32, #tpu.memory_space<vmem_shared>>
          tpu.enqueue_indirect_dma source(%dma_start3A_246 : memref<128x128xf32, #tpu.memory_space<vmem>>) target(%dma_start3A_249 : memref<10112x128xf32, #tpu.memory_space<vmem_shared>>) offsets(%arg11 : memref<128xi32, #tpu.memory_space<vmem>>) semaphore(%run_scoped3A_242 : memref<!tpu.dma_semaphore, #tpu.memory_space<semaphore_mem>>) {add = true}
          %dma_wait3A_250 = arith.constant 0 : i32
          %dma_wait3A_251 = arith.constant 0 : i32
          %dma_wait3A_252 = tpu.memref_slice %arg14[%run_scoped3A_178, %dma_wait3A_250, %dma_wait3A_251] : memref<2x128x128xf32, #tpu.memory_space<vmem>> -> memref<1x128x128xf32, #tpu.memory_space<vmem>>
          %dma_wait3A_253 = tpu.memref_squeeze %dma_wait3A_252 : memref<1x128x128xf32, #tpu.memory_space<vmem>> -> memref<128x128xf32, #tpu.memory_space<vmem>>
          %dma_wait3A_254 = arith.constant 0 : i32
          %dma_wait3A_255 = arith.constant 0 : i32
          %dma_wait3A_256 = tpu.memref_slice %arg5[%dma_wait3A_254, %dma_wait3A_255] : memref<10112x128xf32, #tpu.memory_space<vmem_shared>> -> memref<10112x128xf32, #tpu.memory_space<vmem_shared>>
          tpu.wait_indirect_dma semaphore(%run_scoped3A_242 : memref<!tpu.dma_semaphore, #tpu.memory_space<semaphore_mem>>) src(%dma_wait3A_253 : memref<128x128xf32, #tpu.memory_space<vmem>>) dst(%dma_wait3A_256 : memref<10112x128xf32, #tpu.memory_space<vmem_shared>>)
          tpu.yield
        }) : () -> ()
        %add3A_179 = arith.constant 4 : i32
        %add3A_180 = arith.addi %add3A_161, %add3A_179 : i32
        %lt3A_181 = arith.constant 160 : i32
        %lt3A_182 = arith.cmpi slt, %add3A_180, %lt3A_181 : i32
        %convert_element_type3A_183 = arith.extui %lt3A_182 : i1 to i32
        %cond3A_184 = arith.constant 0 : i32
        %cond3A_185 = arith.cmpi ne, %convert_element_type3A_183, %cond3A_184 : i32
        scf.if %cond3A_185 {
          %add3A_242 = arith.constant 4 : i32
          %add3A_243 = arith.addi %add3A_161, %add3A_242 : i32
          %add3A_244 = arith.addi %mul3A_0, %add3A_243 : i32
          %dma_start3A_245 = arith.constant 0 : i32
          %dma_start3A_246 = arith.constant 0 : i32
          %dma_start3A_247 = tpu.memref_slice %arg3[%add3A_244, %dma_start3A_245, %dma_start3A_246] : memref<2560x2x128xi32, #tpu.memory_space<hbm>> -> memref<1x1x128xi32, #tpu.memory_space<hbm>>
          %dma_start3A_248 = tpu.memref_squeeze %dma_start3A_247 : memref<1x1x128xi32, #tpu.memory_space<hbm>> -> memref<128xi32, #tpu.memory_space<hbm>>
          %dma_start3A_249 = arith.constant 0 : i32
          %dma_start3A_250 = tpu.memref_slice %arg3[%add3A_244, %dma_start3A_245, %dma_start3A_249] : memref<2560x2x128xi32, #tpu.memory_space<hbm>> -> memref<1x1x128xi32, #tpu.memory_space<hbm>>
          %dma_start3A_251 = tpu.memref_squeeze %dma_start3A_250 : memref<1x1x128xi32, #tpu.memory_space<hbm>> -> memref<128xi32, #tpu.memory_space<hbm>>
          tpu.enqueue_dma source(%dma_start3A_251 : memref<128xi32, #tpu.memory_space<hbm>>) target(%arg7 : memref<128xi32, #tpu.memory_space<vmem>>) target_semaphore(%arg16 : memref<!tpu.dma_semaphore, #tpu.memory_space<semaphore_mem>>)
          %add3A_252 = arith.addi %mul3A_0, %add3A_243 : i32
          %dma_start3A_253 = arith.constant 1 : i32
          %dma_start3A_254 = arith.constant 0 : i32
          %dma_start3A_255 = tpu.memref_slice %arg3[%add3A_252, %dma_start3A_253, %dma_start3A_254] : memref<2560x2x128xi32, #tpu.memory_space<hbm>> -> memref<1x1x128xi32, #tpu.memory_space<hbm>>
          %dma_start3A_256 = tpu.memref_squeeze %dma_start3A_255 : memref<1x1x128xi32, #tpu.memory_space<hbm>> -> memref<128xi32, #tpu.memory_space<hbm>>
          %dma_start3A_257 = arith.constant 0 : i32
          %dma_start3A_258 = tpu.memref_slice %arg3[%add3A_252, %dma_start3A_253, %dma_start3A_257] : memref<2560x2x128xi32, #tpu.memory_space<hbm>> -> memref<1x1x128xi32, #tpu.memory_space<hbm>>
          %dma_start3A_259 = tpu.memref_squeeze %dma_start3A_258 : memref<1x1x128xi32, #tpu.memory_space<hbm>> -> memref<128xi32, #tpu.memory_space<hbm>>
          tpu.enqueue_dma source(%dma_start3A_259 : memref<128xi32, #tpu.memory_space<hbm>>) target(%arg11 : memref<128xi32, #tpu.memory_space<vmem>>) target_semaphore(%arg16 : memref<!tpu.dma_semaphore, #tpu.memory_space<semaphore_mem>>)
        } else {
        }
        %mul3A_186 = arith.constant 4 : i32
        %mul3A_187 = arith.muli %scan3A_131, %mul3A_186 : i32
        %add3A_188 = arith.constant 2 : i32
        %add3A_189 = arith.addi %mul3A_187, %add3A_188 : i32
        %add3A_190 = arith.addi %mul3A_0, %add3A_189 : i32
        %dma_wait3A_191 = arith.constant 0 : i32
        %dma_wait3A_192 = arith.constant 0 : i32
        %dma_wait3A_193 = tpu.memref_slice %arg3[%add3A_190, %dma_wait3A_191, %dma_wait3A_192] : memref<2560x2x128xi32, #tpu.memory_space<hbm>> -> memref<1x1x128xi32, #tpu.memory_space<hbm>>
        %dma_wait3A_194 = tpu.memref_squeeze %dma_wait3A_193 : memref<1x1x128xi32, #tpu.memory_space<hbm>> -> memref<128xi32, #tpu.memory_space<hbm>>
        %dma_wait3A_195 = arith.constant 0 : i32
        %dma_wait3A_196 = tpu.memref_slice %arg3[%add3A_190, %dma_wait3A_191, %dma_wait3A_195] : memref<2560x2x128xi32, #tpu.memory_space<hbm>> -> memref<1x1x128xi32, #tpu.memory_space<hbm>>
        %dma_wait3A_197 = tpu.memref_squeeze %dma_wait3A_196 : memref<1x1x128xi32, #tpu.memory_space<hbm>> -> memref<128xi32, #tpu.memory_space<hbm>>
        tpu.wait_dma2 semaphore(%arg17 : memref<!tpu.dma_semaphore, #tpu.memory_space<semaphore_mem>>) src(%dma_wait3A_197 : memref<128xi32, #tpu.memory_space<hbm>>) dst(%arg8 : memref<128xi32, #tpu.memory_space<vmem>>)
        %add3A_198 = arith.addi %mul3A_0, %add3A_189 : i32
        %dma_wait3A_199 = arith.constant 1 : i32
        %dma_wait3A_200 = arith.constant 0 : i32
        %dma_wait3A_201 = tpu.memref_slice %arg3[%add3A_198, %dma_wait3A_199, %dma_wait3A_200] : memref<2560x2x128xi32, #tpu.memory_space<hbm>> -> memref<1x1x128xi32, #tpu.memory_space<hbm>>
        %dma_wait3A_202 = tpu.memref_squeeze %dma_wait3A_201 : memref<1x1x128xi32, #tpu.memory_space<hbm>> -> memref<128xi32, #tpu.memory_space<hbm>>
        %dma_wait3A_203 = arith.constant 0 : i32
        %dma_wait3A_204 = tpu.memref_slice %arg3[%add3A_198, %dma_wait3A_199, %dma_wait3A_203] : memref<2560x2x128xi32, #tpu.memory_space<hbm>> -> memref<1x1x128xi32, #tpu.memory_space<hbm>>
        %dma_wait3A_205 = tpu.memref_squeeze %dma_wait3A_204 : memref<1x1x128xi32, #tpu.memory_space<hbm>> -> memref<128xi32, #tpu.memory_space<hbm>>
        tpu.wait_dma2 semaphore(%arg17 : memref<!tpu.dma_semaphore, #tpu.memory_space<semaphore_mem>>) src(%dma_wait3A_205 : memref<128xi32, #tpu.memory_space<hbm>>) dst(%arg12 : memref<128xi32, #tpu.memory_space<vmem>>)
        %run_scoped3A_206 = arith.constant 0 : i32
        "tpu.region"() ({
          %run_scoped3A_242 = tpu.sem_alloc : memref<!tpu.dma_semaphore, #tpu.memory_space<semaphore_mem>>
          %dma_start3A_243 = arith.constant 0 : i32
          %dma_start3A_244 = arith.constant 0 : i32
          %dma_start3A_245 = tpu.memref_slice %arg14[%run_scoped3A_206, %dma_start3A_243, %dma_start3A_244] : memref<2x128x128xf32, #tpu.memory_space<vmem>> -> memref<1x128x128xf32, #tpu.memory_space<vmem>>
          %dma_start3A_246 = tpu.memref_squeeze %dma_start3A_245 : memref<1x128x128xf32, #tpu.memory_space<vmem>> -> memref<128x128xf32, #tpu.memory_space<vmem>>
          %dma_start3A_247 = arith.constant 0 : i32
          %dma_start3A_248 = arith.constant 0 : i32
          %dma_start3A_249 = tpu.memref_slice %arg5[%dma_start3A_247, %dma_start3A_248] : memref<10112x128xf32, #tpu.memory_space<vmem_shared>> -> memref<10112x128xf32, #tpu.memory_space<vmem_shared>>
          tpu.enqueue_indirect_dma source(%dma_start3A_246 : memref<128x128xf32, #tpu.memory_space<vmem>>) target(%dma_start3A_249 : memref<10112x128xf32, #tpu.memory_space<vmem_shared>>) offsets(%arg12 : memref<128xi32, #tpu.memory_space<vmem>>) semaphore(%run_scoped3A_242 : memref<!tpu.dma_semaphore, #tpu.memory_space<semaphore_mem>>) {add = true}
          %dma_wait3A_250 = arith.constant 0 : i32
          %dma_wait3A_251 = arith.constant 0 : i32
          %dma_wait3A_252 = tpu.memref_slice %arg14[%run_scoped3A_206, %dma_wait3A_250, %dma_wait3A_251] : memref<2x128x128xf32, #tpu.memory_space<vmem>> -> memref<1x128x128xf32, #tpu.memory_space<vmem>>
          %dma_wait3A_253 = tpu.memref_squeeze %dma_wait3A_252 : memref<1x128x128xf32, #tpu.memory_space<vmem>> -> memref<128x128xf32, #tpu.memory_space<vmem>>
          %dma_wait3A_254 = arith.constant 0 : i32
          %dma_wait3A_255 = arith.constant 0 : i32
          %dma_wait3A_256 = tpu.memref_slice %arg5[%dma_wait3A_254, %dma_wait3A_255] : memref<10112x128xf32, #tpu.memory_space<vmem_shared>> -> memref<10112x128xf32, #tpu.memory_space<vmem_shared>>
          tpu.wait_indirect_dma semaphore(%run_scoped3A_242 : memref<!tpu.dma_semaphore, #tpu.memory_space<semaphore_mem>>) src(%dma_wait3A_253 : memref<128x128xf32, #tpu.memory_space<vmem>>) dst(%dma_wait3A_256 : memref<10112x128xf32, #tpu.memory_space<vmem_shared>>)
          tpu.yield
        }) : () -> ()
        %add3A_207 = arith.constant 4 : i32
        %add3A_208 = arith.addi %add3A_189, %add3A_207 : i32
        %lt3A_209 = arith.constant 160 : i32
        %lt3A_210 = arith.cmpi slt, %add3A_208, %lt3A_209 : i32
        %convert_element_type3A_211 = arith.extui %lt3A_210 : i1 to i32
        %cond3A_212 = arith.constant 0 : i32
        %cond3A_213 = arith.cmpi ne, %convert_element_type3A_211, %cond3A_212 : i32
        scf.if %cond3A_213 {
          %add3A_242 = arith.constant 4 : i32
          %add3A_243 = arith.addi %add3A_189, %add3A_242 : i32
          %add3A_244 = arith.addi %mul3A_0, %add3A_243 : i32
          %dma_start3A_245 = arith.constant 0 : i32
          %dma_start3A_246 = arith.constant 0 : i32
          %dma_start3A_247 = tpu.memref_slice %arg3[%add3A_244, %dma_start3A_245, %dma_start3A_246] : memref<2560x2x128xi32, #tpu.memory_space<hbm>> -> memref<1x1x128xi32, #tpu.memory_space<hbm>>
          %dma_start3A_248 = tpu.memref_squeeze %dma_start3A_247 : memref<1x1x128xi32, #tpu.memory_space<hbm>> -> memref<128xi32, #tpu.memory_space<hbm>>
          %dma_start3A_249 = arith.constant 0 : i32
          %dma_start3A_250 = tpu.memref_slice %arg3[%add3A_244, %dma_start3A_245, %dma_start3A_249] : memref<2560x2x128xi32, #tpu.memory_space<hbm>> -> memref<1x1x128xi32, #tpu.memory_space<hbm>>
          %dma_start3A_251 = tpu.memref_squeeze %dma_start3A_250 : memref<1x1x128xi32, #tpu.memory_space<hbm>> -> memref<128xi32, #tpu.memory_space<hbm>>
          tpu.enqueue_dma source(%dma_start3A_251 : memref<128xi32, #tpu.memory_space<hbm>>) target(%arg8 : memref<128xi32, #tpu.memory_space<vmem>>) target_semaphore(%arg17 : memref<!tpu.dma_semaphore, #tpu.memory_space<semaphore_mem>>)
          %add3A_252 = arith.addi %mul3A_0, %add3A_243 : i32
          %dma_start3A_253 = arith.constant 1 : i32
          %dma_start3A_254 = arith.constant 0 : i32
          %dma_start3A_255 = tpu.memref_slice %arg3[%add3A_252, %dma_start3A_253, %dma_start3A_254] : memref<2560x2x128xi32, #tpu.memory_space<hbm>> -> memref<1x1x128xi32, #tpu.memory_space<hbm>>
          %dma_start3A_256 = tpu.memref_squeeze %dma_start3A_255 : memref<1x1x128xi32, #tpu.memory_space<hbm>> -> memref<128xi32, #tpu.memory_space<hbm>>
          %dma_start3A_257 = arith.constant 0 : i32
          %dma_start3A_258 = tpu.memref_slice %arg3[%add3A_252, %dma_start3A_253, %dma_start3A_257] : memref<2560x2x128xi32, #tpu.memory_space<hbm>> -> memref<1x1x128xi32, #tpu.memory_space<hbm>>
          %dma_start3A_259 = tpu.memref_squeeze %dma_start3A_258 : memref<1x1x128xi32, #tpu.memory_space<hbm>> -> memref<128xi32, #tpu.memory_space<hbm>>
          tpu.enqueue_dma source(%dma_start3A_259 : memref<128xi32, #tpu.memory_space<hbm>>) target(%arg12 : memref<128xi32, #tpu.memory_space<vmem>>) target_semaphore(%arg17 : memref<!tpu.dma_semaphore, #tpu.memory_space<semaphore_mem>>)
        } else {
        }
        %mul3A_214 = arith.constant 4 : i32
        %mul3A_215 = arith.muli %scan3A_131, %mul3A_214 : i32
        %add3A_216 = arith.constant 3 : i32
        %add3A_217 = arith.addi %mul3A_215, %add3A_216 : i32
        %add3A_218 = arith.addi %mul3A_0, %add3A_217 : i32
        %dma_wait3A_219 = arith.constant 0 : i32
        %dma_wait3A_220 = arith.constant 0 : i32
        %dma_wait3A_221 = tpu.memref_slice %arg3[%add3A_218, %dma_wait3A_219, %dma_wait3A_220] : memref<2560x2x128xi32, #tpu.memory_space<hbm>> -> memref<1x1x128xi32, #tpu.memory_space<hbm>>
        %dma_wait3A_222 = tpu.memref_squeeze %dma_wait3A_221 : memref<1x1x128xi32, #tpu.memory_space<hbm>> -> memref<128xi32, #tpu.memory_space<hbm>>
        %dma_wait3A_223 = arith.constant 0 : i32
        %dma_wait3A_224 = tpu.memref_slice %arg3[%add3A_218, %dma_wait3A_219, %dma_wait3A_223] : memref<2560x2x128xi32, #tpu.memory_space<hbm>> -> memref<1x1x128xi32, #tpu.memory_space<hbm>>
        %dma_wait3A_225 = tpu.memref_squeeze %dma_wait3A_224 : memref<1x1x128xi32, #tpu.memory_space<hbm>> -> memref<128xi32, #tpu.memory_space<hbm>>
        tpu.wait_dma2 semaphore(%arg18 : memref<!tpu.dma_semaphore, #tpu.memory_space<semaphore_mem>>) src(%dma_wait3A_225 : memref<128xi32, #tpu.memory_space<hbm>>) dst(%arg9 : memref<128xi32, #tpu.memory_space<vmem>>)
        %add3A_226 = arith.addi %mul3A_0, %add3A_217 : i32
        %dma_wait3A_227 = arith.constant 1 : i32
        %dma_wait3A_228 = arith.constant 0 : i32
        %dma_wait3A_229 = tpu.memref_slice %arg3[%add3A_226, %dma_wait3A_227, %dma_wait3A_228] : memref<2560x2x128xi32, #tpu.memory_space<hbm>> -> memref<1x1x128xi32, #tpu.memory_space<hbm>>
        %dma_wait3A_230 = tpu.memref_squeeze %dma_wait3A_229 : memref<1x1x128xi32, #tpu.memory_space<hbm>> -> memref<128xi32, #tpu.memory_space<hbm>>
        %dma_wait3A_231 = arith.constant 0 : i32
        %dma_wait3A_232 = tpu.memref_slice %arg3[%add3A_226, %dma_wait3A_227, %dma_wait3A_231] : memref<2560x2x128xi32, #tpu.memory_space<hbm>> -> memref<1x1x128xi32, #tpu.memory_space<hbm>>
        %dma_wait3A_233 = tpu.memref_squeeze %dma_wait3A_232 : memref<1x1x128xi32, #tpu.memory_space<hbm>> -> memref<128xi32, #tpu.memory_space<hbm>>
        tpu.wait_dma2 semaphore(%arg18 : memref<!tpu.dma_semaphore, #tpu.memory_space<semaphore_mem>>) src(%dma_wait3A_233 : memref<128xi32, #tpu.memory_space<hbm>>) dst(%arg13 : memref<128xi32, #tpu.memory_space<vmem>>)
        %run_scoped3A_234 = arith.constant 0 : i32
        "tpu.region"() ({
          %run_scoped3A_242 = tpu.sem_alloc : memref<!tpu.dma_semaphore, #tpu.memory_space<semaphore_mem>>
          %dma_start3A_243 = arith.constant 0 : i32
          %dma_start3A_244 = arith.constant 0 : i32
          %dma_start3A_245 = tpu.memref_slice %arg14[%run_scoped3A_234, %dma_start3A_243, %dma_start3A_244] : memref<2x128x128xf32, #tpu.memory_space<vmem>> -> memref<1x128x128xf32, #tpu.memory_space<vmem>>
          %dma_start3A_246 = tpu.memref_squeeze %dma_start3A_245 : memref<1x128x128xf32, #tpu.memory_space<vmem>> -> memref<128x128xf32, #tpu.memory_space<vmem>>
          %dma_start3A_247 = arith.constant 0 : i32
          %dma_start3A_248 = arith.constant 0 : i32
          %dma_start3A_249 = tpu.memref_slice %arg5[%dma_start3A_247, %dma_start3A_248] : memref<10112x128xf32, #tpu.memory_space<vmem_shared>> -> memref<10112x128xf32, #tpu.memory_space<vmem_shared>>
          tpu.enqueue_indirect_dma source(%dma_start3A_246 : memref<128x128xf32, #tpu.memory_space<vmem>>) target(%dma_start3A_249 : memref<10112x128xf32, #tpu.memory_space<vmem_shared>>) offsets(%arg13 : memref<128xi32, #tpu.memory_space<vmem>>) semaphore(%run_scoped3A_242 : memref<!tpu.dma_semaphore, #tpu.memory_space<semaphore_mem>>) {add = true}
          %dma_wait3A_250 = arith.constant 0 : i32
          %dma_wait3A_251 = arith.constant 0 : i32
          %dma_wait3A_252 = tpu.memref_slice %arg14[%run_scoped3A_234, %dma_wait3A_250, %dma_wait3A_251] : memref<2x128x128xf32, #tpu.memory_space<vmem>> -> memref<1x128x128xf32, #tpu.memory_space<vmem>>
          %dma_wait3A_253 = tpu.memref_squeeze %dma_wait3A_252 : memref<1x128x128xf32, #tpu.memory_space<vmem>> -> memref<128x128xf32, #tpu.memory_space<vmem>>
          %dma_wait3A_254 = arith.constant 0 : i32
          %dma_wait3A_255 = arith.constant 0 : i32
          %dma_wait3A_256 = tpu.memref_slice %arg5[%dma_wait3A_254, %dma_wait3A_255] : memref<10112x128xf32, #tpu.memory_space<vmem_shared>> -> memref<10112x128xf32, #tpu.memory_space<vmem_shared>>
          tpu.wait_indirect_dma semaphore(%run_scoped3A_242 : memref<!tpu.dma_semaphore, #tpu.memory_space<semaphore_mem>>) src(%dma_wait3A_253 : memref<128x128xf32, #tpu.memory_space<vmem>>) dst(%dma_wait3A_256 : memref<10112x128xf32, #tpu.memory_space<vmem_shared>>)
          tpu.yield
        }) : () -> ()
        %add3A_235 = arith.constant 4 : i32
        %add3A_236 = arith.addi %add3A_217, %add3A_235 : i32
        %lt3A_237 = arith.constant 160 : i32
        %lt3A_238 = arith.cmpi slt, %add3A_236, %lt3A_237 : i32
        %convert_element_type3A_239 = arith.extui %lt3A_238 : i1 to i32
        %cond3A_240 = arith.constant 0 : i32
        %cond3A_241 = arith.cmpi ne, %convert_element_type3A_239, %cond3A_240 : i32
        scf.if %cond3A_241 {
          %add3A_242 = arith.constant 4 : i32
          %add3A_243 = arith.addi %add3A_217, %add3A_242 : i32
          %add3A_244 = arith.addi %mul3A_0, %add3A_243 : i32
          %dma_start3A_245 = arith.constant 0 : i32
          %dma_start3A_246 = arith.constant 0 : i32
          %dma_start3A_247 = tpu.memref_slice %arg3[%add3A_244, %dma_start3A_245, %dma_start3A_246] : memref<2560x2x128xi32, #tpu.memory_space<hbm>> -> memref<1x1x128xi32, #tpu.memory_space<hbm>>
          %dma_start3A_248 = tpu.memref_squeeze %dma_start3A_247 : memref<1x1x128xi32, #tpu.memory_space<hbm>> -> memref<128xi32, #tpu.memory_space<hbm>>
          %dma_start3A_249 = arith.constant 0 : i32
          %dma_start3A_250 = tpu.memref_slice %arg3[%add3A_244, %dma_start3A_245, %dma_start3A_249] : memref<2560x2x128xi32, #tpu.memory_space<hbm>> -> memref<1x1x128xi32, #tpu.memory_space<hbm>>
          %dma_start3A_251 = tpu.memref_squeeze %dma_start3A_250 : memref<1x1x128xi32, #tpu.memory_space<hbm>> -> memref<128xi32, #tpu.memory_space<hbm>>
          tpu.enqueue_dma source(%dma_start3A_251 : memref<128xi32, #tpu.memory_space<hbm>>) target(%arg9 : memref<128xi32, #tpu.memory_space<vmem>>) target_semaphore(%arg18 : memref<!tpu.dma_semaphore, #tpu.memory_space<semaphore_mem>>)
          %add3A_252 = arith.addi %mul3A_0, %add3A_243 : i32
          %dma_start3A_253 = arith.constant 1 : i32
          %dma_start3A_254 = arith.constant 0 : i32
          %dma_start3A_255 = tpu.memref_slice %arg3[%add3A_252, %dma_start3A_253, %dma_start3A_254] : memref<2560x2x128xi32, #tpu.memory_space<hbm>> -> memref<1x1x128xi32, #tpu.memory_space<hbm>>
          %dma_start3A_256 = tpu.memref_squeeze %dma_start3A_255 : memref<1x1x128xi32, #tpu.memory_space<hbm>> -> memref<128xi32, #tpu.memory_space<hbm>>
          %dma_start3A_257 = arith.constant 0 : i32
          %dma_start3A_258 = tpu.memref_slice %arg3[%add3A_252, %dma_start3A_253, %dma_start3A_257] : memref<2560x2x128xi32, #tpu.memory_space<hbm>> -> memref<1x1x128xi32, #tpu.memory_space<hbm>>
          %dma_start3A_259 = tpu.memref_squeeze %dma_start3A_258 : memref<1x1x128xi32, #tpu.memory_space<hbm>> -> memref<128xi32, #tpu.memory_space<hbm>>
          tpu.enqueue_dma source(%dma_start3A_259 : memref<128xi32, #tpu.memory_space<hbm>>) target(%arg13 : memref<128xi32, #tpu.memory_space<vmem>>) target_semaphore(%arg18 : memref<!tpu.dma_semaphore, #tpu.memory_space<semaphore_mem>>)
        } else {
        }
      }
      %scan3A_130 = arith.constant 40 : i32
    } else {
    }
    %barrier3A_33 = arith.constant 0 : index
    tpu.barrier barrier_id(%barrier3A_33)
    %add3A_34 = arith.constant 0 : i32
    %add3A_35 = arith.addi %mul3A_2, %add3A_34 : i32
    %add3A_36 = arith.constant 0 : i32
    %add3A_37 = arith.addi %mul3A_2, %add3A_36 : i32
    "tpu.region"() ({
      %run_scoped3A_54 = tpu.sem_alloc : memref<!tpu.dma_semaphore, #tpu.memory_space<semaphore_mem>>
      %dma_start3A = arith.constant 0 : i32
      %dma_start3A_55 = tpu.memref_slice %arg4[%arg0, %add3A_37, %dma_start3A] : memref<2x10112x128xf32, #tpu.memory_space<hbm>> -> memref<1x128x128xf32, #tpu.memory_space<hbm>>
      %dma_start3A_56 = tpu.memref_squeeze %dma_start3A_55 : memref<1x128x128xf32, #tpu.memory_space<hbm>> -> memref<128x128xf32, #tpu.memory_space<hbm>>
      %dma_start3A_57 = arith.constant 0 : i32
      %dma_start3A_58 = tpu.memref_slice %arg5[%add3A_35, %dma_start3A_57] : memref<10112x128xf32, #tpu.memory_space<vmem_shared>> -> memref<128x128xf32, #tpu.memory_space<vmem_shared>>
      tpu.enqueue_dma source(%dma_start3A_58 : memref<128x128xf32, #tpu.memory_space<vmem_shared>>) target(%dma_start3A_56 : memref<128x128xf32, #tpu.memory_space<hbm>>) target_semaphore(%run_scoped3A_54 : memref<!tpu.dma_semaphore, #tpu.memory_space<semaphore_mem>>)
      %dma_wait3A = arith.constant 0 : i32
      %dma_wait3A_59 = tpu.memref_slice %arg4[%arg0, %add3A_37, %dma_wait3A] : memref<2x10112x128xf32, #tpu.memory_space<hbm>> -> memref<1x128x128xf32, #tpu.memory_space<hbm>>
      %dma_wait3A_60 = tpu.memref_squeeze %dma_wait3A_59 : memref<1x128x128xf32, #tpu.memory_space<hbm>> -> memref<128x128xf32, #tpu.memory_space<hbm>>
      %dma_wait3A_61 = arith.constant 0 : i32
      %dma_wait3A_62 = tpu.memref_slice %arg5[%add3A_35, %dma_wait3A_61] : memref<10112x128xf32, #tpu.memory_space<vmem_shared>> -> memref<128x128xf32, #tpu.memory_space<vmem_shared>>
      tpu.wait_dma2 semaphore(%run_scoped3A_54 : memref<!tpu.dma_semaphore, #tpu.memory_space<semaphore_mem>>) src(%dma_wait3A_62 : memref<128x128xf32, #tpu.memory_space<vmem_shared>>) dst(%dma_wait3A_60 : memref<128x128xf32, #tpu.memory_space<hbm>>)
      tpu.yield
    }) : () -> ()
    %add3A_38 = arith.constant 128 : i32
    %add3A_39 = arith.addi %mul3A_2, %add3A_38 : i32
    %add3A_40 = arith.constant 128 : i32
    %add3A_41 = arith.addi %mul3A_2, %add3A_40 : i32
    "tpu.region"() ({
      %run_scoped3A_54 = tpu.sem_alloc : memref<!tpu.dma_semaphore, #tpu.memory_space<semaphore_mem>>
      %dma_start3A = arith.constant 0 : i32
      %dma_start3A_55 = tpu.memref_slice %arg4[%arg0, %add3A_41, %dma_start3A] : memref<2x10112x128xf32, #tpu.memory_space<hbm>> -> memref<1x128x128xf32, #tpu.memory_space<hbm>>
      %dma_start3A_56 = tpu.memref_squeeze %dma_start3A_55 : memref<1x128x128xf32, #tpu.memory_space<hbm>> -> memref<128x128xf32, #tpu.memory_space<hbm>>
      %dma_start3A_57 = arith.constant 0 : i32
      %dma_start3A_58 = tpu.memref_slice %arg5[%add3A_39, %dma_start3A_57] : memref<10112x128xf32, #tpu.memory_space<vmem_shared>> -> memref<128x128xf32, #tpu.memory_space<vmem_shared>>
      tpu.enqueue_dma source(%dma_start3A_58 : memref<128x128xf32, #tpu.memory_space<vmem_shared>>) target(%dma_start3A_56 : memref<128x128xf32, #tpu.memory_space<hbm>>) target_semaphore(%run_scoped3A_54 : memref<!tpu.dma_semaphore, #tpu.memory_space<semaphore_mem>>)
      %dma_wait3A = arith.constant 0 : i32
      %dma_wait3A_59 = tpu.memref_slice %arg4[%arg0, %add3A_41, %dma_wait3A] : memref<2x10112x128xf32, #tpu.memory_space<hbm>> -> memref<1x128x128xf32, #tpu.memory_space<hbm>>
      %dma_wait3A_60 = tpu.memref_squeeze %dma_wait3A_59 : memref<1x128x128xf32, #tpu.memory_space<hbm>> -> memref<128x128xf32, #tpu.memory_space<hbm>>
      %dma_wait3A_61 = arith.constant 0 : i32
      %dma_wait3A_62 = tpu.memref_slice %arg5[%add3A_39, %dma_wait3A_61] : memref<10112x128xf32, #tpu.memory_space<vmem_shared>> -> memref<128x128xf32, #tpu.memory_space<vmem_shared>>
      tpu.wait_dma2 semaphore(%run_scoped3A_54 : memref<!tpu.dma_semaphore, #tpu.memory_space<semaphore_mem>>) src(%dma_wait3A_62 : memref<128x128xf32, #tpu.memory_space<vmem_shared>>) dst(%dma_wait3A_60 : memref<128x128xf32, #tpu.memory_space<hbm>>)
      tpu.yield
    }) : () -> ()
    %add3A_42 = arith.constant 256 : i32
    %add3A_43 = arith.addi %mul3A_2, %add3A_42 : i32
    %add3A_44 = arith.constant 256 : i32
    %add3A_45 = arith.addi %mul3A_2, %add3A_44 : i32
    "tpu.region"() ({
      %run_scoped3A_54 = tpu.sem_alloc : memref<!tpu.dma_semaphore, #tpu.memory_space<semaphore_mem>>
      %dma_start3A = arith.constant 0 : i32
      %dma_start3A_55 = tpu.memref_slice %arg4[%arg0, %add3A_45, %dma_start3A] : memref<2x10112x128xf32, #tpu.memory_space<hbm>> -> memref<1x128x128xf32, #tpu.memory_space<hbm>>
      %dma_start3A_56 = tpu.memref_squeeze %dma_start3A_55 : memref<1x128x128xf32, #tpu.memory_space<hbm>> -> memref<128x128xf32, #tpu.memory_space<hbm>>
      %dma_start3A_57 = arith.constant 0 : i32
      %dma_start3A_58 = tpu.memref_slice %arg5[%add3A_43, %dma_start3A_57] : memref<10112x128xf32, #tpu.memory_space<vmem_shared>> -> memref<128x128xf32, #tpu.memory_space<vmem_shared>>
      tpu.enqueue_dma source(%dma_start3A_58 : memref<128x128xf32, #tpu.memory_space<vmem_shared>>) target(%dma_start3A_56 : memref<128x128xf32, #tpu.memory_space<hbm>>) target_semaphore(%run_scoped3A_54 : memref<!tpu.dma_semaphore, #tpu.memory_space<semaphore_mem>>)
      %dma_wait3A = arith.constant 0 : i32
      %dma_wait3A_59 = tpu.memref_slice %arg4[%arg0, %add3A_45, %dma_wait3A] : memref<2x10112x128xf32, #tpu.memory_space<hbm>> -> memref<1x128x128xf32, #tpu.memory_space<hbm>>
      %dma_wait3A_60 = tpu.memref_squeeze %dma_wait3A_59 : memref<1x128x128xf32, #tpu.memory_space<hbm>> -> memref<128x128xf32, #tpu.memory_space<hbm>>
      %dma_wait3A_61 = arith.constant 0 : i32
      %dma_wait3A_62 = tpu.memref_slice %arg5[%add3A_43, %dma_wait3A_61] : memref<10112x128xf32, #tpu.memory_space<vmem_shared>> -> memref<128x128xf32, #tpu.memory_space<vmem_shared>>
      tpu.wait_dma2 semaphore(%run_scoped3A_54 : memref<!tpu.dma_semaphore, #tpu.memory_space<semaphore_mem>>) src(%dma_wait3A_62 : memref<128x128xf32, #tpu.memory_space<vmem_shared>>) dst(%dma_wait3A_60 : memref<128x128xf32, #tpu.memory_space<hbm>>)
      tpu.yield
    }) : () -> ()
    %add3A_46 = arith.constant 384 : i32
    %add3A_47 = arith.addi %mul3A_2, %add3A_46 : i32
    %add3A_48 = arith.constant 384 : i32
    %add3A_49 = arith.addi %mul3A_2, %add3A_48 : i32
    "tpu.region"() ({
      %run_scoped3A_54 = tpu.sem_alloc : memref<!tpu.dma_semaphore, #tpu.memory_space<semaphore_mem>>
      %dma_start3A = arith.constant 0 : i32
      %dma_start3A_55 = tpu.memref_slice %arg4[%arg0, %add3A_49, %dma_start3A] : memref<2x10112x128xf32, #tpu.memory_space<hbm>> -> memref<1x128x128xf32, #tpu.memory_space<hbm>>
      %dma_start3A_56 = tpu.memref_squeeze %dma_start3A_55 : memref<1x128x128xf32, #tpu.memory_space<hbm>> -> memref<128x128xf32, #tpu.memory_space<hbm>>
      %dma_start3A_57 = arith.constant 0 : i32
      %dma_start3A_58 = tpu.memref_slice %arg5[%add3A_47, %dma_start3A_57] : memref<10112x128xf32, #tpu.memory_space<vmem_shared>> -> memref<128x128xf32, #tpu.memory_space<vmem_shared>>
      tpu.enqueue_dma source(%dma_start3A_58 : memref<128x128xf32, #tpu.memory_space<vmem_shared>>) target(%dma_start3A_56 : memref<128x128xf32, #tpu.memory_space<hbm>>) target_semaphore(%run_scoped3A_54 : memref<!tpu.dma_semaphore, #tpu.memory_space<semaphore_mem>>)
      %dma_wait3A = arith.constant 0 : i32
      %dma_wait3A_59 = tpu.memref_slice %arg4[%arg0, %add3A_49, %dma_wait3A] : memref<2x10112x128xf32, #tpu.memory_space<hbm>> -> memref<1x128x128xf32, #tpu.memory_space<hbm>>
      %dma_wait3A_60 = tpu.memref_squeeze %dma_wait3A_59 : memref<1x128x128xf32, #tpu.memory_space<hbm>> -> memref<128x128xf32, #tpu.memory_space<hbm>>
      %dma_wait3A_61 = arith.constant 0 : i32
      %dma_wait3A_62 = tpu.memref_slice %arg5[%add3A_47, %dma_wait3A_61] : memref<10112x128xf32, #tpu.memory_space<vmem_shared>> -> memref<128x128xf32, #tpu.memory_space<vmem_shared>>
      tpu.wait_dma2 semaphore(%run_scoped3A_54 : memref<!tpu.dma_semaphore, #tpu.memory_space<semaphore_mem>>) src(%dma_wait3A_62 : memref<128x128xf32, #tpu.memory_space<vmem_shared>>) dst(%dma_wait3A_60 : memref<128x128xf32, #tpu.memory_space<hbm>>)
      tpu.yield
    }) : () -> ()
    %add3A_50 = arith.constant 512 : i32
    %add3A_51 = arith.addi %mul3A_2, %add3A_50 : i32
    %add3A_52 = arith.constant 512 : i32
    %add3A_53 = arith.addi %mul3A_2, %add3A_52 : i32
    "tpu.region"() ({
      %run_scoped3A_54 = tpu.sem_alloc : memref<!tpu.dma_semaphore, #tpu.memory_space<semaphore_mem>>
      %dma_start3A = arith.constant 0 : i32
      %dma_start3A_55 = tpu.memref_slice %arg4[%arg0, %add3A_53, %dma_start3A] : memref<2x10112x128xf32, #tpu.memory_space<hbm>> -> memref<1x120x128xf32, #tpu.memory_space<hbm>>
      %dma_start3A_56 = tpu.memref_squeeze %dma_start3A_55 : memref<1x120x128xf32, #tpu.memory_space<hbm>> -> memref<120x128xf32, #tpu.memory_space<hbm>>
      %dma_start3A_57 = arith.constant 0 : i32
      %dma_start3A_58 = tpu.memref_slice %arg5[%add3A_51, %dma_start3A_57] : memref<10112x128xf32, #tpu.memory_space<vmem_shared>> -> memref<120x128xf32, #tpu.memory_space<vmem_shared>>
      tpu.enqueue_dma source(%dma_start3A_58 : memref<120x128xf32, #tpu.memory_space<vmem_shared>>) target(%dma_start3A_56 : memref<120x128xf32, #tpu.memory_space<hbm>>) target_semaphore(%run_scoped3A_54 : memref<!tpu.dma_semaphore, #tpu.memory_space<semaphore_mem>>)
      %dma_wait3A = arith.constant 0 : i32
      %dma_wait3A_59 = tpu.memref_slice %arg4[%arg0, %add3A_53, %dma_wait3A] : memref<2x10112x128xf32, #tpu.memory_space<hbm>> -> memref<1x120x128xf32, #tpu.memory_space<hbm>>
      %dma_wait3A_60 = tpu.memref_squeeze %dma_wait3A_59 : memref<1x120x128xf32, #tpu.memory_space<hbm>> -> memref<120x128xf32, #tpu.memory_space<hbm>>
      %dma_wait3A_61 = arith.constant 0 : i32
      %dma_wait3A_62 = tpu.memref_slice %arg5[%add3A_51, %dma_wait3A_61] : memref<10112x128xf32, #tpu.memory_space<vmem_shared>> -> memref<120x128xf32, #tpu.memory_space<vmem_shared>>
      tpu.wait_dma2 semaphore(%run_scoped3A_54 : memref<!tpu.dma_semaphore, #tpu.memory_space<semaphore_mem>>) src(%dma_wait3A_62 : memref<120x128xf32, #tpu.memory_space<vmem_shared>>) dst(%dma_wait3A_60 : memref<120x128xf32, #tpu.memory_space<hbm>>)
      tpu.yield
    }) : () -> ()
    return
  }
}

#map = affine_map<(d0, d1) -> (0, 0)>
#map1 = affine_map<(d0, d1) -> (0, 0, 0)>
module attributes {stable_mosaic.version = 14 : i64} {
  func.func @sage_sc_agg128(%arg0: i32, %arg1: i32, %arg2: memref<10000x128xf32, #tpu.memory_space<hbm>>, %arg3: memref<2560x2x128xi32, #tpu.memory_space<hbm>>, %arg4: memref<1x10112x128xf32, #tpu.memory_space<hbm>>, %arg5: memref<10112x128xf32, #tpu.memory_space<vmem_shared>>, %arg6: memref<128xi32, #tpu.memory_space<vmem>>, %arg7: memref<128xi32, #tpu.memory_space<vmem>>, %arg8: memref<128xi32, #tpu.memory_space<vmem>>, %arg9: memref<128xi32, #tpu.memory_space<vmem>>, %arg10: memref<128xi32, #tpu.memory_space<vmem>>, %arg11: memref<128xi32, #tpu.memory_space<vmem>>, %arg12: memref<128xi32, #tpu.memory_space<vmem>>, %arg13: memref<128xi32, #tpu.memory_space<vmem>>, %arg14: memref<2x128x128xf32, #tpu.memory_space<vmem>>, %arg15: memref<!tpu.dma_semaphore, #tpu.memory_space<semaphore_mem>>, %arg16: memref<!tpu.dma_semaphore, #tpu.memory_space<semaphore_mem>>, %arg17: memref<!tpu.dma_semaphore, #tpu.memory_space<semaphore_mem>>, %arg18: memref<!tpu.dma_semaphore, #tpu.memory_space<semaphore_mem>>, %arg19: memref<!tpu.dma_semaphore, #tpu.memory_space<semaphore_mem>>, %arg20: memref<!tpu.dma_semaphore, #tpu.memory_space<semaphore_mem>>) attributes {dimension_semantics = [#tpu.dimension_semantics<core_parallel>, #tpu.dimension_semantics<subcore_parallel>], iteration_bounds = array<i64: 2, 16>, scalar_prefetch = 0 : i64, scratch_operands = 16 : i64, tpu.core_type = #tpu.core_type<sc_vector_subcore>, window_params = [{transform_indices = #map}, {transform_indices = #map1}, {transform_indices = #map1}]} {
    %mul3A = arith.constant 160 : i32
    %mul3A_0 = arith.muli %arg1, %mul3A : i32
    %mul3A_1 = arith.constant 632 : i32
    %mul3A_2 = arith.muli %arg1, %mul3A_1 : i32
    %scan3A = arith.constant 0 : i32
    %scan3A_3 = arith.constant 0 : i32
    %scan3A_4 = arith.constant 128 : i32
    %scan3A_5 = arith.addi %scan3A_3, %scan3A_4 : i32
    %scan3A_6 = arith.constant 1 : i32
    scf.for %scan3A_29 = %scan3A_3 to %scan3A_5 step %scan3A_6  : i32 {
      %broadcast_in_dim3A = arith.constant 0.000000e+00 : f32
      %broadcast_in_dim3A_30 = vector.broadcast %broadcast_in_dim3A : f32 to vector<16xf32>
      %swap3A = arith.constant 0 : i32
      %swap3A_31 = arith.index_cast %swap3A : i32 to index
      %swap3A_32 = arith.index_cast %scan3A_29 : i32 to index
      %swap3A_33 = arith.constant 0 : index
      %swap3A_34 = tpu.vector_load %arg14[%swap3A_31, %swap3A_32, %swap3A_33] {strides = array<i32>} : memref<2x128x128xf32, #tpu.memory_space<vmem>>, vector<1x1x16xf32>,
      %swap3A_35 = vector.shape_cast %swap3A_34 : vector<1x1x16xf32> to vector<16xf32>
      %swap3A_36 = vector.shape_cast %broadcast_in_dim3A_30 : vector<16xf32> to vector<1x1x16xf32>
      tpu.vector_store %arg14[%swap3A_31, %swap3A_32, %swap3A_33], %swap3A_36 {strides = array<i32>} : memref<2x128x128xf32, #tpu.memory_space<vmem>>, vector<1x1x16xf32>,
      %broadcast_in_dim3A_37 = arith.constant 0.000000e+00 : f32
      %broadcast_in_dim3A_38 = vector.broadcast %broadcast_in_dim3A_37 : f32 to vector<16xf32>
      %swap3A_39 = arith.constant 0 : i32
      %swap3A_40 = arith.index_cast %swap3A_39 : i32 to index
      %swap3A_41 = arith.index_cast %scan3A_29 : i32 to index
      %swap3A_42 = arith.constant 16 : index
      %swap3A_43 = tpu.vector_load %arg14[%swap3A_40, %swap3A_41, %swap3A_42] {strides = array<i32>} : memref<2x128x128xf32, #tpu.memory_space<vmem>>, vector<1x1x16xf32>,
      %swap3A_44 = vector.shape_cast %swap3A_43 : vector<1x1x16xf32> to vector<16xf32>
      %swap3A_45 = vector.shape_cast %broadcast_in_dim3A_38 : vector<16xf32> to vector<1x1x16xf32>
      tpu.vector_store %arg14[%swap3A_40, %swap3A_41, %swap3A_42], %swap3A_45 {strides = array<i32>} : memref<2x128x128xf32, #tpu.memory_space<vmem>>, vector<1x1x16xf32>,
      %broadcast_in_dim3A_46 = arith.constant 0.000000e+00 : f32
      %broadcast_in_dim3A_47 = vector.broadcast %broadcast_in_dim3A_46 : f32 to vector<16xf32>
      %swap3A_48 = arith.constant 0 : i32
      %swap3A_49 = arith.index_cast %swap3A_48 : i32 to index
      %swap3A_50 = arith.index_cast %scan3A_29 : i32 to index
      %swap3A_51 = arith.constant 32 : index
      %swap3A_52 = tpu.vector_load %arg14[%swap3A_49, %swap3A_50, %swap3A_51] {strides = array<i32>} : memref<2x128x128xf32, #tpu.memory_space<vmem>>, vector<1x1x16xf32>,
      %swap3A_53 = vector.shape_cast %swap3A_52 : vector<1x1x16xf32> to vector<16xf32>
      %swap3A_54 = vector.shape_cast %broadcast_in_dim3A_47 : vector<16xf32> to vector<1x1x16xf32>
      tpu.vector_store %arg14[%swap3A_49, %swap3A_50, %swap3A_51], %swap3A_54 {strides = array<i32>} : memref<2x128x128xf32, #tpu.memory_space<vmem>>, vector<1x1x16xf32>,
      %broadcast_in_dim3A_55 = arith.constant 0.000000e+00 : f32
      %broadcast_in_dim3A_56 = vector.broadcast %broadcast_in_dim3A_55 : f32 to vector<16xf32>
      %swap3A_57 = arith.constant 0 : i32
      %swap3A_58 = arith.index_cast %swap3A_57 : i32 to index
      %swap3A_59 = arith.index_cast %scan3A_29 : i32 to index
      %swap3A_60 = arith.constant 48 : index
      %swap3A_61 = tpu.vector_load %arg14[%swap3A_58, %swap3A_59, %swap3A_60] {strides = array<i32>} : memref<2x128x128xf32, #tpu.memory_space<vmem>>, vector<1x1x16xf32>,
      %swap3A_62 = vector.shape_cast %swap3A_61 : vector<1x1x16xf32> to vector<16xf32>
      %swap3A_63 = vector.shape_cast %broadcast_in_dim3A_56 : vector<16xf32> to vector<1x1x16xf32>
      tpu.vector_store %arg14[%swap3A_58, %swap3A_59, %swap3A_60], %swap3A_63 {strides = array<i32>} : memref<2x128x128xf32, #tpu.memory_space<vmem>>, vector<1x1x16xf32>,
      %broadcast_in_dim3A_64 = arith.constant 0.000000e+00 : f32
      %broadcast_in_dim3A_65 = vector.broadcast %broadcast_in_dim3A_64 : f32 to vector<16xf32>
      %swap3A_66 = arith.constant 0 : i32
      %swap3A_67 = arith.index_cast %swap3A_66 : i32 to index
      %swap3A_68 = arith.index_cast %scan3A_29 : i32 to index
      %swap3A_69 = arith.constant 64 : index
      %swap3A_70 = tpu.vector_load %arg14[%swap3A_67, %swap3A_68, %swap3A_69] {strides = array<i32>} : memref<2x128x128xf32, #tpu.memory_space<vmem>>, vector<1x1x16xf32>,
      %swap3A_71 = vector.shape_cast %swap3A_70 : vector<1x1x16xf32> to vector<16xf32>
      %swap3A_72 = vector.shape_cast %broadcast_in_dim3A_65 : vector<16xf32> to vector<1x1x16xf32>
      tpu.vector_store %arg14[%swap3A_67, %swap3A_68, %swap3A_69], %swap3A_72 {strides = array<i32>} : memref<2x128x128xf32, #tpu.memory_space<vmem>>, vector<1x1x16xf32>,
      %broadcast_in_dim3A_73 = arith.constant 0.000000e+00 : f32
      %broadcast_in_dim3A_74 = vector.broadcast %broadcast_in_dim3A_73 : f32 to vector<16xf32>
      %swap3A_75 = arith.constant 0 : i32
      %swap3A_76 = arith.index_cast %swap3A_75 : i32 to index
      %swap3A_77 = arith.index_cast %scan3A_29 : i32 to index
      %swap3A_78 = arith.constant 80 : index
      %swap3A_79 = tpu.vector_load %arg14[%swap3A_76, %swap3A_77, %swap3A_78] {strides = array<i32>} : memref<2x128x128xf32, #tpu.memory_space<vmem>>, vector<1x1x16xf32>,
      %swap3A_80 = vector.shape_cast %swap3A_79 : vector<1x1x16xf32> to vector<16xf32>
      %swap3A_81 = vector.shape_cast %broadcast_in_dim3A_74 : vector<16xf32> to vector<1x1x16xf32>
      tpu.vector_store %arg14[%swap3A_76, %swap3A_77, %swap3A_78], %swap3A_81 {strides = array<i32>} : memref<2x128x128xf32, #tpu.memory_space<vmem>>, vector<1x1x16xf32>,
      %broadcast_in_dim3A_82 = arith.constant 0.000000e+00 : f32
      %broadcast_in_dim3A_83 = vector.broadcast %broadcast_in_dim3A_82 : f32 to vector<16xf32>
      %swap3A_84 = arith.constant 0 : i32
      %swap3A_85 = arith.index_cast %swap3A_84 : i32 to index
      %swap3A_86 = arith.index_cast %scan3A_29 : i32 to index
      %swap3A_87 = arith.constant 96 : index
      %swap3A_88 = tpu.vector_load %arg14[%swap3A_85, %swap3A_86, %swap3A_87] {strides = array<i32>} : memref<2x128x128xf32, #tpu.memory_space<vmem>>, vector<1x1x16xf32>,
      %swap3A_89 = vector.shape_cast %swap3A_88 : vector<1x1x16xf32> to vector<16xf32>
      %swap3A_90 = vector.shape_cast %broadcast_in_dim3A_83 : vector<16xf32> to vector<1x1x16xf32>
      tpu.vector_store %arg14[%swap3A_85, %swap3A_86, %swap3A_87], %swap3A_90 {strides = array<i32>} : memref<2x128x128xf32, #tpu.memory_space<vmem>>, vector<1x1x16xf32>,
      %broadcast_in_dim3A_91 = arith.constant 0.000000e+00 : f32
      %broadcast_in_dim3A_92 = vector.broadcast %broadcast_in_dim3A_91 : f32 to vector<16xf32>
      %swap3A_93 = arith.constant 0 : i32
      %swap3A_94 = arith.index_cast %swap3A_93 : i32 to index
      %swap3A_95 = arith.index_cast %scan3A_29 : i32 to index
      %swap3A_96 = arith.constant 112 : index
      %swap3A_97 = tpu.vector_load %arg14[%swap3A_94, %swap3A_95, %swap3A_96] {strides = array<i32>} : memref<2x128x128xf32, #tpu.memory_space<vmem>>, vector<1x1x16xf32>,
      %swap3A_98 = vector.shape_cast %swap3A_97 : vector<1x1x16xf32> to vector<16xf32>
      %swap3A_99 = vector.shape_cast %broadcast_in_dim3A_92 : vector<16xf32> to vector<1x1x16xf32>
      tpu.vector_store %arg14[%swap3A_94, %swap3A_95, %swap3A_96], %swap3A_99 {strides = array<i32>} : memref<2x128x128xf32, #tpu.memory_space<vmem>>, vector<1x1x16xf32>,
    }
    %scan3A_7 = arith.constant 128 : i32
    %add3A = arith.constant 0 : i32
    %add3A_8 = arith.addi %mul3A_2, %add3A : i32
    %run_scoped3A = arith.constant 0 : i32
    "tpu.region"() ({
      %run_scoped3A_29 = tpu.sem_alloc : memref<!tpu.dma_semaphore, #tpu.memory_space<semaphore_mem>>
      %dma_start3A = arith.constant 0 : i32
      %dma_start3A_30 = arith.constant 0 : i32
      %dma_start3A_31 = tpu.memref_slice %arg14[%run_scoped3A, %dma_start3A, %dma_start3A_30] : memref<2x128x128xf32, #tpu.memory_space<vmem>> -> memref<1x128x128xf32, #tpu.memory_space<vmem>>
      %dma_start3A_32 = tpu.memref_squeeze %dma_start3A_31 : memref<1x128x128xf32, #tpu.memory_space<vmem>> -> memref<128x128xf32, #tpu.memory_space<vmem>>
      %dma_start3A_33 = arith.constant 0 : i32
      %dma_start3A_34 = tpu.memref_slice %arg5[%add3A_8, %dma_start3A_33] : memref<10112x128xf32, #tpu.memory_space<vmem_shared>> -> memref<128x128xf32, #tpu.memory_space<vmem_shared>>
      %dma_start3A_35 = arith.constant 0 : i32
      %dma_start3A_36 = tpu.memref_slice %arg5[%add3A_8, %dma_start3A_35] : memref<10112x128xf32, #tpu.memory_space<vmem_shared>> -> memref<128x128xf32, #tpu.memory_space<vmem_shared>>
      %dma_start3A_37 = arith.constant 0 : i32
      %dma_start3A_38 = arith.constant 0 : i32
      %dma_start3A_39 = tpu.memref_slice %arg14[%run_scoped3A, %dma_start3A_37, %dma_start3A_38] : memref<2x128x128xf32, #tpu.memory_space<vmem>> -> memref<1x128x128xf32, #tpu.memory_space<vmem>>
      %dma_start3A_40 = tpu.memref_squeeze %dma_start3A_39 : memref<1x128x128xf32, #tpu.memory_space<vmem>> -> memref<128x128xf32, #tpu.memory_space<vmem>>
      tpu.enqueue_dma source(%dma_start3A_40 : memref<128x128xf32, #tpu.memory_space<vmem>>) target(%dma_start3A_36 : memref<128x128xf32, #tpu.memory_space<vmem_shared>>) target_semaphore(%run_scoped3A_29 : memref<!tpu.dma_semaphore, #tpu.memory_space<semaphore_mem>>)
      %dma_wait3A = arith.constant 0 : i32
      %dma_wait3A_41 = arith.constant 0 : i32
      %dma_wait3A_42 = tpu.memref_slice %arg14[%run_scoped3A, %dma_wait3A, %dma_wait3A_41] : memref<2x128x128xf32, #tpu.memory_space<vmem>> -> memref<1x128x128xf32, #tpu.memory_space<vmem>>
      %dma_wait3A_43 = tpu.memref_squeeze %dma_wait3A_42 : memref<1x128x128xf32, #tpu.memory_space<vmem>> -> memref<128x128xf32, #tpu.memory_space<vmem>>
      %dma_wait3A_44 = arith.constant 0 : i32
      %dma_wait3A_45 = tpu.memref_slice %arg5[%add3A_8, %dma_wait3A_44] : memref<10112x128xf32, #tpu.memory_space<vmem_shared>> -> memref<128x128xf32, #tpu.memory_space<vmem_shared>>
      %dma_wait3A_46 = arith.constant 0 : i32
      %dma_wait3A_47 = tpu.memref_slice %arg5[%add3A_8, %dma_wait3A_46] : memref<10112x128xf32, #tpu.memory_space<vmem_shared>> -> memref<128x128xf32, #tpu.memory_space<vmem_shared>>
      %dma_wait3A_48 = arith.constant 0 : i32
      %dma_wait3A_49 = arith.constant 0 : i32
      %dma_wait3A_50 = tpu.memref_slice %arg14[%run_scoped3A, %dma_wait3A_48, %dma_wait3A_49] : memref<2x128x128xf32, #tpu.memory_space<vmem>> -> memref<1x128x128xf32, #tpu.memory_space<vmem>>
      %dma_wait3A_51 = tpu.memref_squeeze %dma_wait3A_50 : memref<1x128x128xf32, #tpu.memory_space<vmem>> -> memref<128x128xf32, #tpu.memory_space<vmem>>
      tpu.wait_dma2 semaphore(%run_scoped3A_29 : memref<!tpu.dma_semaphore, #tpu.memory_space<semaphore_mem>>) src(%dma_wait3A_51 : memref<128x128xf32, #tpu.memory_space<vmem>>) dst(%dma_wait3A_47 : memref<128x128xf32, #tpu.memory_space<vmem_shared>>)
      tpu.yield
    }) : () -> ()
    %add3A_9 = arith.constant 128 : i32
    %add3A_10 = arith.addi %mul3A_2, %add3A_9 : i32
    %run_scoped3A_11 = arith.constant 0 : i32
    "tpu.region"() ({
      %run_scoped3A_29 = tpu.sem_alloc : memref<!tpu.dma_semaphore, #tpu.memory_space<semaphore_mem>>
      %dma_start3A = arith.constant 0 : i32
      %dma_start3A_30 = arith.constant 0 : i32
      %dma_start3A_31 = tpu.memref_slice %arg14[%run_scoped3A_11, %dma_start3A, %dma_start3A_30] : memref<2x128x128xf32, #tpu.memory_space<vmem>> -> memref<1x128x128xf32, #tpu.memory_space<vmem>>
      %dma_start3A_32 = tpu.memref_squeeze %dma_start3A_31 : memref<1x128x128xf32, #tpu.memory_space<vmem>> -> memref<128x128xf32, #tpu.memory_space<vmem>>
      %dma_start3A_33 = arith.constant 0 : i32
      %dma_start3A_34 = tpu.memref_slice %arg5[%add3A_10, %dma_start3A_33] : memref<10112x128xf32, #tpu.memory_space<vmem_shared>> -> memref<128x128xf32, #tpu.memory_space<vmem_shared>>
      %dma_start3A_35 = arith.constant 0 : i32
      %dma_start3A_36 = tpu.memref_slice %arg5[%add3A_10, %dma_start3A_35] : memref<10112x128xf32, #tpu.memory_space<vmem_shared>> -> memref<128x128xf32, #tpu.memory_space<vmem_shared>>
      %dma_start3A_37 = arith.constant 0 : i32
      %dma_start3A_38 = arith.constant 0 : i32
      %dma_start3A_39 = tpu.memref_slice %arg14[%run_scoped3A_11, %dma_start3A_37, %dma_start3A_38] : memref<2x128x128xf32, #tpu.memory_space<vmem>> -> memref<1x128x128xf32, #tpu.memory_space<vmem>>
      %dma_start3A_40 = tpu.memref_squeeze %dma_start3A_39 : memref<1x128x128xf32, #tpu.memory_space<vmem>> -> memref<128x128xf32, #tpu.memory_space<vmem>>
      tpu.enqueue_dma source(%dma_start3A_40 : memref<128x128xf32, #tpu.memory_space<vmem>>) target(%dma_start3A_36 : memref<128x128xf32, #tpu.memory_space<vmem_shared>>) target_semaphore(%run_scoped3A_29 : memref<!tpu.dma_semaphore, #tpu.memory_space<semaphore_mem>>)
      %dma_wait3A = arith.constant 0 : i32
      %dma_wait3A_41 = arith.constant 0 : i32
      %dma_wait3A_42 = tpu.memref_slice %arg14[%run_scoped3A_11, %dma_wait3A, %dma_wait3A_41] : memref<2x128x128xf32, #tpu.memory_space<vmem>> -> memref<1x128x128xf32, #tpu.memory_space<vmem>>
      %dma_wait3A_43 = tpu.memref_squeeze %dma_wait3A_42 : memref<1x128x128xf32, #tpu.memory_space<vmem>> -> memref<128x128xf32, #tpu.memory_space<vmem>>
      %dma_wait3A_44 = arith.constant 0 : i32
      %dma_wait3A_45 = tpu.memref_slice %arg5[%add3A_10, %dma_wait3A_44] : memref<10112x128xf32, #tpu.memory_space<vmem_shared>> -> memref<128x128xf32, #tpu.memory_space<vmem_shared>>
      %dma_wait3A_46 = arith.constant 0 : i32
      %dma_wait3A_47 = tpu.memref_slice %arg5[%add3A_10, %dma_wait3A_46] : memref<10112x128xf32, #tpu.memory_space<vmem_shared>> -> memref<128x128xf32, #tpu.memory_space<vmem_shared>>
      %dma_wait3A_48 = arith.constant 0 : i32
      %dma_wait3A_49 = arith.constant 0 : i32
      %dma_wait3A_50 = tpu.memref_slice %arg14[%run_scoped3A_11, %dma_wait3A_48, %dma_wait3A_49] : memref<2x128x128xf32, #tpu.memory_space<vmem>> -> memref<1x128x128xf32, #tpu.memory_space<vmem>>
      %dma_wait3A_51 = tpu.memref_squeeze %dma_wait3A_50 : memref<1x128x128xf32, #tpu.memory_space<vmem>> -> memref<128x128xf32, #tpu.memory_space<vmem>>
      tpu.wait_dma2 semaphore(%run_scoped3A_29 : memref<!tpu.dma_semaphore, #tpu.memory_space<semaphore_mem>>) src(%dma_wait3A_51 : memref<128x128xf32, #tpu.memory_space<vmem>>) dst(%dma_wait3A_47 : memref<128x128xf32, #tpu.memory_space<vmem_shared>>)
      tpu.yield
    }) : () -> ()
    %add3A_12 = arith.constant 256 : i32
    %add3A_13 = arith.addi %mul3A_2, %add3A_12 : i32
    %run_scoped3A_14 = arith.constant 0 : i32
    "tpu.region"() ({
      %run_scoped3A_29 = tpu.sem_alloc : memref<!tpu.dma_semaphore, #tpu.memory_space<semaphore_mem>>
      %dma_start3A = arith.constant 0 : i32
      %dma_start3A_30 = arith.constant 0 : i32
      %dma_start3A_31 = tpu.memref_slice %arg14[%run_scoped3A_14, %dma_start3A, %dma_start3A_30] : memref<2x128x128xf32, #tpu.memory_space<vmem>> -> memref<1x128x128xf32, #tpu.memory_space<vmem>>
      %dma_start3A_32 = tpu.memref_squeeze %dma_start3A_31 : memref<1x128x128xf32, #tpu.memory_space<vmem>> -> memref<128x128xf32, #tpu.memory_space<vmem>>
      %dma_start3A_33 = arith.constant 0 : i32
      %dma_start3A_34 = tpu.memref_slice %arg5[%add3A_13, %dma_start3A_33] : memref<10112x128xf32, #tpu.memory_space<vmem_shared>> -> memref<128x128xf32, #tpu.memory_space<vmem_shared>>
      %dma_start3A_35 = arith.constant 0 : i32
      %dma_start3A_36 = tpu.memref_slice %arg5[%add3A_13, %dma_start3A_35] : memref<10112x128xf32, #tpu.memory_space<vmem_shared>> -> memref<128x128xf32, #tpu.memory_space<vmem_shared>>
      %dma_start3A_37 = arith.constant 0 : i32
      %dma_start3A_38 = arith.constant 0 : i32
      %dma_start3A_39 = tpu.memref_slice %arg14[%run_scoped3A_14, %dma_start3A_37, %dma_start3A_38] : memref<2x128x128xf32, #tpu.memory_space<vmem>> -> memref<1x128x128xf32, #tpu.memory_space<vmem>>
      %dma_start3A_40 = tpu.memref_squeeze %dma_start3A_39 : memref<1x128x128xf32, #tpu.memory_space<vmem>> -> memref<128x128xf32, #tpu.memory_space<vmem>>
      tpu.enqueue_dma source(%dma_start3A_40 : memref<128x128xf32, #tpu.memory_space<vmem>>) target(%dma_start3A_36 : memref<128x128xf32, #tpu.memory_space<vmem_shared>>) target_semaphore(%run_scoped3A_29 : memref<!tpu.dma_semaphore, #tpu.memory_space<semaphore_mem>>)
      %dma_wait3A = arith.constant 0 : i32
      %dma_wait3A_41 = arith.constant 0 : i32
      %dma_wait3A_42 = tpu.memref_slice %arg14[%run_scoped3A_14, %dma_wait3A, %dma_wait3A_41] : memref<2x128x128xf32, #tpu.memory_space<vmem>> -> memref<1x128x128xf32, #tpu.memory_space<vmem>>
      %dma_wait3A_43 = tpu.memref_squeeze %dma_wait3A_42 : memref<1x128x128xf32, #tpu.memory_space<vmem>> -> memref<128x128xf32, #tpu.memory_space<vmem>>
      %dma_wait3A_44 = arith.constant 0 : i32
      %dma_wait3A_45 = tpu.memref_slice %arg5[%add3A_13, %dma_wait3A_44] : memref<10112x128xf32, #tpu.memory_space<vmem_shared>> -> memref<128x128xf32, #tpu.memory_space<vmem_shared>>
      %dma_wait3A_46 = arith.constant 0 : i32
      %dma_wait3A_47 = tpu.memref_slice %arg5[%add3A_13, %dma_wait3A_46] : memref<10112x128xf32, #tpu.memory_space<vmem_shared>> -> memref<128x128xf32, #tpu.memory_space<vmem_shared>>
      %dma_wait3A_48 = arith.constant 0 : i32
      %dma_wait3A_49 = arith.constant 0 : i32
      %dma_wait3A_50 = tpu.memref_slice %arg14[%run_scoped3A_14, %dma_wait3A_48, %dma_wait3A_49] : memref<2x128x128xf32, #tpu.memory_space<vmem>> -> memref<1x128x128xf32, #tpu.memory_space<vmem>>
      %dma_wait3A_51 = tpu.memref_squeeze %dma_wait3A_50 : memref<1x128x128xf32, #tpu.memory_space<vmem>> -> memref<128x128xf32, #tpu.memory_space<vmem>>
      tpu.wait_dma2 semaphore(%run_scoped3A_29 : memref<!tpu.dma_semaphore, #tpu.memory_space<semaphore_mem>>) src(%dma_wait3A_51 : memref<128x128xf32, #tpu.memory_space<vmem>>) dst(%dma_wait3A_47 : memref<128x128xf32, #tpu.memory_space<vmem_shared>>)
      tpu.yield
    }) : () -> ()
    %add3A_15 = arith.constant 384 : i32
    %add3A_16 = arith.addi %mul3A_2, %add3A_15 : i32
    %run_scoped3A_17 = arith.constant 0 : i32
    "tpu.region"() ({
      %run_scoped3A_29 = tpu.sem_alloc : memref<!tpu.dma_semaphore, #tpu.memory_space<semaphore_mem>>
      %dma_start3A = arith.constant 0 : i32
      %dma_start3A_30 = arith.constant 0 : i32
      %dma_start3A_31 = tpu.memref_slice %arg14[%run_scoped3A_17, %dma_start3A, %dma_start3A_30] : memref<2x128x128xf32, #tpu.memory_space<vmem>> -> memref<1x128x128xf32, #tpu.memory_space<vmem>>
      %dma_start3A_32 = tpu.memref_squeeze %dma_start3A_31 : memref<1x128x128xf32, #tpu.memory_space<vmem>> -> memref<128x128xf32, #tpu.memory_space<vmem>>
      %dma_start3A_33 = arith.constant 0 : i32
      %dma_start3A_34 = tpu.memref_slice %arg5[%add3A_16, %dma_start3A_33] : memref<10112x128xf32, #tpu.memory_space<vmem_shared>> -> memref<128x128xf32, #tpu.memory_space<vmem_shared>>
      %dma_start3A_35 = arith.constant 0 : i32
      %dma_start3A_36 = tpu.memref_slice %arg5[%add3A_16, %dma_start3A_35] : memref<10112x128xf32, #tpu.memory_space<vmem_shared>> -> memref<128x128xf32, #tpu.memory_space<vmem_shared>>
      %dma_start3A_37 = arith.constant 0 : i32
      %dma_start3A_38 = arith.constant 0 : i32
      %dma_start3A_39 = tpu.memref_slice %arg14[%run_scoped3A_17, %dma_start3A_37, %dma_start3A_38] : memref<2x128x128xf32, #tpu.memory_space<vmem>> -> memref<1x128x128xf32, #tpu.memory_space<vmem>>
      %dma_start3A_40 = tpu.memref_squeeze %dma_start3A_39 : memref<1x128x128xf32, #tpu.memory_space<vmem>> -> memref<128x128xf32, #tpu.memory_space<vmem>>
      tpu.enqueue_dma source(%dma_start3A_40 : memref<128x128xf32, #tpu.memory_space<vmem>>) target(%dma_start3A_36 : memref<128x128xf32, #tpu.memory_space<vmem_shared>>) target_semaphore(%run_scoped3A_29 : memref<!tpu.dma_semaphore, #tpu.memory_space<semaphore_mem>>)
      %dma_wait3A = arith.constant 0 : i32
      %dma_wait3A_41 = arith.constant 0 : i32
      %dma_wait3A_42 = tpu.memref_slice %arg14[%run_scoped3A_17, %dma_wait3A, %dma_wait3A_41] : memref<2x128x128xf32, #tpu.memory_space<vmem>> -> memref<1x128x128xf32, #tpu.memory_space<vmem>>
      %dma_wait3A_43 = tpu.memref_squeeze %dma_wait3A_42 : memref<1x128x128xf32, #tpu.memory_space<vmem>> -> memref<128x128xf32, #tpu.memory_space<vmem>>
      %dma_wait3A_44 = arith.constant 0 : i32
      %dma_wait3A_45 = tpu.memref_slice %arg5[%add3A_16, %dma_wait3A_44] : memref<10112x128xf32, #tpu.memory_space<vmem_shared>> -> memref<128x128xf32, #tpu.memory_space<vmem_shared>>
      %dma_wait3A_46 = arith.constant 0 : i32
      %dma_wait3A_47 = tpu.memref_slice %arg5[%add3A_16, %dma_wait3A_46] : memref<10112x128xf32, #tpu.memory_space<vmem_shared>> -> memref<128x128xf32, #tpu.memory_space<vmem_shared>>
      %dma_wait3A_48 = arith.constant 0 : i32
      %dma_wait3A_49 = arith.constant 0 : i32
      %dma_wait3A_50 = tpu.memref_slice %arg14[%run_scoped3A_17, %dma_wait3A_48, %dma_wait3A_49] : memref<2x128x128xf32, #tpu.memory_space<vmem>> -> memref<1x128x128xf32, #tpu.memory_space<vmem>>
      %dma_wait3A_51 = tpu.memref_squeeze %dma_wait3A_50 : memref<1x128x128xf32, #tpu.memory_space<vmem>> -> memref<128x128xf32, #tpu.memory_space<vmem>>
      tpu.wait_dma2 semaphore(%run_scoped3A_29 : memref<!tpu.dma_semaphore, #tpu.memory_space<semaphore_mem>>) src(%dma_wait3A_51 : memref<128x128xf32, #tpu.memory_space<vmem>>) dst(%dma_wait3A_47 : memref<128x128xf32, #tpu.memory_space<vmem_shared>>)
      tpu.yield
    }) : () -> ()
    %add3A_18 = arith.constant 512 : i32
    %add3A_19 = arith.addi %mul3A_2, %add3A_18 : i32
    %run_scoped3A_20 = arith.constant 0 : i32
    "tpu.region"() ({
      %run_scoped3A_29 = tpu.sem_alloc : memref<!tpu.dma_semaphore, #tpu.memory_space<semaphore_mem>>
      %dma_start3A = arith.constant 0 : i32
      %dma_start3A_30 = arith.constant 0 : i32
      %dma_start3A_31 = tpu.memref_slice %arg14[%run_scoped3A_20, %dma_start3A, %dma_start3A_30] : memref<2x128x128xf32, #tpu.memory_space<vmem>> -> memref<1x120x128xf32, #tpu.memory_space<vmem>>
      %dma_start3A_32 = tpu.memref_squeeze %dma_start3A_31 : memref<1x120x128xf32, #tpu.memory_space<vmem>> -> memref<120x128xf32, #tpu.memory_space<vmem>>
      %dma_start3A_33 = arith.constant 0 : i32
      %dma_start3A_34 = tpu.memref_slice %arg5[%add3A_19, %dma_start3A_33] : memref<10112x128xf32, #tpu.memory_space<vmem_shared>> -> memref<120x128xf32, #tpu.memory_space<vmem_shared>>
      %dma_start3A_35 = arith.constant 0 : i32
      %dma_start3A_36 = tpu.memref_slice %arg5[%add3A_19, %dma_start3A_35] : memref<10112x128xf32, #tpu.memory_space<vmem_shared>> -> memref<120x128xf32, #tpu.memory_space<vmem_shared>>
      %dma_start3A_37 = arith.constant 0 : i32
      %dma_start3A_38 = arith.constant 0 : i32
      %dma_start3A_39 = tpu.memref_slice %arg14[%run_scoped3A_20, %dma_start3A_37, %dma_start3A_38] : memref<2x128x128xf32, #tpu.memory_space<vmem>> -> memref<1x120x128xf32, #tpu.memory_space<vmem>>
      %dma_start3A_40 = tpu.memref_squeeze %dma_start3A_39 : memref<1x120x128xf32, #tpu.memory_space<vmem>> -> memref<120x128xf32, #tpu.memory_space<vmem>>
      tpu.enqueue_dma source(%dma_start3A_40 : memref<120x128xf32, #tpu.memory_space<vmem>>) target(%dma_start3A_36 : memref<120x128xf32, #tpu.memory_space<vmem_shared>>) target_semaphore(%run_scoped3A_29 : memref<!tpu.dma_semaphore, #tpu.memory_space<semaphore_mem>>)
      %dma_wait3A = arith.constant 0 : i32
      %dma_wait3A_41 = arith.constant 0 : i32
      %dma_wait3A_42 = tpu.memref_slice %arg14[%run_scoped3A_20, %dma_wait3A, %dma_wait3A_41] : memref<2x128x128xf32, #tpu.memory_space<vmem>> -> memref<1x120x128xf32, #tpu.memory_space<vmem>>
      %dma_wait3A_43 = tpu.memref_squeeze %dma_wait3A_42 : memref<1x120x128xf32, #tpu.memory_space<vmem>> -> memref<120x128xf32, #tpu.memory_space<vmem>>
      %dma_wait3A_44 = arith.constant 0 : i32
      %dma_wait3A_45 = tpu.memref_slice %arg5[%add3A_19, %dma_wait3A_44] : memref<10112x128xf32, #tpu.memory_space<vmem_shared>> -> memref<120x128xf32, #tpu.memory_space<vmem_shared>>
      %dma_wait3A_46 = arith.constant 0 : i32
      %dma_wait3A_47 = tpu.memref_slice %arg5[%add3A_19, %dma_wait3A_46] : memref<10112x128xf32, #tpu.memory_space<vmem_shared>> -> memref<120x128xf32, #tpu.memory_space<vmem_shared>>
      %dma_wait3A_48 = arith.constant 0 : i32
      %dma_wait3A_49 = arith.constant 0 : i32
      %dma_wait3A_50 = tpu.memref_slice %arg14[%run_scoped3A_20, %dma_wait3A_48, %dma_wait3A_49] : memref<2x128x128xf32, #tpu.memory_space<vmem>> -> memref<1x120x128xf32, #tpu.memory_space<vmem>>
      %dma_wait3A_51 = tpu.memref_squeeze %dma_wait3A_50 : memref<1x120x128xf32, #tpu.memory_space<vmem>> -> memref<120x128xf32, #tpu.memory_space<vmem>>
      tpu.wait_dma2 semaphore(%run_scoped3A_29 : memref<!tpu.dma_semaphore, #tpu.memory_space<semaphore_mem>>) src(%dma_wait3A_51 : memref<120x128xf32, #tpu.memory_space<vmem>>) dst(%dma_wait3A_47 : memref<120x128xf32, #tpu.memory_space<vmem_shared>>)
      tpu.yield
    }) : () -> ()
    %barrier3A = arith.constant 0 : index
    tpu.barrier barrier_id(%barrier3A)
    %eq3A = arith.constant 0 : i32
    %eq3A_21 = arith.cmpi eq, %arg0, %eq3A : i32
    %convert_element_type3A = arith.extui %eq3A_21 : i1 to i32
    %cond3A = arith.constant 0 : i32
    %cond3A_22 = arith.cmpi ne, %convert_element_type3A, %cond3A : i32
    scf.if %cond3A_22 {
      %add3A_29 = arith.constant 0 : i32
      %add3A_30 = arith.addi %mul3A_0, %add3A_29 : i32
      %dma_start3A = arith.constant 0 : i32
      %dma_start3A_31 = arith.constant 0 : i32
      %dma_start3A_32 = tpu.memref_slice %arg3[%add3A_30, %dma_start3A, %dma_start3A_31] : memref<2560x2x128xi32, #tpu.memory_space<hbm>> -> memref<1x1x128xi32, #tpu.memory_space<hbm>>
      %dma_start3A_33 = tpu.memref_squeeze %dma_start3A_32 : memref<1x1x128xi32, #tpu.memory_space<hbm>> -> memref<128xi32, #tpu.memory_space<hbm>>
      %dma_start3A_34 = arith.constant 0 : i32
      %dma_start3A_35 = tpu.memref_slice %arg3[%add3A_30, %dma_start3A, %dma_start3A_34] : memref<2560x2x128xi32, #tpu.memory_space<hbm>> -> memref<1x1x128xi32, #tpu.memory_space<hbm>>
      %dma_start3A_36 = tpu.memref_squeeze %dma_start3A_35 : memref<1x1x128xi32, #tpu.memory_space<hbm>> -> memref<128xi32, #tpu.memory_space<hbm>>
      tpu.enqueue_dma source(%dma_start3A_36 : memref<128xi32, #tpu.memory_space<hbm>>) target(%arg6 : memref<128xi32, #tpu.memory_space<vmem>>) target_semaphore(%arg15 : memref<!tpu.dma_semaphore, #tpu.memory_space<semaphore_mem>>)
      %add3A_37 = arith.constant 0 : i32
      %add3A_38 = arith.addi %mul3A_0, %add3A_37 : i32
      %dma_start3A_39 = arith.constant 1 : i32
      %dma_start3A_40 = arith.constant 0 : i32
      %dma_start3A_41 = tpu.memref_slice %arg3[%add3A_38, %dma_start3A_39, %dma_start3A_40] : memref<2560x2x128xi32, #tpu.memory_space<hbm>> -> memref<1x1x128xi32, #tpu.memory_space<hbm>>
      %dma_start3A_42 = tpu.memref_squeeze %dma_start3A_41 : memref<1x1x128xi32, #tpu.memory_space<hbm>> -> memref<128xi32, #tpu.memory_space<hbm>>
      %dma_start3A_43 = arith.constant 0 : i32
      %dma_start3A_44 = tpu.memref_slice %arg3[%add3A_38, %dma_start3A_39, %dma_start3A_43] : memref<2560x2x128xi32, #tpu.memory_space<hbm>> -> memref<1x1x128xi32, #tpu.memory_space<hbm>>
      %dma_start3A_45 = tpu.memref_squeeze %dma_start3A_44 : memref<1x1x128xi32, #tpu.memory_space<hbm>> -> memref<128xi32, #tpu.memory_space<hbm>>
      tpu.enqueue_dma source(%dma_start3A_45 : memref<128xi32, #tpu.memory_space<hbm>>) target(%arg10 : memref<128xi32, #tpu.memory_space<vmem>>) target_semaphore(%arg15 : memref<!tpu.dma_semaphore, #tpu.memory_space<semaphore_mem>>)
      %add3A_46 = arith.constant 1 : i32
      %add3A_47 = arith.addi %mul3A_0, %add3A_46 : i32
      %dma_start3A_48 = arith.constant 0 : i32
      %dma_start3A_49 = arith.constant 0 : i32
      %dma_start3A_50 = tpu.memref_slice %arg3[%add3A_47, %dma_start3A_48, %dma_start3A_49] : memref<2560x2x128xi32, #tpu.memory_space<hbm>> -> memref<1x1x128xi32, #tpu.memory_space<hbm>>
      %dma_start3A_51 = tpu.memref_squeeze %dma_start3A_50 : memref<1x1x128xi32, #tpu.memory_space<hbm>> -> memref<128xi32, #tpu.memory_space<hbm>>
      %dma_start3A_52 = arith.constant 0 : i32
      %dma_start3A_53 = tpu.memref_slice %arg3[%add3A_47, %dma_start3A_48, %dma_start3A_52] : memref<2560x2x128xi32, #tpu.memory_space<hbm>> -> memref<1x1x128xi32, #tpu.memory_space<hbm>>
      %dma_start3A_54 = tpu.memref_squeeze %dma_start3A_53 : memref<1x1x128xi32, #tpu.memory_space<hbm>> -> memref<128xi32, #tpu.memory_space<hbm>>
      tpu.enqueue_dma source(%dma_start3A_54 : memref<128xi32, #tpu.memory_space<hbm>>) target(%arg7 : memref<128xi32, #tpu.memory_space<vmem>>) target_semaphore(%arg16 : memref<!tpu.dma_semaphore, #tpu.memory_space<semaphore_mem>>)
      %add3A_55 = arith.constant 1 : i32
      %add3A_56 = arith.addi %mul3A_0, %add3A_55 : i32
      %dma_start3A_57 = arith.constant 1 : i32
      %dma_start3A_58 = arith.constant 0 : i32
      %dma_start3A_59 = tpu.memref_slice %arg3[%add3A_56, %dma_start3A_57, %dma_start3A_58] : memref<2560x2x128xi32, #tpu.memory_space<hbm>> -> memref<1x1x128xi32, #tpu.memory_space<hbm>>
      %dma_start3A_60 = tpu.memref_squeeze %dma_start3A_59 : memref<1x1x128xi32, #tpu.memory_space<hbm>> -> memref<128xi32, #tpu.memory_space<hbm>>
      %dma_start3A_61 = arith.constant 0 : i32
      %dma_start3A_62 = tpu.memref_slice %arg3[%add3A_56, %dma_start3A_57, %dma_start3A_61] : memref<2560x2x128xi32, #tpu.memory_space<hbm>> -> memref<1x1x128xi32, #tpu.memory_space<hbm>>
      %dma_start3A_63 = tpu.memref_squeeze %dma_start3A_62 : memref<1x1x128xi32, #tpu.memory_space<hbm>> -> memref<128xi32, #tpu.memory_space<hbm>>
      tpu.enqueue_dma source(%dma_start3A_63 : memref<128xi32, #tpu.memory_space<hbm>>) target(%arg11 : memref<128xi32, #tpu.memory_space<vmem>>) target_semaphore(%arg16 : memref<!tpu.dma_semaphore, #tpu.memory_space<semaphore_mem>>)
      %add3A_64 = arith.constant 2 : i32
      %add3A_65 = arith.addi %mul3A_0, %add3A_64 : i32
      %dma_start3A_66 = arith.constant 0 : i32
      %dma_start3A_67 = arith.constant 0 : i32
      %dma_start3A_68 = tpu.memref_slice %arg3[%add3A_65, %dma_start3A_66, %dma_start3A_67] : memref<2560x2x128xi32, #tpu.memory_space<hbm>> -> memref<1x1x128xi32, #tpu.memory_space<hbm>>
      %dma_start3A_69 = tpu.memref_squeeze %dma_start3A_68 : memref<1x1x128xi32, #tpu.memory_space<hbm>> -> memref<128xi32, #tpu.memory_space<hbm>>
      %dma_start3A_70 = arith.constant 0 : i32
      %dma_start3A_71 = tpu.memref_slice %arg3[%add3A_65, %dma_start3A_66, %dma_start3A_70] : memref<2560x2x128xi32, #tpu.memory_space<hbm>> -> memref<1x1x128xi32, #tpu.memory_space<hbm>>
      %dma_start3A_72 = tpu.memref_squeeze %dma_start3A_71 : memref<1x1x128xi32, #tpu.memory_space<hbm>> -> memref<128xi32, #tpu.memory_space<hbm>>
      tpu.enqueue_dma source(%dma_start3A_72 : memref<128xi32, #tpu.memory_space<hbm>>) target(%arg8 : memref<128xi32, #tpu.memory_space<vmem>>) target_semaphore(%arg17 : memref<!tpu.dma_semaphore, #tpu.memory_space<semaphore_mem>>)
      %add3A_73 = arith.constant 2 : i32
      %add3A_74 = arith.addi %mul3A_0, %add3A_73 : i32
      %dma_start3A_75 = arith.constant 1 : i32
      %dma_start3A_76 = arith.constant 0 : i32
      %dma_start3A_77 = tpu.memref_slice %arg3[%add3A_74, %dma_start3A_75, %dma_start3A_76] : memref<2560x2x128xi32, #tpu.memory_space<hbm>> -> memref<1x1x128xi32, #tpu.memory_space<hbm>>
      %dma_start3A_78 = tpu.memref_squeeze %dma_start3A_77 : memref<1x1x128xi32, #tpu.memory_space<hbm>> -> memref<128xi32, #tpu.memory_space<hbm>>
      %dma_start3A_79 = arith.constant 0 : i32
      %dma_start3A_80 = tpu.memref_slice %arg3[%add3A_74, %dma_start3A_75, %dma_start3A_79] : memref<2560x2x128xi32, #tpu.memory_space<hbm>> -> memref<1x1x128xi32, #tpu.memory_space<hbm>>
      %dma_start3A_81 = tpu.memref_squeeze %dma_start3A_80 : memref<1x1x128xi32, #tpu.memory_space<hbm>> -> memref<128xi32, #tpu.memory_space<hbm>>
      tpu.enqueue_dma source(%dma_start3A_81 : memref<128xi32, #tpu.memory_space<hbm>>) target(%arg12 : memref<128xi32, #tpu.memory_space<vmem>>) target_semaphore(%arg17 : memref<!tpu.dma_semaphore, #tpu.memory_space<semaphore_mem>>)
      %add3A_82 = arith.constant 3 : i32
      %add3A_83 = arith.addi %mul3A_0, %add3A_82 : i32
      %dma_start3A_84 = arith.constant 0 : i32
      %dma_start3A_85 = arith.constant 0 : i32
      %dma_start3A_86 = tpu.memref_slice %arg3[%add3A_83, %dma_start3A_84, %dma_start3A_85] : memref<2560x2x128xi32, #tpu.memory_space<hbm>> -> memref<1x1x128xi32, #tpu.memory_space<hbm>>
      %dma_start3A_87 = tpu.memref_squeeze %dma_start3A_86 : memref<1x1x128xi32, #tpu.memory_space<hbm>> -> memref<128xi32, #tpu.memory_space<hbm>>
      %dma_start3A_88 = arith.constant 0 : i32
      %dma_start3A_89 = tpu.memref_slice %arg3[%add3A_83, %dma_start3A_84, %dma_start3A_88] : memref<2560x2x128xi32, #tpu.memory_space<hbm>> -> memref<1x1x128xi32, #tpu.memory_space<hbm>>
      %dma_start3A_90 = tpu.memref_squeeze %dma_start3A_89 : memref<1x1x128xi32, #tpu.memory_space<hbm>> -> memref<128xi32, #tpu.memory_space<hbm>>
      tpu.enqueue_dma source(%dma_start3A_90 : memref<128xi32, #tpu.memory_space<hbm>>) target(%arg9 : memref<128xi32, #tpu.memory_space<vmem>>) target_semaphore(%arg18 : memref<!tpu.dma_semaphore, #tpu.memory_space<semaphore_mem>>)
      %add3A_91 = arith.constant 3 : i32
      %add3A_92 = arith.addi %mul3A_0, %add3A_91 : i32
      %dma_start3A_93 = arith.constant 1 : i32
      %dma_start3A_94 = arith.constant 0 : i32
      %dma_start3A_95 = tpu.memref_slice %arg3[%add3A_92, %dma_start3A_93, %dma_start3A_94] : memref<2560x2x128xi32, #tpu.memory_space<hbm>> -> memref<1x1x128xi32, #tpu.memory_space<hbm>>
      %dma_start3A_96 = tpu.memref_squeeze %dma_start3A_95 : memref<1x1x128xi32, #tpu.memory_space<hbm>> -> memref<128xi32, #tpu.memory_space<hbm>>
      %dma_start3A_97 = arith.constant 0 : i32
      %dma_start3A_98 = tpu.memref_slice %arg3[%add3A_92, %dma_start3A_93, %dma_start3A_97] : memref<2560x2x128xi32, #tpu.memory_space<hbm>> -> memref<1x1x128xi32, #tpu.memory_space<hbm>>
      %dma_start3A_99 = tpu.memref_squeeze %dma_start3A_98 : memref<1x1x128xi32, #tpu.memory_space<hbm>> -> memref<128xi32, #tpu.memory_space<hbm>>
      tpu.enqueue_dma source(%dma_start3A_99 : memref<128xi32, #tpu.memory_space<hbm>>) target(%arg13 : memref<128xi32, #tpu.memory_space<vmem>>) target_semaphore(%arg18 : memref<!tpu.dma_semaphore, #tpu.memory_space<semaphore_mem>>)
      %add3A_100 = arith.constant 0 : i32
      %add3A_101 = arith.addi %mul3A_0, %add3A_100 : i32
      %dma_wait3A = arith.constant 0 : i32
      %dma_wait3A_102 = arith.constant 0 : i32
      %dma_wait3A_103 = tpu.memref_slice %arg3[%add3A_101, %dma_wait3A, %dma_wait3A_102] : memref<2560x2x128xi32, #tpu.memory_space<hbm>> -> memref<1x1x128xi32, #tpu.memory_space<hbm>>
      %dma_wait3A_104 = tpu.memref_squeeze %dma_wait3A_103 : memref<1x1x128xi32, #tpu.memory_space<hbm>> -> memref<128xi32, #tpu.memory_space<hbm>>
      %dma_wait3A_105 = arith.constant 0 : i32
      %dma_wait3A_106 = tpu.memref_slice %arg3[%add3A_101, %dma_wait3A, %dma_wait3A_105] : memref<2560x2x128xi32, #tpu.memory_space<hbm>> -> memref<1x1x128xi32, #tpu.memory_space<hbm>>
      %dma_wait3A_107 = tpu.memref_squeeze %dma_wait3A_106 : memref<1x1x128xi32, #tpu.memory_space<hbm>> -> memref<128xi32, #tpu.memory_space<hbm>>
      tpu.wait_dma2 semaphore(%arg15 : memref<!tpu.dma_semaphore, #tpu.memory_space<semaphore_mem>>) src(%dma_wait3A_107 : memref<128xi32, #tpu.memory_space<hbm>>) dst(%arg6 : memref<128xi32, #tpu.memory_space<vmem>>)
      %add3A_108 = arith.constant 0 : i32
      %add3A_109 = arith.addi %mul3A_0, %add3A_108 : i32
      %dma_wait3A_110 = arith.constant 1 : i32
      %dma_wait3A_111 = arith.constant 0 : i32
      %dma_wait3A_112 = tpu.memref_slice %arg3[%add3A_109, %dma_wait3A_110, %dma_wait3A_111] : memref<2560x2x128xi32, #tpu.memory_space<hbm>> -> memref<1x1x128xi32, #tpu.memory_space<hbm>>
      %dma_wait3A_113 = tpu.memref_squeeze %dma_wait3A_112 : memref<1x1x128xi32, #tpu.memory_space<hbm>> -> memref<128xi32, #tpu.memory_space<hbm>>
      %dma_wait3A_114 = arith.constant 0 : i32
      %dma_wait3A_115 = tpu.memref_slice %arg3[%add3A_109, %dma_wait3A_110, %dma_wait3A_114] : memref<2560x2x128xi32, #tpu.memory_space<hbm>> -> memref<1x1x128xi32, #tpu.memory_space<hbm>>
      %dma_wait3A_116 = tpu.memref_squeeze %dma_wait3A_115 : memref<1x1x128xi32, #tpu.memory_space<hbm>> -> memref<128xi32, #tpu.memory_space<hbm>>
      tpu.wait_dma2 semaphore(%arg15 : memref<!tpu.dma_semaphore, #tpu.memory_space<semaphore_mem>>) src(%dma_wait3A_116 : memref<128xi32, #tpu.memory_space<hbm>>) dst(%arg10 : memref<128xi32, #tpu.memory_space<vmem>>)
      %dma_start3A_117 = arith.constant 0 : i32
      %dma_start3A_118 = arith.constant 0 : i32
      %dma_start3A_119 = arith.constant 0 : i32
      %dma_start3A_120 = tpu.memref_slice %arg14[%dma_start3A_117, %dma_start3A_118, %dma_start3A_119] : memref<2x128x128xf32, #tpu.memory_space<vmem>> -> memref<1x128x128xf32, #tpu.memory_space<vmem>>
      %dma_start3A_121 = tpu.memref_squeeze %dma_start3A_120 : memref<1x128x128xf32, #tpu.memory_space<vmem>> -> memref<128x128xf32, #tpu.memory_space<vmem>>
      %dma_start3A_122 = arith.constant 0 : i32
      %dma_start3A_123 = arith.constant 0 : i32
      %dma_start3A_124 = tpu.memref_slice %arg2[%dma_start3A_122, %dma_start3A_123] : memref<10000x128xf32, #tpu.memory_space<hbm>> -> memref<10000x128xf32, #tpu.memory_space<hbm>>
      tpu.enqueue_indirect_dma source(%dma_start3A_124 : memref<10000x128xf32, #tpu.memory_space<hbm>>) target(%dma_start3A_121 : memref<128x128xf32, #tpu.memory_space<vmem>>) offsets(%arg6 : memref<128xi32, #tpu.memory_space<vmem>>) semaphore(%arg19 : memref<!tpu.dma_semaphore, #tpu.memory_space<semaphore_mem>>)
      %scan3A_125 = arith.constant 0 : i32
      %scan3A_126 = arith.constant 0 : i32
      %scan3A_127 = arith.constant 40 : i32
      %scan3A_128 = arith.addi %scan3A_126, %scan3A_127 : i32
      %scan3A_129 = arith.constant 1 : i32
      scf.for %scan3A_131 = %scan3A_126 to %scan3A_128 step %scan3A_129  : i32 {
        %mul3A_132 = arith.constant 4 : i32
        %mul3A_133 = arith.muli %scan3A_131, %mul3A_132 : i32
        %add3A_134 = arith.constant 0 : i32
        %add3A_135 = arith.addi %mul3A_133, %add3A_134 : i32
        %add3A_136 = arith.constant 1 : i32
        %add3A_137 = arith.addi %add3A_135, %add3A_136 : i32
        %lt3A = arith.constant 160 : i32
        %lt3A_138 = arith.cmpi slt, %add3A_137, %lt3A : i32
        %convert_element_type3A_139 = arith.extui %lt3A_138 : i1 to i32
        %cond3A_140 = arith.constant 0 : i32
        %cond3A_141 = arith.cmpi ne, %convert_element_type3A_139, %cond3A_140 : i32
        scf.if %cond3A_141 {
          %add3A_239 = arith.constant 1 : i32
          %add3A_240 = arith.addi %add3A_135, %add3A_239 : i32
          %add3A_241 = arith.addi %mul3A_0, %add3A_240 : i32
          %dma_wait3A_242 = arith.constant 0 : i32
          %dma_wait3A_243 = arith.constant 0 : i32
          %dma_wait3A_244 = tpu.memref_slice %arg3[%add3A_241, %dma_wait3A_242, %dma_wait3A_243] : memref<2560x2x128xi32, #tpu.memory_space<hbm>> -> memref<1x1x128xi32, #tpu.memory_space<hbm>>
          %dma_wait3A_245 = tpu.memref_squeeze %dma_wait3A_244 : memref<1x1x128xi32, #tpu.memory_space<hbm>> -> memref<128xi32, #tpu.memory_space<hbm>>
          %dma_wait3A_246 = arith.constant 0 : i32
          %dma_wait3A_247 = tpu.memref_slice %arg3[%add3A_241, %dma_wait3A_242, %dma_wait3A_246] : memref<2560x2x128xi32, #tpu.memory_space<hbm>> -> memref<1x1x128xi32, #tpu.memory_space<hbm>>
          %dma_wait3A_248 = tpu.memref_squeeze %dma_wait3A_247 : memref<1x1x128xi32, #tpu.memory_space<hbm>> -> memref<128xi32, #tpu.memory_space<hbm>>
          tpu.wait_dma2 semaphore(%arg16 : memref<!tpu.dma_semaphore, #tpu.memory_space<semaphore_mem>>) src(%dma_wait3A_248 : memref<128xi32, #tpu.memory_space<hbm>>) dst(%arg7 : memref<128xi32, #tpu.memory_space<vmem>>)
          %add3A_249 = arith.addi %mul3A_0, %add3A_240 : i32
          %dma_wait3A_250 = arith.constant 1 : i32
          %dma_wait3A_251 = arith.constant 0 : i32
          %dma_wait3A_252 = tpu.memref_slice %arg3[%add3A_249, %dma_wait3A_250, %dma_wait3A_251] : memref<2560x2x128xi32, #tpu.memory_space<hbm>> -> memref<1x1x128xi32, #tpu.memory_space<hbm>>
          %dma_wait3A_253 = tpu.memref_squeeze %dma_wait3A_252 : memref<1x1x128xi32, #tpu.memory_space<hbm>> -> memref<128xi32, #tpu.memory_space<hbm>>
          %dma_wait3A_254 = arith.constant 0 : i32
          %dma_wait3A_255 = tpu.memref_slice %arg3[%add3A_249, %dma_wait3A_250, %dma_wait3A_254] : memref<2560x2x128xi32, #tpu.memory_space<hbm>> -> memref<1x1x128xi32, #tpu.memory_space<hbm>>
          %dma_wait3A_256 = tpu.memref_squeeze %dma_wait3A_255 : memref<1x1x128xi32, #tpu.memory_space<hbm>> -> memref<128xi32, #tpu.memory_space<hbm>>
          tpu.wait_dma2 semaphore(%arg16 : memref<!tpu.dma_semaphore, #tpu.memory_space<semaphore_mem>>) src(%dma_wait3A_256 : memref<128xi32, #tpu.memory_space<hbm>>) dst(%arg11 : memref<128xi32, #tpu.memory_space<vmem>>)
          %dma_start3A_257 = arith.constant 1 : i32
          %dma_start3A_258 = arith.constant 0 : i32
          %dma_start3A_259 = arith.constant 0 : i32
          %dma_start3A_260 = tpu.memref_slice %arg14[%dma_start3A_257, %dma_start3A_258, %dma_start3A_259] : memref<2x128x128xf32, #tpu.memory_space<vmem>> -> memref<1x128x128xf32, #tpu.memory_space<vmem>>
          %dma_start3A_261 = tpu.memref_squeeze %dma_start3A_260 : memref<1x128x128xf32, #tpu.memory_space<vmem>> -> memref<128x128xf32, #tpu.memory_space<vmem>>
          %dma_start3A_262 = arith.constant 0 : i32
          %dma_start3A_263 = arith.constant 0 : i32
          %dma_start3A_264 = tpu.memref_slice %arg2[%dma_start3A_262, %dma_start3A_263] : memref<10000x128xf32, #tpu.memory_space<hbm>> -> memref<10000x128xf32, #tpu.memory_space<hbm>>
          tpu.enqueue_indirect_dma source(%dma_start3A_264 : memref<10000x128xf32, #tpu.memory_space<hbm>>) target(%dma_start3A_261 : memref<128x128xf32, #tpu.memory_space<vmem>>) offsets(%arg7 : memref<128xi32, #tpu.memory_space<vmem>>) semaphore(%arg20 : memref<!tpu.dma_semaphore, #tpu.memory_space<semaphore_mem>>)
        } else {
        }
        %dma_wait3A_142 = arith.constant 0 : i32
        %dma_wait3A_143 = arith.constant 0 : i32
        %dma_wait3A_144 = arith.constant 0 : i32
        %dma_wait3A_145 = tpu.memref_slice %arg14[%dma_wait3A_142, %dma_wait3A_143, %dma_wait3A_144] : memref<2x128x128xf32, #tpu.memory_space<vmem>> -> memref<1x128x128xf32, #tpu.memory_space<vmem>>
        %dma_wait3A_146 = tpu.memref_squeeze %dma_wait3A_145 : memref<1x128x128xf32, #tpu.memory_space<vmem>> -> memref<128x128xf32, #tpu.memory_space<vmem>>
        %dma_wait3A_147 = arith.constant 0 : i32
        %dma_wait3A_148 = arith.constant 0 : i32
        %dma_wait3A_149 = tpu.memref_slice %arg2[%dma_wait3A_147, %dma_wait3A_148] : memref<10000x128xf32, #tpu.memory_space<hbm>> -> memref<10000x128xf32, #tpu.memory_space<hbm>>
        tpu.wait_indirect_dma semaphore(%arg19 : memref<!tpu.dma_semaphore, #tpu.memory_space<semaphore_mem>>) src(%dma_wait3A_149 : memref<10000x128xf32, #tpu.memory_space<hbm>>) dst(%dma_wait3A_146 : memref<128x128xf32, #tpu.memory_space<vmem>>)
        %run_scoped3A_150 = arith.constant 0 : i32
        "tpu.region"() ({
          %run_scoped3A_239 = tpu.sem_alloc : memref<!tpu.dma_semaphore, #tpu.memory_space<semaphore_mem>>
          %dma_start3A_240 = arith.constant 0 : i32
          %dma_start3A_241 = arith.constant 0 : i32
          %dma_start3A_242 = tpu.memref_slice %arg14[%run_scoped3A_150, %dma_start3A_240, %dma_start3A_241] : memref<2x128x128xf32, #tpu.memory_space<vmem>> -> memref<1x128x128xf32, #tpu.memory_space<vmem>>
          %dma_start3A_243 = tpu.memref_squeeze %dma_start3A_242 : memref<1x128x128xf32, #tpu.memory_space<vmem>> -> memref<128x128xf32, #tpu.memory_space<vmem>>
          %dma_start3A_244 = arith.constant 0 : i32
          %dma_start3A_245 = arith.constant 0 : i32
          %dma_start3A_246 = tpu.memref_slice %arg5[%dma_start3A_244, %dma_start3A_245] : memref<10112x128xf32, #tpu.memory_space<vmem_shared>> -> memref<10112x128xf32, #tpu.memory_space<vmem_shared>>
          tpu.enqueue_indirect_dma source(%dma_start3A_243 : memref<128x128xf32, #tpu.memory_space<vmem>>) target(%dma_start3A_246 : memref<10112x128xf32, #tpu.memory_space<vmem_shared>>) offsets(%arg10 : memref<128xi32, #tpu.memory_space<vmem>>) semaphore(%run_scoped3A_239 : memref<!tpu.dma_semaphore, #tpu.memory_space<semaphore_mem>>) {add = true}
          %dma_wait3A_247 = arith.constant 0 : i32
          %dma_wait3A_248 = arith.constant 0 : i32
          %dma_wait3A_249 = tpu.memref_slice %arg14[%run_scoped3A_150, %dma_wait3A_247, %dma_wait3A_248] : memref<2x128x128xf32, #tpu.memory_space<vmem>> -> memref<1x128x128xf32, #tpu.memory_space<vmem>>
          %dma_wait3A_250 = tpu.memref_squeeze %dma_wait3A_249 : memref<1x128x128xf32, #tpu.memory_space<vmem>> -> memref<128x128xf32, #tpu.memory_space<vmem>>
          %dma_wait3A_251 = arith.constant 0 : i32
          %dma_wait3A_252 = arith.constant 0 : i32
          %dma_wait3A_253 = tpu.memref_slice %arg5[%dma_wait3A_251, %dma_wait3A_252] : memref<10112x128xf32, #tpu.memory_space<vmem_shared>> -> memref<10112x128xf32, #tpu.memory_space<vmem_shared>>
          tpu.wait_indirect_dma semaphore(%run_scoped3A_239 : memref<!tpu.dma_semaphore, #tpu.memory_space<semaphore_mem>>) src(%dma_wait3A_250 : memref<128x128xf32, #tpu.memory_space<vmem>>) dst(%dma_wait3A_253 : memref<10112x128xf32, #tpu.memory_space<vmem_shared>>)
          tpu.yield
        }) : () -> ()
        %add3A_151 = arith.constant 4 : i32
        %add3A_152 = arith.addi %add3A_135, %add3A_151 : i32
        %lt3A_153 = arith.constant 160 : i32
        %lt3A_154 = arith.cmpi slt, %add3A_152, %lt3A_153 : i32
        %convert_element_type3A_155 = arith.extui %lt3A_154 : i1 to i32
        %cond3A_156 = arith.constant 0 : i32
        %cond3A_157 = arith.cmpi ne, %convert_element_type3A_155, %cond3A_156 : i32
        scf.if %cond3A_157 {
          %add3A_239 = arith.constant 4 : i32
          %add3A_240 = arith.addi %add3A_135, %add3A_239 : i32
          %add3A_241 = arith.addi %mul3A_0, %add3A_240 : i32
          %dma_start3A_242 = arith.constant 0 : i32
          %dma_start3A_243 = arith.constant 0 : i32
          %dma_start3A_244 = tpu.memref_slice %arg3[%add3A_241, %dma_start3A_242, %dma_start3A_243] : memref<2560x2x128xi32, #tpu.memory_space<hbm>> -> memref<1x1x128xi32, #tpu.memory_space<hbm>>
          %dma_start3A_245 = tpu.memref_squeeze %dma_start3A_244 : memref<1x1x128xi32, #tpu.memory_space<hbm>> -> memref<128xi32, #tpu.memory_space<hbm>>
          %dma_start3A_246 = arith.constant 0 : i32
          %dma_start3A_247 = tpu.memref_slice %arg3[%add3A_241, %dma_start3A_242, %dma_start3A_246] : memref<2560x2x128xi32, #tpu.memory_space<hbm>> -> memref<1x1x128xi32, #tpu.memory_space<hbm>>
          %dma_start3A_248 = tpu.memref_squeeze %dma_start3A_247 : memref<1x1x128xi32, #tpu.memory_space<hbm>> -> memref<128xi32, #tpu.memory_space<hbm>>
          tpu.enqueue_dma source(%dma_start3A_248 : memref<128xi32, #tpu.memory_space<hbm>>) target(%arg6 : memref<128xi32, #tpu.memory_space<vmem>>) target_semaphore(%arg15 : memref<!tpu.dma_semaphore, #tpu.memory_space<semaphore_mem>>)
          %add3A_249 = arith.addi %mul3A_0, %add3A_240 : i32
          %dma_start3A_250 = arith.constant 1 : i32
          %dma_start3A_251 = arith.constant 0 : i32
          %dma_start3A_252 = tpu.memref_slice %arg3[%add3A_249, %dma_start3A_250, %dma_start3A_251] : memref<2560x2x128xi32, #tpu.memory_space<hbm>> -> memref<1x1x128xi32, #tpu.memory_space<hbm>>
          %dma_start3A_253 = tpu.memref_squeeze %dma_start3A_252 : memref<1x1x128xi32, #tpu.memory_space<hbm>> -> memref<128xi32, #tpu.memory_space<hbm>>
          %dma_start3A_254 = arith.constant 0 : i32
          %dma_start3A_255 = tpu.memref_slice %arg3[%add3A_249, %dma_start3A_250, %dma_start3A_254] : memref<2560x2x128xi32, #tpu.memory_space<hbm>> -> memref<1x1x128xi32, #tpu.memory_space<hbm>>
          %dma_start3A_256 = tpu.memref_squeeze %dma_start3A_255 : memref<1x1x128xi32, #tpu.memory_space<hbm>> -> memref<128xi32, #tpu.memory_space<hbm>>
          tpu.enqueue_dma source(%dma_start3A_256 : memref<128xi32, #tpu.memory_space<hbm>>) target(%arg10 : memref<128xi32, #tpu.memory_space<vmem>>) target_semaphore(%arg15 : memref<!tpu.dma_semaphore, #tpu.memory_space<semaphore_mem>>)
        } else {
        }
        %mul3A_158 = arith.constant 4 : i32
        %mul3A_159 = arith.muli %scan3A_131, %mul3A_158 : i32
        %add3A_160 = arith.constant 1 : i32
        %add3A_161 = arith.addi %mul3A_159, %add3A_160 : i32
        %add3A_162 = arith.constant 1 : i32
        %add3A_163 = arith.addi %add3A_161, %add3A_162 : i32
        %lt3A_164 = arith.constant 160 : i32
        %lt3A_165 = arith.cmpi slt, %add3A_163, %lt3A_164 : i32
        %convert_element_type3A_166 = arith.extui %lt3A_165 : i1 to i32
        %cond3A_167 = arith.constant 0 : i32
        %cond3A_168 = arith.cmpi ne, %convert_element_type3A_166, %cond3A_167 : i32
        scf.if %cond3A_168 {
          %add3A_239 = arith.constant 1 : i32
          %add3A_240 = arith.addi %add3A_161, %add3A_239 : i32
          %add3A_241 = arith.addi %mul3A_0, %add3A_240 : i32
          %dma_wait3A_242 = arith.constant 0 : i32
          %dma_wait3A_243 = arith.constant 0 : i32
          %dma_wait3A_244 = tpu.memref_slice %arg3[%add3A_241, %dma_wait3A_242, %dma_wait3A_243] : memref<2560x2x128xi32, #tpu.memory_space<hbm>> -> memref<1x1x128xi32, #tpu.memory_space<hbm>>
          %dma_wait3A_245 = tpu.memref_squeeze %dma_wait3A_244 : memref<1x1x128xi32, #tpu.memory_space<hbm>> -> memref<128xi32, #tpu.memory_space<hbm>>
          %dma_wait3A_246 = arith.constant 0 : i32
          %dma_wait3A_247 = tpu.memref_slice %arg3[%add3A_241, %dma_wait3A_242, %dma_wait3A_246] : memref<2560x2x128xi32, #tpu.memory_space<hbm>> -> memref<1x1x128xi32, #tpu.memory_space<hbm>>
          %dma_wait3A_248 = tpu.memref_squeeze %dma_wait3A_247 : memref<1x1x128xi32, #tpu.memory_space<hbm>> -> memref<128xi32, #tpu.memory_space<hbm>>
          tpu.wait_dma2 semaphore(%arg17 : memref<!tpu.dma_semaphore, #tpu.memory_space<semaphore_mem>>) src(%dma_wait3A_248 : memref<128xi32, #tpu.memory_space<hbm>>) dst(%arg8 : memref<128xi32, #tpu.memory_space<vmem>>)
          %add3A_249 = arith.addi %mul3A_0, %add3A_240 : i32
          %dma_wait3A_250 = arith.constant 1 : i32
          %dma_wait3A_251 = arith.constant 0 : i32
          %dma_wait3A_252 = tpu.memref_slice %arg3[%add3A_249, %dma_wait3A_250, %dma_wait3A_251] : memref<2560x2x128xi32, #tpu.memory_space<hbm>> -> memref<1x1x128xi32, #tpu.memory_space<hbm>>
          %dma_wait3A_253 = tpu.memref_squeeze %dma_wait3A_252 : memref<1x1x128xi32, #tpu.memory_space<hbm>> -> memref<128xi32, #tpu.memory_space<hbm>>
          %dma_wait3A_254 = arith.constant 0 : i32
          %dma_wait3A_255 = tpu.memref_slice %arg3[%add3A_249, %dma_wait3A_250, %dma_wait3A_254] : memref<2560x2x128xi32, #tpu.memory_space<hbm>> -> memref<1x1x128xi32, #tpu.memory_space<hbm>>
          %dma_wait3A_256 = tpu.memref_squeeze %dma_wait3A_255 : memref<1x1x128xi32, #tpu.memory_space<hbm>> -> memref<128xi32, #tpu.memory_space<hbm>>
          tpu.wait_dma2 semaphore(%arg17 : memref<!tpu.dma_semaphore, #tpu.memory_space<semaphore_mem>>) src(%dma_wait3A_256 : memref<128xi32, #tpu.memory_space<hbm>>) dst(%arg12 : memref<128xi32, #tpu.memory_space<vmem>>)
          %dma_start3A_257 = arith.constant 0 : i32
          %dma_start3A_258 = arith.constant 0 : i32
          %dma_start3A_259 = arith.constant 0 : i32
          %dma_start3A_260 = tpu.memref_slice %arg14[%dma_start3A_257, %dma_start3A_258, %dma_start3A_259] : memref<2x128x128xf32, #tpu.memory_space<vmem>> -> memref<1x128x128xf32, #tpu.memory_space<vmem>>
          %dma_start3A_261 = tpu.memref_squeeze %dma_start3A_260 : memref<1x128x128xf32, #tpu.memory_space<vmem>> -> memref<128x128xf32, #tpu.memory_space<vmem>>
          %dma_start3A_262 = arith.constant 0 : i32
          %dma_start3A_263 = arith.constant 0 : i32
          %dma_start3A_264 = tpu.memref_slice %arg2[%dma_start3A_262, %dma_start3A_263] : memref<10000x128xf32, #tpu.memory_space<hbm>> -> memref<10000x128xf32, #tpu.memory_space<hbm>>
          tpu.enqueue_indirect_dma source(%dma_start3A_264 : memref<10000x128xf32, #tpu.memory_space<hbm>>) target(%dma_start3A_261 : memref<128x128xf32, #tpu.memory_space<vmem>>) offsets(%arg8 : memref<128xi32, #tpu.memory_space<vmem>>) semaphore(%arg19 : memref<!tpu.dma_semaphore, #tpu.memory_space<semaphore_mem>>)
        } else {
        }
        %dma_wait3A_169 = arith.constant 1 : i32
        %dma_wait3A_170 = arith.constant 0 : i32
        %dma_wait3A_171 = arith.constant 0 : i32
        %dma_wait3A_172 = tpu.memref_slice %arg14[%dma_wait3A_169, %dma_wait3A_170, %dma_wait3A_171] : memref<2x128x128xf32, #tpu.memory_space<vmem>> -> memref<1x128x128xf32, #tpu.memory_space<vmem>>
        %dma_wait3A_173 = tpu.memref_squeeze %dma_wait3A_172 : memref<1x128x128xf32, #tpu.memory_space<vmem>> -> memref<128x128xf32, #tpu.memory_space<vmem>>
        %dma_wait3A_174 = arith.constant 0 : i32
        %dma_wait3A_175 = arith.constant 0 : i32
        %dma_wait3A_176 = tpu.memref_slice %arg2[%dma_wait3A_174, %dma_wait3A_175] : memref<10000x128xf32, #tpu.memory_space<hbm>> -> memref<10000x128xf32, #tpu.memory_space<hbm>>
        tpu.wait_indirect_dma semaphore(%arg20 : memref<!tpu.dma_semaphore, #tpu.memory_space<semaphore_mem>>) src(%dma_wait3A_176 : memref<10000x128xf32, #tpu.memory_space<hbm>>) dst(%dma_wait3A_173 : memref<128x128xf32, #tpu.memory_space<vmem>>)
        %run_scoped3A_177 = arith.constant 1 : i32
        "tpu.region"() ({
          %run_scoped3A_239 = tpu.sem_alloc : memref<!tpu.dma_semaphore, #tpu.memory_space<semaphore_mem>>
          %dma_start3A_240 = arith.constant 0 : i32
          %dma_start3A_241 = arith.constant 0 : i32
          %dma_start3A_242 = tpu.memref_slice %arg14[%run_scoped3A_177, %dma_start3A_240, %dma_start3A_241] : memref<2x128x128xf32, #tpu.memory_space<vmem>> -> memref<1x128x128xf32, #tpu.memory_space<vmem>>
          %dma_start3A_243 = tpu.memref_squeeze %dma_start3A_242 : memref<1x128x128xf32, #tpu.memory_space<vmem>> -> memref<128x128xf32, #tpu.memory_space<vmem>>
          %dma_start3A_244 = arith.constant 0 : i32
          %dma_start3A_245 = arith.constant 0 : i32
          %dma_start3A_246 = tpu.memref_slice %arg5[%dma_start3A_244, %dma_start3A_245] : memref<10112x128xf32, #tpu.memory_space<vmem_shared>> -> memref<10112x128xf32, #tpu.memory_space<vmem_shared>>
          tpu.enqueue_indirect_dma source(%dma_start3A_243 : memref<128x128xf32, #tpu.memory_space<vmem>>) target(%dma_start3A_246 : memref<10112x128xf32, #tpu.memory_space<vmem_shared>>) offsets(%arg11 : memref<128xi32, #tpu.memory_space<vmem>>) semaphore(%run_scoped3A_239 : memref<!tpu.dma_semaphore, #tpu.memory_space<semaphore_mem>>) {add = true}
          %dma_wait3A_247 = arith.constant 0 : i32
          %dma_wait3A_248 = arith.constant 0 : i32
          %dma_wait3A_249 = tpu.memref_slice %arg14[%run_scoped3A_177, %dma_wait3A_247, %dma_wait3A_248] : memref<2x128x128xf32, #tpu.memory_space<vmem>> -> memref<1x128x128xf32, #tpu.memory_space<vmem>>
          %dma_wait3A_250 = tpu.memref_squeeze %dma_wait3A_249 : memref<1x128x128xf32, #tpu.memory_space<vmem>> -> memref<128x128xf32, #tpu.memory_space<vmem>>
          %dma_wait3A_251 = arith.constant 0 : i32
          %dma_wait3A_252 = arith.constant 0 : i32
          %dma_wait3A_253 = tpu.memref_slice %arg5[%dma_wait3A_251, %dma_wait3A_252] : memref<10112x128xf32, #tpu.memory_space<vmem_shared>> -> memref<10112x128xf32, #tpu.memory_space<vmem_shared>>
          tpu.wait_indirect_dma semaphore(%run_scoped3A_239 : memref<!tpu.dma_semaphore, #tpu.memory_space<semaphore_mem>>) src(%dma_wait3A_250 : memref<128x128xf32, #tpu.memory_space<vmem>>) dst(%dma_wait3A_253 : memref<10112x128xf32, #tpu.memory_space<vmem_shared>>)
          tpu.yield
        }) : () -> ()
        %add3A_178 = arith.constant 4 : i32
        %add3A_179 = arith.addi %add3A_161, %add3A_178 : i32
        %lt3A_180 = arith.constant 160 : i32
        %lt3A_181 = arith.cmpi slt, %add3A_179, %lt3A_180 : i32
        %convert_element_type3A_182 = arith.extui %lt3A_181 : i1 to i32
        %cond3A_183 = arith.constant 0 : i32
        %cond3A_184 = arith.cmpi ne, %convert_element_type3A_182, %cond3A_183 : i32
        scf.if %cond3A_184 {
          %add3A_239 = arith.constant 4 : i32
          %add3A_240 = arith.addi %add3A_161, %add3A_239 : i32
          %add3A_241 = arith.addi %mul3A_0, %add3A_240 : i32
          %dma_start3A_242 = arith.constant 0 : i32
          %dma_start3A_243 = arith.constant 0 : i32
          %dma_start3A_244 = tpu.memref_slice %arg3[%add3A_241, %dma_start3A_242, %dma_start3A_243] : memref<2560x2x128xi32, #tpu.memory_space<hbm>> -> memref<1x1x128xi32, #tpu.memory_space<hbm>>
          %dma_start3A_245 = tpu.memref_squeeze %dma_start3A_244 : memref<1x1x128xi32, #tpu.memory_space<hbm>> -> memref<128xi32, #tpu.memory_space<hbm>>
          %dma_start3A_246 = arith.constant 0 : i32
          %dma_start3A_247 = tpu.memref_slice %arg3[%add3A_241, %dma_start3A_242, %dma_start3A_246] : memref<2560x2x128xi32, #tpu.memory_space<hbm>> -> memref<1x1x128xi32, #tpu.memory_space<hbm>>
          %dma_start3A_248 = tpu.memref_squeeze %dma_start3A_247 : memref<1x1x128xi32, #tpu.memory_space<hbm>> -> memref<128xi32, #tpu.memory_space<hbm>>
          tpu.enqueue_dma source(%dma_start3A_248 : memref<128xi32, #tpu.memory_space<hbm>>) target(%arg7 : memref<128xi32, #tpu.memory_space<vmem>>) target_semaphore(%arg16 : memref<!tpu.dma_semaphore, #tpu.memory_space<semaphore_mem>>)
          %add3A_249 = arith.addi %mul3A_0, %add3A_240 : i32
          %dma_start3A_250 = arith.constant 1 : i32
          %dma_start3A_251 = arith.constant 0 : i32
          %dma_start3A_252 = tpu.memref_slice %arg3[%add3A_249, %dma_start3A_250, %dma_start3A_251] : memref<2560x2x128xi32, #tpu.memory_space<hbm>> -> memref<1x1x128xi32, #tpu.memory_space<hbm>>
          %dma_start3A_253 = tpu.memref_squeeze %dma_start3A_252 : memref<1x1x128xi32, #tpu.memory_space<hbm>> -> memref<128xi32, #tpu.memory_space<hbm>>
          %dma_start3A_254 = arith.constant 0 : i32
          %dma_start3A_255 = tpu.memref_slice %arg3[%add3A_249, %dma_start3A_250, %dma_start3A_254] : memref<2560x2x128xi32, #tpu.memory_space<hbm>> -> memref<1x1x128xi32, #tpu.memory_space<hbm>>
          %dma_start3A_256 = tpu.memref_squeeze %dma_start3A_255 : memref<1x1x128xi32, #tpu.memory_space<hbm>> -> memref<128xi32, #tpu.memory_space<hbm>>
          tpu.enqueue_dma source(%dma_start3A_256 : memref<128xi32, #tpu.memory_space<hbm>>) target(%arg11 : memref<128xi32, #tpu.memory_space<vmem>>) target_semaphore(%arg16 : memref<!tpu.dma_semaphore, #tpu.memory_space<semaphore_mem>>)
        } else {
        }
        %mul3A_185 = arith.constant 4 : i32
        %mul3A_186 = arith.muli %scan3A_131, %mul3A_185 : i32
        %add3A_187 = arith.constant 2 : i32
        %add3A_188 = arith.addi %mul3A_186, %add3A_187 : i32
        %add3A_189 = arith.constant 1 : i32
        %add3A_190 = arith.addi %add3A_188, %add3A_189 : i32
        %lt3A_191 = arith.constant 160 : i32
        %lt3A_192 = arith.cmpi slt, %add3A_190, %lt3A_191 : i32
        %convert_element_type3A_193 = arith.extui %lt3A_192 : i1 to i32
        %cond3A_194 = arith.constant 0 : i32
        %cond3A_195 = arith.cmpi ne, %convert_element_type3A_193, %cond3A_194 : i32
        scf.if %cond3A_195 {
          %add3A_239 = arith.constant 1 : i32
          %add3A_240 = arith.addi %add3A_188, %add3A_239 : i32
          %add3A_241 = arith.addi %mul3A_0, %add3A_240 : i32
          %dma_wait3A_242 = arith.constant 0 : i32
          %dma_wait3A_243 = arith.constant 0 : i32
          %dma_wait3A_244 = tpu.memref_slice %arg3[%add3A_241, %dma_wait3A_242, %dma_wait3A_243] : memref<2560x2x128xi32, #tpu.memory_space<hbm>> -> memref<1x1x128xi32, #tpu.memory_space<hbm>>
          %dma_wait3A_245 = tpu.memref_squeeze %dma_wait3A_244 : memref<1x1x128xi32, #tpu.memory_space<hbm>> -> memref<128xi32, #tpu.memory_space<hbm>>
          %dma_wait3A_246 = arith.constant 0 : i32
          %dma_wait3A_247 = tpu.memref_slice %arg3[%add3A_241, %dma_wait3A_242, %dma_wait3A_246] : memref<2560x2x128xi32, #tpu.memory_space<hbm>> -> memref<1x1x128xi32, #tpu.memory_space<hbm>>
          %dma_wait3A_248 = tpu.memref_squeeze %dma_wait3A_247 : memref<1x1x128xi32, #tpu.memory_space<hbm>> -> memref<128xi32, #tpu.memory_space<hbm>>
          tpu.wait_dma2 semaphore(%arg18 : memref<!tpu.dma_semaphore, #tpu.memory_space<semaphore_mem>>) src(%dma_wait3A_248 : memref<128xi32, #tpu.memory_space<hbm>>) dst(%arg9 : memref<128xi32, #tpu.memory_space<vmem>>)
          %add3A_249 = arith.addi %mul3A_0, %add3A_240 : i32
          %dma_wait3A_250 = arith.constant 1 : i32
          %dma_wait3A_251 = arith.constant 0 : i32
          %dma_wait3A_252 = tpu.memref_slice %arg3[%add3A_249, %dma_wait3A_250, %dma_wait3A_251] : memref<2560x2x128xi32, #tpu.memory_space<hbm>> -> memref<1x1x128xi32, #tpu.memory_space<hbm>>
          %dma_wait3A_253 = tpu.memref_squeeze %dma_wait3A_252 : memref<1x1x128xi32, #tpu.memory_space<hbm>> -> memref<128xi32, #tpu.memory_space<hbm>>
          %dma_wait3A_254 = arith.constant 0 : i32
          %dma_wait3A_255 = tpu.memref_slice %arg3[%add3A_249, %dma_wait3A_250, %dma_wait3A_254] : memref<2560x2x128xi32, #tpu.memory_space<hbm>> -> memref<1x1x128xi32, #tpu.memory_space<hbm>>
          %dma_wait3A_256 = tpu.memref_squeeze %dma_wait3A_255 : memref<1x1x128xi32, #tpu.memory_space<hbm>> -> memref<128xi32, #tpu.memory_space<hbm>>
          tpu.wait_dma2 semaphore(%arg18 : memref<!tpu.dma_semaphore, #tpu.memory_space<semaphore_mem>>) src(%dma_wait3A_256 : memref<128xi32, #tpu.memory_space<hbm>>) dst(%arg13 : memref<128xi32, #tpu.memory_space<vmem>>)
          %dma_start3A_257 = arith.constant 1 : i32
          %dma_start3A_258 = arith.constant 0 : i32
          %dma_start3A_259 = arith.constant 0 : i32
          %dma_start3A_260 = tpu.memref_slice %arg14[%dma_start3A_257, %dma_start3A_258, %dma_start3A_259] : memref<2x128x128xf32, #tpu.memory_space<vmem>> -> memref<1x128x128xf32, #tpu.memory_space<vmem>>
          %dma_start3A_261 = tpu.memref_squeeze %dma_start3A_260 : memref<1x128x128xf32, #tpu.memory_space<vmem>> -> memref<128x128xf32, #tpu.memory_space<vmem>>
          %dma_start3A_262 = arith.constant 0 : i32
          %dma_start3A_263 = arith.constant 0 : i32
          %dma_start3A_264 = tpu.memref_slice %arg2[%dma_start3A_262, %dma_start3A_263] : memref<10000x128xf32, #tpu.memory_space<hbm>> -> memref<10000x128xf32, #tpu.memory_space<hbm>>
          tpu.enqueue_indirect_dma source(%dma_start3A_264 : memref<10000x128xf32, #tpu.memory_space<hbm>>) target(%dma_start3A_261 : memref<128x128xf32, #tpu.memory_space<vmem>>) offsets(%arg9 : memref<128xi32, #tpu.memory_space<vmem>>) semaphore(%arg20 : memref<!tpu.dma_semaphore, #tpu.memory_space<semaphore_mem>>)
        } else {
        }
        %dma_wait3A_196 = arith.constant 0 : i32
        %dma_wait3A_197 = arith.constant 0 : i32
        %dma_wait3A_198 = arith.constant 0 : i32
        %dma_wait3A_199 = tpu.memref_slice %arg14[%dma_wait3A_196, %dma_wait3A_197, %dma_wait3A_198] : memref<2x128x128xf32, #tpu.memory_space<vmem>> -> memref<1x128x128xf32, #tpu.memory_space<vmem>>
        %dma_wait3A_200 = tpu.memref_squeeze %dma_wait3A_199 : memref<1x128x128xf32, #tpu.memory_space<vmem>> -> memref<128x128xf32, #tpu.memory_space<vmem>>
        %dma_wait3A_201 = arith.constant 0 : i32
        %dma_wait3A_202 = arith.constant 0 : i32
        %dma_wait3A_203 = tpu.memref_slice %arg2[%dma_wait3A_201, %dma_wait3A_202] : memref<10000x128xf32, #tpu.memory_space<hbm>> -> memref<10000x128xf32, #tpu.memory_space<hbm>>
        tpu.wait_indirect_dma semaphore(%arg19 : memref<!tpu.dma_semaphore, #tpu.memory_space<semaphore_mem>>) src(%dma_wait3A_203 : memref<10000x128xf32, #tpu.memory_space<hbm>>) dst(%dma_wait3A_200 : memref<128x128xf32, #tpu.memory_space<vmem>>)
        %run_scoped3A_204 = arith.constant 0 : i32
        "tpu.region"() ({
          %run_scoped3A_239 = tpu.sem_alloc : memref<!tpu.dma_semaphore, #tpu.memory_space<semaphore_mem>>
          %dma_start3A_240 = arith.constant 0 : i32
          %dma_start3A_241 = arith.constant 0 : i32
          %dma_start3A_242 = tpu.memref_slice %arg14[%run_scoped3A_204, %dma_start3A_240, %dma_start3A_241] : memref<2x128x128xf32, #tpu.memory_space<vmem>> -> memref<1x128x128xf32, #tpu.memory_space<vmem>>
          %dma_start3A_243 = tpu.memref_squeeze %dma_start3A_242 : memref<1x128x128xf32, #tpu.memory_space<vmem>> -> memref<128x128xf32, #tpu.memory_space<vmem>>
          %dma_start3A_244 = arith.constant 0 : i32
          %dma_start3A_245 = arith.constant 0 : i32
          %dma_start3A_246 = tpu.memref_slice %arg5[%dma_start3A_244, %dma_start3A_245] : memref<10112x128xf32, #tpu.memory_space<vmem_shared>> -> memref<10112x128xf32, #tpu.memory_space<vmem_shared>>
          tpu.enqueue_indirect_dma source(%dma_start3A_243 : memref<128x128xf32, #tpu.memory_space<vmem>>) target(%dma_start3A_246 : memref<10112x128xf32, #tpu.memory_space<vmem_shared>>) offsets(%arg12 : memref<128xi32, #tpu.memory_space<vmem>>) semaphore(%run_scoped3A_239 : memref<!tpu.dma_semaphore, #tpu.memory_space<semaphore_mem>>) {add = true}
          %dma_wait3A_247 = arith.constant 0 : i32
          %dma_wait3A_248 = arith.constant 0 : i32
          %dma_wait3A_249 = tpu.memref_slice %arg14[%run_scoped3A_204, %dma_wait3A_247, %dma_wait3A_248] : memref<2x128x128xf32, #tpu.memory_space<vmem>> -> memref<1x128x128xf32, #tpu.memory_space<vmem>>
          %dma_wait3A_250 = tpu.memref_squeeze %dma_wait3A_249 : memref<1x128x128xf32, #tpu.memory_space<vmem>> -> memref<128x128xf32, #tpu.memory_space<vmem>>
          %dma_wait3A_251 = arith.constant 0 : i32
          %dma_wait3A_252 = arith.constant 0 : i32
          %dma_wait3A_253 = tpu.memref_slice %arg5[%dma_wait3A_251, %dma_wait3A_252] : memref<10112x128xf32, #tpu.memory_space<vmem_shared>> -> memref<10112x128xf32, #tpu.memory_space<vmem_shared>>
          tpu.wait_indirect_dma semaphore(%run_scoped3A_239 : memref<!tpu.dma_semaphore, #tpu.memory_space<semaphore_mem>>) src(%dma_wait3A_250 : memref<128x128xf32, #tpu.memory_space<vmem>>) dst(%dma_wait3A_253 : memref<10112x128xf32, #tpu.memory_space<vmem_shared>>)
          tpu.yield
        }) : () -> ()
        %add3A_205 = arith.constant 4 : i32
        %add3A_206 = arith.addi %add3A_188, %add3A_205 : i32
        %lt3A_207 = arith.constant 160 : i32
        %lt3A_208 = arith.cmpi slt, %add3A_206, %lt3A_207 : i32
        %convert_element_type3A_209 = arith.extui %lt3A_208 : i1 to i32
        %cond3A_210 = arith.constant 0 : i32
        %cond3A_211 = arith.cmpi ne, %convert_element_type3A_209, %cond3A_210 : i32
        scf.if %cond3A_211 {
          %add3A_239 = arith.constant 4 : i32
          %add3A_240 = arith.addi %add3A_188, %add3A_239 : i32
          %add3A_241 = arith.addi %mul3A_0, %add3A_240 : i32
          %dma_start3A_242 = arith.constant 0 : i32
          %dma_start3A_243 = arith.constant 0 : i32
          %dma_start3A_244 = tpu.memref_slice %arg3[%add3A_241, %dma_start3A_242, %dma_start3A_243] : memref<2560x2x128xi32, #tpu.memory_space<hbm>> -> memref<1x1x128xi32, #tpu.memory_space<hbm>>
          %dma_start3A_245 = tpu.memref_squeeze %dma_start3A_244 : memref<1x1x128xi32, #tpu.memory_space<hbm>> -> memref<128xi32, #tpu.memory_space<hbm>>
          %dma_start3A_246 = arith.constant 0 : i32
          %dma_start3A_247 = tpu.memref_slice %arg3[%add3A_241, %dma_start3A_242, %dma_start3A_246] : memref<2560x2x128xi32, #tpu.memory_space<hbm>> -> memref<1x1x128xi32, #tpu.memory_space<hbm>>
          %dma_start3A_248 = tpu.memref_squeeze %dma_start3A_247 : memref<1x1x128xi32, #tpu.memory_space<hbm>> -> memref<128xi32, #tpu.memory_space<hbm>>
          tpu.enqueue_dma source(%dma_start3A_248 : memref<128xi32, #tpu.memory_space<hbm>>) target(%arg8 : memref<128xi32, #tpu.memory_space<vmem>>) target_semaphore(%arg17 : memref<!tpu.dma_semaphore, #tpu.memory_space<semaphore_mem>>)
          %add3A_249 = arith.addi %mul3A_0, %add3A_240 : i32
          %dma_start3A_250 = arith.constant 1 : i32
          %dma_start3A_251 = arith.constant 0 : i32
          %dma_start3A_252 = tpu.memref_slice %arg3[%add3A_249, %dma_start3A_250, %dma_start3A_251] : memref<2560x2x128xi32, #tpu.memory_space<hbm>> -> memref<1x1x128xi32, #tpu.memory_space<hbm>>
          %dma_start3A_253 = tpu.memref_squeeze %dma_start3A_252 : memref<1x1x128xi32, #tpu.memory_space<hbm>> -> memref<128xi32, #tpu.memory_space<hbm>>
          %dma_start3A_254 = arith.constant 0 : i32
          %dma_start3A_255 = tpu.memref_slice %arg3[%add3A_249, %dma_start3A_250, %dma_start3A_254] : memref<2560x2x128xi32, #tpu.memory_space<hbm>> -> memref<1x1x128xi32, #tpu.memory_space<hbm>>
          %dma_start3A_256 = tpu.memref_squeeze %dma_start3A_255 : memref<1x1x128xi32, #tpu.memory_space<hbm>> -> memref<128xi32, #tpu.memory_space<hbm>>
          tpu.enqueue_dma source(%dma_start3A_256 : memref<128xi32, #tpu.memory_space<hbm>>) target(%arg12 : memref<128xi32, #tpu.memory_space<vmem>>) target_semaphore(%arg17 : memref<!tpu.dma_semaphore, #tpu.memory_space<semaphore_mem>>)
        } else {
        }
        %mul3A_212 = arith.constant 4 : i32
        %mul3A_213 = arith.muli %scan3A_131, %mul3A_212 : i32
        %add3A_214 = arith.constant 3 : i32
        %add3A_215 = arith.addi %mul3A_213, %add3A_214 : i32
        %add3A_216 = arith.constant 1 : i32
        %add3A_217 = arith.addi %add3A_215, %add3A_216 : i32
        %lt3A_218 = arith.constant 160 : i32
        %lt3A_219 = arith.cmpi slt, %add3A_217, %lt3A_218 : i32
        %convert_element_type3A_220 = arith.extui %lt3A_219 : i1 to i32
        %cond3A_221 = arith.constant 0 : i32
        %cond3A_222 = arith.cmpi ne, %convert_element_type3A_220, %cond3A_221 : i32
        scf.if %cond3A_222 {
          %add3A_239 = arith.constant 1 : i32
          %add3A_240 = arith.addi %add3A_215, %add3A_239 : i32
          %add3A_241 = arith.addi %mul3A_0, %add3A_240 : i32
          %dma_wait3A_242 = arith.constant 0 : i32
          %dma_wait3A_243 = arith.constant 0 : i32
          %dma_wait3A_244 = tpu.memref_slice %arg3[%add3A_241, %dma_wait3A_242, %dma_wait3A_243] : memref<2560x2x128xi32, #tpu.memory_space<hbm>> -> memref<1x1x128xi32, #tpu.memory_space<hbm>>
          %dma_wait3A_245 = tpu.memref_squeeze %dma_wait3A_244 : memref<1x1x128xi32, #tpu.memory_space<hbm>> -> memref<128xi32, #tpu.memory_space<hbm>>
          %dma_wait3A_246 = arith.constant 0 : i32
          %dma_wait3A_247 = tpu.memref_slice %arg3[%add3A_241, %dma_wait3A_242, %dma_wait3A_246] : memref<2560x2x128xi32, #tpu.memory_space<hbm>> -> memref<1x1x128xi32, #tpu.memory_space<hbm>>
          %dma_wait3A_248 = tpu.memref_squeeze %dma_wait3A_247 : memref<1x1x128xi32, #tpu.memory_space<hbm>> -> memref<128xi32, #tpu.memory_space<hbm>>
          tpu.wait_dma2 semaphore(%arg15 : memref<!tpu.dma_semaphore, #tpu.memory_space<semaphore_mem>>) src(%dma_wait3A_248 : memref<128xi32, #tpu.memory_space<hbm>>) dst(%arg6 : memref<128xi32, #tpu.memory_space<vmem>>)
          %add3A_249 = arith.addi %mul3A_0, %add3A_240 : i32
          %dma_wait3A_250 = arith.constant 1 : i32
          %dma_wait3A_251 = arith.constant 0 : i32
          %dma_wait3A_252 = tpu.memref_slice %arg3[%add3A_249, %dma_wait3A_250, %dma_wait3A_251] : memref<2560x2x128xi32, #tpu.memory_space<hbm>> -> memref<1x1x128xi32, #tpu.memory_space<hbm>>
          %dma_wait3A_253 = tpu.memref_squeeze %dma_wait3A_252 : memref<1x1x128xi32, #tpu.memory_space<hbm>> -> memref<128xi32, #tpu.memory_space<hbm>>
          %dma_wait3A_254 = arith.constant 0 : i32
          %dma_wait3A_255 = tpu.memref_slice %arg3[%add3A_249, %dma_wait3A_250, %dma_wait3A_254] : memref<2560x2x128xi32, #tpu.memory_space<hbm>> -> memref<1x1x128xi32, #tpu.memory_space<hbm>>
          %dma_wait3A_256 = tpu.memref_squeeze %dma_wait3A_255 : memref<1x1x128xi32, #tpu.memory_space<hbm>> -> memref<128xi32, #tpu.memory_space<hbm>>
          tpu.wait_dma2 semaphore(%arg15 : memref<!tpu.dma_semaphore, #tpu.memory_space<semaphore_mem>>) src(%dma_wait3A_256 : memref<128xi32, #tpu.memory_space<hbm>>) dst(%arg10 : memref<128xi32, #tpu.memory_space<vmem>>)
          %dma_start3A_257 = arith.constant 0 : i32
          %dma_start3A_258 = arith.constant 0 : i32
          %dma_start3A_259 = arith.constant 0 : i32
          %dma_start3A_260 = tpu.memref_slice %arg14[%dma_start3A_257, %dma_start3A_258, %dma_start3A_259] : memref<2x128x128xf32, #tpu.memory_space<vmem>> -> memref<1x128x128xf32, #tpu.memory_space<vmem>>
          %dma_start3A_261 = tpu.memref_squeeze %dma_start3A_260 : memref<1x128x128xf32, #tpu.memory_space<vmem>> -> memref<128x128xf32, #tpu.memory_space<vmem>>
          %dma_start3A_262 = arith.constant 0 : i32
          %dma_start3A_263 = arith.constant 0 : i32
          %dma_start3A_264 = tpu.memref_slice %arg2[%dma_start3A_262, %dma_start3A_263] : memref<10000x128xf32, #tpu.memory_space<hbm>> -> memref<10000x128xf32, #tpu.memory_space<hbm>>
          tpu.enqueue_indirect_dma source(%dma_start3A_264 : memref<10000x128xf32, #tpu.memory_space<hbm>>) target(%dma_start3A_261 : memref<128x128xf32, #tpu.memory_space<vmem>>) offsets(%arg6 : memref<128xi32, #tpu.memory_space<vmem>>) semaphore(%arg19 : memref<!tpu.dma_semaphore, #tpu.memory_space<semaphore_mem>>)
        } else {
        }
        %dma_wait3A_223 = arith.constant 1 : i32
        %dma_wait3A_224 = arith.constant 0 : i32
        %dma_wait3A_225 = arith.constant 0 : i32
        %dma_wait3A_226 = tpu.memref_slice %arg14[%dma_wait3A_223, %dma_wait3A_224, %dma_wait3A_225] : memref<2x128x128xf32, #tpu.memory_space<vmem>> -> memref<1x128x128xf32, #tpu.memory_space<vmem>>
        %dma_wait3A_227 = tpu.memref_squeeze %dma_wait3A_226 : memref<1x128x128xf32, #tpu.memory_space<vmem>> -> memref<128x128xf32, #tpu.memory_space<vmem>>
        %dma_wait3A_228 = arith.constant 0 : i32
        %dma_wait3A_229 = arith.constant 0 : i32
        %dma_wait3A_230 = tpu.memref_slice %arg2[%dma_wait3A_228, %dma_wait3A_229] : memref<10000x128xf32, #tpu.memory_space<hbm>> -> memref<10000x128xf32, #tpu.memory_space<hbm>>
        tpu.wait_indirect_dma semaphore(%arg20 : memref<!tpu.dma_semaphore, #tpu.memory_space<semaphore_mem>>) src(%dma_wait3A_230 : memref<10000x128xf32, #tpu.memory_space<hbm>>) dst(%dma_wait3A_227 : memref<128x128xf32, #tpu.memory_space<vmem>>)
        %run_scoped3A_231 = arith.constant 1 : i32
        "tpu.region"() ({
          %run_scoped3A_239 = tpu.sem_alloc : memref<!tpu.dma_semaphore, #tpu.memory_space<semaphore_mem>>
          %dma_start3A_240 = arith.constant 0 : i32
          %dma_start3A_241 = arith.constant 0 : i32
          %dma_start3A_242 = tpu.memref_slice %arg14[%run_scoped3A_231, %dma_start3A_240, %dma_start3A_241] : memref<2x128x128xf32, #tpu.memory_space<vmem>> -> memref<1x128x128xf32, #tpu.memory_space<vmem>>
          %dma_start3A_243 = tpu.memref_squeeze %dma_start3A_242 : memref<1x128x128xf32, #tpu.memory_space<vmem>> -> memref<128x128xf32, #tpu.memory_space<vmem>>
          %dma_start3A_244 = arith.constant 0 : i32
          %dma_start3A_245 = arith.constant 0 : i32
          %dma_start3A_246 = tpu.memref_slice %arg5[%dma_start3A_244, %dma_start3A_245] : memref<10112x128xf32, #tpu.memory_space<vmem_shared>> -> memref<10112x128xf32, #tpu.memory_space<vmem_shared>>
          tpu.enqueue_indirect_dma source(%dma_start3A_243 : memref<128x128xf32, #tpu.memory_space<vmem>>) target(%dma_start3A_246 : memref<10112x128xf32, #tpu.memory_space<vmem_shared>>) offsets(%arg13 : memref<128xi32, #tpu.memory_space<vmem>>) semaphore(%run_scoped3A_239 : memref<!tpu.dma_semaphore, #tpu.memory_space<semaphore_mem>>) {add = true}
          %dma_wait3A_247 = arith.constant 0 : i32
          %dma_wait3A_248 = arith.constant 0 : i32
          %dma_wait3A_249 = tpu.memref_slice %arg14[%run_scoped3A_231, %dma_wait3A_247, %dma_wait3A_248] : memref<2x128x128xf32, #tpu.memory_space<vmem>> -> memref<1x128x128xf32, #tpu.memory_space<vmem>>
          %dma_wait3A_250 = tpu.memref_squeeze %dma_wait3A_249 : memref<1x128x128xf32, #tpu.memory_space<vmem>> -> memref<128x128xf32, #tpu.memory_space<vmem>>
          %dma_wait3A_251 = arith.constant 0 : i32
          %dma_wait3A_252 = arith.constant 0 : i32
          %dma_wait3A_253 = tpu.memref_slice %arg5[%dma_wait3A_251, %dma_wait3A_252] : memref<10112x128xf32, #tpu.memory_space<vmem_shared>> -> memref<10112x128xf32, #tpu.memory_space<vmem_shared>>
          tpu.wait_indirect_dma semaphore(%run_scoped3A_239 : memref<!tpu.dma_semaphore, #tpu.memory_space<semaphore_mem>>) src(%dma_wait3A_250 : memref<128x128xf32, #tpu.memory_space<vmem>>) dst(%dma_wait3A_253 : memref<10112x128xf32, #tpu.memory_space<vmem_shared>>)
          tpu.yield
        }) : () -> ()
        %add3A_232 = arith.constant 4 : i32
        %add3A_233 = arith.addi %add3A_215, %add3A_232 : i32
        %lt3A_234 = arith.constant 160 : i32
        %lt3A_235 = arith.cmpi slt, %add3A_233, %lt3A_234 : i32
        %convert_element_type3A_236 = arith.extui %lt3A_235 : i1 to i32
        %cond3A_237 = arith.constant 0 : i32
        %cond3A_238 = arith.cmpi ne, %convert_element_type3A_236, %cond3A_237 : i32
        scf.if %cond3A_238 {
          %add3A_239 = arith.constant 4 : i32
          %add3A_240 = arith.addi %add3A_215, %add3A_239 : i32
          %add3A_241 = arith.addi %mul3A_0, %add3A_240 : i32
          %dma_start3A_242 = arith.constant 0 : i32
          %dma_start3A_243 = arith.constant 0 : i32
          %dma_start3A_244 = tpu.memref_slice %arg3[%add3A_241, %dma_start3A_242, %dma_start3A_243] : memref<2560x2x128xi32, #tpu.memory_space<hbm>> -> memref<1x1x128xi32, #tpu.memory_space<hbm>>
          %dma_start3A_245 = tpu.memref_squeeze %dma_start3A_244 : memref<1x1x128xi32, #tpu.memory_space<hbm>> -> memref<128xi32, #tpu.memory_space<hbm>>
          %dma_start3A_246 = arith.constant 0 : i32
          %dma_start3A_247 = tpu.memref_slice %arg3[%add3A_241, %dma_start3A_242, %dma_start3A_246] : memref<2560x2x128xi32, #tpu.memory_space<hbm>> -> memref<1x1x128xi32, #tpu.memory_space<hbm>>
          %dma_start3A_248 = tpu.memref_squeeze %dma_start3A_247 : memref<1x1x128xi32, #tpu.memory_space<hbm>> -> memref<128xi32, #tpu.memory_space<hbm>>
          tpu.enqueue_dma source(%dma_start3A_248 : memref<128xi32, #tpu.memory_space<hbm>>) target(%arg9 : memref<128xi32, #tpu.memory_space<vmem>>) target_semaphore(%arg18 : memref<!tpu.dma_semaphore, #tpu.memory_space<semaphore_mem>>)
          %add3A_249 = arith.addi %mul3A_0, %add3A_240 : i32
          %dma_start3A_250 = arith.constant 1 : i32
          %dma_start3A_251 = arith.constant 0 : i32
          %dma_start3A_252 = tpu.memref_slice %arg3[%add3A_249, %dma_start3A_250, %dma_start3A_251] : memref<2560x2x128xi32, #tpu.memory_space<hbm>> -> memref<1x1x128xi32, #tpu.memory_space<hbm>>
          %dma_start3A_253 = tpu.memref_squeeze %dma_start3A_252 : memref<1x1x128xi32, #tpu.memory_space<hbm>> -> memref<128xi32, #tpu.memory_space<hbm>>
          %dma_start3A_254 = arith.constant 0 : i32
          %dma_start3A_255 = tpu.memref_slice %arg3[%add3A_249, %dma_start3A_250, %dma_start3A_254] : memref<2560x2x128xi32, #tpu.memory_space<hbm>> -> memref<1x1x128xi32, #tpu.memory_space<hbm>>
          %dma_start3A_256 = tpu.memref_squeeze %dma_start3A_255 : memref<1x1x128xi32, #tpu.memory_space<hbm>> -> memref<128xi32, #tpu.memory_space<hbm>>
          tpu.enqueue_dma source(%dma_start3A_256 : memref<128xi32, #tpu.memory_space<hbm>>) target(%arg13 : memref<128xi32, #tpu.memory_space<vmem>>) target_semaphore(%arg18 : memref<!tpu.dma_semaphore, #tpu.memory_space<semaphore_mem>>)
        } else {
        }
      }
      %scan3A_130 = arith.constant 40 : i32
    } else {
    }
    %barrier3A_23 = arith.constant 0 : index
    tpu.barrier barrier_id(%barrier3A_23)
    %eq3A_24 = arith.constant 0 : i32
    %eq3A_25 = arith.cmpi eq, %arg0, %eq3A_24 : i32
    %convert_element_type3A_26 = arith.extui %eq3A_25 : i1 to i32
    %cond3A_27 = arith.constant 0 : i32
    %cond3A_28 = arith.cmpi ne, %convert_element_type3A_26, %cond3A_27 : i32
    scf.if %cond3A_28 {
      %add3A_29 = arith.constant 0 : i32
      %add3A_30 = arith.addi %mul3A_2, %add3A_29 : i32
      %add3A_31 = arith.constant 0 : i32
      %add3A_32 = arith.addi %mul3A_2, %add3A_31 : i32
      %run_scoped3A_33 = arith.constant 0 : i32
      "tpu.region"() ({
        %run_scoped3A_54 = tpu.sem_alloc : memref<!tpu.dma_semaphore, #tpu.memory_space<semaphore_mem>>
        %dma_start3A = arith.constant 0 : i32
        %dma_start3A_55 = tpu.memref_slice %arg4[%run_scoped3A_33, %add3A_32, %dma_start3A] : memref<1x10112x128xf32, #tpu.memory_space<hbm>> -> memref<1x128x128xf32, #tpu.memory_space<hbm>>
        %dma_start3A_56 = tpu.memref_squeeze %dma_start3A_55 : memref<1x128x128xf32, #tpu.memory_space<hbm>> -> memref<128x128xf32, #tpu.memory_space<hbm>>
        %dma_start3A_57 = arith.constant 0 : i32
        %dma_start3A_58 = tpu.memref_slice %arg5[%add3A_30, %dma_start3A_57] : memref<10112x128xf32, #tpu.memory_space<vmem_shared>> -> memref<128x128xf32, #tpu.memory_space<vmem_shared>>
        tpu.enqueue_dma source(%dma_start3A_58 : memref<128x128xf32, #tpu.memory_space<vmem_shared>>) target(%dma_start3A_56 : memref<128x128xf32, #tpu.memory_space<hbm>>) target_semaphore(%run_scoped3A_54 : memref<!tpu.dma_semaphore, #tpu.memory_space<semaphore_mem>>)
        %dma_wait3A = arith.constant 0 : i32
        %dma_wait3A_59 = tpu.memref_slice %arg4[%run_scoped3A_33, %add3A_32, %dma_wait3A] : memref<1x10112x128xf32, #tpu.memory_space<hbm>> -> memref<1x128x128xf32, #tpu.memory_space<hbm>>
        %dma_wait3A_60 = tpu.memref_squeeze %dma_wait3A_59 : memref<1x128x128xf32, #tpu.memory_space<hbm>> -> memref<128x128xf32, #tpu.memory_space<hbm>>
        %dma_wait3A_61 = arith.constant 0 : i32
        %dma_wait3A_62 = tpu.memref_slice %arg5[%add3A_30, %dma_wait3A_61] : memref<10112x128xf32, #tpu.memory_space<vmem_shared>> -> memref<128x128xf32, #tpu.memory_space<vmem_shared>>
        tpu.wait_dma2 semaphore(%run_scoped3A_54 : memref<!tpu.dma_semaphore, #tpu.memory_space<semaphore_mem>>) src(%dma_wait3A_62 : memref<128x128xf32, #tpu.memory_space<vmem_shared>>) dst(%dma_wait3A_60 : memref<128x128xf32, #tpu.memory_space<hbm>>)
        tpu.yield
      }) : () -> ()
      %add3A_34 = arith.constant 128 : i32
      %add3A_35 = arith.addi %mul3A_2, %add3A_34 : i32
      %add3A_36 = arith.constant 128 : i32
      %add3A_37 = arith.addi %mul3A_2, %add3A_36 : i32
      %run_scoped3A_38 = arith.constant 0 : i32
      "tpu.region"() ({
        %run_scoped3A_54 = tpu.sem_alloc : memref<!tpu.dma_semaphore, #tpu.memory_space<semaphore_mem>>
        %dma_start3A = arith.constant 0 : i32
        %dma_start3A_55 = tpu.memref_slice %arg4[%run_scoped3A_38, %add3A_37, %dma_start3A] : memref<1x10112x128xf32, #tpu.memory_space<hbm>> -> memref<1x128x128xf32, #tpu.memory_space<hbm>>
        %dma_start3A_56 = tpu.memref_squeeze %dma_start3A_55 : memref<1x128x128xf32, #tpu.memory_space<hbm>> -> memref<128x128xf32, #tpu.memory_space<hbm>>
        %dma_start3A_57 = arith.constant 0 : i32
        %dma_start3A_58 = tpu.memref_slice %arg5[%add3A_35, %dma_start3A_57] : memref<10112x128xf32, #tpu.memory_space<vmem_shared>> -> memref<128x128xf32, #tpu.memory_space<vmem_shared>>
        tpu.enqueue_dma source(%dma_start3A_58 : memref<128x128xf32, #tpu.memory_space<vmem_shared>>) target(%dma_start3A_56 : memref<128x128xf32, #tpu.memory_space<hbm>>) target_semaphore(%run_scoped3A_54 : memref<!tpu.dma_semaphore, #tpu.memory_space<semaphore_mem>>)
        %dma_wait3A = arith.constant 0 : i32
        %dma_wait3A_59 = tpu.memref_slice %arg4[%run_scoped3A_38, %add3A_37, %dma_wait3A] : memref<1x10112x128xf32, #tpu.memory_space<hbm>> -> memref<1x128x128xf32, #tpu.memory_space<hbm>>
        %dma_wait3A_60 = tpu.memref_squeeze %dma_wait3A_59 : memref<1x128x128xf32, #tpu.memory_space<hbm>> -> memref<128x128xf32, #tpu.memory_space<hbm>>
        %dma_wait3A_61 = arith.constant 0 : i32
        %dma_wait3A_62 = tpu.memref_slice %arg5[%add3A_35, %dma_wait3A_61] : memref<10112x128xf32, #tpu.memory_space<vmem_shared>> -> memref<128x128xf32, #tpu.memory_space<vmem_shared>>
        tpu.wait_dma2 semaphore(%run_scoped3A_54 : memref<!tpu.dma_semaphore, #tpu.memory_space<semaphore_mem>>) src(%dma_wait3A_62 : memref<128x128xf32, #tpu.memory_space<vmem_shared>>) dst(%dma_wait3A_60 : memref<128x128xf32, #tpu.memory_space<hbm>>)
        tpu.yield
      }) : () -> ()
      %add3A_39 = arith.constant 256 : i32
      %add3A_40 = arith.addi %mul3A_2, %add3A_39 : i32
      %add3A_41 = arith.constant 256 : i32
      %add3A_42 = arith.addi %mul3A_2, %add3A_41 : i32
      %run_scoped3A_43 = arith.constant 0 : i32
      "tpu.region"() ({
        %run_scoped3A_54 = tpu.sem_alloc : memref<!tpu.dma_semaphore, #tpu.memory_space<semaphore_mem>>
        %dma_start3A = arith.constant 0 : i32
        %dma_start3A_55 = tpu.memref_slice %arg4[%run_scoped3A_43, %add3A_42, %dma_start3A] : memref<1x10112x128xf32, #tpu.memory_space<hbm>> -> memref<1x128x128xf32, #tpu.memory_space<hbm>>
        %dma_start3A_56 = tpu.memref_squeeze %dma_start3A_55 : memref<1x128x128xf32, #tpu.memory_space<hbm>> -> memref<128x128xf32, #tpu.memory_space<hbm>>
        %dma_start3A_57 = arith.constant 0 : i32
        %dma_start3A_58 = tpu.memref_slice %arg5[%add3A_40, %dma_start3A_57] : memref<10112x128xf32, #tpu.memory_space<vmem_shared>> -> memref<128x128xf32, #tpu.memory_space<vmem_shared>>
        tpu.enqueue_dma source(%dma_start3A_58 : memref<128x128xf32, #tpu.memory_space<vmem_shared>>) target(%dma_start3A_56 : memref<128x128xf32, #tpu.memory_space<hbm>>) target_semaphore(%run_scoped3A_54 : memref<!tpu.dma_semaphore, #tpu.memory_space<semaphore_mem>>)
        %dma_wait3A = arith.constant 0 : i32
        %dma_wait3A_59 = tpu.memref_slice %arg4[%run_scoped3A_43, %add3A_42, %dma_wait3A] : memref<1x10112x128xf32, #tpu.memory_space<hbm>> -> memref<1x128x128xf32, #tpu.memory_space<hbm>>
        %dma_wait3A_60 = tpu.memref_squeeze %dma_wait3A_59 : memref<1x128x128xf32, #tpu.memory_space<hbm>> -> memref<128x128xf32, #tpu.memory_space<hbm>>
        %dma_wait3A_61 = arith.constant 0 : i32
        %dma_wait3A_62 = tpu.memref_slice %arg5[%add3A_40, %dma_wait3A_61] : memref<10112x128xf32, #tpu.memory_space<vmem_shared>> -> memref<128x128xf32, #tpu.memory_space<vmem_shared>>
        tpu.wait_dma2 semaphore(%run_scoped3A_54 : memref<!tpu.dma_semaphore, #tpu.memory_space<semaphore_mem>>) src(%dma_wait3A_62 : memref<128x128xf32, #tpu.memory_space<vmem_shared>>) dst(%dma_wait3A_60 : memref<128x128xf32, #tpu.memory_space<hbm>>)
        tpu.yield
      }) : () -> ()
      %add3A_44 = arith.constant 384 : i32
      %add3A_45 = arith.addi %mul3A_2, %add3A_44 : i32
      %add3A_46 = arith.constant 384 : i32
      %add3A_47 = arith.addi %mul3A_2, %add3A_46 : i32
      %run_scoped3A_48 = arith.constant 0 : i32
      "tpu.region"() ({
        %run_scoped3A_54 = tpu.sem_alloc : memref<!tpu.dma_semaphore, #tpu.memory_space<semaphore_mem>>
        %dma_start3A = arith.constant 0 : i32
        %dma_start3A_55 = tpu.memref_slice %arg4[%run_scoped3A_48, %add3A_47, %dma_start3A] : memref<1x10112x128xf32, #tpu.memory_space<hbm>> -> memref<1x128x128xf32, #tpu.memory_space<hbm>>
        %dma_start3A_56 = tpu.memref_squeeze %dma_start3A_55 : memref<1x128x128xf32, #tpu.memory_space<hbm>> -> memref<128x128xf32, #tpu.memory_space<hbm>>
        %dma_start3A_57 = arith.constant 0 : i32
        %dma_start3A_58 = tpu.memref_slice %arg5[%add3A_45, %dma_start3A_57] : memref<10112x128xf32, #tpu.memory_space<vmem_shared>> -> memref<128x128xf32, #tpu.memory_space<vmem_shared>>
        tpu.enqueue_dma source(%dma_start3A_58 : memref<128x128xf32, #tpu.memory_space<vmem_shared>>) target(%dma_start3A_56 : memref<128x128xf32, #tpu.memory_space<hbm>>) target_semaphore(%run_scoped3A_54 : memref<!tpu.dma_semaphore, #tpu.memory_space<semaphore_mem>>)
        %dma_wait3A = arith.constant 0 : i32
        %dma_wait3A_59 = tpu.memref_slice %arg4[%run_scoped3A_48, %add3A_47, %dma_wait3A] : memref<1x10112x128xf32, #tpu.memory_space<hbm>> -> memref<1x128x128xf32, #tpu.memory_space<hbm>>
        %dma_wait3A_60 = tpu.memref_squeeze %dma_wait3A_59 : memref<1x128x128xf32, #tpu.memory_space<hbm>> -> memref<128x128xf32, #tpu.memory_space<hbm>>
        %dma_wait3A_61 = arith.constant 0 : i32
        %dma_wait3A_62 = tpu.memref_slice %arg5[%add3A_45, %dma_wait3A_61] : memref<10112x128xf32, #tpu.memory_space<vmem_shared>> -> memref<128x128xf32, #tpu.memory_space<vmem_shared>>
        tpu.wait_dma2 semaphore(%run_scoped3A_54 : memref<!tpu.dma_semaphore, #tpu.memory_space<semaphore_mem>>) src(%dma_wait3A_62 : memref<128x128xf32, #tpu.memory_space<vmem_shared>>) dst(%dma_wait3A_60 : memref<128x128xf32, #tpu.memory_space<hbm>>)
        tpu.yield
      }) : () -> ()
      %add3A_49 = arith.constant 512 : i32
      %add3A_50 = arith.addi %mul3A_2, %add3A_49 : i32
      %add3A_51 = arith.constant 512 : i32
      %add3A_52 = arith.addi %mul3A_2, %add3A_51 : i32
      %run_scoped3A_53 = arith.constant 0 : i32
      "tpu.region"() ({
        %run_scoped3A_54 = tpu.sem_alloc : memref<!tpu.dma_semaphore, #tpu.memory_space<semaphore_mem>>
        %dma_start3A = arith.constant 0 : i32
        %dma_start3A_55 = tpu.memref_slice %arg4[%run_scoped3A_53, %add3A_52, %dma_start3A] : memref<1x10112x128xf32, #tpu.memory_space<hbm>> -> memref<1x120x128xf32, #tpu.memory_space<hbm>>
        %dma_start3A_56 = tpu.memref_squeeze %dma_start3A_55 : memref<1x120x128xf32, #tpu.memory_space<hbm>> -> memref<120x128xf32, #tpu.memory_space<hbm>>
        %dma_start3A_57 = arith.constant 0 : i32
        %dma_start3A_58 = tpu.memref_slice %arg5[%add3A_50, %dma_start3A_57] : memref<10112x128xf32, #tpu.memory_space<vmem_shared>> -> memref<120x128xf32, #tpu.memory_space<vmem_shared>>
        tpu.enqueue_dma source(%dma_start3A_58 : memref<120x128xf32, #tpu.memory_space<vmem_shared>>) target(%dma_start3A_56 : memref<120x128xf32, #tpu.memory_space<hbm>>) target_semaphore(%run_scoped3A_54 : memref<!tpu.dma_semaphore, #tpu.memory_space<semaphore_mem>>)
        %dma_wait3A = arith.constant 0 : i32
        %dma_wait3A_59 = tpu.memref_slice %arg4[%run_scoped3A_53, %add3A_52, %dma_wait3A] : memref<1x10112x128xf32, #tpu.memory_space<hbm>> -> memref<1x120x128xf32, #tpu.memory_space<hbm>>
        %dma_wait3A_60 = tpu.memref_squeeze %dma_wait3A_59 : memref<1x120x128xf32, #tpu.memory_space<hbm>> -> memref<120x128xf32, #tpu.memory_space<hbm>>
        %dma_wait3A_61 = arith.constant 0 : i32
        %dma_wait3A_62 = tpu.memref_slice %arg5[%add3A_50, %dma_wait3A_61] : memref<10112x128xf32, #tpu.memory_space<vmem_shared>> -> memref<120x128xf32, #tpu.memory_space<vmem_shared>>
        tpu.wait_dma2 semaphore(%run_scoped3A_54 : memref<!tpu.dma_semaphore, #tpu.memory_space<semaphore_mem>>) src(%dma_wait3A_62 : memref<120x128xf32, #tpu.memory_space<vmem_shared>>) dst(%dma_wait3A_60 : memref<120x128xf32, #tpu.memory_space<hbm>>)
        tpu.yield
      }) : () -> ()
    } else {
    }
    return
  }
}

module attributes {stable_mosaic.version = 14 : i64} {
  func.func @sage_tc1(%arg0: i32, %arg1: memref<400x128xf32, #tpu.memory_space<vmem>>, %arg2: memref<1x400x128xf32, #tpu.memory_space<vmem>>, %arg3: memref<1x400x128xf32, #tpu.memory_space<vmem>>, %arg4: memref<128x128xf32, #tpu.memory_space<vmem>>, %arg5: memref<128x128xf32, #tpu.memory_space<vmem>>, %arg6: memref<1x128xf32, #tpu.memory_space<vmem>>, %arg7: memref<400x128xf32, #tpu.memory_space<vmem>>) attributes {dimension_semantics = [#tpu.dimension_semantics<arbitrary>], iteration_bounds = array<i64: 25>, scalar_prefetch = 0 : i64, scratch_operands = 0 : i64, tpu.core_type = #tpu.core_type<tc>, window_params = [{transform_indices = @transform_0, window_bounds = array<i64: 400, 128>}, {transform_indices = @transform_1, window_bounds = array<i64: 1, 400, 128>}, {transform_indices = @transform_2, window_bounds = array<i64: 1, 400, 128>}, {pipeline_mode = #tpu.pipeline_mode<synchronous>, transform_indices = @transform_3, window_bounds = array<i64: 128, 128>}, {pipeline_mode = #tpu.pipeline_mode<synchronous>, transform_indices = @transform_4, window_bounds = array<i64: 128, 128>}, {pipeline_mode = #tpu.pipeline_mode<synchronous>, transform_indices = @transform_5, window_bounds = array<i64: 1, 128>}, {transform_indices = @transform_6, window_bounds = array<i64: 400, 128>}]} {
    %get3A = arith.constant 0 : index
    %get3A_0 = arith.constant 0 : index
    %get3A_1 = arith.constant 0 : index
    %get3A_2 = vector.load %arg3[%get3A, %get3A_0, %get3A_1] : memref<1x400x128xf32, #tpu.memory_space<vmem>>, vector<1x400x1xf32>
    %get3A_3 = vector.shape_cast %get3A_2 : vector<1x400x1xf32> to vector<400x1xf32>
    %max3A = arith.constant 1.000000e+00 : f32
    %max3A_4 = vector.broadcast %max3A : f32 to vector<400x1xf32>
    %max3A_5 = arith.maximumf %get3A_3, %max3A_4 : vector<400x1xf32>
    %div3A = arith.constant 1.000000e+00 : f32
    %div3A_6 = vector.broadcast %div3A : f32 to vector<400x1xf32>
    %div3A_7 = arith.divf %div3A_6, %max3A_5 : vector<400x1xf32>
    %get3A_8 = arith.constant 0 : index
    %get3A_9 = arith.constant 0 : index
    %get3A_10 = arith.constant 0 : index
    %get3A_11 = vector.load %arg2[%get3A_8, %get3A_9, %get3A_10] : memref<1x400x128xf32, #tpu.memory_space<vmem>>, vector<1x400x128xf32>
    %get3A_12 = vector.shape_cast %get3A_11 : vector<1x400x128xf32> to vector<400x128xf32>
    %mul3A = vector.broadcast %div3A_7 : vector<400x1xf32> to vector<400x128xf32>
    %mul3A_13 = arith.mulf %get3A_12, %mul3A : vector<400x128xf32>
    %get3A_14 = arith.constant 0 : index
    %get3A_15 = arith.constant 0 : index
    %get3A_16 = vector.load %arg1[%get3A_14, %get3A_15] : memref<400x128xf32, #tpu.memory_space<vmem>>, vector<400x128xf32>
    %get3A_17 = arith.constant 0 : index
    %get3A_18 = arith.constant 0 : index
    %get3A_19 = vector.load %arg4[%get3A_17, %get3A_18] : memref<128x128xf32, #tpu.memory_space<vmem>>, vector<128x128xf32>
    %dot_general3A = arith.constant dense<0.000000e+00> : vector<400x128xf32>
    %dot_general3A_20 = tpu.matmul %get3A_16, %get3A_19, %dot_general3A {dimension_numbers = #tpu.dot_dimension_numbers<[1], [0], [0], [1], [0, 0, 1, 1], [], []>, transpose_lhs_hint = false} : vector<400x128xf32>, vector<128x128xf32>, vector<400x128xf32> -> vector<400x128xf32>
    %get3A_21 = arith.constant 0 : index
    %get3A_22 = arith.constant 0 : index
    %get3A_23 = vector.load %arg5[%get3A_21, %get3A_22] : memref<128x128xf32, #tpu.memory_space<vmem>>, vector<128x128xf32>
    %dot_general3A_24 = arith.constant dense<0.000000e+00> : vector<400x128xf32>
    %dot_general3A_25 = tpu.matmul %mul3A_13, %get3A_23, %dot_general3A_24 {dimension_numbers = #tpu.dot_dimension_numbers<[1], [0], [0], [1], [0, 0, 1, 1], [], []>, transpose_lhs_hint = false} : vector<400x128xf32>, vector<128x128xf32>, vector<400x128xf32> -> vector<400x128xf32>
    %add3A = arith.addf %dot_general3A_20, %dot_general3A_25 : vector<400x128xf32>
    %get3A_26 = arith.constant 0 : index
    %get3A_27 = arith.constant 0 : index
    %get3A_28 = vector.load %arg6[%get3A_26, %get3A_27] : memref<1x128xf32, #tpu.memory_space<vmem>>, vector<1x128xf32>
    %add3A_29 = vector.broadcast %get3A_28 : vector<1x128xf32> to vector<400x128xf32>
    %add3A_30 = arith.addf %add3A, %add3A_29 : vector<400x128xf32>
    %max3A_31 = arith.constant 0.000000e+00 : f32
    %max3A_32 = vector.broadcast %max3A_31 : f32 to vector<400x128xf32>
    %max3A_33 = arith.maximumf %add3A_30, %max3A_32 : vector<400x128xf32>
    %swap3A = arith.constant 0 : index
    %swap3A_34 = arith.constant 0 : index
    %swap3A_35 = vector.load %arg7[%swap3A, %swap3A_34] : memref<400x128xf32, #tpu.memory_space<vmem>>, vector<400x128xf32>
    tpu.vector_store %arg7[%swap3A, %swap3A_34], %max3A_33 {strides = array<i32>} : memref<400x128xf32, #tpu.memory_space<vmem>>, vector<400x128xf32>,
    return
  }
  func.func @transform_0(%arg0: i32) -> (i32, i32) {
    %c0_i32 = arith.constant 0 : i32
    %c0_i32_0 = arith.constant 0 : i32
    return %arg0, %c0_i32 : i32, i32
  }
  func.func @transform_1(%arg0: i32) -> (i32, i32, i32) {
    %c0_i32 = arith.constant 0 : i32
    %c0_i32_0 = arith.constant 0 : i32
    %c0_i32_1 = arith.constant 0 : i32
    return %c0_i32, %arg0, %c0_i32_0 : i32, i32, i32
  }
  func.func @transform_2(%arg0: i32) -> (i32, i32, i32) {
    %c1_i32 = arith.constant 1 : i32
    %c0_i32 = arith.constant 0 : i32
    %c0_i32_0 = arith.constant 0 : i32
    return %c1_i32, %arg0, %c0_i32 : i32, i32, i32
  }
  func.func @transform_3(%arg0: i32) -> (i32, i32) {
    %c0_i32 = arith.constant 0 : i32
    %c0_i32_0 = arith.constant 0 : i32
    %c0_i32_1 = arith.constant 0 : i32
    return %c0_i32, %c0_i32_0 : i32, i32
  }
  func.func @transform_4(%arg0: i32) -> (i32, i32) {
    %c0_i32 = arith.constant 0 : i32
    %c0_i32_0 = arith.constant 0 : i32
    %c0_i32_1 = arith.constant 0 : i32
    return %c0_i32, %c0_i32_0 : i32, i32
  }
  func.func @transform_5(%arg0: i32) -> (i32, i32) {
    %c0_i32 = arith.constant 0 : i32
    %c0_i32_0 = arith.constant 0 : i32
    %c0_i32_1 = arith.constant 0 : i32
    return %c0_i32, %c0_i32_0 : i32, i32
  }
  func.func @transform_6(%arg0: i32) -> (i32, i32) {
    %c0_i32 = arith.constant 0 : i32
    %c0_i32_0 = arith.constant 0 : i32
    return %arg0, %c0_i32 : i32, i32
  }
}

module attributes {stable_mosaic.version = 14 : i64} {
  func.func @sage_tc2(%arg0: i32, %arg1: memref<400x128xf32, #tpu.memory_space<vmem>>, %arg2: memref<1x400x128xf32, #tpu.memory_space<vmem>>, %arg3: memref<1x400x128xf32, #tpu.memory_space<vmem>>, %arg4: memref<128x128xf32, #tpu.memory_space<vmem>>, %arg5: memref<128x128xf32, #tpu.memory_space<vmem>>, %arg6: memref<1x128xf32, #tpu.memory_space<vmem>>, %arg7: memref<400x128xf32, #tpu.memory_space<vmem>>) attributes {dimension_semantics = [#tpu.dimension_semantics<arbitrary>], iteration_bounds = array<i64: 25>, scalar_prefetch = 0 : i64, scratch_operands = 0 : i64, tpu.core_type = #tpu.core_type<tc>, window_params = [{transform_indices = @transform_0, window_bounds = array<i64: 400, 128>}, {transform_indices = @transform_1, window_bounds = array<i64: 1, 400, 128>}, {transform_indices = @transform_2, window_bounds = array<i64: 1, 400, 128>}, {pipeline_mode = #tpu.pipeline_mode<synchronous>, transform_indices = @transform_3, window_bounds = array<i64: 128, 128>}, {pipeline_mode = #tpu.pipeline_mode<synchronous>, transform_indices = @transform_4, window_bounds = array<i64: 128, 128>}, {pipeline_mode = #tpu.pipeline_mode<synchronous>, transform_indices = @transform_5, window_bounds = array<i64: 1, 128>}, {transform_indices = @transform_6, window_bounds = array<i64: 400, 128>}]} {
    %get3A = arith.constant 0 : index
    %get3A_0 = arith.constant 0 : index
    %get3A_1 = arith.constant 0 : index
    %get3A_2 = vector.load %arg3[%get3A, %get3A_0, %get3A_1] : memref<1x400x128xf32, #tpu.memory_space<vmem>>, vector<1x400x1xf32>
    %get3A_3 = vector.shape_cast %get3A_2 : vector<1x400x1xf32> to vector<400x1xf32>
    %max3A = arith.constant 1.000000e+00 : f32
    %max3A_4 = vector.broadcast %max3A : f32 to vector<400x1xf32>
    %max3A_5 = arith.maximumf %get3A_3, %max3A_4 : vector<400x1xf32>
    %div3A = arith.constant 1.000000e+00 : f32
    %div3A_6 = vector.broadcast %div3A : f32 to vector<400x1xf32>
    %div3A_7 = arith.divf %div3A_6, %max3A_5 : vector<400x1xf32>
    %get3A_8 = arith.constant 0 : index
    %get3A_9 = arith.constant 0 : index
    %get3A_10 = arith.constant 0 : index
    %get3A_11 = vector.load %arg2[%get3A_8, %get3A_9, %get3A_10] : memref<1x400x128xf32, #tpu.memory_space<vmem>>, vector<1x400x128xf32>
    %get3A_12 = vector.shape_cast %get3A_11 : vector<1x400x128xf32> to vector<400x128xf32>
    %mul3A = vector.broadcast %div3A_7 : vector<400x1xf32> to vector<400x128xf32>
    %mul3A_13 = arith.mulf %get3A_12, %mul3A : vector<400x128xf32>
    %get3A_14 = arith.constant 0 : index
    %get3A_15 = arith.constant 0 : index
    %get3A_16 = vector.load %arg1[%get3A_14, %get3A_15] : memref<400x128xf32, #tpu.memory_space<vmem>>, vector<400x128xf32>
    %get3A_17 = arith.constant 0 : index
    %get3A_18 = arith.constant 0 : index
    %get3A_19 = vector.load %arg4[%get3A_17, %get3A_18] : memref<128x128xf32, #tpu.memory_space<vmem>>, vector<128x128xf32>
    %dot_general3A = arith.constant dense<0.000000e+00> : vector<400x128xf32>
    %dot_general3A_20 = tpu.matmul %get3A_16, %get3A_19, %dot_general3A {dimension_numbers = #tpu.dot_dimension_numbers<[1], [0], [0], [1], [0, 0, 1, 1], [], []>, transpose_lhs_hint = false} : vector<400x128xf32>, vector<128x128xf32>, vector<400x128xf32> -> vector<400x128xf32>
    %get3A_21 = arith.constant 0 : index
    %get3A_22 = arith.constant 0 : index
    %get3A_23 = vector.load %arg5[%get3A_21, %get3A_22] : memref<128x128xf32, #tpu.memory_space<vmem>>, vector<128x128xf32>
    %dot_general3A_24 = arith.constant dense<0.000000e+00> : vector<400x128xf32>
    %dot_general3A_25 = tpu.matmul %mul3A_13, %get3A_23, %dot_general3A_24 {dimension_numbers = #tpu.dot_dimension_numbers<[1], [0], [0], [1], [0, 0, 1, 1], [], []>, transpose_lhs_hint = false} : vector<400x128xf32>, vector<128x128xf32>, vector<400x128xf32> -> vector<400x128xf32>
    %add3A = arith.addf %dot_general3A_20, %dot_general3A_25 : vector<400x128xf32>
    %get3A_26 = arith.constant 0 : index
    %get3A_27 = arith.constant 0 : index
    %get3A_28 = vector.load %arg6[%get3A_26, %get3A_27] : memref<1x128xf32, #tpu.memory_space<vmem>>, vector<1x128xf32>
    %add3A_29 = vector.broadcast %get3A_28 : vector<1x128xf32> to vector<400x128xf32>
    %add3A_30 = arith.addf %add3A, %add3A_29 : vector<400x128xf32>
    %max3A_31 = arith.constant 0.000000e+00 : f32
    %max3A_32 = vector.broadcast %max3A_31 : f32 to vector<400x128xf32>
    %max3A_33 = arith.maximumf %add3A_30, %max3A_32 : vector<400x128xf32>
    %swap3A = arith.constant 0 : index
    %swap3A_34 = arith.constant 0 : index
    %swap3A_35 = vector.load %arg7[%swap3A, %swap3A_34] : memref<400x128xf32, #tpu.memory_space<vmem>>, vector<400x128xf32>
    tpu.vector_store %arg7[%swap3A, %swap3A_34], %max3A_33 {strides = array<i32>} : memref<400x128xf32, #tpu.memory_space<vmem>>, vector<400x128xf32>,
    return
  }
  func.func @transform_0(%arg0: i32) -> (i32, i32) {
    %c0_i32 = arith.constant 0 : i32
    %c0_i32_0 = arith.constant 0 : i32
    return %arg0, %c0_i32 : i32, i32
  }
  func.func @transform_1(%arg0: i32) -> (i32, i32, i32) {
    %c0_i32 = arith.constant 0 : i32
    %c0_i32_0 = arith.constant 0 : i32
    %c0_i32_1 = arith.constant 0 : i32
    return %c0_i32, %arg0, %c0_i32_0 : i32, i32, i32
  }
  func.func @transform_2(%arg0: i32) -> (i32, i32, i32) {
    %c1_i32 = arith.constant 1 : i32
    %c0_i32 = arith.constant 0 : i32
    %c0_i32_0 = arith.constant 0 : i32
    return %c1_i32, %arg0, %c0_i32 : i32, i32, i32
  }
  func.func @transform_3(%arg0: i32) -> (i32, i32) {
    %c0_i32 = arith.constant 0 : i32
    %c0_i32_0 = arith.constant 0 : i32
    %c0_i32_1 = arith.constant 0 : i32
    return %c0_i32, %c0_i32_0 : i32, i32
  }
  func.func @transform_4(%arg0: i32) -> (i32, i32) {
    %c0_i32 = arith.constant 0 : i32
    %c0_i32_0 = arith.constant 0 : i32
    %c0_i32_1 = arith.constant 0 : i32
    return %c0_i32, %c0_i32_0 : i32, i32
  }
  func.func @transform_5(%arg0: i32) -> (i32, i32) {
    %c0_i32 = arith.constant 0 : i32
    %c0_i32_0 = arith.constant 0 : i32
    %c0_i32_1 = arith.constant 0 : i32
    return %c0_i32, %c0_i32_0 : i32, i32
  }
  func.func @transform_6(%arg0: i32) -> (i32, i32) {
    %c0_i32 = arith.constant 0 : i32
    %c0_i32_0 = arith.constant 0 : i32
    return %arg0, %c0_i32 : i32, i32
  }
}

module attributes {stable_mosaic.version = 14 : i64} {
  func.func @sage_tc3(%arg0: i32, %arg1: memref<400x128xf32, #tpu.memory_space<vmem>>, %arg2: memref<1x400x128xf32, #tpu.memory_space<vmem>>, %arg3: memref<1x400x128xf32, #tpu.memory_space<vmem>>, %arg4: memref<128x64xf32, #tpu.memory_space<vmem>>, %arg5: memref<128x64xf32, #tpu.memory_space<vmem>>, %arg6: memref<1x64xf32, #tpu.memory_space<vmem>>, %arg7: memref<400x64xf32, #tpu.memory_space<vmem>>) attributes {dimension_semantics = [#tpu.dimension_semantics<arbitrary>], iteration_bounds = array<i64: 25>, scalar_prefetch = 0 : i64, scratch_operands = 0 : i64, tpu.core_type = #tpu.core_type<tc>, window_params = [{transform_indices = @transform_0, window_bounds = array<i64: 400, 128>}, {transform_indices = @transform_1, window_bounds = array<i64: 1, 400, 128>}, {transform_indices = @transform_2, window_bounds = array<i64: 1, 400, 128>}, {pipeline_mode = #tpu.pipeline_mode<synchronous>, transform_indices = @transform_3, window_bounds = array<i64: 128, 64>}, {pipeline_mode = #tpu.pipeline_mode<synchronous>, transform_indices = @transform_4, window_bounds = array<i64: 128, 64>}, {pipeline_mode = #tpu.pipeline_mode<synchronous>, transform_indices = @transform_5, window_bounds = array<i64: 1, 64>}, {transform_indices = @transform_6, window_bounds = array<i64: 400, 64>}]} {
    %get3A = arith.constant 0 : index
    %get3A_0 = arith.constant 0 : index
    %get3A_1 = arith.constant 0 : index
    %get3A_2 = vector.load %arg3[%get3A, %get3A_0, %get3A_1] : memref<1x400x128xf32, #tpu.memory_space<vmem>>, vector<1x400x1xf32>
    %get3A_3 = vector.shape_cast %get3A_2 : vector<1x400x1xf32> to vector<400x1xf32>
    %max3A = arith.constant 1.000000e+00 : f32
    %max3A_4 = vector.broadcast %max3A : f32 to vector<400x1xf32>
    %max3A_5 = arith.maximumf %get3A_3, %max3A_4 : vector<400x1xf32>
    %div3A = arith.constant 1.000000e+00 : f32
    %div3A_6 = vector.broadcast %div3A : f32 to vector<400x1xf32>
    %div3A_7 = arith.divf %div3A_6, %max3A_5 : vector<400x1xf32>
    %get3A_8 = arith.constant 0 : index
    %get3A_9 = arith.constant 0 : index
    %get3A_10 = arith.constant 0 : index
    %get3A_11 = vector.load %arg2[%get3A_8, %get3A_9, %get3A_10] : memref<1x400x128xf32, #tpu.memory_space<vmem>>, vector<1x400x128xf32>
    %get3A_12 = vector.shape_cast %get3A_11 : vector<1x400x128xf32> to vector<400x128xf32>
    %mul3A = vector.broadcast %div3A_7 : vector<400x1xf32> to vector<400x128xf32>
    %mul3A_13 = arith.mulf %get3A_12, %mul3A : vector<400x128xf32>
    %get3A_14 = arith.constant 0 : index
    %get3A_15 = arith.constant 0 : index
    %get3A_16 = vector.load %arg1[%get3A_14, %get3A_15] : memref<400x128xf32, #tpu.memory_space<vmem>>, vector<400x128xf32>
    %get3A_17 = arith.constant 0 : index
    %get3A_18 = arith.constant 0 : index
    %get3A_19 = vector.load %arg4[%get3A_17, %get3A_18] : memref<128x64xf32, #tpu.memory_space<vmem>>, vector<128x64xf32>
    %dot_general3A = arith.constant dense<0.000000e+00> : vector<400x64xf32>
    %dot_general3A_20 = tpu.matmul %get3A_16, %get3A_19, %dot_general3A {dimension_numbers = #tpu.dot_dimension_numbers<[1], [0], [0], [1], [0, 0, 1, 1], [], []>, transpose_lhs_hint = false} : vector<400x128xf32>, vector<128x64xf32>, vector<400x64xf32> -> vector<400x64xf32>
    %get3A_21 = arith.constant 0 : index
    %get3A_22 = arith.constant 0 : index
    %get3A_23 = vector.load %arg5[%get3A_21, %get3A_22] : memref<128x64xf32, #tpu.memory_space<vmem>>, vector<128x64xf32>
    %dot_general3A_24 = arith.constant dense<0.000000e+00> : vector<400x64xf32>
    %dot_general3A_25 = tpu.matmul %mul3A_13, %get3A_23, %dot_general3A_24 {dimension_numbers = #tpu.dot_dimension_numbers<[1], [0], [0], [1], [0, 0, 1, 1], [], []>, transpose_lhs_hint = false} : vector<400x128xf32>, vector<128x64xf32>, vector<400x64xf32> -> vector<400x64xf32>
    %add3A = arith.addf %dot_general3A_20, %dot_general3A_25 : vector<400x64xf32>
    %get3A_26 = arith.constant 0 : index
    %get3A_27 = arith.constant 0 : index
    %get3A_28 = vector.load %arg6[%get3A_26, %get3A_27] : memref<1x64xf32, #tpu.memory_space<vmem>>, vector<1x64xf32>
    %add3A_29 = vector.broadcast %get3A_28 : vector<1x64xf32> to vector<400x64xf32>
    %add3A_30 = arith.addf %add3A, %add3A_29 : vector<400x64xf32>
    %swap3A = arith.constant 0 : index
    %swap3A_31 = arith.constant 0 : index
    %swap3A_32 = vector.load %arg7[%swap3A, %swap3A_31] : memref<400x64xf32, #tpu.memory_space<vmem>>, vector<400x64xf32>
    tpu.vector_store %arg7[%swap3A, %swap3A_31], %add3A_30 {strides = array<i32>} : memref<400x64xf32, #tpu.memory_space<vmem>>, vector<400x64xf32>,
    return
  }
  func.func @transform_0(%arg0: i32) -> (i32, i32) {
    %c0_i32 = arith.constant 0 : i32
    %c0_i32_0 = arith.constant 0 : i32
    return %arg0, %c0_i32 : i32, i32
  }
  func.func @transform_1(%arg0: i32) -> (i32, i32, i32) {
    %c0_i32 = arith.constant 0 : i32
    %c0_i32_0 = arith.constant 0 : i32
    %c0_i32_1 = arith.constant 0 : i32
    return %c0_i32, %arg0, %c0_i32_0 : i32, i32, i32
  }
  func.func @transform_2(%arg0: i32) -> (i32, i32, i32) {
    %c1_i32 = arith.constant 1 : i32
    %c0_i32 = arith.constant 0 : i32
    %c0_i32_0 = arith.constant 0 : i32
    return %c1_i32, %arg0, %c0_i32 : i32, i32, i32
  }
  func.func @transform_3(%arg0: i32) -> (i32, i32) {
    %c0_i32 = arith.constant 0 : i32
    %c0_i32_0 = arith.constant 0 : i32
    %c0_i32_1 = arith.constant 0 : i32
    return %c0_i32, %c0_i32_0 : i32, i32
  }
  func.func @transform_4(%arg0: i32) -> (i32, i32) {
    %c0_i32 = arith.constant 0 : i32
    %c0_i32_0 = arith.constant 0 : i32
    %c0_i32_1 = arith.constant 0 : i32
    return %c0_i32, %c0_i32_0 : i32, i32
  }
  func.func @transform_5(%arg0: i32) -> (i32, i32) {
    %c0_i32 = arith.constant 0 : i32
    %c0_i32_0 = arith.constant 0 : i32
    %c0_i32_1 = arith.constant 0 : i32
    return %c0_i32, %c0_i32_0 : i32, i32
  }
  func.func @transform_6(%arg0: i32) -> (i32, i32) {
    %c0_i32 = arith.constant 0 : i32
    %c0_i32_0 = arith.constant 0 : i32
    return %arg0, %c0_i32 : i32, i32
  }
}

</mosaic_0001>

<sc_bundles>
// kernel: sage_sc_agg128.4.cloned.1.call-start
scs
__scs_entry_jumppad:
0x0: {  	(pc) =	sbr.rel $0x88, $3  }
0x1: {  	(tag) =	ssettag $0x0;
	lr =	simm.s32 $0x1  }
0x2: {  	[smem:$0x3F96] =	sst lr;
	_ =	strace $0xD0000000  }
0x3: {  	_ = 	snop  }
0x4: {  	_ = 	snop  }
0x5: {  	_ = 	snop  }
0x6: {  	_ = 	snop  }
0x7: {  	_ = 	snop  }
__scs_overlays_trampoline_lowered:
0x8: {  	[smem:$0x3FA5] =	sst s0  }
0x9: {  	[smem:$0x3FA6] =	sst s1  }
0xa: {  	[smem:$0x3FA7] =	sst s2  }
0xb: {  	[smem:$0x3FA8] =	sst s3  }
0xc: {  	[smem:$0x3FA9] =	sst s4  }
0xd: {  	[smem:$0x3FAA] =	sst s5  }
0xe: {  	[smem:$0x3FAB] =	sst s6  }
0xf: {  	[smem:$0x3FAC] =	sst s7  }
0x10: {  	[smem:$0x3FAD] =	sst s8  }
0x11: {  	[smem:$0x3FAE] =	sst s9;
	s0 =	simm.s32 @!p0 $0x0  }
0x12: {  	s1 =	sld [smem:$0x3F94];
	s0 =	simm.s32 @p0 $0x1  }
0x13: {  	[smem:$0x3FAF] =	sst s0;
	s0 =	simm.s32 @!p1 $0x0  }
0x14: {  	s2 =	sld [smem:$0x3F93];
	s0 =	simm.s32 @p1 $0x1  }
0x15: {  	[smem:$0x3FB0] =	sst s0;
	s0 =	simm.s32 @!p2 $0x0  }
0x16: {  	s3 =	sld [smem:$0x3FDB];
	s0 =	simm.s32 @p2 $0x1  }
0x17: {  	s4 =	simm.s32 $0x1BF5;
	[smem:$0x3FB2] =	sst s0  }
0x18: {  	s0 =	sld [smem:$0x3F95];
	_ =	swait.ge [sflag:s4], $0x0  }
0x19: {  	s7 =	sld [smem:$0x3F96]  }
0x1a: {  	s8 =	sadd.s32 $0xFFFFE003, lr  }
0x1b: {  	s9 =	sadd.s32 $0xFFFFFEF7, lr;
	s5 =	simm.s32 $0xFFFFFFFF;
	p2 =	slt.u32 s8, $0xFFFFF086  }
0x1c: {  	p1 =	slt.u32 s9, $0xF7A;
	s5 =	simm.s32 @!p2 $0x0  }
0x1d: {  	s5 =	simm.s32 @p1 $0x1;
	p0 =	seq.s32 s7, s2  }
0x1e: {  	s7 =	smul.u32 @!p0 $0xF7A, s2;
	p2 =	seq.s32 @!p0 s5, $0x0  }
0x1f: {  	s9 =	smul.u32 $0xF7A, s1;
	s8 =	simm.s32 @!p0 $0x1BF5;
	p2 =	por !p2, p0  }
0x20: {  	[sflag:s8] =	ssyncset.s32 @!p0 $0xFFFFF086;
	s6 =	sadd.s32 @!p0 s3, s7;
	s7 =	simm.s32 @!p0 $0x108  }
0x21: {  	s3 =	sadd.s32 s3, s9;
	s6 =	sadd.s32 @!p0 $0x88, s6;
	s7 =	simm.s32 @p2 $0x1082  }
0x22: {  	[simem:s7], [sflag:s8] =	dma.local @!p0 [hbm:s6], $0xF7A  }
0x23: {  	s9 =	sor.u32 $0xD0000000, s2;
	s6 =	simm.s32 $0x108;
	_ =	swait.ge @!p0 [sflag:s8], $0x0  }
0x24: {  	s3 =	sadd.s32 $0x88, s3;
	s6 =	simm.s32 @!p1 $0x1082;
	[sflag:s4] =	ssyncset.s32 $0xFFFFF086  }
0x25: {  	[simem:s6], [sflag:s4] =	dma.local [hbm:s3], $0xF7A  }
0x26: {  	[smem:$0x3F96] =	sst s1;
	(tag) =	ssettag s2;
	_ =	strace s9  }
0x27: {  	s1 =	sld [smem:$0x3FA6]  }
0x28: {  	s2 =	sld [smem:$0x3FA7]  }
0x29: {  	s4 =	sld [smem:$0x3FA9]  }
0x2a: {  	p0 =	seq.s32 s5, $0x0;
	s5 =	sld [smem:$0x3FAA]  }
0x2b: {  	s6 =	sld [smem:$0x3FAB]  }
0x2c: {  	s7 =	sld [smem:$0x3FAC]  }
0x2d: {  	s3 =	simm.s32 $0x108;
	s8 =	sld [smem:$0x3FAD]  }
0x2e: {  	s3 =	simm.s32 @!p0 $0x1082;
	s9 =	sld [smem:$0x3FAE]  }
0x2f: {  	lr =	sadd.s32 s0, s3;
	s0 =	sld [smem:$0x3FA5]  }
0x30: {  	s3 =	sld [smem:$0x3FA8]  }
0x31: {  	[smem:$0x3FB1] =	sst s10  }
0x32: {  	s10 =	sld [smem:$0x3FAF];
	_ =	sdelay $0x3  }
0x33: {  	p0 =	seq.s32 s10, $0x1;
	s10 =	sld [smem:$0x3FB1];
	_ =	sdelay $0x3  }
0x34: {  	[smem:$0x3FB1] =	sst s10  }
0x35: {  	s10 =	sld [smem:$0x3FB0];
	_ =	sdelay $0x3  }
0x36: {  	p1 =	seq.s32 s10, $0x1;
	s10 =	sld [smem:$0x3FB1];
	_ =	sdelay $0x3  }
0x37: {  	[smem:$0x3FB1] =	sst s10  }
0x38: {  	s10 =	sld [smem:$0x3FB2]  }
0x39: {  	_ = 	snop;
	(pc) =	sbr.ind lr, $3  }
0x3a: {  	_ = 	snop  }
0x3b: {  	_ = 	snop  }
0x3c: {  	p2 =	seq.s32 s10, $0x1;
	s10 =	sld [smem:$0x3FB1]  }
0x3d: {  	_ =	shalt  }
0x3e: {  	_ =	shalt  }
0x3f: {  	_ =	shalt  }
0x40: {  	_ =	shalt  }
0x41: {  	_ =	shalt  }
0x42: {  	_ =	shalt  }
0x43: {  	_ =	shalt  }
0x44: {  	_ =	shalt  }
0x45: {  	_ =	shalt  }
0x46: {  	_ =	shalt  }
0x47: {  	_ =	shalt  }
0x48: {  	_ =	shalt  }
0x49: {  	_ =	shalt  }
0x4a: {  	_ =	shalt  }
0x4b: {  	_ =	shalt  }
0x4c: {  	_ =	shalt  }
0x4d: {  	_ =	shalt  }
0x4e: {  	_ =	shalt  }
0x4f: {  	_ =	shalt  }
0x50: {  	_ =	shalt  }
0x51: {  	_ =	shalt  }
0x52: {  	_ =	shalt  }
0x53: {  	_ =	shalt  }
0x54: {  	_ =	shalt  }
0x55: {  	_ =	shalt  }
0x56: {  	_ =	shalt  }
0x57: {  	_ =	shalt  }
0x58: {  	_ =	shalt  }
0x59: {  	_ =	shalt  }
0x5a: {  	_ =	shalt  }
0x5b: {  	_ =	shalt  }
0x5c: {  	_ =	shalt  }
0x5d: {  	_ =	shalt  }
0x5e: {  	_ =	shalt  }
0x5f: {  	_ =	shalt  }
0x60: {  	_ =	shalt  }
0x61: {  	_ =	shalt  }
0x62: {  	_ =	shalt  }
0x63: {  	_ =	shalt  }
0x64: {  	_ =	shalt  }
0x65: {  	_ =	shalt  }
0x66: {  	_ =	shalt  }
0x67: {  	_ =	shalt  }
0x68: {  	_ =	shalt  }
0x69: {  	_ =	shalt  }
0x6a: {  	_ =	shalt  }
0x6b: {  	_ =	shalt  }
0x6c: {  	_ =	shalt  }
0x6d: {  	_ =	shalt  }
0x6e: {  	_ =	shalt  }
0x6f: {  	_ =	shalt  }
0x70: {  	_ =	shalt  }
0x71: {  	_ =	shalt  }
0x72: {  	_ =	shalt  }
0x73: {  	_ =	shalt  }
0x74: {  	_ =	shalt  }
0x75: {  	_ =	shalt  }
0x76: {  	_ =	shalt  }
0x77: {  	_ =	shalt  }
0x78: {  	_ =	shalt  }
0x79: {  	_ =	shalt  }
0x7a: {  	_ =	shalt  }
0x7b: {  	_ =	shalt  }
0x7c: {  	_ =	shalt  }
0x7d: {  	_ =	shalt  }
0x7e: {  	_ =	shalt  }
0x7f: {  	_ =	shalt  }
0x80: {  	_ =	shalt  }
0x81: {  	_ =	shalt  }
0x82: {  	_ =	shalt  }
0x83: {  	_ =	shalt  }
0x84: {  	_ =	shalt  }
0x85: {  	_ =	shalt  }
0x86: {  	_ =	shalt  }
0x87: {  	_ =	shalt  }
.Lfunc_end0:
.L_simem_size_0:
called_computation.1_lowered:
.L_overlay_start_0:
0x88: {  	s2 =	sld [smem:$0x3FD9]  }
0x89: {  	s3 =	sld [smem:$0x3FFE];
	_ =	sdelay $0x1  }
0x8a: {  	s1 =	srdreg.scid  }
0x8b: {  	s0 =	sand.u32 $0x1, s1  }
0x8c: {  	s16 =	sshll.u32 s0, $0xA;
	s2 =	sadd.s32 s3, s2  }
0x8d: {  	s2 =	sadd.s32 s2, s16  }
0x8e: {  	[smem:$0x3FBD] =	sst s2  }
0x8f: {  	_ = 	snop  }
0x90: {  	(tm) =	ssettm $0x1  }
0x91: {  	s17 =	sld [smem:$0x3FFB];
	_ =	sdelay $0x3  }
0x92: {  	_ =	strace s17  }
0x93: {  	s2 =	sld [smem:$0x3FFC];
	_ =	sdelay $0x3  }
0x94: {  	_ =	strace s2  }
0x95: {  	s2 =	sld [smem:$0x3FFD];
	_ =	sdelay $0x3  }
0x96: {  	_ =	strace s2  }
0x97: {  	_ =	strace $0x8FFFFFFF  }
0x98: {  	s18 =	sld [smem:$0x3FDB];
	_ =	sdelay $0x1  }
0x99: {  	s19 =	simm.s32 $_scs_section_size  }
0x9a: {  	s4 =	simm.s32 $_size__tile_overlayer_lowered;
	s5 =	simm.s32 $_tile_overlayer_lowered  }
0x9b: {  	s22 =	simm.s32 $0x1BFF;
	s21 =	sshll.u32 s5, $0x1;
	s2 =	sadd.s32 s19, s18  }
0x9c: {  	s6 =	simm.s32 $0x0;
	s20 =	sshll.u32 s4, $0x1;
	s4 =	sadd.s32 s21, s2  }
0x9d: {  	[timem:s6], [sflag:s22] =	dma.local [hbm:s4], s20  }
0x9e: {  	_ =	swait.ge [sflag:s22], s20  }
0x9f: {  	s3 =	ssub.s32 $0x0, s20;
	[sflag:s22] =	ssyncset.done $0x0  }
0xa0: {  	[sflag:s22] =	ssyncadd.s32 s3;
	_ =	sdelay $0x1  }
0xa1: {  	s23 =	simm.s32 $0x1B8B  }
0xa2: {  	_ =	swait.ge [sflag:s23], $0x1  }
0xa3: {  	[sflag:s23] =	ssyncset.done $0x0  }
0xa4: {  	s25 =	simm.s32 $0x1B8E;
	s24 =	sld [smem:$0x3FFE];
	[sflag:s23] =	ssyncadd.s32 $0xFFFFFFFF  }
0xa5: {  	s26 =	simm.s32 $execute0_lowered;
	[smem:$0x3FD2] =	sst s25  }
0xa6: {  	s4 =	sshll.u32 s26, $0x1;
	_ =	strace $0x80000049;
	[dreg:$0x1] =	wrdreg $0xFFFFFFFF  }
0xa7: {  	s28 =	simm.s32 $_size_execute0_lowered;
	s2 =	sadd.s32 s2, s4;
	[dreg:$0x0] =	wrdreg $0x0  }
0xa8: {  	s4 =	sshll.u32 s28, $0x1;
	[dreg:$0x2] =	wrdreg s2  }
0xa9: {  	[dreg:$0x3] =	wrdreg s4  }
0xaa: {  	[dreg:$0x4] =	wrdreg $0xC0  }
0xab: {  	_ =	task [dreg:s6], $0x5FFFF  }
0xac: {  	[dreg:$0x1] =	wrdreg $0xFFFFFFFF  }
0xad: {  	[dreg:$0x0] =	wrdreg $0x60  }
0xae: {  	[dreg:$0x2] =	wrdreg s24  }
0xaf: {  	[dreg:$0x3] =	wrdreg $0x0  }
0xb0: {  	[dreg:$0x4] =	wrdreg $0x9  }
0xb1: {  	_ =	task.clear_ibuf [dreg:s6], $0x5FFFF;
	_ =	strace $0x90000049  }
0xb2: {  	s29 =	simm.s32 $0x9;
	_ =	strace $0x8000004B  }
0xb3: {  	_ =	swait.ge [sflag:s29], $0x1  }
0xb4: {  	[sflag:s29] =	ssyncadd.s32 $0xFFFFFFFF  }
0xb5: {  	_ =	strace $0x9000004B  }
0xb6: {  	_ =	sfence  }
0xb7: {  	s30 =	sld [smem:$0x0];
	_ =	sdelay $0x2  }
0xb8: {  	s31 =	sshll.u32 s1, $0xD;
	s1 =	sshrl.u32 s1, $0x2  }
0xb9: {  	s3 =	sand.u32 $0x4000, s31;
	s1 =	sadd.s32 s1, s30  }
0xba: {  	s0 =	sor.u32 s3, s0;
	s1 =	sshll.u32 s1, $0x11  }
0xbb: {  	s0 =	sor.u32 s1, s0  }
0xbc: {  	s0 =	sadd.s32 $0x8F2B, s0  }
0xbd: {  	[sflag:s0] =	ssyncadd.remote.s32 $0x1  }
0xbe: {  	_ =	sfence.sel $0xFFFF  }
0xbf: {  	[dreg:$0x0] =	wrdreg $0xFFFFFFFF;
	(pc) =	sbr.abs _section_cstart, $3  }
0xc0: {  	[dreg:$0x1] =	wrdreg $0xFFFFFFFF  }
0xc1: {  	_ =	task.clear_ibuf [dreg:s6], $0x2FFFF;
	_ =	strace $0x9FFFFFFF  }
0xc2: {  	(tm) =	ssettm $0x7FFFFFFF  }
0xc3: {  	_ =	shalt  }
tec
execute0_lowered:
.L_overlay_start_1:
0x0: {  	(tag) =	ssettag $0x1  }
0x1: {  	s0 =	rddreg [dreg:$0x0]  }
0x2: {  	s2 =	rddreg [dreg:$0x1]  }
0x3: {  	s3 =	simm.s32 $0x0;
	s17 =	stileid.u32;
	s5 =	srdreg.scid  }
0x4: {  	s28 =	simm.s32 $0x13E00;
	s29 =	simm.s32 $0x13C80;
	s1 =	smul.u32 $0x1400, s17  }
0x5: {  	s30 =	simm.s32 $0x13E80;
	s31 =	simm.s32 $0x13D00;
	s7 =	smul.u32 $0x278, s17  }
0x6: {  	[smem:$0x7FF] =	sst s3;
	s4 =	sadd.s32 $0x65C00, s0;
	s18 =	smul.u32 $0x4F000, s17  }
0x7: {  	s11 =	sand.u32 $0x1, s5;
	s17 =	smul.u32 $0x2780, s17;
	_ =	strace $0x8000004A  }
0x8: {  	s6 =	ssub.s32 $0x2, s11;
	p0 =	sne.s32 s11, $0x0;
	s11 =	simm.s32 $0x13F80  }
0x9: {  	s1 =	sadd.s32 s1, s0;
	s0 =	sadd.s32 $0x8CE00, s0;
	s12 =	sadd.s32 $0x80, s7  }
0xa: {  	s8 =	sshrl.u32 s6, $0x1;
	s5 =	sshrl.u32 s18, $0x2;
	s14 =	sadd.s32 $0x100, s7  }
0xb: {  	s15 =	sadd.s32 $0x180, s7;
	s16 =	sadd.s32 $0x200, s7;
	s9 =	sshll.u32 s12, $0x7  }
0xc: {  	s13 =	ssub.s32 s6, s8;
	s23 =	sadd.s32 s5, s2;
	s20 =	sshll.u32 s14, $0x7  }
0xd: {  	s21 =	sshll.u32 s15, $0x7;
	s22 =	sshll.u32 s16, $0x7;
	s24 =	sadd.s32 $0x2C10, s1  }
0xe: {  	s10 =	sadd.s32 $0x2C00, s1;
	s25 =	sadd.s32 $0x2C20, s1;
	[dreg:$0x5] =	wrdreg s24  }
0xf: {  	s26 =	sadd.s32 $0x2C30, s1;
	s6 =	sadd.s32 $0x2C40, s1;
	[dreg:$0x6] =	wrdreg s25  }
0x10: {  	s18 =	sadd.s32 $0x2C50, s1;
	s12 =	sshll.u32 s12, $0x4;
	[dreg:$0x7] =	wrdreg s26  }
0x11: {  	s19 =	sadd.s32 s9, s2;
	s7 =	sadd.s32 s20, s2;
	[dreg:$0x8] =	wrdreg s6  }
0x12: {  	s8 =	sadd.s32 s21, s2;
	s9 =	sadd.s32 s22, s2;
	[dreg:$0x9] =	wrdreg s18  }
0x13: {  	s20 =	sadd.s32 s0, s17;
	s21 =	sadd.s32 s0, s12;
	s22 =	sshll.u32 s14, $0x4  }
0x14: {  	s24 =	sshll.u32 s15, $0x4;
	s25 =	sshll.u32 s16, $0x4;
	s6 =	smax.u32 s13, $0x1  }
0x15: {  	s12 =	simm.s32 $0x1;
	s13 =	simm.s32 $0x80;
	[dreg:$0x3] =	wrdreg s19  }
0x16: {  	s14 =	simm.s32 $0x2;
	s15 =	simm.s32 $0x18000;
	[dreg:$0xc] =	wrdreg s20  }
0x17: {  	s16 =	simm.s32 $0x5;
	s17 =	simm.s32 $0x3;
	[dreg:$0xd] =	wrdreg s21  }
0x18: {  	s18 =	simm.s32 $0x6;
	s19 =	sadd.s32 $0x2C60, s1;
	[dreg:$0x4] =	wrdreg s9  }
0x19: {  	s1 =	sadd.s32 $0x2C70, s1;
	s26 =	sadd.s32 s0, s24;
	[dreg:$0x11] =	wrdreg s6  }
.Ltmp0:
0x1a: {  	s24 =	simm.s32 $0x14000;
	[dreg:$0xa] =	wrdreg s19;
	(pc) =	sbr.rel .LBB2_1-.Ltmp0, $4  }
0x1b: {  	s20 =	simm.s32 $0x0;
	[dreg:$0xb] =	wrdreg s1;
	s1 =	sadd.s32 s0, s22  }
0x1c: {  	[dreg:$0xf] =	wrdreg s26;
	s0 =	sadd.s32 s0, s25;
	s25 =	simm.s32 $0x7  }
0x1d: {  	s26 =	simm.s32 $0x13C00;
	s19 =	simm.s32 $0x4;
	[dreg:$0xe] =	wrdreg s1  }
0x1e: {  	v0 =	vimm.f32 $0.0e+00;
	[dreg:$0x10] =	wrdreg s0;
	s0 =	simm.s32 $0x13F00;
	s1 =	simm.s32 $0x13D80  }
.LBB2_8:
0x1f: {  	[bflag:$0x0] =	sbarrier.arrive $0xFFFF  }
.LBB2_9:
0x20: {  	s20 =	sadd.s32 $0x1, s20  }
0x21: {  	p1 =	sne.s32 s20, s6  }
.Ltmp1:
0x22: {  	_ = 	snop;
	(pc) =	sbr.rel @!p1 .LBB2_10-.Ltmp1, $1  }
0x23: {  	_ =	sdelay $0x3  }
.LBB2_1:
0x24: {  	s21 =	simm.s32 $0x0;
	s22 =	simm.s32 $0x200  }
.LBB2_2:
0x25: {  	p1 =	sne.s32 s22, $0xFE00;
	[tilespmem:s21+$0x14070] =	vst v0  }
0x26: {  	[tilespmem:s21+$0x14000] =	vst v0  }
0x27: {  	[tilespmem:s21+$0x14010] =	vst v0  }
.Ltmp2:
0x28: {  	[tilespmem:s21+$0x14020] =	vst v0;
	(pc) =	sbr.rel @p1 .LBB2_2-.Ltmp2, $4  }
0x29: {  	[tilespmem:s21+$0x14030] =	vst v0  }
0x2a: {  	[tilespmem:s21+$0x14040] =	vst v0  }
0x2b: {  	[tilespmem:s21+$0x14050] =	vst v0  }
0x2c: {  	[tilespmem:s21+$0x14060] =	vst v0;
	s21 =	sshra.s32 s22, $0x2;
	s22 =	sadd.s32 $0x200, s22  }
0x2d: {  	[tilespmem:s21+$0x14070] =	vst v0  }
0x2e: {  	[tilespmem:s21+$0x14000] =	vst v0  }
0x2f: {  	[tilespmem:s21+$0x14010] =	vst v0  }
0x30: {  	[tilespmem:s21+$0x14020] =	vst v0  }
0x31: {  	[tilespmem:s21+$0x14030] =	vst v0  }
0x32: {  	[tilespmem:s21+$0x14040] =	vst v0  }
0x33: {  	[tilespmem:s21+$0x14050] =	vst v0  }
0x34: {  	[tilespmem:s21+$0x14060] =	vst v0  }
0x35: {  	[spmem:s23] =	stream.linear.scatter [tilespmem:s24], [sflag:$0x7], $0x4000, $0x38;
	[tilespmem:$0x1C000] =	vst v63  }
0x36: {  	_ =	swait.ge [sflag:s25], $0x4000  }
0x37: {  	[sflag:s25] =	ssyncset.done $0x0  }
0x38: {  	s5 =	rddreg [dreg:$0x3];
	[sflag:s25] =	ssyncadd.s32 $0xFFFFC000  }
0x39: {  	[spmem:s5] =	stream.linear.scatter [tilespmem:s24], [sflag:$0x7], $0x4000, $0x38;
	[tilespmem:$0x1C000] =	vst v63  }
0x3a: {  	_ =	swait.ge [sflag:s25], $0x4000  }
0x3b: {  	[sflag:s25] =	ssyncset.done $0x0  }
0x3c: {  	[sflag:s25] =	ssyncadd.s32 $0xFFFFC000  }
0x3d: {  	[spmem:s7] =	stream.linear.scatter [tilespmem:s24], [sflag:$0x7], $0x4000, $0x38;
	[tilespmem:$0x1C000] =	vst v63  }
0x3e: {  	_ =	swait.ge [sflag:s25], $0x4000  }
0x3f: {  	[sflag:s25] =	ssyncset.done $0x0  }
0x40: {  	[sflag:s25] =	ssyncadd.s32 $0xFFFFC000  }
0x41: {  	[spmem:s8] =	stream.linear.scatter [tilespmem:s24], [sflag:$0x7], $0x4000, $0x38;
	[tilespmem:$0x1C000] =	vst v63  }
0x42: {  	_ =	swait.ge [sflag:s25], $0x4000  }
0x43: {  	[sflag:s25] =	ssyncset.done $0x0  }
0x44: {  	[sflag:s25] =	ssyncadd.s32 $0xFFFFC000  }
0x45: {  	[spmem:s9] =	stream.linear.scatter [tilespmem:s24], [sflag:$0x7], $0x3C00, $0x38;
	[tilespmem:$0x1C000] =	vst v63  }
.Ltmp3:
0x46: {  	_ =	swait.ge [sflag:s25], $0x3C00;
	(pc) =	sbr.rel @p0 .LBB2_8-.Ltmp3, $3  }
0x47: {  	[sflag:s25] =	ssyncset.done $0x0  }
0x48: {  	[sflag:s25] =	ssyncadd.s32 $0xFFFFC400  }
0x49: {  	[bflag:$0x0] =	sbarrier.arrive $0xFFFF;
	_ =	sdelay $0x1  }
0x4a: {  	s21 =	simm.s32 $0x0  }
0x4b: {  	[tilespmem:s26], [sflag:$0x1] =	stream.linear.gather [hbm4b:s10+s21], $0x80, $0x38;
	[tilespmem:$0x1C000] =	vst v63  }
0x4c: {  	s5 =	rddreg [dreg:$0x5]  }
0x4d: {  	[tilespmem:s28], [sflag:$0x1] =	stream.linear.gather [hbm4b:s5+s21], $0x80, $0x38;
	[tilespmem:$0x1C000] =	vst v63  }
0x4e: {  	s6 =	rddreg [dreg:$0x6]  }
0x4f: {  	[tilespmem:s29], [sflag:$0x2] =	stream.linear.gather [hbm4b:s6+s21], $0x80, $0x38;
	[tilespmem:$0x1C000] =	vst v63  }
0x50: {  	s9 =	smov.u32 s8;
	s22 =	rddreg [dreg:$0x7]  }
0x51: {  	[tilespmem:s30], [sflag:$0x2] =	stream.linear.gather [hbm4b:s22+s21], $0x80, $0x38;
	[tilespmem:$0x1C000] =	vst v63  }
0x52: {  	s8 =	smov.u32 s7;
	s7 =	smov.u32 s23;
	s23 =	rddreg [dreg:$0x8]  }
0x53: {  	[tilespmem:s31], [sflag:$0x3] =	stream.linear.gather [hbm4b:s23+s21], $0x80, $0x38;
	[tilespmem:$0x1C000] =	vst v63  }
0x54: {  	s6 =	rddreg [dreg:$0x9]  }
0x55: {  	[tilespmem:s0], [sflag:$0x3] =	stream.linear.gather [hbm4b:s6+s21], $0x80, $0x38;
	[tilespmem:$0x1C000] =	vst v63  }
0x56: {  	s22 =	rddreg [dreg:$0xa]  }
0x57: {  	[tilespmem:s1], [sflag:$0x4] =	stream.linear.gather [hbm4b:s22+s21], $0x80, $0x38;
	[tilespmem:$0x1C000] =	vst v63  }
0x58: {  	s23 =	rddreg [dreg:$0xb]  }
0x59: {  	[tilespmem:s11], [sflag:$0x4] =	stream.linear.gather [hbm4b:s23+s21], $0x80, $0x38;
	[tilespmem:$0x1C000] =	vst v63  }
0x5a: {  	_ =	swait.ge [sflag:s12], $0x80  }
0x5b: {  	[sflag:s12] =	ssyncset.done $0x0  }
0x5c: {  	[sflag:s12] =	ssyncadd.s32 $0xFFFFFF80  }
0x5d: {  	_ =	swait.ge [sflag:s12], $0x80  }
0x5e: {  	[sflag:s12] =	ssyncset.done $0x0  }
0x5f: {  	[sflag:s12] =	ssyncadd.s32 $0xFFFFFF80  }
0x60: {  	[tilespmem:s24], [sflag:$0x5] =	stream.indirect.gather [hbm4b:s4+s13], $0x80, s26, s13, $0xb8;
	[tilespmem:$0x1C000] =	vst v63  }
.LBB2_5:
0x61: {  	_ =	swait.ge [sflag:s14], $0x80  }
0x62: {  	[sflag:s14] =	ssyncset.done $0x0  }
0x63: {  	[sflag:s14] =	ssyncadd.s32 $0xFFFFFF80  }
0x64: {  	_ =	swait.ge [sflag:s14], $0x80  }
0x65: {  	[sflag:s14] =	ssyncset.done $0x0  }
0x66: {  	[sflag:s14] =	ssyncadd.s32 $0xFFFFFF80  }
0x67: {  	[tilespmem:s15], [sflag:$0x6] =	stream.indirect.gather [hbm4b:s4+s13], $0x80, s29, s13, $0xb8;
	[tilespmem:$0x1C000] =	vst v63  }
0x68: {  	_ =	swait.ge [sflag:s16], $0x4000  }
0x69: {  	[sflag:s16] =	ssyncset.done $0x0  }
0x6a: {  	[sflag:s16] =	ssyncadd.s32 $0xFFFFC000  }
0x6b: {  	[spmem:s2] =	stream.indirect.scatter.add.f32 [tilespmem:s24], [sflag:$0x7], $0x80, s28, s13, $0xb8;
	[tilespmem:$0x1C000] =	vst v63  }
0x6c: {  	p1 =	seq.s32 s21, $0x1380;
	_ =	swait.ge [sflag:s25], $0x4000  }
0x6d: {  	s22 =	sadd.s32 @!p1 s21, s10;
	s5 =	simm.s32 @!p1 $0x0;
	[sflag:s25] =	ssyncset.done $0x0  }
0x6e: {  	s6 =	simm.s32 @!p1 $0x13C00;
	s23 =	sadd.s32 @!p1 $0x80, s22;
	[sflag:s25] =	ssyncadd.s32 $0xFFFFC000  }
0x6f: {  	[tilespmem:s6], [sflag:$0x1] =	stream.linear.gather @!p1 [hbm4b:s23+s5], $0x80, $0x38;
	[tilespmem:$0x1C000] =	vst v63  }
0x70: {  	s6 =	sadd.s32 @!p1 $0x90, s22;
	s23 =	simm.s32 @!p1 $0x13E00  }
0x71: {  	[tilespmem:s23], [sflag:$0x1] =	stream.linear.gather @!p1 [hbm4b:s6+s5], $0x80, $0x38;
	[tilespmem:$0x1C000] =	vst v63  }
0x72: {  	_ =	swait.ge [sflag:s17], $0x80  }
0x73: {  	[sflag:s17] =	ssyncset.done $0x0  }
0x74: {  	[sflag:s17] =	ssyncadd.s32 $0xFFFFFF80  }
0x75: {  	_ =	swait.ge [sflag:s17], $0x80  }
0x76: {  	[sflag:s17] =	ssyncset.done $0x0  }
0x77: {  	[sflag:s17] =	ssyncadd.s32 $0xFFFFFF80  }
0x78: {  	[tilespmem:s24], [sflag:$0x5] =	stream.indirect.gather [hbm4b:s4+s13], $0x80, s31, s13, $0xb8;
	[tilespmem:$0x1C000] =	vst v63  }
0x79: {  	_ =	swait.ge [sflag:s18], $0x4000  }
0x7a: {  	[sflag:s18] =	ssyncset.done $0x0  }
0x7b: {  	[sflag:s18] =	ssyncadd.s32 $0xFFFFC000  }
0x7c: {  	[spmem:s2] =	stream.indirect.scatter.add.f32 [tilespmem:s15], [sflag:$0x7], $0x80, s30, s13, $0xb8;
	[tilespmem:$0x1C000] =	vst v63  }
0x7d: {  	_ =	swait.ge [sflag:s25], $0x4000  }
0x7e: {  	[sflag:s25] =	ssyncset.done $0x0  }
0x7f: {  	s6 =	sadd.s32 @!p1 $0xA0, s22;
	s23 =	simm.s32 @!p1 $0x13C80;
	[sflag:s25] =	ssyncadd.s32 $0xFFFFC000  }
0x80: {  	[tilespmem:s23], [sflag:$0x2] =	stream.linear.gather @!p1 [hbm4b:s6+s5], $0x80, $0x38;
	[tilespmem:$0x1C000] =	vst v63  }
0x81: {  	s6 =	sadd.s32 @!p1 $0xB0, s22;
	s22 =	simm.s32 @!p1 $0x13E80  }
0x82: {  	[tilespmem:s22], [sflag:$0x2] =	stream.linear.gather @!p1 [hbm4b:s6+s5], $0x80, $0x38;
	[tilespmem:$0x1C000] =	vst v63  }
0x83: {  	_ =	swait.ge [sflag:s19], $0x80  }
0x84: {  	[sflag:s19] =	ssyncset.done $0x0  }
0x85: {  	[sflag:s19] =	ssyncadd.s32 $0xFFFFFF80  }
0x86: {  	_ =	swait.ge [sflag:s19], $0x80  }
0x87: {  	[sflag:s19] =	ssyncset.done $0x0  }
0x88: {  	[sflag:s19] =	ssyncadd.s32 $0xFFFFFF80  }
0x89: {  	[tilespmem:s15], [sflag:$0x6] =	stream.indirect.gather [hbm4b:s4+s13], $0x80, s1, s13, $0xb8;
	[tilespmem:$0x1C000] =	vst v63  }
0x8a: {  	_ =	swait.ge [sflag:s16], $0x4000  }
0x8b: {  	[sflag:s16] =	ssyncset.done $0x0  }
.Ltmp4:
0x8c: {  	[sflag:s16] =	ssyncadd.s32 $0xFFFFC000;
	(pc) =	sbr.rel @p1 .LBB2_7-.Ltmp4, $4  }
0x8d: {  	[spmem:s2] =	stream.indirect.scatter.add.f32 [tilespmem:s24], [sflag:$0x7], $0x80, s0, s13, $0xb8;
	[tilespmem:$0x1C000] =	vst v63  }
0x8e: {  	_ =	swait.ge [sflag:s25], $0x4000  }
0x8f: {  	[sflag:s25] =	ssyncset.done $0x0  }
0x90: {  	[sflag:s25] =	ssyncadd.s32 $0xFFFFC000  }
0x91: {  	s5 =	sadd.s32 s21, s10  }
0x92: {  	s6 =	sadd.s32 $0xC0, s5  }
0x93: {  	[tilespmem:s31], [sflag:$0x3] =	stream.linear.gather [hbm4b:s6+s3], $0x80, $0x38;
	[tilespmem:$0x1C000] =	vst v63  }
0x94: {  	s22 =	sadd.s32 $0xD0, s5  }
0x95: {  	[tilespmem:s0], [sflag:$0x3] =	stream.linear.gather [hbm4b:s22+s3], $0x80, $0x38;
	[tilespmem:$0x1C000] =	vst v63  }
0x96: {  	_ =	swait.ge [sflag:s12], $0x80  }
0x97: {  	[sflag:s12] =	ssyncset.done $0x0  }
0x98: {  	[sflag:s12] =	ssyncadd.s32 $0xFFFFFF80  }
0x99: {  	_ =	swait.ge [sflag:s12], $0x80  }
0x9a: {  	[sflag:s12] =	ssyncset.done $0x0  }
0x9b: {  	[sflag:s12] =	ssyncadd.s32 $0xFFFFFF80  }
0x9c: {  	[tilespmem:s24], [sflag:$0x5] =	stream.indirect.gather [hbm4b:s4+s13], $0x80, s26, s13, $0xb8;
	[tilespmem:$0x1C000] =	vst v63  }
0x9d: {  	_ =	swait.ge [sflag:s18], $0x4000  }
0x9e: {  	[sflag:s18] =	ssyncset.done $0x0  }
0x9f: {  	[sflag:s18] =	ssyncadd.s32 $0xFFFFC000  }
0xa0: {  	[spmem:s2] =	stream.indirect.scatter.add.f32 [tilespmem:s15], [sflag:$0x7], $0x80, s11, s13, $0xb8;
	[tilespmem:$0x1C000] =	vst v63  }
0xa1: {  	_ =	swait.ge [sflag:s25], $0x4000  }
.Ltmp5:
0xa2: {  	[sflag:s25] =	ssyncset.done $0x0;
	(pc) =	sbr.rel .LBB2_5-.Ltmp5, $4  }
0xa3: {  	s23 =	sadd.s32 $0xE0, s5;
	[sflag:s25] =	ssyncadd.s32 $0xFFFFC000  }
0xa4: {  	[tilespmem:s1], [sflag:$0x4] =	stream.linear.gather [hbm4b:s23+s3], $0x80, $0x38;
	[tilespmem:$0x1C000] =	vst v63  }
0xa5: {  	s21 =	sadd.s32 $0x80, s21;
	s5 =	sadd.s32 $0xF0, s5  }
0xa6: {  	[tilespmem:s11], [sflag:$0x4] =	stream.linear.gather [hbm4b:s5+s3], $0x80, $0x38;
	[tilespmem:$0x1C000] =	vst v63  }
.LBB2_7:
0xa7: {  	_ =	swait.ge [sflag:s18], $0x4000  }
0xa8: {  	[sflag:s18] =	ssyncset.done $0x0  }
0xa9: {  	[sflag:s18] =	ssyncadd.s32 $0xFFFFC000  }
0xaa: {  	[spmem:s2] =	stream.indirect.scatter.add.f32 [tilespmem:s15], [sflag:$0x7], $0x80, s11, s13, $0xb8;
	[tilespmem:$0x1C000] =	vst v63  }
0xab: {  	_ =	swait.ge [sflag:s25], $0x4000  }
0xac: {  	[sflag:s25] =	ssyncset.done $0x0  }
0xad: {  	s5 =	stileid.u32;
	[sflag:s25] =	ssyncadd.s32 $0xFFFFC000  }
0xae: {  	s5 =	sshll.u32 s5, $0x6;
	[bflag:$0x0] =	sbarrier.arrive $0xFFFF  }
0xaf: {  	s6 =	sshrl.u32 s7, $0x3;
	s5 =	sor.u32 $0x1C07, s5;
	s22 =	rddreg [dreg:$0xc]  }
0xb0: {  	[hbm:s22], [sflag:s5] =	dma.local [spmem:s6], $0x800  }
0xb1: {  	_ =	swait.ge [sflag:s25], $0x800  }
0xb2: {  	[sflag:s25] =	ssyncset.done $0x0;
	s21 =	rddreg [dreg:$0x3]  }
0xb3: {  	s22 =	rddreg [dreg:$0xd];
	[sflag:s25] =	ssyncadd.s32 $0xFFFFF800;
	s6 =	sshrl.u32 s21, $0x3  }
0xb4: {  	[hbm:s22], [sflag:s5] =	dma.local [spmem:s6], $0x800  }
0xb5: {  	_ =	swait.ge [sflag:s25], $0x800  }
0xb6: {  	[sflag:s25] =	ssyncset.done $0x0  }
0xb7: {  	s21 =	sshrl.u32 s8, $0x3;
	s22 =	rddreg [dreg:$0xe];
	[sflag:s25] =	ssyncadd.s32 $0xFFFFF800  }
0xb8: {  	[hbm:s22], [sflag:s5] =	dma.local [spmem:s21], $0x800  }
0xb9: {  	s23 =	smov.u32 s7;
	_ =	swait.ge [sflag:s25], $0x800  }
0xba: {  	s7 =	smov.u32 s8;
	s8 =	smov.u32 s9;
	[sflag:s25] =	ssyncset.done $0x0  }
0xbb: {  	s9 =	sshrl.u32 s9, $0x3;
	s21 =	rddreg [dreg:$0xf];
	[sflag:s25] =	ssyncadd.s32 $0xFFFFF800  }
0xbc: {  	[hbm:s21], [sflag:s5] =	dma.local [spmem:s9], $0x800  }
0xbd: {  	_ =	swait.ge [sflag:s25], $0x800  }
0xbe: {  	s9 =	rddreg [dreg:$0x4]  }
0xbf: {  	[sflag:s25] =	ssyncset.done $0x0;
	s21 =	rddreg [dreg:$0x10]  }
.Ltmp6:
0xc0: {  	[sflag:s25] =	ssyncadd.s32 $0xFFFFF800;
	s22 =	sshrl.u32 s9, $0x3;
	(pc) =	sbr.rel .LBB2_9-.Ltmp6, $4  }
0xc1: {  	[hbm:s21], [sflag:s5] =	dma.local [spmem:s22], $0x780  }
0xc2: {  	_ =	swait.ge [sflag:s25], $0x780  }
0xc3: {  	[sflag:s25] =	ssyncset.done $0x0  }
0xc4: {  	s6 =	rddreg [dreg:$0x11];
	[sflag:s25] =	ssyncadd.s32 $0xFFFFF880  }
.LBB2_10:
0xc5: {  	_ =	sfence.sel $0x180000  }
0xc6: {  	[bflag:$0x0] =	sbarrier.arrive $0xFFFF  }
0xc7: {  	_ =	strace $0x9000004A  }
0xc8: {  	s0 =	stileid.u32;
	[bflag:$0x2] =	sbarrier.arrive $0xFFFF  }
0xc9: {  	p0 =	sne.s32 s0, $0x0;
	s0 =	rddreg [dreg:$0x2]  }
0xca: {  	s0 =	sadd.s32 @!p0 $0x100000, s0  }
0xcb: {  	[sflag:s0] =	ssyncadd.tile.s32 @!p0 $0x1;
	_ =	shalt  }
.Lfunc_end2:
_tile_overlayer_lowered:
.L_overlay_start_2:
0xcc: {  	(tag) =	ssettag $0x2  }
0xcd: {  	s0 =	rddreg [dreg:$0x0];
	s2 =	stileid.u32  }
0xce: {  	s1 =	rddreg [dreg:$0x1];
	p0 =	sne.s32 s2, $0x0  }
0xcf: {  	s3 =	rddreg [dreg:$0x2];
	[bflag:$0x3] =	sbarrier.arrive $0xFFFF;
	s2 =	simm.s32 @!p0 $0x1C07  }
0xd0: {  	[timem:s3], [sflag:s2] =	dma.local @!p0 [hbm:s0], s1  }
0xd1: {  	s0 =	simm.s32 @!p0 $0x7  }
0xd2: {  	_ =	swait.ge @!p0 [sflag:s0], s1  }
0xd3: {  	s1 =	ssub.s32 @!p0 $0x0, s1;
	[sflag:s0] =	ssyncset.done @!p0 $0x0  }
0xd4: {  	[sflag:s0] =	ssyncadd.s32 @!p0 s1  }
0xd5: {  	[bflag:$0x3] =	sbarrier.arrive $0xFFFF  }
0xd6: {  	_ =	shalt  }

// kernel: sage_sc_agg128.7.cloned.1.call-start
scs
__scs_entry_jumppad:
0x0: {  	(pc) =	sbr.rel $0x88, $3  }
0x1: {  	(tag) =	ssettag $0x0;
	lr =	simm.s32 $0x1  }
0x2: {  	[smem:$0x3F96] =	sst lr;
	_ =	strace $0xD0000000  }
0x3: {  	_ = 	snop  }
0x4: {  	_ = 	snop  }
0x5: {  	_ = 	snop  }
0x6: {  	_ = 	snop  }
0x7: {  	_ = 	snop  }
__scs_overlays_trampoline_lowered:
0x8: {  	[smem:$0x3FA5] =	sst s0  }
0x9: {  	[smem:$0x3FA6] =	sst s1  }
0xa: {  	[smem:$0x3FA7] =	sst s2  }
0xb: {  	[smem:$0x3FA8] =	sst s3  }
0xc: {  	[smem:$0x3FA9] =	sst s4  }
0xd: {  	[smem:$0x3FAA] =	sst s5  }
0xe: {  	[smem:$0x3FAB] =	sst s6  }
0xf: {  	[smem:$0x3FAC] =	sst s7  }
0x10: {  	[smem:$0x3FAD] =	sst s8  }
0x11: {  	[smem:$0x3FAE] =	sst s9;
	s0 =	simm.s32 @!p0 $0x0  }
0x12: {  	s1 =	sld [smem:$0x3F94];
	s0 =	simm.s32 @p0 $0x1  }
0x13: {  	[smem:$0x3FAF] =	sst s0;
	s0 =	simm.s32 @!p1 $0x0  }
0x14: {  	s2 =	sld [smem:$0x3F93];
	s0 =	simm.s32 @p1 $0x1  }
0x15: {  	[smem:$0x3FB0] =	sst s0;
	s0 =	simm.s32 @!p2 $0x0  }
0x16: {  	s3 =	sld [smem:$0x3FDB];
	s0 =	simm.s32 @p2 $0x1  }
0x17: {  	s4 =	simm.s32 $0x1BF5;
	[smem:$0x3FB2] =	sst s0  }
0x18: {  	s0 =	sld [smem:$0x3F95];
	_ =	swait.ge [sflag:s4], $0x0  }
0x19: {  	s7 =	sld [smem:$0x3F96]  }
0x1a: {  	s8 =	sadd.s32 $0xFFFFE003, lr  }
0x1b: {  	s9 =	sadd.s32 $0xFFFFFEF7, lr;
	s5 =	simm.s32 $0xFFFFFFFF;
	p2 =	slt.u32 s8, $0xFFFFF086  }
0x1c: {  	p1 =	slt.u32 s9, $0xF7A;
	s5 =	simm.s32 @!p2 $0x0  }
0x1d: {  	s5 =	simm.s32 @p1 $0x1;
	p0 =	seq.s32 s7, s2  }
0x1e: {  	s7 =	smul.u32 @!p0 $0xF7A, s2;
	p2 =	seq.s32 @!p0 s5, $0x0  }
0x1f: {  	s9 =	smul.u32 $0xF7A, s1;
	s8 =	simm.s32 @!p0 $0x1BF5;
	p2 =	por !p2, p0  }
0x20: {  	[sflag:s8] =	ssyncset.s32 @!p0 $0xFFFFF086;
	s6 =	sadd.s32 @!p0 s3, s7;
	s7 =	simm.s32 @!p0 $0x108  }
0x21: {  	s3 =	sadd.s32 s3, s9;
	s6 =	sadd.s32 @!p0 $0x88, s6;
	s7 =	simm.s32 @p2 $0x1082  }
0x22: {  	[simem:s7], [sflag:s8] =	dma.local @!p0 [hbm:s6], $0xF7A  }
0x23: {  	s9 =	sor.u32 $0xD0000000, s2;
	s6 =	simm.s32 $0x108;
	_ =	swait.ge @!p0 [sflag:s8], $0x0  }
0x24: {  	s3 =	sadd.s32 $0x88, s3;
	s6 =	simm.s32 @!p1 $0x1082;
	[sflag:s4] =	ssyncset.s32 $0xFFFFF086  }
0x25: {  	[simem:s6], [sflag:s4] =	dma.local [hbm:s3], $0xF7A  }
0x26: {  	[smem:$0x3F96] =	sst s1;
	(tag) =	ssettag s2;
	_ =	strace s9  }
0x27: {  	s1 =	sld [smem:$0x3FA6]  }
0x28: {  	s2 =	sld [smem:$0x3FA7]  }
0x29: {  	s4 =	sld [smem:$0x3FA9]  }
0x2a: {  	p0 =	seq.s32 s5, $0x0;
	s5 =	sld [smem:$0x3FAA]  }
0x2b: {  	s6 =	sld [smem:$0x3FAB]  }
0x2c: {  	s7 =	sld [smem:$0x3FAC]  }
0x2d: {  	s3 =	simm.s32 $0x108;
	s8 =	sld [smem:$0x3FAD]  }
0x2e: {  	s3 =	simm.s32 @!p0 $0x1082;
	s9 =	sld [smem:$0x3FAE]  }
0x2f: {  	lr =	sadd.s32 s0, s3;
	s0 =	sld [smem:$0x3FA5]  }
0x30: {  	s3 =	sld [smem:$0x3FA8]  }
0x31: {  	[smem:$0x3FB1] =	sst s10  }
0x32: {  	s10 =	sld [smem:$0x3FAF];
	_ =	sdelay $0x3  }
0x33: {  	p0 =	seq.s32 s10, $0x1;
	s10 =	sld [smem:$0x3FB1];
	_ =	sdelay $0x3  }
0x34: {  	[smem:$0x3FB1] =	sst s10  }
0x35: {  	s10 =	sld [smem:$0x3FB0];
	_ =	sdelay $0x3  }
0x36: {  	p1 =	seq.s32 s10, $0x1;
	s10 =	sld [smem:$0x3FB1];
	_ =	sdelay $0x3  }
0x37: {  	[smem:$0x3FB1] =	sst s10  }
0x38: {  	s10 =	sld [smem:$0x3FB2]  }
0x39: {  	_ = 	snop;
	(pc) =	sbr.ind lr, $3  }
0x3a: {  	_ = 	snop  }
0x3b: {  	_ = 	snop  }
0x3c: {  	p2 =	seq.s32 s10, $0x1;
	s10 =	sld [smem:$0x3FB1]  }
0x3d: {  	_ =	shalt  }
0x3e: {  	_ =	shalt  }
0x3f: {  	_ =	shalt  }
0x40: {  	_ =	shalt  }
0x41: {  	_ =	shalt  }
0x42: {  	_ =	shalt  }
0x43: {  	_ =	shalt  }
0x44: {  	_ =	shalt  }
0x45: {  	_ =	shalt  }
0x46: {  	_ =	shalt  }
0x47: {  	_ =	shalt  }
0x48: {  	_ =	shalt  }
0x49: {  	_ =	shalt  }
0x4a: {  	_ =	shalt  }
0x4b: {  	_ =	shalt  }
0x4c: {  	_ =	shalt  }
0x4d: {  	_ =	shalt  }
0x4e: {  	_ =	shalt  }
0x4f: {  	_ =	shalt  }
0x50: {  	_ =	shalt  }
0x51: {  	_ =	shalt  }
0x52: {  	_ =	shalt  }
0x53: {  	_ =	shalt  }
0x54: {  	_ =	shalt  }
0x55: {  	_ =	shalt  }
0x56: {  	_ =	shalt  }
0x57: {  	_ =	shalt  }
0x58: {  	_ =	shalt  }
0x59: {  	_ =	shalt  }
0x5a: {  	_ =	shalt  }
0x5b: {  	_ =	shalt  }
0x5c: {  	_ =	shalt  }
0x5d: {  	_ =	shalt  }
0x5e: {  	_ =	shalt  }
0x5f: {  	_ =	shalt  }
0x60: {  	_ =	shalt  }
0x61: {  	_ =	shalt  }
0x62: {  	_ =	shalt  }
0x63: {  	_ =	shalt  }
0x64: {  	_ =	shalt  }
0x65: {  	_ =	shalt  }
0x66: {  	_ =	shalt  }
0x67: {  	_ =	shalt  }
0x68: {  	_ =	shalt  }
0x69: {  	_ =	shalt  }
0x6a: {  	_ =	shalt  }
0x6b: {  	_ =	shalt  }
0x6c: {  	_ =	shalt  }
0x6d: {  	_ =	shalt  }
0x6e: {  	_ =	shalt  }
0x6f: {  	_ =	shalt  }
0x70: {  	_ =	shalt  }
0x71: {  	_ =	shalt  }
0x72: {  	_ =	shalt  }
0x73: {  	_ =	shalt  }
0x74: {  	_ =	shalt  }
0x75: {  	_ =	shalt  }
0x76: {  	_ =	shalt  }
0x77: {  	_ =	shalt  }
0x78: {  	_ =	shalt  }
0x79: {  	_ =	shalt  }
0x7a: {  	_ =	shalt  }
0x7b: {  	_ =	shalt  }
0x7c: {  	_ =	shalt  }
0x7d: {  	_ =	shalt  }
0x7e: {  	_ =	shalt  }
0x7f: {  	_ =	shalt  }
0x80: {  	_ =	shalt  }
0x81: {  	_ =	shalt  }
0x82: {  	_ =	shalt  }
0x83: {  	_ =	shalt  }
0x84: {  	_ =	shalt  }
0x85: {  	_ =	shalt  }
0x86: {  	_ =	shalt  }
0x87: {  	_ =	shalt  }
.Lfunc_end0:
.L_simem_size_0:
called_computation.2_lowered:
.L_overlay_start_0:
0x88: {  	s2 =	sld [smem:$0x3FD9]  }
0x89: {  	s3 =	sld [smem:$0x3FFE];
	_ =	sdelay $0x1  }
0x8a: {  	s1 =	srdreg.scid  }
0x8b: {  	s0 =	sand.u32 $0x1, s1  }
0x8c: {  	s16 =	sshll.u32 s0, $0xA;
	s2 =	sadd.s32 s3, s2  }
0x8d: {  	s2 =	sadd.s32 s2, s16  }
0x8e: {  	[smem:$0x3FBD] =	sst s2  }
0x8f: {  	_ = 	snop  }
0x90: {  	(tm) =	ssettm $0x1  }
0x91: {  	s17 =	sld [smem:$0x3FFB];
	_ =	sdelay $0x3  }
0x92: {  	_ =	strace s17  }
0x93: {  	s2 =	sld [smem:$0x3FFC];
	_ =	sdelay $0x3  }
0x94: {  	_ =	strace s2  }
0x95: {  	s2 =	sld [smem:$0x3FFD];
	_ =	sdelay $0x3  }
0x96: {  	_ =	strace s2  }
0x97: {  	_ =	strace $0x8FFFFFFF  }
0x98: {  	s18 =	sld [smem:$0x3FDB];
	_ =	sdelay $0x1  }
0x99: {  	s19 =	simm.s32 $_scs_section_size  }
0x9a: {  	s4 =	simm.s32 $_size__tile_overlayer_lowered;
	s5 =	simm.s32 $_tile_overlayer_lowered  }
0x9b: {  	s22 =	simm.s32 $0x1BFF;
	s21 =	sshll.u32 s5, $0x1;
	s2 =	sadd.s32 s19, s18  }
0x9c: {  	s6 =	simm.s32 $0x0;
	s20 =	sshll.u32 s4, $0x1;
	s4 =	sadd.s32 s21, s2  }
0x9d: {  	[timem:s6], [sflag:s22] =	dma.local [hbm:s4], s20  }
0x9e: {  	_ =	swait.ge [sflag:s22], s20  }
0x9f: {  	s3 =	ssub.s32 $0x0, s20;
	[sflag:s22] =	ssyncset.done $0x0  }
0xa0: {  	[sflag:s22] =	ssyncadd.s32 s3;
	_ =	sdelay $0x1  }
0xa1: {  	s23 =	simm.s32 $0x1B8B  }
0xa2: {  	_ =	swait.ge [sflag:s23], $0x1  }
0xa3: {  	[sflag:s23] =	ssyncset.done $0x0  }
0xa4: {  	s25 =	simm.s32 $0x1B8E;
	s24 =	sld [smem:$0x3FFE];
	[sflag:s23] =	ssyncadd.s32 $0xFFFFFFFF  }
0xa5: {  	s26 =	simm.s32 $execute0_lowered;
	[smem:$0x3FD2] =	sst s25  }
0xa6: {  	s4 =	sshll.u32 s26, $0x1;
	_ =	strace $0x8000004C;
	[dreg:$0x1] =	wrdreg $0xFFFFFFFF  }
0xa7: {  	s28 =	simm.s32 $_size_execute0_lowered;
	s2 =	sadd.s32 s2, s4;
	[dreg:$0x0] =	wrdreg $0x0  }
0xa8: {  	s4 =	sshll.u32 s28, $0x1;
	[dreg:$0x2] =	wrdreg s2  }
0xa9: {  	[dreg:$0x3] =	wrdreg s4  }
0xaa: {  	[dreg:$0x4] =	wrdreg $0xC0  }
0xab: {  	_ =	task [dreg:s6], $0x5FFFF  }
0xac: {  	[dreg:$0x1] =	wrdreg $0xFFFFFFFF  }
0xad: {  	[dreg:$0x0] =	wrdreg $0x60  }
0xae: {  	[dreg:$0x2] =	wrdreg s24  }
0xaf: {  	[dreg:$0x3] =	wrdreg $0x0  }
0xb0: {  	[dreg:$0x4] =	wrdreg $0x9  }
0xb1: {  	_ =	task.clear_ibuf [dreg:s6], $0x5FFFF;
	_ =	strace $0x9000004C  }
0xb2: {  	s29 =	simm.s32 $0x9;
	_ =	strace $0x8000004E  }
0xb3: {  	_ =	swait.ge [sflag:s29], $0x1  }
0xb4: {  	[sflag:s29] =	ssyncadd.s32 $0xFFFFFFFF  }
0xb5: {  	_ =	strace $0x9000004E  }
0xb6: {  	_ =	sfence  }
0xb7: {  	s30 =	sld [smem:$0x0];
	_ =	sdelay $0x2  }
0xb8: {  	s31 =	sshll.u32 s1, $0xD;
	s1 =	sshrl.u32 s1, $0x2  }
0xb9: {  	s3 =	sand.u32 $0x4000, s31;
	s1 =	sadd.s32 s1, s30  }
0xba: {  	s0 =	sor.u32 s3, s0;
	s1 =	sshll.u32 s1, $0x11  }
0xbb: {  	s0 =	sor.u32 s1, s0  }
0xbc: {  	s0 =	sadd.s32 $0x8F2B, s0  }
0xbd: {  	[sflag:s0] =	ssyncadd.remote.s32 $0x1  }
0xbe: {  	_ =	sfence.sel $0xFFFF  }
0xbf: {  	[dreg:$0x0] =	wrdreg $0xFFFFFFFF;
	(pc) =	sbr.abs _section_cstart, $3  }
0xc0: {  	[dreg:$0x1] =	wrdreg $0xFFFFFFFF  }
0xc1: {  	_ =	task.clear_ibuf [dreg:s6], $0x2FFFF;
	_ =	strace $0x9FFFFFFF  }
0xc2: {  	(tm) =	ssettm $0x7FFFFFFF  }
0xc3: {  	_ =	shalt  }
tec
execute0_lowered:
.L_overlay_start_1:
0x0: {  	(tag) =	ssettag $0x1  }
0x1: {  	s0 =	rddreg [dreg:$0x0]  }
0x2: {  	s2 =	rddreg [dreg:$0x1]  }
0x3: {  	s3 =	simm.s32 $0x0;
	s17 =	stileid.u32;
	s5 =	srdreg.scid  }
0x4: {  	s28 =	simm.s32 $0x13E00;
	s29 =	simm.s32 $0x13C80;
	s1 =	smul.u32 $0x1400, s17  }
0x5: {  	s30 =	simm.s32 $0x13E80;
	s31 =	simm.s32 $0x13D00;
	s7 =	smul.u32 $0x278, s17  }
0x6: {  	[smem:$0x7FF] =	sst s3;
	s4 =	sadd.s32 $0x65C00, s0;
	s18 =	smul.u32 $0x4F000, s17  }
0x7: {  	s11 =	sand.u32 $0x1, s5;
	s17 =	smul.u32 $0x2780, s17;
	_ =	strace $0x8000004D  }
0x8: {  	s6 =	ssub.s32 $0x2, s11;
	p0 =	sne.s32 s11, $0x0;
	s11 =	simm.s32 $0x13F80  }
0x9: {  	s1 =	sadd.s32 s1, s0;
	s0 =	sadd.s32 $0x8CE00, s0;
	s12 =	sadd.s32 $0x80, s7  }
0xa: {  	s8 =	sshrl.u32 s6, $0x1;
	s5 =	sshrl.u32 s18, $0x2;
	s14 =	sadd.s32 $0x100, s7  }
0xb: {  	s15 =	sadd.s32 $0x180, s7;
	s16 =	sadd.s32 $0x200, s7;
	s9 =	sshll.u32 s12, $0x7  }
0xc: {  	s13 =	ssub.s32 s6, s8;
	s23 =	sadd.s32 s5, s2;
	s20 =	sshll.u32 s14, $0x7  }
0xd: {  	s21 =	sshll.u32 s15, $0x7;
	s22 =	sshll.u32 s16, $0x7;
	s24 =	sadd.s32 $0x2C10, s1  }
0xe: {  	s10 =	sadd.s32 $0x2C00, s1;
	s25 =	sadd.s32 $0x2C20, s1;
	[dreg:$0x5] =	wrdreg s24  }
0xf: {  	s26 =	sadd.s32 $0x2C30, s1;
	s6 =	sadd.s32 $0x2C40, s1;
	[dreg:$0x6] =	wrdreg s25  }
0x10: {  	s18 =	sadd.s32 $0x2C50, s1;
	s12 =	sshll.u32 s12, $0x4;
	[dreg:$0x7] =	wrdreg s26  }
0x11: {  	s19 =	sadd.s32 s9, s2;
	s7 =	sadd.s32 s20, s2;
	[dreg:$0x8] =	wrdreg s6  }
0x12: {  	s8 =	sadd.s32 s21, s2;
	s9 =	sadd.s32 s22, s2;
	[dreg:$0x9] =	wrdreg s18  }
0x13: {  	s20 =	sadd.s32 s0, s17;
	s21 =	sadd.s32 s0, s12;
	s22 =	sshll.u32 s14, $0x4  }
0x14: {  	s24 =	sshll.u32 s15, $0x4;
	s25 =	sshll.u32 s16, $0x4;
	s6 =	smax.u32 s13, $0x1  }
0x15: {  	s12 =	simm.s32 $0x1;
	s13 =	simm.s32 $0x80;
	[dreg:$0x3] =	wrdreg s19  }
0x16: {  	s14 =	simm.s32 $0x2;
	s15 =	simm.s32 $0x18000;
	[dreg:$0xc] =	wrdreg s20  }
0x17: {  	s16 =	simm.s32 $0x5;
	s17 =	simm.s32 $0x3;
	[dreg:$0xd] =	wrdreg s21  }
0x18: {  	s18 =	simm.s32 $0x6;
	s19 =	sadd.s32 $0x2C60, s1;
	[dreg:$0x4] =	wrdreg s9  }
0x19: {  	s1 =	sadd.s32 $0x2C70, s1;
	s26 =	sadd.s32 s0, s24;
	[dreg:$0x11] =	wrdreg s6  }
.Ltmp0:
0x1a: {  	s24 =	simm.s32 $0x14000;
	[dreg:$0xa] =	wrdreg s19;
	(pc) =	sbr.rel .LBB2_1-.Ltmp0, $4  }
0x1b: {  	s20 =	simm.s32 $0x0;
	[dreg:$0xb] =	wrdreg s1;
	s1 =	sadd.s32 s0, s22  }
0x1c: {  	[dreg:$0xf] =	wrdreg s26;
	s0 =	sadd.s32 s0, s25;
	s25 =	simm.s32 $0x7  }
0x1d: {  	s26 =	simm.s32 $0x13C00;
	s19 =	simm.s32 $0x4;
	[dreg:$0xe] =	wrdreg s1  }
0x1e: {  	v0 =	vimm.f32 $0.0e+00;
	[dreg:$0x10] =	wrdreg s0;
	s0 =	simm.s32 $0x13F00;
	s1 =	simm.s32 $0x13D80  }
.LBB2_8:
0x1f: {  	[bflag:$0x0] =	sbarrier.arrive $0xFFFF  }
.LBB2_9:
0x20: {  	s20 =	sadd.s32 $0x1, s20  }
0x21: {  	p1 =	sne.s32 s20, s6  }
.Ltmp1:
0x22: {  	_ = 	snop;
	(pc) =	sbr.rel @!p1 .LBB2_10-.Ltmp1, $1  }
0x23: {  	_ =	sdelay $0x3  }
.LBB2_1:
0x24: {  	s21 =	simm.s32 $0x0;
	s22 =	simm.s32 $0x200  }
.LBB2_2:
0x25: {  	p1 =	sne.s32 s22, $0xFE00;
	[tilespmem:s21+$0x14070] =	vst v0  }
0x26: {  	[tilespmem:s21+$0x14000] =	vst v0  }
0x27: {  	[tilespmem:s21+$0x14010] =	vst v0  }
.Ltmp2:
0x28: {  	[tilespmem:s21+$0x14020] =	vst v0;
	(pc) =	sbr.rel @p1 .LBB2_2-.Ltmp2, $4  }
0x29: {  	[tilespmem:s21+$0x14030] =	vst v0  }
0x2a: {  	[tilespmem:s21+$0x14040] =	vst v0  }
0x2b: {  	[tilespmem:s21+$0x14050] =	vst v0  }
0x2c: {  	[tilespmem:s21+$0x14060] =	vst v0;
	s21 =	sshra.s32 s22, $0x2;
	s22 =	sadd.s32 $0x200, s22  }
0x2d: {  	[tilespmem:s21+$0x14070] =	vst v0  }
0x2e: {  	[tilespmem:s21+$0x14000] =	vst v0  }
0x2f: {  	[tilespmem:s21+$0x14010] =	vst v0  }
0x30: {  	[tilespmem:s21+$0x14020] =	vst v0  }
0x31: {  	[tilespmem:s21+$0x14030] =	vst v0  }
0x32: {  	[tilespmem:s21+$0x14040] =	vst v0  }
0x33: {  	[tilespmem:s21+$0x14050] =	vst v0  }
0x34: {  	[tilespmem:s21+$0x14060] =	vst v0  }
0x35: {  	[spmem:s23] =	stream.linear.scatter [tilespmem:s24], [sflag:$0x7], $0x4000, $0x38;
	[tilespmem:$0x1C000] =	vst v63  }
0x36: {  	_ =	swait.ge [sflag:s25], $0x4000  }
0x37: {  	[sflag:s25] =	ssyncset.done $0x0  }
0x38: {  	s5 =	rddreg [dreg:$0x3];
	[sflag:s25] =	ssyncadd.s32 $0xFFFFC000  }
0x39: {  	[spmem:s5] =	stream.linear.scatter [tilespmem:s24], [sflag:$0x7], $0x4000, $0x38;
	[tilespmem:$0x1C000] =	vst v63  }
0x3a: {  	_ =	swait.ge [sflag:s25], $0x4000  }
0x3b: {  	[sflag:s25] =	ssyncset.done $0x0  }
0x3c: {  	[sflag:s25] =	ssyncadd.s32 $0xFFFFC000  }
0x3d: {  	[spmem:s7] =	stream.linear.scatter [tilespmem:s24], [sflag:$0x7], $0x4000, $0x38;
	[tilespmem:$0x1C000] =	vst v63  }
0x3e: {  	_ =	swait.ge [sflag:s25], $0x4000  }
0x3f: {  	[sflag:s25] =	ssyncset.done $0x0  }
0x40: {  	[sflag:s25] =	ssyncadd.s32 $0xFFFFC000  }
0x41: {  	[spmem:s8] =	stream.linear.scatter [tilespmem:s24], [sflag:$0x7], $0x4000, $0x38;
	[tilespmem:$0x1C000] =	vst v63  }
0x42: {  	_ =	swait.ge [sflag:s25], $0x4000  }
0x43: {  	[sflag:s25] =	ssyncset.done $0x0  }
0x44: {  	[sflag:s25] =	ssyncadd.s32 $0xFFFFC000  }
0x45: {  	[spmem:s9] =	stream.linear.scatter [tilespmem:s24], [sflag:$0x7], $0x3C00, $0x38;
	[tilespmem:$0x1C000] =	vst v63  }
.Ltmp3:
0x46: {  	_ =	swait.ge [sflag:s25], $0x3C00;
	(pc) =	sbr.rel @p0 .LBB2_8-.Ltmp3, $3  }
0x47: {  	[sflag:s25] =	ssyncset.done $0x0  }
0x48: {  	[sflag:s25] =	ssyncadd.s32 $0xFFFFC400  }
0x49: {  	[bflag:$0x0] =	sbarrier.arrive $0xFFFF;
	_ =	sdelay $0x1  }
0x4a: {  	s21 =	simm.s32 $0x0  }
0x4b: {  	[tilespmem:s26], [sflag:$0x1] =	stream.linear.gather [hbm4b:s10+s21], $0x80, $0x38;
	[tilespmem:$0x1C000] =	vst v63  }
0x4c: {  	s5 =	rddreg [dreg:$0x5]  }
0x4d: {  	[tilespmem:s28], [sflag:$0x1] =	stream.linear.gather [hbm4b:s5+s21], $0x80, $0x38;
	[tilespmem:$0x1C000] =	vst v63  }
0x4e: {  	s6 =	rddreg [dreg:$0x6]  }
0x4f: {  	[tilespmem:s29], [sflag:$0x2] =	stream.linear.gather [hbm4b:s6+s21], $0x80, $0x38;
	[tilespmem:$0x1C000] =	vst v63  }
0x50: {  	s9 =	smov.u32 s8;
	s22 =	rddreg [dreg:$0x7]  }
0x51: {  	[tilespmem:s30], [sflag:$0x2] =	stream.linear.gather [hbm4b:s22+s21], $0x80, $0x38;
	[tilespmem:$0x1C000] =	vst v63  }
0x52: {  	s8 =	smov.u32 s7;
	s7 =	smov.u32 s23;
	s23 =	rddreg [dreg:$0x8]  }
0x53: {  	[tilespmem:s31], [sflag:$0x3] =	stream.linear.gather [hbm4b:s23+s21], $0x80, $0x38;
	[tilespmem:$0x1C000] =	vst v63  }
0x54: {  	s6 =	rddreg [dreg:$0x9]  }
0x55: {  	[tilespmem:s0], [sflag:$0x3] =	stream.linear.gather [hbm4b:s6+s21], $0x80, $0x38;
	[tilespmem:$0x1C000] =	vst v63  }
0x56: {  	s22 =	rddreg [dreg:$0xa]  }
0x57: {  	[tilespmem:s1], [sflag:$0x4] =	stream.linear.gather [hbm4b:s22+s21], $0x80, $0x38;
	[tilespmem:$0x1C000] =	vst v63  }
0x58: {  	s23 =	rddreg [dreg:$0xb]  }
0x59: {  	[tilespmem:s11], [sflag:$0x4] =	stream.linear.gather [hbm4b:s23+s21], $0x80, $0x38;
	[tilespmem:$0x1C000] =	vst v63  }
0x5a: {  	_ =	swait.ge [sflag:s12], $0x80  }
0x5b: {  	[sflag:s12] =	ssyncset.done $0x0  }
0x5c: {  	[sflag:s12] =	ssyncadd.s32 $0xFFFFFF80  }
0x5d: {  	_ =	swait.ge [sflag:s12], $0x80  }
0x5e: {  	[sflag:s12] =	ssyncset.done $0x0  }
0x5f: {  	[sflag:s12] =	ssyncadd.s32 $0xFFFFFF80  }
0x60: {  	[tilespmem:s24], [sflag:$0x5] =	stream.indirect.gather [hbm4b:s4+s13], $0x80, s26, s13, $0xb8;
	[tilespmem:$0x1C000] =	vst v63  }
.LBB2_5:
0x61: {  	_ =	swait.ge [sflag:s14], $0x80  }
0x62: {  	[sflag:s14] =	ssyncset.done $0x0  }
0x63: {  	[sflag:s14] =	ssyncadd.s32 $0xFFFFFF80  }
0x64: {  	_ =	swait.ge [sflag:s14], $0x80  }
0x65: {  	[sflag:s14] =	ssyncset.done $0x0  }
0x66: {  	[sflag:s14] =	ssyncadd.s32 $0xFFFFFF80  }
0x67: {  	[tilespmem:s15], [sflag:$0x6] =	stream.indirect.gather [hbm4b:s4+s13], $0x80, s29, s13, $0xb8;
	[tilespmem:$0x1C000] =	vst v63  }
0x68: {  	_ =	swait.ge [sflag:s16], $0x4000  }
0x69: {  	[sflag:s16] =	ssyncset.done $0x0  }
0x6a: {  	[sflag:s16] =	ssyncadd.s32 $0xFFFFC000  }
0x6b: {  	[spmem:s2] =	stream.indirect.scatter.add.f32 [tilespmem:s24], [sflag:$0x7], $0x80, s28, s13, $0xb8;
	[tilespmem:$0x1C000] =	vst v63  }
0x6c: {  	p1 =	seq.s32 s21, $0x1380;
	_ =	swait.ge [sflag:s25], $0x4000  }
0x6d: {  	s22 =	sadd.s32 @!p1 s21, s10;
	s5 =	simm.s32 @!p1 $0x0;
	[sflag:s25] =	ssyncset.done $0x0  }
0x6e: {  	s6 =	simm.s32 @!p1 $0x13C00;
	s23 =	sadd.s32 @!p1 $0x80, s22;
	[sflag:s25] =	ssyncadd.s32 $0xFFFFC000  }
0x6f: {  	[tilespmem:s6], [sflag:$0x1] =	stream.linear.gather @!p1 [hbm4b:s23+s5], $0x80, $0x38;
	[tilespmem:$0x1C000] =	vst v63  }
0x70: {  	s6 =	sadd.s32 @!p1 $0x90, s22;
	s23 =	simm.s32 @!p1 $0x13E00  }
0x71: {  	[tilespmem:s23], [sflag:$0x1] =	stream.linear.gather @!p1 [hbm4b:s6+s5], $0x80, $0x38;
	[tilespmem:$0x1C000] =	vst v63  }
0x72: {  	_ =	swait.ge [sflag:s17], $0x80  }
0x73: {  	[sflag:s17] =	ssyncset.done $0x0  }
0x74: {  	[sflag:s17] =	ssyncadd.s32 $0xFFFFFF80  }
0x75: {  	_ =	swait.ge [sflag:s17], $0x80  }
0x76: {  	[sflag:s17] =	ssyncset.done $0x0  }
0x77: {  	[sflag:s17] =	ssyncadd.s32 $0xFFFFFF80  }
0x78: {  	[tilespmem:s24], [sflag:$0x5] =	stream.indirect.gather [hbm4b:s4+s13], $0x80, s31, s13, $0xb8;
	[tilespmem:$0x1C000] =	vst v63  }
0x79: {  	_ =	swait.ge [sflag:s18], $0x4000  }
0x7a: {  	[sflag:s18] =	ssyncset.done $0x0  }
0x7b: {  	[sflag:s18] =	ssyncadd.s32 $0xFFFFC000  }
0x7c: {  	[spmem:s2] =	stream.indirect.scatter.add.f32 [tilespmem:s15], [sflag:$0x7], $0x80, s30, s13, $0xb8;
	[tilespmem:$0x1C000] =	vst v63  }
0x7d: {  	_ =	swait.ge [sflag:s25], $0x4000  }
0x7e: {  	[sflag:s25] =	ssyncset.done $0x0  }
0x7f: {  	s6 =	sadd.s32 @!p1 $0xA0, s22;
	s23 =	simm.s32 @!p1 $0x13C80;
	[sflag:s25] =	ssyncadd.s32 $0xFFFFC000  }
0x80: {  	[tilespmem:s23], [sflag:$0x2] =	stream.linear.gather @!p1 [hbm4b:s6+s5], $0x80, $0x38;
	[tilespmem:$0x1C000] =	vst v63  }
0x81: {  	s6 =	sadd.s32 @!p1 $0xB0, s22;
	s22 =	simm.s32 @!p1 $0x13E80  }
0x82: {  	[tilespmem:s22], [sflag:$0x2] =	stream.linear.gather @!p1 [hbm4b:s6+s5], $0x80, $0x38;
	[tilespmem:$0x1C000] =	vst v63  }
0x83: {  	_ =	swait.ge [sflag:s19], $0x80  }
0x84: {  	[sflag:s19] =	ssyncset.done $0x0  }
0x85: {  	[sflag:s19] =	ssyncadd.s32 $0xFFFFFF80  }
0x86: {  	_ =	swait.ge [sflag:s19], $0x80  }
0x87: {  	[sflag:s19] =	ssyncset.done $0x0  }
0x88: {  	[sflag:s19] =	ssyncadd.s32 $0xFFFFFF80  }
0x89: {  	[tilespmem:s15], [sflag:$0x6] =	stream.indirect.gather [hbm4b:s4+s13], $0x80, s1, s13, $0xb8;
	[tilespmem:$0x1C000] =	vst v63  }
0x8a: {  	_ =	swait.ge [sflag:s16], $0x4000  }
0x8b: {  	[sflag:s16] =	ssyncset.done $0x0  }
.Ltmp4:
0x8c: {  	[sflag:s16] =	ssyncadd.s32 $0xFFFFC000;
	(pc) =	sbr.rel @p1 .LBB2_7-.Ltmp4, $4  }
0x8d: {  	[spmem:s2] =	stream.indirect.scatter.add.f32 [tilespmem:s24], [sflag:$0x7], $0x80, s0, s13, $0xb8;
	[tilespmem:$0x1C000] =	vst v63  }
0x8e: {  	_ =	swait.ge [sflag:s25], $0x4000  }
0x8f: {  	[sflag:s25] =	ssyncset.done $0x0  }
0x90: {  	[sflag:s25] =	ssyncadd.s32 $0xFFFFC000  }
0x91: {  	s5 =	sadd.s32 s21, s10  }
0x92: {  	s6 =	sadd.s32 $0xC0, s5  }
0x93: {  	[tilespmem:s31], [sflag:$0x3] =	stream.linear.gather [hbm4b:s6+s3], $0x80, $0x38;
	[tilespmem:$0x1C000] =	vst v63  }
0x94: {  	s22 =	sadd.s32 $0xD0, s5  }
0x95: {  	[tilespmem:s0], [sflag:$0x3] =	stream.linear.gather [hbm4b:s22+s3], $0x80, $0x38;
	[tilespmem:$0x1C000] =	vst v63  }
0x96: {  	_ =	swait.ge [sflag:s12], $0x80  }
0x97: {  	[sflag:s12] =	ssyncset.done $0x0  }
0x98: {  	[sflag:s12] =	ssyncadd.s32 $0xFFFFFF80  }
0x99: {  	_ =	swait.ge [sflag:s12], $0x80  }
0x9a: {  	[sflag:s12] =	ssyncset.done $0x0  }
0x9b: {  	[sflag:s12] =	ssyncadd.s32 $0xFFFFFF80  }
0x9c: {  	[tilespmem:s24], [sflag:$0x5] =	stream.indirect.gather [hbm4b:s4+s13], $0x80, s26, s13, $0xb8;
	[tilespmem:$0x1C000] =	vst v63  }
0x9d: {  	_ =	swait.ge [sflag:s18], $0x4000  }
0x9e: {  	[sflag:s18] =	ssyncset.done $0x0  }
0x9f: {  	[sflag:s18] =	ssyncadd.s32 $0xFFFFC000  }
0xa0: {  	[spmem:s2] =	stream.indirect.scatter.add.f32 [tilespmem:s15], [sflag:$0x7], $0x80, s11, s13, $0xb8;
	[tilespmem:$0x1C000] =	vst v63  }
0xa1: {  	_ =	swait.ge [sflag:s25], $0x4000  }
.Ltmp5:
0xa2: {  	[sflag:s25] =	ssyncset.done $0x0;
	(pc) =	sbr.rel .LBB2_5-.Ltmp5, $4  }
0xa3: {  	s23 =	sadd.s32 $0xE0, s5;
	[sflag:s25] =	ssyncadd.s32 $0xFFFFC000  }
0xa4: {  	[tilespmem:s1], [sflag:$0x4] =	stream.linear.gather [hbm4b:s23+s3], $0x80, $0x38;
	[tilespmem:$0x1C000] =	vst v63  }
0xa5: {  	s21 =	sadd.s32 $0x80, s21;
	s5 =	sadd.s32 $0xF0, s5  }
0xa6: {  	[tilespmem:s11], [sflag:$0x4] =	stream.linear.gather [hbm4b:s5+s3], $0x80, $0x38;
	[tilespmem:$0x1C000] =	vst v63  }
.LBB2_7:
0xa7: {  	_ =	swait.ge [sflag:s18], $0x4000  }
0xa8: {  	[sflag:s18] =	ssyncset.done $0x0  }
0xa9: {  	[sflag:s18] =	ssyncadd.s32 $0xFFFFC000  }
0xaa: {  	[spmem:s2] =	stream.indirect.scatter.add.f32 [tilespmem:s15], [sflag:$0x7], $0x80, s11, s13, $0xb8;
	[tilespmem:$0x1C000] =	vst v63  }
0xab: {  	_ =	swait.ge [sflag:s25], $0x4000  }
0xac: {  	[sflag:s25] =	ssyncset.done $0x0  }
0xad: {  	s5 =	stileid.u32;
	[sflag:s25] =	ssyncadd.s32 $0xFFFFC000  }
0xae: {  	s5 =	sshll.u32 s5, $0x6;
	[bflag:$0x0] =	sbarrier.arrive $0xFFFF  }
0xaf: {  	s6 =	sshrl.u32 s7, $0x3;
	s5 =	sor.u32 $0x1C07, s5;
	s22 =	rddreg [dreg:$0xc]  }
0xb0: {  	[hbm:s22], [sflag:s5] =	dma.local [spmem:s6], $0x800  }
0xb1: {  	_ =	swait.ge [sflag:s25], $0x800  }
0xb2: {  	[sflag:s25] =	ssyncset.done $0x0;
	s21 =	rddreg [dreg:$0x3]  }
0xb3: {  	s22 =	rddreg [dreg:$0xd];
	[sflag:s25] =	ssyncadd.s32 $0xFFFFF800;
	s6 =	sshrl.u32 s21, $0x3  }
0xb4: {  	[hbm:s22], [sflag:s5] =	dma.local [spmem:s6], $0x800  }
0xb5: {  	_ =	swait.ge [sflag:s25], $0x800  }
0xb6: {  	[sflag:s25] =	ssyncset.done $0x0  }
0xb7: {  	s21 =	sshrl.u32 s8, $0x3;
	s22 =	rddreg [dreg:$0xe];
	[sflag:s25] =	ssyncadd.s32 $0xFFFFF800  }
0xb8: {  	[hbm:s22], [sflag:s5] =	dma.local [spmem:s21], $0x800  }
0xb9: {  	s23 =	smov.u32 s7;
	_ =	swait.ge [sflag:s25], $0x800  }
0xba: {  	s7 =	smov.u32 s8;
	s8 =	smov.u32 s9;
	[sflag:s25] =	ssyncset.done $0x0  }
0xbb: {  	s9 =	sshrl.u32 s9, $0x3;
	s21 =	rddreg [dreg:$0xf];
	[sflag:s25] =	ssyncadd.s32 $0xFFFFF800  }
0xbc: {  	[hbm:s21], [sflag:s5] =	dma.local [spmem:s9], $0x800  }
0xbd: {  	_ =	swait.ge [sflag:s25], $0x800  }
0xbe: {  	s9 =	rddreg [dreg:$0x4]  }
0xbf: {  	[sflag:s25] =	ssyncset.done $0x0;
	s21 =	rddreg [dreg:$0x10]  }
.Ltmp6:
0xc0: {  	[sflag:s25] =	ssyncadd.s32 $0xFFFFF800;
	s22 =	sshrl.u32 s9, $0x3;
	(pc) =	sbr.rel .LBB2_9-.Ltmp6, $4  }
0xc1: {  	[hbm:s21], [sflag:s5] =	dma.local [spmem:s22], $0x780  }
0xc2: {  	_ =	swait.ge [sflag:s25], $0x780  }
0xc3: {  	[sflag:s25] =	ssyncset.done $0x0  }
0xc4: {  	s6 =	rddreg [dreg:$0x11];
	[sflag:s25] =	ssyncadd.s32 $0xFFFFF880  }
.LBB2_10:
0xc5: {  	_ =	sfence.sel $0x180000  }
0xc6: {  	[bflag:$0x0] =	sbarrier.arrive $0xFFFF  }
0xc7: {  	_ =	strace $0x9000004D  }
0xc8: {  	s0 =	stileid.u32;
	[bflag:$0x2] =	sbarrier.arrive $0xFFFF  }
0xc9: {  	p0 =	sne.s32 s0, $0x0;
	s0 =	rddreg [dreg:$0x2]  }
0xca: {  	s0 =	sadd.s32 @!p0 $0x100000, s0  }
0xcb: {  	[sflag:s0] =	ssyncadd.tile.s32 @!p0 $0x1;
	_ =	shalt  }
.Lfunc_end2:
_tile_overlayer_lowered:
.L_overlay_start_2:
0xcc: {  	(tag) =	ssettag $0x2  }
0xcd: {  	s0 =	rddreg [dreg:$0x0];
	s2 =	stileid.u32  }
0xce: {  	s1 =	rddreg [dreg:$0x1];
	p0 =	sne.s32 s2, $0x0  }
0xcf: {  	s3 =	rddreg [dreg:$0x2];
	[bflag:$0x3] =	sbarrier.arrive $0xFFFF;
	s2 =	simm.s32 @!p0 $0x1C07  }
0xd0: {  	[timem:s3], [sflag:s2] =	dma.local @!p0 [hbm:s0], s1  }
0xd1: {  	s0 =	simm.s32 @!p0 $0x7  }
0xd2: {  	_ =	swait.ge @!p0 [sflag:s0], s1  }
0xd3: {  	s1 =	ssub.s32 @!p0 $0x0, s1;
	[sflag:s0] =	ssyncset.done @!p0 $0x0  }
0xd4: {  	[sflag:s0] =	ssyncadd.s32 @!p0 s1  }
0xd5: {  	[bflag:$0x3] =	sbarrier.arrive $0xFFFF  }
0xd6: {  	_ =	shalt  }

// kernel: sage_sc_agg128_cnt.3.cloned.1.call-start
scs
__scs_entry_jumppad:
0x0: {  	(pc) =	sbr.rel $0x88, $3  }
0x1: {  	(tag) =	ssettag $0x0;
	lr =	simm.s32 $0x1  }
0x2: {  	[smem:$0x3F96] =	sst lr;
	_ =	strace $0xD0000000  }
0x3: {  	_ = 	snop  }
0x4: {  	_ = 	snop  }
0x5: {  	_ = 	snop  }
0x6: {  	_ = 	snop  }
0x7: {  	_ = 	snop  }
__scs_overlays_trampoline_lowered:
0x8: {  	[smem:$0x3FA5] =	sst s0  }
0x9: {  	[smem:$0x3FA6] =	sst s1  }
0xa: {  	[smem:$0x3FA7] =	sst s2  }
0xb: {  	[smem:$0x3FA8] =	sst s3  }
0xc: {  	[smem:$0x3FA9] =	sst s4  }
0xd: {  	[smem:$0x3FAA] =	sst s5  }
0xe: {  	[smem:$0x3FAB] =	sst s6  }
0xf: {  	[smem:$0x3FAC] =	sst s7  }
0x10: {  	[smem:$0x3FAD] =	sst s8  }
0x11: {  	[smem:$0x3FAE] =	sst s9;
	s0 =	simm.s32 @!p0 $0x0  }
0x12: {  	s1 =	sld [smem:$0x3F94];
	s0 =	simm.s32 @p0 $0x1  }
0x13: {  	[smem:$0x3FAF] =	sst s0;
	s0 =	simm.s32 @!p1 $0x0  }
0x14: {  	s2 =	sld [smem:$0x3F93];
	s0 =	simm.s32 @p1 $0x1  }
0x15: {  	[smem:$0x3FB0] =	sst s0;
	s0 =	simm.s32 @!p2 $0x0  }
0x16: {  	s3 =	sld [smem:$0x3FDB];
	s0 =	simm.s32 @p2 $0x1  }
0x17: {  	s4 =	simm.s32 $0x1BF5;
	[smem:$0x3FB2] =	sst s0  }
0x18: {  	s0 =	sld [smem:$0x3F95];
	_ =	swait.ge [sflag:s4], $0x0  }
0x19: {  	s7 =	sld [smem:$0x3F96]  }
0x1a: {  	s8 =	sadd.s32 $0xFFFFE003, lr  }
0x1b: {  	s9 =	sadd.s32 $0xFFFFFEF7, lr;
	s5 =	simm.s32 $0xFFFFFFFF;
	p2 =	slt.u32 s8, $0xFFFFF086  }
0x1c: {  	p1 =	slt.u32 s9, $0xF7A;
	s5 =	simm.s32 @!p2 $0x0  }
0x1d: {  	s5 =	simm.s32 @p1 $0x1;
	p0 =	seq.s32 s7, s2  }
0x1e: {  	s7 =	smul.u32 @!p0 $0xF7A, s2;
	p2 =	seq.s32 @!p0 s5, $0x0  }
0x1f: {  	s9 =	smul.u32 $0xF7A, s1;
	s8 =	simm.s32 @!p0 $0x1BF5;
	p2 =	por !p2, p0  }
0x20: {  	[sflag:s8] =	ssyncset.s32 @!p0 $0xFFFFF086;
	s6 =	sadd.s32 @!p0 s3, s7;
	s7 =	simm.s32 @!p0 $0x108  }
0x21: {  	s3 =	sadd.s32 s3, s9;
	s6 =	sadd.s32 @!p0 $0x88, s6;
	s7 =	simm.s32 @p2 $0x1082  }
0x22: {  	[simem:s7], [sflag:s8] =	dma.local @!p0 [hbm:s6], $0xF7A  }
0x23: {  	s9 =	sor.u32 $0xD0000000, s2;
	s6 =	simm.s32 $0x108;
	_ =	swait.ge @!p0 [sflag:s8], $0x0  }
0x24: {  	s3 =	sadd.s32 $0x88, s3;
	s6 =	simm.s32 @!p1 $0x1082;
	[sflag:s4] =	ssyncset.s32 $0xFFFFF086  }
0x25: {  	[simem:s6], [sflag:s4] =	dma.local [hbm:s3], $0xF7A  }
0x26: {  	[smem:$0x3F96] =	sst s1;
	(tag) =	ssettag s2;
	_ =	strace s9  }
0x27: {  	s1 =	sld [smem:$0x3FA6]  }
0x28: {  	s2 =	sld [smem:$0x3FA7]  }
0x29: {  	s4 =	sld [smem:$0x3FA9]  }
0x2a: {  	p0 =	seq.s32 s5, $0x0;
	s5 =	sld [smem:$0x3FAA]  }
0x2b: {  	s6 =	sld [smem:$0x3FAB]  }
0x2c: {  	s7 =	sld [smem:$0x3FAC]  }
0x2d: {  	s3 =	simm.s32 $0x108;
	s8 =	sld [smem:$0x3FAD]  }
0x2e: {  	s3 =	simm.s32 @!p0 $0x1082;
	s9 =	sld [smem:$0x3FAE]  }
0x2f: {  	lr =	sadd.s32 s0, s3;
	s0 =	sld [smem:$0x3FA5]  }
0x30: {  	s3 =	sld [smem:$0x3FA8]  }
0x31: {  	[smem:$0x3FB1] =	sst s10  }
0x32: {  	s10 =	sld [smem:$0x3FAF];
	_ =	sdelay $0x3  }
0x33: {  	p0 =	seq.s32 s10, $0x1;
	s10 =	sld [smem:$0x3FB1];
	_ =	sdelay $0x3  }
0x34: {  	[smem:$0x3FB1] =	sst s10  }
0x35: {  	s10 =	sld [smem:$0x3FB0];
	_ =	sdelay $0x3  }
0x36: {  	p1 =	seq.s32 s10, $0x1;
	s10 =	sld [smem:$0x3FB1];
	_ =	sdelay $0x3  }
0x37: {  	[smem:$0x3FB1] =	sst s10  }
0x38: {  	s10 =	sld [smem:$0x3FB2]  }
0x39: {  	_ = 	snop;
	(pc) =	sbr.ind lr, $3  }
0x3a: {  	_ = 	snop  }
0x3b: {  	_ = 	snop  }
0x3c: {  	p2 =	seq.s32 s10, $0x1;
	s10 =	sld [smem:$0x3FB1]  }
0x3d: {  	_ =	shalt  }
0x3e: {  	_ =	shalt  }
0x3f: {  	_ =	shalt  }
0x40: {  	_ =	shalt  }
0x41: {  	_ =	shalt  }
0x42: {  	_ =	shalt  }
0x43: {  	_ =	shalt  }
0x44: {  	_ =	shalt  }
0x45: {  	_ =	shalt  }
0x46: {  	_ =	shalt  }
0x47: {  	_ =	shalt  }
0x48: {  	_ =	shalt  }
0x49: {  	_ =	shalt  }
0x4a: {  	_ =	shalt  }
0x4b: {  	_ =	shalt  }
0x4c: {  	_ =	shalt  }
0x4d: {  	_ =	shalt  }
0x4e: {  	_ =	shalt  }
0x4f: {  	_ =	shalt  }
0x50: {  	_ =	shalt  }
0x51: {  	_ =	shalt  }
0x52: {  	_ =	shalt  }
0x53: {  	_ =	shalt  }
0x54: {  	_ =	shalt  }
0x55: {  	_ =	shalt  }
0x56: {  	_ =	shalt  }
0x57: {  	_ =	shalt  }
0x58: {  	_ =	shalt  }
0x59: {  	_ =	shalt  }
0x5a: {  	_ =	shalt  }
0x5b: {  	_ =	shalt  }
0x5c: {  	_ =	shalt  }
0x5d: {  	_ =	shalt  }
0x5e: {  	_ =	shalt  }
0x5f: {  	_ =	shalt  }
0x60: {  	_ =	shalt  }
0x61: {  	_ =	shalt  }
0x62: {  	_ =	shalt  }
0x63: {  	_ =	shalt  }
0x64: {  	_ =	shalt  }
0x65: {  	_ =	shalt  }
0x66: {  	_ =	shalt  }
0x67: {  	_ =	shalt  }
0x68: {  	_ =	shalt  }
0x69: {  	_ =	shalt  }
0x6a: {  	_ =	shalt  }
0x6b: {  	_ =	shalt  }
0x6c: {  	_ =	shalt  }
0x6d: {  	_ =	shalt  }
0x6e: {  	_ =	shalt  }
0x6f: {  	_ =	shalt  }
0x70: {  	_ =	shalt  }
0x71: {  	_ =	shalt  }
0x72: {  	_ =	shalt  }
0x73: {  	_ =	shalt  }
0x74: {  	_ =	shalt  }
0x75: {  	_ =	shalt  }
0x76: {  	_ =	shalt  }
0x77: {  	_ =	shalt  }
0x78: {  	_ =	shalt  }
0x79: {  	_ =	shalt  }
0x7a: {  	_ =	shalt  }
0x7b: {  	_ =	shalt  }
0x7c: {  	_ =	shalt  }
0x7d: {  	_ =	shalt  }
0x7e: {  	_ =	shalt  }
0x7f: {  	_ =	shalt  }
0x80: {  	_ =	shalt  }
0x81: {  	_ =	shalt  }
0x82: {  	_ =	shalt  }
0x83: {  	_ =	shalt  }
0x84: {  	_ =	shalt  }
0x85: {  	_ =	shalt  }
0x86: {  	_ =	shalt  }
0x87: {  	_ =	shalt  }
.Lfunc_end0:
.L_simem_size_0:
called_computation_lowered:
.L_overlay_start_0:
0x88: {  	s2 =	sld [smem:$0x3FD9]  }
0x89: {  	s3 =	sld [smem:$0x3FFE];
	_ =	sdelay $0x1  }
0x8a: {  	s1 =	srdreg.scid  }
0x8b: {  	s0 =	sand.u32 $0x1, s1  }
0x8c: {  	s17 =	sshll.u32 s0, $0xA;
	s2 =	sadd.s32 s3, s2  }
0x8d: {  	s2 =	sadd.s32 s2, s17  }
0x8e: {  	[smem:$0x3FBD] =	sst s2  }
0x8f: {  	_ = 	snop  }
0x90: {  	s2 =	sld [smem:$0x3FC9];
	(tm) =	ssettm $0x1  }
0x91: {  	s18 =	sld [smem:$0x3FFB];
	_ =	sdelay $0x3  }
0x92: {  	_ =	strace s18  }
0x93: {  	s3 =	sld [smem:$0x3FFC];
	_ =	sdelay $0x3  }
0x94: {  	_ =	strace s3  }
0x95: {  	s3 =	sld [smem:$0x3FFD];
	_ =	sdelay $0x3  }
0x96: {  	_ =	strace s3  }
0x97: {  	_ =	strace $0x8FFFFFFF  }
0x98: {  	s19 =	sld [smem:$0x3FDB];
	_ =	sdelay $0x1  }
0x99: {  	s4 =	simm.s32 $_scs_section_size  }
0x9a: {  	s5 =	simm.s32 $_size__tile_overlayer_lowered;
	s6 =	simm.s32 $_tile_overlayer_lowered  }
0x9b: {  	s22 =	simm.s32 $0x1BFF;
	s21 =	sshll.u32 s6, $0x1;
	s3 =	sadd.s32 s4, s19  }
0x9c: {  	s7 =	simm.s32 $0x0;
	s20 =	sshll.u32 s5, $0x1;
	s5 =	sadd.s32 s21, s3  }
0x9d: {  	[timem:s7], [sflag:s22] =	dma.local [hbm:s5], s20  }
0x9e: {  	_ =	swait.ge [sflag:s22], s20  }
0x9f: {  	s4 =	ssub.s32 $0x0, s20;
	[sflag:s22] =	ssyncset.done $0x0  }
0xa0: {  	[sflag:s22] =	ssyncadd.s32 s4;
	_ =	sdelay $0x1  }
0xa1: {  	s23 =	simm.s32 $0x1B8B  }
0xa2: {  	_ =	swait.ge [sflag:s23], $0x1  }
0xa3: {  	[sflag:s23] =	ssyncset.done $0x0  }
0xa4: {  	s25 =	simm.s32 $0x1B8E;
	s24 =	sld [smem:$0x3FFE];
	[sflag:s23] =	ssyncadd.s32 $0xFFFFFFFF  }
0xa5: {  	s26 =	simm.s32 $execute0_lowered;
	[smem:$0x3FD2] =	sst s25  }
0xa6: {  	s5 =	sshll.u32 s26, $0x1;
	_ =	strace $0x80000046;
	[dreg:$0x1] =	wrdreg $0xFFFFFFFF  }
0xa7: {  	s28 =	simm.s32 $_size_execute0_lowered;
	s3 =	sadd.s32 s3, s5;
	[dreg:$0x0] =	wrdreg $0x0  }
0xa8: {  	s5 =	sshll.u32 s28, $0x1;
	[dreg:$0x2] =	wrdreg s3  }
0xa9: {  	[dreg:$0x3] =	wrdreg s5  }
0xaa: {  	[dreg:$0x4] =	wrdreg $0xC0  }
0xab: {  	_ =	task [dreg:s7], $0x5FFFF  }
0xac: {  	[dreg:$0x1] =	wrdreg $0xFFFFFFFF  }
0xad: {  	[dreg:$0x0] =	wrdreg $0x60  }
0xae: {  	[dreg:$0x2] =	wrdreg s2  }
0xaf: {  	[dreg:$0x3] =	wrdreg s24  }
0xb0: {  	[dreg:$0x4] =	wrdreg $0x0  }
0xb1: {  	[dreg:$0x5] =	wrdreg $0x9  }
0xb2: {  	_ =	task.clear_ibuf [dreg:s7], $0x6FFFF;
	_ =	strace $0x90000046  }
0xb3: {  	s29 =	simm.s32 $0x9;
	_ =	strace $0x80000048  }
0xb4: {  	_ =	swait.ge [sflag:s29], $0x1  }
0xb5: {  	[sflag:s29] =	ssyncadd.s32 $0xFFFFFFFF  }
0xb6: {  	_ =	strace $0x90000048  }
0xb7: {  	_ =	sfence  }
0xb8: {  	s30 =	sld [smem:$0x0];
	_ =	sdelay $0x2  }
0xb9: {  	s31 =	sshll.u32 s1, $0xD;
	s1 =	sshrl.u32 s1, $0x2  }
0xba: {  	s3 =	sand.u32 $0x4000, s31;
	s1 =	sadd.s32 s1, s30  }
0xbb: {  	s0 =	sor.u32 s3, s0;
	s1 =	sshll.u32 s1, $0x11  }
0xbc: {  	s0 =	sor.u32 s1, s0  }
0xbd: {  	s0 =	sadd.s32 $0x8F2B, s0  }
0xbe: {  	[sflag:s0] =	ssyncadd.remote.s32 $0x1  }
0xbf: {  	_ =	sfence.sel $0xFFFF  }
0xc0: {  	[dreg:$0x0] =	wrdreg $0xFFFFFFFF;
	(pc) =	sbr.abs _section_cstart, $3  }
0xc1: {  	[dreg:$0x1] =	wrdreg $0xFFFFFFFF  }
0xc2: {  	_ =	task.clear_ibuf [dreg:s7], $0x2FFFF;
	_ =	strace $0x9FFFFFFF  }
0xc3: {  	(tm) =	ssettm $0x7FFFFFFF  }
tec
execute0_lowered:
.L_overlay_start_1:
0x0: {  	(tag) =	ssettag $0x1  }
0x1: {  	s1 =	rddreg [dreg:$0x0]  }
0x2: {  	s0 =	rddreg [dreg:$0x1]  }
0x3: {  	s3 =	rddreg [dreg:$0x2];
	s4 =	simm.s32 $0x0;
	s7 =	stileid.u32  }
0x4: {  	s5 =	srdreg.scid;
	s28 =	simm.s32 $0x13E00;
	s29 =	simm.s32 $0x13C80  }
0x5: {  	s30 =	simm.s32 $0x13E80;
	s31 =	simm.s32 $0x13D00;
	s2 =	smul.u32 $0x1400, s7  }
0x6: {  	[smem:$0x7FF] =	sst s4;
	s6 =	smul.u32 $0x4F000, s7;
	s11 =	sand.u32 $0x1, s5  }
0x7: {  	s12 =	smul.u32 $0x13C00, s7;
	_ =	strace $0x80000047;
	s5 =	ssub.s32 $0x2, s11  }
0x8: {  	s18 =	smul.u32 $0x13C000, s11;
	p0 =	sne.s32 s11, $0x0;
	s11 =	simm.s32 $0x13F80  }
0x9: {  	s2 =	sadd.s32 s2, s0;
	s0 =	sadd.s32 $0x16C00, s0;
	s20 =	sshrl.u32 s5, $0x1  }
0xa: {  	s6 =	sshrl.u32 s6, $0x2;
	s13 =	sadd.s32 $0x4000, s12;
	s15 =	sadd.s32 $0x8000, s12  }
0xb: {  	s16 =	sadd.s32 $0xC000, s12;
	s17 =	sadd.s32 $0x10000, s12;
	s14 =	ssub.s32 s5, s20  }
0xc: {  	s7 =	sadd.s32 s6, s3;
	s8 =	sadd.s32 s13, s3;
	s9 =	sadd.s32 s15, s3  }
0xd: {  	s23 =	sadd.s32 s16, s3;
	s21 =	sadd.s32 s17, s3;
	s10 =	sadd.s32 $0x2C00, s2  }
0xe: {  	s22 =	sadd.s32 $0x2C10, s2;
	s24 =	sadd.s32 $0x2C20, s2;
	[dreg:$0x6] =	wrdreg s21  }
0xf: {  	s25 =	sadd.s32 $0x2C30, s2;
	s26 =	sadd.s32 $0x2C40, s2;
	[dreg:$0x7] =	wrdreg s22  }
0x10: {  	s6 =	sadd.s32 $0x2C50, s2;
	s12 =	sadd.s32 s12, s18;
	[dreg:$0x8] =	wrdreg s24  }
0x11: {  	s13 =	sadd.s32 s18, s13;
	s15 =	sadd.s32 s18, s15;
	[dreg:$0x9] =	wrdreg s25  }
0x12: {  	s16 =	sadd.s32 s18, s16;
	s17 =	sadd.s32 s18, s17;
	[dreg:$0xa] =	wrdreg s26  }
0x13: {  	s18 =	sadd.s32 $0x2C60, s2;
	s2 =	sadd.s32 $0x2C70, s2;
	[dreg:$0xb] =	wrdreg s6  }
0x14: {  	[dreg:$0xc] =	wrdreg s18;
	s12 =	sshrl.u32 s12, $0x3;
	s13 =	sshrl.u32 s13, $0x3  }
0x15: {  	[dreg:$0xd] =	wrdreg s2;
	s21 =	sshrl.u32 s15, $0x3;
	s22 =	sshrl.u32 s16, $0x3  }
0x16: {  	s24 =	sshrl.u32 s17, $0x3;
	s26 =	smax.u32 s14, $0x1;
	s14 =	simm.s32 $0x2  }
0x17: {  	s15 =	simm.s32 $0x18000;
	s16 =	simm.s32 $0x5;
	[dreg:$0x5] =	wrdreg s23  }
0x18: {  	s17 =	simm.s32 $0x3;
	s18 =	simm.s32 $0x6;
	[dreg:$0x4] =	wrdreg s9  }
0x19: {  	s19 =	sadd.s32 s0, s12;
	s20 =	sadd.s32 s0, s13;
	[dreg:$0x13] =	wrdreg s26  }
0x1a: {  	s2 =	sadd.s32 s0, s21;
	s25 =	sadd.s32 s0, s22;
	[dreg:$0xe] =	wrdreg s19  }
.Ltmp0:
0x1b: {  	s0 =	sadd.s32 s0, s24;
	[dreg:$0xf] =	wrdreg s20;
	(pc) =	sbr.rel .LBB2_1-.Ltmp0, $4  }
0x1c: {  	s24 =	simm.s32 $0x14000;
	s26 =	simm.s32 $0x13C00;
	[dreg:$0x10] =	wrdreg s2  }
0x1d: {  	s12 =	simm.s32 $0x1;
	s13 =	simm.s32 $0x80;
	[dreg:$0x11] =	wrdreg s25  }
0x1e: {  	[dreg:$0x12] =	wrdreg s0;
	s25 =	simm.s32 $0x7;
	s0 =	simm.s32 $0x13F00  }
0x1f: {  	v0 =	vimm.f32 $0.0e+00;
	v1 =	vimm.f32 $1.000000000e+00;
	s2 =	simm.s32 $0x13D80;
	s19 =	simm.s32 $0x4;
	s20 =	simm.s32 $0x0  }
.LBB2_13:
0x20: {  	_ =	swait.ge [sflag:s19], $0x80  }
0x21: {  	[sflag:s19] =	ssyncset.done $0x0  }
0x22: {  	[sflag:s19] =	ssyncadd.s32 $0xFFFFFF80  }
0x23: {  	_ =	swait.ge [sflag:s19], $0x80  }
0x24: {  	s21 =	simm.s32 $0x14000;
	s7 =	smov.u32 s8;
	[sflag:s19] =	ssyncset.done $0x0  }
0x25: {  	s8 =	smov.u32 s9;
	s9 =	rddreg [dreg:$0x4];
	[sflag:s19] =	ssyncadd.s32 $0xFFFFFF80  }
.LBB2_14:
0x26: {  	[spmem:s3] =	stream.indirect.scatter.add.f32 [tilespmem:s21], [sflag:$0x7], $0x80, s11, s13, $0xb8;
	[tilespmem:$0x1C000] =	vst v63  }
0x27: {  	_ =	swait.ge [sflag:s25], $0x4000  }
0x28: {  	[sflag:s25] =	ssyncset.done $0x0  }
0x29: {  	s5 =	stileid.u32;
	[sflag:s25] =	ssyncadd.s32 $0xFFFFC000  }
0x2a: {  	s5 =	sshll.u32 s5, $0x6;
	[bflag:$0x0] =	sbarrier.arrive $0xFFFF  }
0x2b: {  	s6 =	sshrl.u32 s7, $0x3;
	s5 =	sor.u32 $0x1C07, s5;
	s23 =	rddreg [dreg:$0xe]  }
0x2c: {  	[hbm:s23], [sflag:s5] =	dma.local [spmem:s6], $0x800  }
0x2d: {  	_ =	swait.ge [sflag:s25], $0x800  }
0x2e: {  	[sflag:s25] =	ssyncset.done $0x0  }
0x2f: {  	s22 =	sshrl.u32 s8, $0x3;
	s23 =	rddreg [dreg:$0xf];
	[sflag:s25] =	ssyncadd.s32 $0xFFFFF800  }
0x30: {  	[hbm:s23], [sflag:s5] =	dma.local [spmem:s22], $0x800  }
0x31: {  	_ =	swait.ge [sflag:s25], $0x800  }
0x32: {  	[sflag:s25] =	ssyncset.done $0x0  }
0x33: {  	s22 =	sshrl.u32 s9, $0x3;
	s23 =	rddreg [dreg:$0x10];
	[sflag:s25] =	ssyncadd.s32 $0xFFFFF800  }
0x34: {  	[hbm:s23], [sflag:s5] =	dma.local [spmem:s22], $0x800  }
0x35: {  	_ =	swait.ge [sflag:s25], $0x800  }
0x36: {  	[sflag:s25] =	ssyncset.done $0x0;
	s23 =	rddreg [dreg:$0x5]  }
0x37: {  	s22 =	rddreg [dreg:$0x11];
	[sflag:s25] =	ssyncadd.s32 $0xFFFFF800;
	s21 =	sshrl.u32 s23, $0x3  }
0x38: {  	[hbm:s22], [sflag:s5] =	dma.local [spmem:s21], $0x800  }
0x39: {  	_ =	swait.ge [sflag:s25], $0x800  }
0x3a: {  	[sflag:s25] =	ssyncset.done $0x0;
	s21 =	rddreg [dreg:$0x6]  }
0x3b: {  	s22 =	rddreg [dreg:$0x12];
	[sflag:s25] =	ssyncadd.s32 $0xFFFFF800;
	s6 =	sshrl.u32 s21, $0x3  }
0x3c: {  	[hbm:s22], [sflag:s5] =	dma.local [spmem:s6], $0x780  }
0x3d: {  	_ =	swait.ge [sflag:s25], $0x780  }
0x3e: {  	s20 =	sadd.s32 $0x1, s20;
	s22 =	rddreg [dreg:$0x13]  }
0x3f: {  	p1 =	sne.s32 s20, s22  }
.Ltmp1:
0x40: {  	_ = 	snop;
	(pc) =	sbr.rel @!p1 .LBB2_15-.Ltmp1, $3  }
0x41: {  	_ =	sdelay $0x1  }
0x42: {  	[sflag:s25] =	ssyncset.done $0x0  }
0x43: {  	[sflag:s25] =	ssyncadd.s32 $0xFFFFF880  }
.LBB2_1:
0x44: {  	s21 =	simm.s32 $0x0;
	s22 =	simm.s32 $0x200  }
.LBB2_2:
0x45: {  	p1 =	sne.s32 s22, $0xFE00;
	[tilespmem:s21+$0x14070] =	vst v0  }
0x46: {  	[tilespmem:s21+$0x14000] =	vst v0  }
0x47: {  	[tilespmem:s21+$0x14010] =	vst v0  }
.Ltmp2:
0x48: {  	[tilespmem:s21+$0x14020] =	vst v0;
	(pc) =	sbr.rel @p1 .LBB2_2-.Ltmp2, $4  }
0x49: {  	[tilespmem:s21+$0x14030] =	vst v0  }
0x4a: {  	[tilespmem:s21+$0x14040] =	vst v0  }
0x4b: {  	[tilespmem:s21+$0x14050] =	vst v0  }
0x4c: {  	[tilespmem:s21+$0x14060] =	vst v0;
	s21 =	sshra.s32 s22, $0x2;
	s22 =	sadd.s32 $0x200, s22  }
0x4d: {  	[tilespmem:s21+$0x14070] =	vst v0  }
0x4e: {  	[tilespmem:s21+$0x14000] =	vst v0  }
0x4f: {  	[tilespmem:s21+$0x14010] =	vst v0  }
0x50: {  	[tilespmem:s21+$0x14020] =	vst v0  }
0x51: {  	[tilespmem:s21+$0x14030] =	vst v0  }
0x52: {  	[tilespmem:s21+$0x14040] =	vst v0  }
0x53: {  	[tilespmem:s21+$0x14050] =	vst v0  }
0x54: {  	[tilespmem:s21+$0x14060] =	vst v0  }
0x55: {  	[spmem:s7] =	stream.linear.scatter [tilespmem:s24], [sflag:$0x7], $0x4000, $0x38;
	[tilespmem:$0x1C000] =	vst v63  }
0x56: {  	_ =	swait.ge [sflag:s25], $0x4000  }
0x57: {  	[sflag:s25] =	ssyncset.done $0x0  }
0x58: {  	[sflag:s25] =	ssyncadd.s32 $0xFFFFC000  }
0x59: {  	[spmem:s8] =	stream.linear.scatter [tilespmem:s24], [sflag:$0x7], $0x4000, $0x38;
	[tilespmem:$0x1C000] =	vst v63  }
0x5a: {  	_ =	swait.ge [sflag:s25], $0x4000  }
0x5b: {  	[sflag:s25] =	ssyncset.done $0x0  }
0x5c: {  	[sflag:s25] =	ssyncadd.s32 $0xFFFFC000  }
0x5d: {  	[spmem:s9] =	stream.linear.scatter [tilespmem:s24], [sflag:$0x7], $0x4000, $0x38;
	[tilespmem:$0x1C000] =	vst v63  }
0x5e: {  	_ =	swait.ge [sflag:s25], $0x4000  }
0x5f: {  	[sflag:s25] =	ssyncset.done $0x0  }
0x60: {  	[sflag:s25] =	ssyncadd.s32 $0xFFFFC000  }
0x61: {  	[spmem:s23] =	stream.linear.scatter [tilespmem:s24], [sflag:$0x7], $0x4000, $0x38;
	[tilespmem:$0x1C000] =	vst v63  }
0x62: {  	_ =	swait.ge [sflag:s25], $0x4000  }
0x63: {  	[sflag:s25] =	ssyncset.done $0x0  }
.Ltmp3:
0x64: {  	s5 =	rddreg [dreg:$0x6];
	[sflag:s25] =	ssyncadd.s32 $0xFFFFC000;
	(pc) =	sbr.rel @p0 .LBB2_7-.Ltmp3, $4  }
0x65: {  	[spmem:s5] =	stream.linear.scatter [tilespmem:s24], [sflag:$0x7], $0x3C00, $0x38;
	[tilespmem:$0x1C000] =	vst v63  }
0x66: {  	_ =	swait.ge [sflag:s25], $0x3C00  }
0x67: {  	[sflag:s25] =	ssyncset.done $0x0  }
0x68: {  	s22 =	simm.s32 $0x0;
	[sflag:s25] =	ssyncadd.s32 $0xFFFFC400  }
0x69: {  	[bflag:$0x0] =	sbarrier.arrive $0xFFFF;
	s21 =	simm.s32 $0x0  }
0x6a: {  	[tilespmem:s26], [sflag:$0x1] =	stream.linear.gather [hbm4b:s10+s21], $0x80, $0x38;
	[tilespmem:$0x1C000] =	vst v63  }
0x6b: {  	s5 =	rddreg [dreg:$0x7]  }
0x6c: {  	[tilespmem:s28], [sflag:$0x1] =	stream.linear.gather [hbm4b:s5+s21], $0x80, $0x38;
	[tilespmem:$0x1C000] =	vst v63  }
0x6d: {  	s6 =	rddreg [dreg:$0x8]  }
0x6e: {  	[tilespmem:s29], [sflag:$0x2] =	stream.linear.gather [hbm4b:s6+s21], $0x80, $0x38;
	[tilespmem:$0x1C000] =	vst v63  }
0x6f: {  	s22 =	rddreg [dreg:$0x9]  }
0x70: {  	[tilespmem:s30], [sflag:$0x2] =	stream.linear.gather [hbm4b:s22+s21], $0x80, $0x38;
	[tilespmem:$0x1C000] =	vst v63  }
0x71: {  	s23 =	rddreg [dreg:$0xa]  }
0x72: {  	[tilespmem:s31], [sflag:$0x3] =	stream.linear.gather [hbm4b:s23+s21], $0x80, $0x38;
	[tilespmem:$0x1C000] =	vst v63  }
0x73: {  	s6 =	rddreg [dreg:$0xb]  }
0x74: {  	[tilespmem:s0], [sflag:$0x3] =	stream.linear.gather [hbm4b:s6+s21], $0x80, $0x38;
	[tilespmem:$0x1C000] =	vst v63  }
0x75: {  	s22 =	rddreg [dreg:$0xc]  }
0x76: {  	[tilespmem:s2], [sflag:$0x4] =	stream.linear.gather [hbm4b:s22+s21], $0x80, $0x38;
	[tilespmem:$0x1C000] =	vst v63  }
0x77: {  	s23 =	rddreg [dreg:$0xd]  }
0x78: {  	[tilespmem:s11], [sflag:$0x4] =	stream.linear.gather [hbm4b:s23+s21], $0x80, $0x38;
	[tilespmem:$0x1C000] =	vst v63  }
0x79: {  	_ =	swait.ge [sflag:s12], $0x80  }
0x7a: {  	[sflag:s12] =	ssyncset.done $0x0  }
0x7b: {  	[sflag:s12] =	ssyncadd.s32 $0xFFFFFF80  }
0x7c: {  	_ =	swait.ge [sflag:s12], $0x80  }
0x7d: {  	[sflag:s12] =	ssyncset.done $0x0  }
0x7e: {  	[sflag:s12] =	ssyncadd.s32 $0xFFFFFF80  }
0x7f: {  	[tilespmem:s24], [sflag:$0x5] =	stream.indirect.gather [hbm4b:s1+s13], $0x80, s26, s13, $0xb8;
	[tilespmem:$0x1C000] =	vst v63  }
.LBB2_5:
0x80: {  	_ =	swait.ge [sflag:s14], $0x80  }
0x81: {  	[sflag:s14] =	ssyncset.done $0x0  }
0x82: {  	[sflag:s14] =	ssyncadd.s32 $0xFFFFFF80  }
0x83: {  	_ =	swait.ge [sflag:s14], $0x80  }
0x84: {  	[sflag:s14] =	ssyncset.done $0x0  }
0x85: {  	[sflag:s14] =	ssyncadd.s32 $0xFFFFFF80  }
0x86: {  	[tilespmem:s15], [sflag:$0x6] =	stream.indirect.gather [hbm4b:s1+s13], $0x80, s29, s13, $0xb8;
	[tilespmem:$0x1C000] =	vst v63  }
0x87: {  	_ =	swait.ge [sflag:s16], $0x4000  }
0x88: {  	[sflag:s16] =	ssyncset.done $0x0  }
0x89: {  	[sflag:s16] =	ssyncadd.s32 $0xFFFFC000  }
0x8a: {  	[spmem:s3] =	stream.indirect.scatter.add.f32 [tilespmem:s24], [sflag:$0x7], $0x80, s28, s13, $0xb8;
	[tilespmem:$0x1C000] =	vst v63  }
0x8b: {  	p1 =	seq.s32 s21, $0x1380;
	_ =	swait.ge [sflag:s25], $0x4000  }
0x8c: {  	s22 =	sadd.s32 @!p1 s21, s10;
	s5 =	simm.s32 @!p1 $0x0;
	[sflag:s25] =	ssyncset.done $0x0  }
0x8d: {  	s6 =	simm.s32 @!p1 $0x13C00;
	s23 =	sadd.s32 @!p1 $0x80, s22;
	[sflag:s25] =	ssyncadd.s32 $0xFFFFC000  }
0x8e: {  	[tilespmem:s6], [sflag:$0x1] =	stream.linear.gather @!p1 [hbm4b:s23+s5], $0x80, $0x38;
	[tilespmem:$0x1C000] =	vst v63  }
0x8f: {  	s6 =	sadd.s32 @!p1 $0x90, s22;
	s23 =	simm.s32 @!p1 $0x13E00  }
0x90: {  	[tilespmem:s23], [sflag:$0x1] =	stream.linear.gather @!p1 [hbm4b:s6+s5], $0x80, $0x38;
	[tilespmem:$0x1C000] =	vst v63  }
0x91: {  	_ =	swait.ge [sflag:s17], $0x80  }
0x92: {  	[sflag:s17] =	ssyncset.done $0x0  }
0x93: {  	[sflag:s17] =	ssyncadd.s32 $0xFFFFFF80  }
0x94: {  	_ =	swait.ge [sflag:s17], $0x80  }
0x95: {  	[sflag:s17] =	ssyncset.done $0x0  }
0x96: {  	[sflag:s17] =	ssyncadd.s32 $0xFFFFFF80  }
0x97: {  	[tilespmem:s24], [sflag:$0x5] =	stream.indirect.gather [hbm4b:s1+s13], $0x80, s31, s13, $0xb8;
	[tilespmem:$0x1C000] =	vst v63  }
0x98: {  	_ =	swait.ge [sflag:s18], $0x4000  }
0x99: {  	[sflag:s18] =	ssyncset.done $0x0  }
0x9a: {  	[sflag:s18] =	ssyncadd.s32 $0xFFFFC000  }
0x9b: {  	[spmem:s3] =	stream.indirect.scatter.add.f32 [tilespmem:s15], [sflag:$0x7], $0x80, s30, s13, $0xb8;
	[tilespmem:$0x1C000] =	vst v63  }
0x9c: {  	_ =	swait.ge [sflag:s25], $0x4000  }
0x9d: {  	[sflag:s25] =	ssyncset.done $0x0  }
0x9e: {  	s6 =	sadd.s32 @!p1 $0xA0, s22;
	s23 =	simm.s32 @!p1 $0x13C80;
	[sflag:s25] =	ssyncadd.s32 $0xFFFFC000  }
0x9f: {  	[tilespmem:s23], [sflag:$0x2] =	stream.linear.gather @!p1 [hbm4b:s6+s5], $0x80, $0x38;
	[tilespmem:$0x1C000] =	vst v63  }
0xa0: {  	s6 =	sadd.s32 @!p1 $0xB0, s22;
	s22 =	simm.s32 @!p1 $0x13E80  }
0xa1: {  	[tilespmem:s22], [sflag:$0x2] =	stream.linear.gather @!p1 [hbm4b:s6+s5], $0x80, $0x38;
	[tilespmem:$0x1C000] =	vst v63  }
0xa2: {  	_ =	swait.ge [sflag:s19], $0x80  }
0xa3: {  	[sflag:s19] =	ssyncset.done $0x0  }
0xa4: {  	[sflag:s19] =	ssyncadd.s32 $0xFFFFFF80  }
0xa5: {  	_ =	swait.ge [sflag:s19], $0x80  }
0xa6: {  	[sflag:s19] =	ssyncset.done $0x0  }
0xa7: {  	[sflag:s19] =	ssyncadd.s32 $0xFFFFFF80  }
0xa8: {  	[tilespmem:s15], [sflag:$0x6] =	stream.indirect.gather [hbm4b:s1+s13], $0x80, s2, s13, $0xb8;
	[tilespmem:$0x1C000] =	vst v63  }
0xa9: {  	_ =	swait.ge [sflag:s16], $0x4000  }
0xaa: {  	[sflag:s16] =	ssyncset.done $0x0  }
.Ltmp4:
0xab: {  	[sflag:s16] =	ssyncadd.s32 $0xFFFFC000;
	(pc) =	sbr.rel @p1 .LBB2_12-.Ltmp4, $4  }
0xac: {  	[spmem:s3] =	stream.indirect.scatter.add.f32 [tilespmem:s24], [sflag:$0x7], $0x80, s0, s13, $0xb8;
	[tilespmem:$0x1C000] =	vst v63  }
0xad: {  	_ =	swait.ge [sflag:s25], $0x4000  }
0xae: {  	[sflag:s25] =	ssyncset.done $0x0  }
0xaf: {  	[sflag:s25] =	ssyncadd.s32 $0xFFFFC000  }
0xb0: {  	s5 =	sadd.s32 s21, s10  }
0xb1: {  	s6 =	sadd.s32 $0xC0, s5  }
0xb2: {  	[tilespmem:s31], [sflag:$0x3] =	stream.linear.gather [hbm4b:s6+s4], $0x80, $0x38;
	[tilespmem:$0x1C000] =	vst v63  }
0xb3: {  	s22 =	sadd.s32 $0xD0, s5  }
0xb4: {  	[tilespmem:s0], [sflag:$0x3] =	stream.linear.gather [hbm4b:s22+s4], $0x80, $0x38;
	[tilespmem:$0x1C000] =	vst v63  }
0xb5: {  	_ =	swait.ge [sflag:s12], $0x80  }
0xb6: {  	[sflag:s12] =	ssyncset.done $0x0  }
0xb7: {  	[sflag:s12] =	ssyncadd.s32 $0xFFFFFF80  }
0xb8: {  	_ =	swait.ge [sflag:s12], $0x80  }
0xb9: {  	[sflag:s12] =	ssyncset.done $0x0  }
0xba: {  	[sflag:s12] =	ssyncadd.s32 $0xFFFFFF80  }
0xbb: {  	[tilespmem:s24], [sflag:$0x5] =	stream.indirect.gather [hbm4b:s1+s13], $0x80, s26, s13, $0xb8;
	[tilespmem:$0x1C000] =	vst v63  }
0xbc: {  	_ =	swait.ge [sflag:s18], $0x4000  }
0xbd: {  	[sflag:s18] =	ssyncset.done $0x0  }
0xbe: {  	[sflag:s18] =	ssyncadd.s32 $0xFFFFC000  }
0xbf: {  	[spmem:s3] =	stream.indirect.scatter.add.f32 [tilespmem:s15], [sflag:$0x7], $0x80, s11, s13, $0xb8;
	[tilespmem:$0x1C000] =	vst v63  }
0xc0: {  	_ =	swait.ge [sflag:s25], $0x4000  }
.Ltmp5:
0xc1: {  	[sflag:s25] =	ssyncset.done $0x0;
	(pc) =	sbr.rel .LBB2_5-.Ltmp5, $4  }
0xc2: {  	s23 =	sadd.s32 $0xE0, s5;
	[sflag:s25] =	ssyncadd.s32 $0xFFFFC000  }
0xc3: {  	[tilespmem:s2], [sflag:$0x4] =	stream.linear.gather [hbm4b:s23+s4], $0x80, $0x38;
	[tilespmem:$0x1C000] =	vst v63  }
0xc4: {  	s21 =	sadd.s32 $0x80, s21;
	s5 =	sadd.s32 $0xF0, s5  }
0xc5: {  	[tilespmem:s11], [sflag:$0x4] =	stream.linear.gather [hbm4b:s5+s4], $0x80, $0x38;
	[tilespmem:$0x1C000] =	vst v63  }
.LBB2_7:
0xc6: {  	s9 =	smov.u32 s8;
	s21 =	sshra.s32 s22, $0x2;
	s22 =	sadd.s32 $0x200, s22  }
.LBB2_8:
0xc7: {  	p1 =	sne.s32 s22, $0xFE00;
	[tilespmem:s21+$0x14070] =	vst v1  }
0xc8: {  	[tilespmem:s21+$0x14000] =	vst v1  }
0xc9: {  	[tilespmem:s21+$0x14010] =	vst v1  }
.Ltmp6:
0xca: {  	[tilespmem:s21+$0x14020] =	vst v1;
	(pc) =	sbr.rel @p1 .LBB2_8-.Ltmp6, $4  }
0xcb: {  	[tilespmem:s21+$0x14030] =	vst v1  }
0xcc: {  	[tilespmem:s21+$0x14040] =	vst v1  }
0xcd: {  	[tilespmem:s21+$0x14050] =	vst v1  }
0xce: {  	[tilespmem:s21+$0x14060] =	vst v1;
	s21 =	sshra.s32 s22, $0x2;
	s22 =	sadd.s32 $0x200, s22  }
0xcf: {  	[tilespmem:s21+$0x14070] =	vst v1  }
0xd0: {  	[tilespmem:s21+$0x14000] =	vst v1  }
0xd1: {  	[tilespmem:s21+$0x14010] =	vst v1  }
0xd2: {  	[tilespmem:s21+$0x14020] =	vst v1  }
0xd3: {  	[tilespmem:s21+$0x14030] =	vst v1  }
0xd4: {  	[tilespmem:s21+$0x14040] =	vst v1  }
0xd5: {  	[tilespmem:s21+$0x14050] =	vst v1  }
0xd6: {  	[tilespmem:s21+$0x14060] =	vst v1  }
0xd7: {  	s21 =	simm.s32 $0x0;
	[bflag:$0x0] =	sbarrier.arrive $0xFFFF  }
0xd8: {  	[tilespmem:s26], [sflag:$0x1] =	stream.linear.gather [hbm4b:s10+s21], $0x80, $0x38;
	[tilespmem:$0x1C000] =	vst v63  }
0xd9: {  	s5 =	rddreg [dreg:$0x7]  }
0xda: {  	[tilespmem:s28], [sflag:$0x1] =	stream.linear.gather [hbm4b:s5+s21], $0x80, $0x38;
	[tilespmem:$0x1C000] =	vst v63  }
0xdb: {  	s22 =	rddreg [dreg:$0x8]  }
0xdc: {  	[tilespmem:s29], [sflag:$0x2] =	stream.linear.gather [hbm4b:s22+s21], $0x80, $0x38;
	[tilespmem:$0x1C000] =	vst v63  }
0xdd: {  	s23 =	rddreg [dreg:$0x9]  }
0xde: {  	[tilespmem:s30], [sflag:$0x2] =	stream.linear.gather [hbm4b:s23+s21], $0x80, $0x38;
	[tilespmem:$0x1C000] =	vst v63  }
0xdf: {  	s6 =	rddreg [dreg:$0xa]  }
0xe0: {  	[tilespmem:s31], [sflag:$0x3] =	stream.linear.gather [hbm4b:s6+s21], $0x80, $0x38;
	[tilespmem:$0x1C000] =	vst v63  }
0xe1: {  	s8 =	smov.u32 s7;
	s7 =	rddreg [dreg:$0xb]  }
0xe2: {  	[tilespmem:s0], [sflag:$0x3] =	stream.linear.gather [hbm4b:s7+s21], $0x80, $0x38;
	[tilespmem:$0x1C000] =	vst v63  }
0xe3: {  	s22 =	rddreg [dreg:$0xc]  }
0xe4: {  	[tilespmem:s2], [sflag:$0x4] =	stream.linear.gather [hbm4b:s22+s21], $0x80, $0x38;
	[tilespmem:$0x1C000] =	vst v63  }
0xe5: {  	s23 =	rddreg [dreg:$0xd]  }
0xe6: {  	[tilespmem:s11], [sflag:$0x4] =	stream.linear.gather [hbm4b:s23+s21], $0x80, $0x38;
	[tilespmem:$0x1C000] =	vst v63  }
.LBB2_10:
0xe7: {  	_ =	swait.ge [sflag:s12], $0x80  }
0xe8: {  	[sflag:s12] =	ssyncset.done $0x0  }
0xe9: {  	[sflag:s12] =	ssyncadd.s32 $0xFFFFFF80  }
0xea: {  	_ =	swait.ge [sflag:s12], $0x80  }
0xeb: {  	[sflag:s12] =	ssyncset.done $0x0  }
0xec: {  	[sflag:s12] =	ssyncadd.s32 $0xFFFFFF80  }
0xed: {  	[spmem:s3] =	stream.indirect.scatter.add.f32 [tilespmem:s24], [sflag:$0x7], $0x80, s28, s13, $0xb8;
	[tilespmem:$0x1C000] =	vst v63  }
0xee: {  	_ =	swait.ge [sflag:s25], $0x4000  }
0xef: {  	p1 =	seq.s32 s21, $0x1380;
	[sflag:s25] =	ssyncset.done $0x0  }
0xf0: {  	s5 =	simm.s32 @p1 $0x2;
	[sflag:s25] =	ssyncadd.s32 $0xFFFFC000  }
0xf1: {  	_ =	swait.ge @p1 [sflag:s5], $0x80  }
0xf2: {  	[sflag:s5] =	ssyncset.done @p1 $0x0  }
0xf3: {  	[sflag:s5] =	ssyncadd.s32 @p1 $0xFFFFFF80  }
0xf4: {  	_ =	swait.ge @p1 [sflag:s5], $0x80  }
0xf5: {  	s6 =	simm.s32 @p1 $0x13E80;
	[sflag:s5] =	ssyncset.done @p1 $0x0  }
0xf6: {  	s22 =	simm.s32 @p1 $0x14000;
	[sflag:s5] =	ssyncadd.s32 @p1 $0xFFFFFF80;
	s5 =	simm.s32 @p1 $0x80  }
0xf7: {  	[spmem:s3] =	stream.indirect.scatter.add.f32 @p1 [tilespmem:s22], [sflag:$0x7], $0x80, s6, s5, $0xb8;
	[tilespmem:$0x1C000] =	vst v63  }
0xf8: {  	s5 =	simm.s32 @p1 $0x7  }
0xf9: {  	_ =	swait.ge @p1 [sflag:s5], $0x4000  }
0xfa: {  	[sflag:s5] =	ssyncset.done @p1 $0x0  }
0xfb: {  	[sflag:s5] =	ssyncadd.s32 @p1 $0xFFFFC000;
	s5 =	sadd.s32 @!p1 s21, s10  }
0xfc: {  	s23 =	simm.s32 @!p1 $0x13C00;
	s22 =	simm.s32 @!p1 $0x0;
	s6 =	sadd.s32 @!p1 $0x80, s5  }
0xfd: {  	[tilespmem:s23], [sflag:$0x1] =	stream.linear.gather @!p1 [hbm4b:s6+s22], $0x80, $0x38;
	[tilespmem:$0x1C000] =	vst v63  }
0xfe: {  	s6 =	sadd.s32 @!p1 $0x90, s5;
	s23 =	simm.s32 @!p1 $0x13E00  }
0xff: {  	[tilespmem:s23], [sflag:$0x1] =	stream.linear.gather @!p1 [hbm4b:s6+s22], $0x80, $0x38;
	[tilespmem:$0x1C000] =	vst v63  }
0x100: {  	s6 =	simm.s32 @!p1 $0x2  }
0x101: {  	_ =	swait.ge @!p1 [sflag:s6], $0x80  }
0x102: {  	[sflag:s6] =	ssyncset.done @!p1 $0x0  }
0x103: {  	[sflag:s6] =	ssyncadd.s32 @!p1 $0xFFFFFF80  }
0x104: {  	_ =	swait.ge @!p1 [sflag:s6], $0x80  }
0x105: {  	s7 =	simm.s32 @!p1 $0x14000;
	[sflag:s6] =	ssyncset.done @!p1 $0x0  }
0x106: {  	s23 =	simm.s32 @!p1 $0x13E80;
	[sflag:s6] =	ssyncadd.s32 @!p1 $0xFFFFFF80;
	s6 =	simm.s32 @!p1 $0x80  }
0x107: {  	[spmem:s3] =	stream.indirect.scatter.add.f32 @!p1 [tilespmem:s7], [sflag:$0x7], $0x80, s23, s6, $0xb8;
	[tilespmem:$0x1C000] =	vst v63  }
0x108: {  	s6 =	simm.s32 @!p1 $0x7  }
0x109: {  	_ =	swait.ge @!p1 [sflag:s6], $0x4000  }
0x10a: {  	[sflag:s6] =	ssyncset.done @!p1 $0x0  }
0x10b: {  	s7 =	simm.s32 @!p1 $0x13C80;
	[sflag:s6] =	ssyncadd.s32 @!p1 $0xFFFFC000;
	s6 =	sadd.s32 @!p1 $0xA0, s5  }
0x10c: {  	[tilespmem:s7], [sflag:$0x2] =	stream.linear.gather @!p1 [hbm4b:s6+s22], $0x80, $0x38;
	[tilespmem:$0x1C000] =	vst v63  }
0x10d: {  	s5 =	sadd.s32 @!p1 $0xB0, s5  }
0x10e: {  	[tilespmem:s23], [sflag:$0x2] =	stream.linear.gather @!p1 [hbm4b:s5+s22], $0x80, $0x38;
	[tilespmem:$0x1C000] =	vst v63  }
0x10f: {  	_ =	swait.ge [sflag:s17], $0x80  }
0x110: {  	[sflag:s17] =	ssyncset.done $0x0  }
0x111: {  	[sflag:s17] =	ssyncadd.s32 $0xFFFFFF80  }
0x112: {  	_ =	swait.ge [sflag:s17], $0x80  }
0x113: {  	[sflag:s17] =	ssyncset.done $0x0  }
.Ltmp7:
0x114: {  	[sflag:s17] =	ssyncadd.s32 $0xFFFFFF80;
	(pc) =	sbr.rel @p1 .LBB2_13-.Ltmp7, $4  }
0x115: {  	[spmem:s3] =	stream.indirect.scatter.add.f32 [tilespmem:s24], [sflag:$0x7], $0x80, s0, s13, $0xb8;
	[tilespmem:$0x1C000] =	vst v63  }
0x116: {  	_ =	swait.ge [sflag:s25], $0x4000  }
0x117: {  	[sflag:s25] =	ssyncset.done $0x0  }
0x118: {  	[sflag:s25] =	ssyncadd.s32 $0xFFFFC000  }
0x119: {  	s5 =	sadd.s32 s21, s10  }
0x11a: {  	s6 =	sadd.s32 $0xC0, s5  }
0x11b: {  	[tilespmem:s31], [sflag:$0x3] =	stream.linear.gather [hbm4b:s6+s4], $0x80, $0x38;
	[tilespmem:$0x1C000] =	vst v63  }
0x11c: {  	s22 =	sadd.s32 $0xD0, s5  }
0x11d: {  	[tilespmem:s0], [sflag:$0x3] =	stream.linear.gather [hbm4b:s22+s4], $0x80, $0x38;
	[tilespmem:$0x1C000] =	vst v63  }
0x11e: {  	_ =	swait.ge [sflag:s19], $0x80  }
0x11f: {  	[sflag:s19] =	ssyncset.done $0x0  }
0x120: {  	[sflag:s19] =	ssyncadd.s32 $0xFFFFFF80  }
0x121: {  	_ =	swait.ge [sflag:s19], $0x80  }
0x122: {  	[sflag:s19] =	ssyncset.done $0x0  }
0x123: {  	[sflag:s19] =	ssyncadd.s32 $0xFFFFFF80  }
0x124: {  	[spmem:s3] =	stream.indirect.scatter.add.f32 [tilespmem:s24], [sflag:$0x7], $0x80, s11, s13, $0xb8;
	[tilespmem:$0x1C000] =	vst v63  }
0x125: {  	_ =	swait.ge [sflag:s25], $0x4000  }
.Ltmp8:
0x126: {  	[sflag:s25] =	ssyncset.done $0x0;
	(pc) =	sbr.rel .LBB2_10-.Ltmp8, $4  }
0x127: {  	s23 =	sadd.s32 $0xE0, s5;
	[sflag:s25] =	ssyncadd.s32 $0xFFFFC000  }
0x128: {  	[tilespmem:s2], [sflag:$0x4] =	stream.linear.gather [hbm4b:s23+s4], $0x80, $0x38;
	[tilespmem:$0x1C000] =	vst v63  }
0x129: {  	s21 =	sadd.s32 $0x80, s21;
	s5 =	sadd.s32 $0xF0, s5  }
0x12a: {  	[tilespmem:s11], [sflag:$0x4] =	stream.linear.gather [hbm4b:s5+s4], $0x80, $0x38;
	[tilespmem:$0x1C000] =	vst v63  }
.LBB2_12:
.Ltmp9:
0x12b: {  	(pc) =	sbr.rel .LBB2_14-.Ltmp9, $4  }
0x12c: {  	_ = 	snop  }
0x12d: {  	_ =	swait.ge [sflag:s18], $0x4000  }
0x12e: {  	[sflag:s18] =	ssyncset.done $0x0  }
0x12f: {  	s21 =	simm.s32 $0x18000;
	[sflag:s18] =	ssyncadd.s32 $0xFFFFC000  }
.LBB2_15:
0x130: {  	_ =	sfence.sel $0x180000  }
0x131: {  	[bflag:$0x0] =	sbarrier.arrive $0xFFFF  }
0x132: {  	_ =	strace $0x90000047  }
0x133: {  	s0 =	stileid.u32;
	[bflag:$0x2] =	sbarrier.arrive $0xFFFF  }
0x134: {  	p0 =	sne.s32 s0, $0x0;
	s0 =	rddreg [dreg:$0x3]  }
0x135: {  	s0 =	sadd.s32 @!p0 $0x100000, s0  }
0x136: {  	[sflag:s0] =	ssyncadd.tile.s32 @!p0 $0x1;
	_ =	shalt  }
.Lfunc_end2:
_tile_overlayer_lowered:
.L_overlay_start_2:
0x137: {  	(tag) =	ssettag $0x2  }
0x138: {  	s0 =	rddreg [dreg:$0x0];
	s2 =	stileid.u32  }
0x139: {  	s1 =	rddreg [dreg:$0x1];
	p0 =	sne.s32 s2, $0x0  }
0x13a: {  	s3 =	rddreg [dreg:$0x2];
	[bflag:$0x3] =	sbarrier.arrive $0xFFFF;
	s2 =	simm.s32 @!p0 $0x1C07  }
0x13b: {  	[timem:s3], [sflag:s2] =	dma.local @!p0 [hbm:s0], s1  }
0x13c: {  	s0 =	simm.s32 @!p0 $0x7  }
0x13d: {  	_ =	swait.ge @!p0 [sflag:s0], s1  }
0x13e: {  	s1 =	ssub.s32 @!p0 $0x0, s1;
	[sflag:s0] =	ssyncset.done @!p0 $0x0  }
0x13f: {  	[sflag:s0] =	ssyncadd.s32 @!p0 s1  }
0x140: {  	[bflag:$0x3] =	sbarrier.arrive $0xFFFF  }
0x141: {  	_ =	shalt  }

</sc_bundles>
